<compile_context>
chip_gen: v7x
topology: tpu7x:2x2x1
jax: 0.10.2.dev20260603
libtpu: 0.0.44.dev20260713+nightly
codegen_flags: <defaults>
</compile_context>

<pallas_src>
import jax
import jax.numpy as jnp
from jax import lax
from jax.experimental import pallas as pl
from jax.experimental.pallas import tpu as pltpu
from jax.experimental.pallas import tpu_sc as plsc

NUM_USERS = 25000
NUM_ITEMS = 25000
N_NODES = NUM_USERS + NUM_ITEMS
EMB = 64
E_TOTAL = 800000
HALF_E = E_TOTAL // 2
BATCH = 4096

NC = 2
NS = 16
CH = 128
CHUNKS = HALF_E // CH
CH_PER_SUB = -(-CHUNKS // NS)
PCHUNKS = NS * CH_PER_SUB
PAD_E = PCHUNKS * CH - HALF_E
KB = 14
SUB_ROWS = 1600
ACC_ROWS = NS * SUB_ROWS
DUMP_ROW = NUM_USERS
WB = 100
CW = 16

_mesh = plsc.VectorSubcoreMesh(
    core_axis_name="c", subcore_axis_name="s", num_cores=NC, num_subcores=NS
)
_sc_params = pltpu.CompilerParams(use_tc_tiling_on_sc=False)


TCB = 1000


def _tc_spec(minor):
    return pl.BlockSpec((TCB, minor), lambda i: (i, 0))


def _mask_scale_body(e_ref, m_ref, c_ref, o_ref):
    sc = lax.rsqrt(jnp.maximum(c_ref[:, :1], 1.0))
    o_ref[...] = e_ref[...] * m_ref[...] * sc


_masked_scaled = pl.pallas_call(
    _mask_scale_body,
    out_shape=jax.ShapeDtypeStruct((NUM_USERS, EMB), jnp.float32),
    grid=(NUM_USERS // TCB,),
    in_specs=[_tc_spec(EMB), _tc_spec(EMB), _tc_spec(CW)],
    out_specs=_tc_spec(EMB),
)


def _rsq_body(c_ref, o_ref):
    d = jnp.maximum(c_ref[...], 1.0)
    col = lax.broadcasted_iota(jnp.int32, (TCB, CW), 1)
    o_ref[...] = jnp.where(col < 8, 1.0 / d, jnp.sqrt(d))


_rsq16 = pl.pallas_call(
    _rsq_body,
    out_shape=jax.ShapeDtypeStruct((N_NODES, CW), jnp.float32),
    grid=(N_NODES // TCB,),
    in_specs=[_tc_spec(CW)],
    out_specs=_tc_spec(CW),
)



def _splat(vvec, lane):
    return lax.gather(
        vvec, jnp.full((16, 1), lane, jnp.int32),
        dimension_numbers=lax.GatherDimensionNumbers(
            offset_dims=(), collapsed_slice_dims=(0,), start_index_map=(0,)),
        slice_sizes=(1,),
        mode=lax.GatherScatterMode.PROMISE_IN_BOUNDS)


def _zero_buf(buf, nrows, width):
    def _zrow(r, carry):
        for q in range(width // 16):
            buf[r, pl.ds(16 * q, 16)] = jnp.zeros((16,), jnp.float32)
        return carry

    lax.fori_loop(0, nrows, _zrow, 0)


def _writeback(acc, out, buf, s, half_base, rsq=None, rbuf=None):
    nch = jnp.where(s < NS - 1, SUB_ROWS // WB,
                    (NUM_USERS - (NS - 1) * SUB_ROWS) // WB)

    def _wb(k, carry):
        lr = s * SUB_ROWS + k * WB
        pltpu.sync_copy(acc.at[pl.ds(lr, WB), :], buf)
        if rsq is not None:
            pltpu.sync_copy(rsq.at[pl.ds(half_base + lr, WB), :], rbuf)

            def _srow(r, carry2):
                sv = _splat(rbuf[r, pl.ds(0, 16)], 0)
                for q in range(EMB // 16):
                    sl = pl.ds(16 * q, 16)
                    buf[r, sl] = buf[r, sl] * sv
                return carry2

            lax.fori_loop(0, WB, _srow, 0)
        pltpu.sync_copy(buf, out.at[pl.ds(half_base + lr, WB), :])
        return carry

    lax.fori_loop(0, nch, _wb, 0)


def _hist_body(dst, out, cacc, dl_b, ones, buf, hsem):
    c = lax.axis_index("c")
    s = lax.axis_index("s")
    half_base = (1 - c) * NUM_USERS

    def _orow(r, carry):
        ones[r, pl.ds(0, 16)] = jnp.full((16,), 1.0, jnp.float32)
        return carry

    lax.fori_loop(0, CH, _orow, 0)
    _zero_buf(buf, WB, CW)

    def _zacc(k, carry):
        pltpu.sync_copy(buf, cacc.at[pl.ds(s * SUB_ROWS + k * WB, WB), :])
        return carry

    lax.fori_loop(0, SUB_ROWS // WB, _zacc, 0)
    plsc.subcore_barrier()

    win0 = c * PCHUNKS + s * CH_PER_SUB

    def _batch(b, carry):
        row0 = win0 + b * KB
        pltpu.sync_copy(dst.at[pl.ds(row0, KB), :], dl_b)

        def _chunk(j, carry2):
            pltpu.async_copy(ones, cacc.at[dl_b.at[j]], hsem, add=True)
            return carry2

        lax.fori_loop(0, KB, _chunk, 0)

        def _drain(j, carry2):
            pltpu.make_async_copy(ones, cacc.at[dl_b.at[0]], hsem).wait()
            return carry2

        lax.fori_loop(0, KB, _drain, 0)
        return carry

    lax.fori_loop(0, CH_PER_SUB // KB, _batch, 0)
    plsc.subcore_barrier()
    _writeback(cacc, out, buf, s, half_base)


_hist = pl.kernel(
    _hist_body,
    out_type=jax.ShapeDtypeStruct((N_NODES, CW), jnp.float32),
    mesh=_mesh,
    compiler_params=_sc_params,
    scratch_types=[
        pltpu.VMEM_SHARED((ACC_ROWS, CW), jnp.float32),
        pltpu.VMEM((KB, CH), jnp.int32),
        pltpu.VMEM((CH, CW), jnp.float32),
        pltpu.VMEM((WB, CW), jnp.float32),
        pltpu.SemaphoreType.DMA,
    ],
)


def _spmm_body(emb, src, dst, rsq, out, acc, sidx_b, dl_b,
               rows_a, rows_b, buf, rbuf, sem_ga, sem_gb, sem_sa, sem_sb):
    c = lax.axis_index("c")
    s = lax.axis_index("s")
    half_base = (1 - c) * NUM_USERS

    _zero_buf(buf, WB, EMB)

    def _zacc(k, carry):
        pltpu.async_copy(buf, acc.at[pl.ds(s * SUB_ROWS + k * WB, WB), :],
                         sem_ga)
        return carry

    lax.fori_loop(0, SUB_ROWS // WB, _zacc, 0)

    def _zdrain(k, carry):
        pltpu.make_async_copy(
            buf, acc.at[pl.ds(s * SUB_ROWS, WB), :], sem_ga).wait()
        return carry

    lax.fori_loop(0, SUB_ROWS // WB, _zdrain, 0)
    plsc.subcore_barrier()

    win0 = c * PCHUNKS + s * CH_PER_SUB

    def _batch(b, carry):
        row0 = win0 + b * KB
        pltpu.sync_copy(src.at[pl.ds(row0, KB), :], sidx_b)
        pltpu.sync_copy(dst.at[pl.ds(row0, KB), :], dl_b)

        pltpu.async_copy(emb.at[sidx_b.at[0]], rows_a, sem_ga)

        def _pair(p, carry2):
            ja = 2 * p

            @pl.when(p > 0)
            def _():
                pltpu.make_async_copy(
                    rows_b, acc.at[dl_b.at[0]], sem_sb).wait()

            pltpu.async_copy(emb.at[sidx_b.at[ja + 1]], rows_b, sem_gb)
            pltpu.make_async_copy(emb.at[sidx_b.at[0]], rows_a, sem_ga).wait()
            pltpu.async_copy(rows_a, acc.at[dl_b.at[ja]], sem_sa, add=True)

            @pl.when(p < KB // 2 - 1)
            def _():
                pltpu.make_async_copy(
                    rows_a, acc.at[dl_b.at[0]], sem_sa).wait()
                pltpu.async_copy(emb.at[sidx_b.at[ja + 2]], rows_a, sem_ga)

            pltpu.make_async_copy(emb.at[sidx_b.at[0]], rows_b, sem_gb).wait()
            pltpu.async_copy(rows_b, acc.at[dl_b.at[ja + 1]], sem_sb, add=True)
            return carry2

        lax.fori_loop(0, KB // 2, _pair, 0)
        pltpu.make_async_copy(rows_a, acc.at[dl_b.at[0]], sem_sa).wait()
        pltpu.make_async_copy(rows_b, acc.at[dl_b.at[0]], sem_sb).wait()
        return carry

    lax.fori_loop(0, CH_PER_SUB // KB, _batch, 0)
    plsc.subcore_barrier()
    _writeback(acc, out, buf, s, half_base, rsq, rbuf)


_spmm = pl.kernel(
    _spmm_body,
    out_type=jax.ShapeDtypeStruct((N_NODES, EMB), jnp.float32),
    mesh=_mesh,
    compiler_params=_sc_params,
    scratch_types=[
        pltpu.VMEM_SHARED((ACC_ROWS, EMB), jnp.float32),
        pltpu.VMEM((KB, CH), jnp.int32),
        pltpu.VMEM((KB, CH), jnp.int32),
        pltpu.VMEM((CH, EMB), jnp.float32),
        pltpu.VMEM((CH, EMB), jnp.float32),
        pltpu.VMEM((WB, EMB), jnp.float32),
        pltpu.VMEM((WB, CW), jnp.float32),
        pltpu.SemaphoreType.DMA,
        pltpu.SemaphoreType.DMA,
        pltpu.SemaphoreType.DMA,
        pltpu.SemaphoreType.DMA,
    ],
)


def _gather_body(f0t, f1t, f2t, f3t, rsq, u_idx, p_idx, n_idx,
                 ou, op, on, oue, ope, one,
                 iv, r0, r1, r2, r3, rq, sem):
    c = lax.axis_index("c")
    s = lax.axis_index("s")
    w = s * NC + c
    base = w * CH

    for idx_hbm, off, mean_out, ego_out in (
        (u_idx, 0, ou, oue),
        (p_idx, NUM_USERS, op, ope),
        (n_idx, NUM_USERS, on, one),
    ):
        pltpu.sync_copy(idx_hbm.at[pl.ds(base, CH)], iv)
        if off:
            for g in range(CH // 16):
                sl = pl.ds(16 * g, 16)
                iv[sl] = iv[sl] + off
        pltpu.async_copy(f0t.at[iv], r0, sem).wait()
        pltpu.async_copy(f1t.at[iv], r1, sem).wait()
        pltpu.async_copy(f2t.at[iv], r2, sem).wait()
        pltpu.async_copy(f3t.at[iv], r3, sem).wait()
        pltpu.async_copy(rsq.at[iv], rq, sem).wait()

        def _mean(r, carry):
            sv = _splat(rq[r, pl.ds(0, 16)], 8)
            for q in range(EMB // 16):
                sl = pl.ds(16 * q, 16)
                r1[r, sl] = (r0[r, sl] + r1[r, sl]
                             + r2[r, sl] + r3[r, sl]) * (sv * 0.25)
                r0[r, sl] = r0[r, sl] * sv
            return carry

        lax.fori_loop(0, CH, _mean, 0)
        pltpu.sync_copy(r0, ego_out.at[pl.ds(base, CH), :])
        pltpu.sync_copy(r1, mean_out.at[pl.ds(base, CH), :])


_batch_out = jax.ShapeDtypeStruct((BATCH, EMB), jnp.float32)
_gather = pl.kernel(
    _gather_body,
    out_type=(_batch_out,) * 6,
    mesh=_mesh,
    compiler_params=_sc_params,
    scratch_types=[
        pltpu.VMEM((CH,), jnp.int32),
        pltpu.VMEM((CH, EMB), jnp.float32),
        pltpu.VMEM((CH, EMB), jnp.float32),
        pltpu.VMEM((CH, EMB), jnp.float32),
        pltpu.VMEM((CH, EMB), jnp.float32),
        pltpu.VMEM((CH, CW), jnp.float32),
        pltpu.SemaphoreType.DMA,
    ],
)


def kernel(user_emb, item_emb, user_mask, item_mask, edge_val, edge_src,
           edge_dst, users, pos_items, neg_items):
    del edge_val
    edge_src = edge_src.astype(jnp.int32)
    edge_dst = edge_dst.astype(jnp.int32)
    zpad = jnp.zeros((PAD_E,), jnp.int32)
    dpad = jnp.full((PAD_E,), DUMP_ROW, jnp.int32)
    psrc = jnp.concatenate(
        [edge_src[:HALF_E], zpad, edge_src[HALF_E:], zpad]
    ).reshape(2 * PCHUNKS, CH)
    pdst = jnp.concatenate(
        [edge_dst[:HALF_E] - NUM_USERS, dpad, edge_dst[HALF_E:], dpad]
    ).reshape(2 * PCHUNKS, CH)

    c16 = _hist(pdst)
    rsq = _rsq16(c16)
    f0 = jnp.concatenate(
        [_masked_scaled(user_emb, user_mask, c16[:NUM_USERS]),
         _masked_scaled(item_emb, item_mask, c16[NUM_USERS:])],
        axis=0,
    )
    f1 = _spmm(f0, psrc, pdst, rsq)
    f2 = _spmm(f1, psrc, pdst, rsq)
    f3 = _spmm(f2, psrc, pdst, rsq)
    users = users.astype(jnp.int32)
    pos_items = pos_items.astype(jnp.int32)
    neg_items = neg_items.astype(jnp.int32)
    return _gather(f0, f1, f2, f3, rsq, users, pos_items, neg_items)

# --- scband reference (transcript-rebuilt; emitter-appended) ---
"""Pipeline reference for scband-light-gcn-1176821039770 (READ-ONLY COPY).

The authoritative reference and input builder live on the scoring server;
editing this copy changes nothing except your own understanding.
"""

import jax, jax.numpy as jnp
import numpy as np

NUM_USERS = 25000
NUM_ITEMS = 25000
N_NODES = NUM_USERS + NUM_ITEMS
EMB = 64
E_UI = 400000
BATCH = 4096
N_LAYERS = 3


def setup_inputs(seed: int = 0) -> dict:
    key = jax.random.key(seed)
    ks = jax.random.split(key, 9)
    user_emb = jax.random.normal(ks[0], (NUM_USERS, EMB), jnp.float32) * 0.01
    item_emb = jax.random.normal(ks[1], (NUM_ITEMS, EMB), jnp.float32) * 0.01
    ar = jnp.arange(EMB)
    user_sizes = jax.random.randint(ks[2], (NUM_USERS,), 16, EMB + 1)
    item_sizes = jax.random.randint(ks[3], (NUM_ITEMS,), 16, EMB + 1)
    user_mask = (ar[None, :] < user_sizes[:, None]).astype(jnp.float32)
    item_mask = (ar[None, :] < item_sizes[:, None]).astype(jnp.float32)
    u = jax.random.randint(ks[4], (E_UI,), 0, NUM_USERS)
    i = jax.random.randint(ks[5], (E_UI,), NUM_USERS, N_NODES)
    edge_src = jnp.concatenate([u, i])
    edge_dst = jnp.concatenate([i, u])
    deg = jnp.maximum(jnp.bincount(edge_src, length=N_NODES), 1).astype(jnp.float32)
    edge_val = 1.0 / jnp.sqrt(deg[edge_src] * deg[edge_dst])
    users = jax.random.randint(ks[6], (BATCH,), 0, NUM_USERS)
    pos_items = jax.random.randint(ks[7], (BATCH,), 0, NUM_ITEMS)
    neg_items = jax.random.randint(ks[8], (BATCH,), 0, NUM_ITEMS)
    return {
        "user_emb": user_emb,
        "item_emb": item_emb,
        "user_mask": user_mask,
        "item_mask": item_mask,
        "edge_val": edge_val,
        "edge_src": edge_src,
        "edge_dst": edge_dst,
        "users": users,
        "pos_items": pos_items,
        "neg_items": neg_items,
    }


def reference(user_emb, item_emb, user_mask, item_mask, edge_val, edge_src, edge_dst, users, pos_items, neg_items):
    # computer(): masked embeddings, then n_layers of normalized-adjacency SpMM, mean over layers
    users_emb0 = user_emb * user_mask
    items_emb0 = item_emb * item_mask
    all_emb = jnp.concatenate([users_emb0, items_emb0], axis=0)
    embs = [all_emb]
    for _ in range(N_LAYERS):
        # torch.sparse.mm(Graph, all_emb): out[dst] += val * all_emb[src]
        msg = edge_val[:, None] * jnp.take(all_emb, edge_src, axis=0)
        all_emb = jax.ops.segment_sum(msg, edge_dst, num_segments=N_NODES)
        embs.append(all_emb)
    light_out = jnp.mean(jnp.stack(embs, axis=1), axis=1)
    all_users = light_out[:NUM_USERS]
    all_items = light_out[NUM_USERS:]
    users_emb = jnp.take(all_users, users, axis=0)
    pos_emb = jnp.take(all_items, pos_items, axis=0)
    neg_emb = jnp.take(all_items, neg_items, axis=0)
    users_emb_ego = jnp.take(user_emb, users, axis=0) * jnp.take(user_mask, users, axis=0)
    pos_emb_ego = jnp.take(item_emb, pos_items, axis=0) * jnp.take(item_mask, pos_items, axis=0)
    neg_emb_ego = jnp.take(item_emb, neg_items, axis=0) * jnp.take(item_mask, neg_items, axis=0)
    return (users_emb, pos_emb, neg_emb, users_emb_ego, pos_emb_ego, neg_emb_ego)

if __name__ == "__main__":
    import jax
    _d = setup_inputs()
    print(jax.jit(kernel)(*tuple(_d.values())))

</pallas_src>

<mosaic_0001>
#map = affine_map<(d0, d1) -> (0, 0)>
module attributes {stable_mosaic.version = 14 : i64} {
  func.func @_hist_body(%arg0: i32, %arg1: i32, %arg2: memref<6272x128xi32, #tpu.memory_space<hbm>>, %arg3: memref<50000x16xf32, #tpu.memory_space<hbm>>, %arg4: memref<25600x16xf32, #tpu.memory_space<vmem_shared>>, %arg5: memref<14x128xi32, #tpu.memory_space<vmem>>, %arg6: memref<128x16xf32, #tpu.memory_space<vmem>>, %arg7: memref<100x16xf32, #tpu.memory_space<vmem>>, %arg8: memref<!tpu.dma_semaphore, #tpu.memory_space<semaphore_mem>>) attributes {dimension_semantics = [#tpu.dimension_semantics<core_parallel>, #tpu.dimension_semantics<subcore_parallel>], iteration_bounds = array<i64: 2, 16>, scalar_prefetch = 0 : i64, scratch_operands = 5 : i64, tpu.core_type = #tpu.core_type<sc_vector_subcore>, window_params = [{transform_indices = #map}, {transform_indices = #map}]} {
    %sub3A = arith.constant 1 : i32
    %sub3A_0 = arith.subi %sub3A, %arg0 : i32
    %mul3A = arith.constant 25000 : i32
    %mul3A_1 = arith.muli %sub3A_0, %mul3A : i32
    %scan3A = arith.constant 0 : i32
    %scan3A_2 = arith.constant 0 : i32
    %scan3A_3 = arith.constant 128 : i32
    %scan3A_4 = arith.addi %scan3A_2, %scan3A_3 : i32
    %scan3A_5 = arith.constant 1 : i32
    scf.for %scan3A_41 = %scan3A_2 to %scan3A_4 step %scan3A_5  : i32 {
      %broadcast_in_dim3A = arith.constant 1.000000e+00 : f32
      %broadcast_in_dim3A_42 = vector.broadcast %broadcast_in_dim3A : f32 to vector<16xf32>
      %swap3A = arith.index_cast %scan3A_41 : i32 to index
      %swap3A_43 = arith.constant 0 : index
      %swap3A_44 = tpu.vector_load %arg6[%swap3A, %swap3A_43] {strides = array<i32>} : memref<128x16xf32, #tpu.memory_space<vmem>>, vector<1x16xf32>,
      %swap3A_45 = vector.shape_cast %swap3A_44 : vector<1x16xf32> to vector<16xf32>
      %swap3A_46 = vector.shape_cast %broadcast_in_dim3A_42 : vector<16xf32> to vector<1x16xf32>
      tpu.vector_store %arg6[%swap3A, %swap3A_43], %swap3A_46 {strides = array<i32>} : memref<128x16xf32, #tpu.memory_space<vmem>>, vector<1x16xf32>,
    }
    %scan3A_6 = arith.constant 128 : i32
    %scan3A_7 = arith.constant 0 : i32
    %scan3A_8 = arith.constant 0 : i32
    %scan3A_9 = arith.constant 100 : i32
    %scan3A_10 = arith.addi %scan3A_8, %scan3A_9 : i32
    %scan3A_11 = arith.constant 1 : i32
    scf.for %scan3A_41 = %scan3A_8 to %scan3A_10 step %scan3A_11  : i32 {
      %broadcast_in_dim3A = arith.constant 0.000000e+00 : f32
      %broadcast_in_dim3A_42 = vector.broadcast %broadcast_in_dim3A : f32 to vector<16xf32>
      %swap3A = arith.index_cast %scan3A_41 : i32 to index
      %swap3A_43 = arith.constant 0 : index
      %swap3A_44 = tpu.vector_load %arg7[%swap3A, %swap3A_43] {strides = array<i32>} : memref<100x16xf32, #tpu.memory_space<vmem>>, vector<1x16xf32>,
      %swap3A_45 = vector.shape_cast %swap3A_44 : vector<1x16xf32> to vector<16xf32>
      %swap3A_46 = vector.shape_cast %broadcast_in_dim3A_42 : vector<16xf32> to vector<1x16xf32>
      tpu.vector_store %arg7[%swap3A, %swap3A_43], %swap3A_46 {strides = array<i32>} : memref<100x16xf32, #tpu.memory_space<vmem>>, vector<1x16xf32>,
    }
    %scan3A_12 = arith.constant 100 : i32
    %scan3A_13 = arith.constant 0 : i32
    %scan3A_14 = arith.constant 0 : i32
    %scan3A_15 = arith.constant 16 : i32
    %scan3A_16 = arith.addi %scan3A_14, %scan3A_15 : i32
    %scan3A_17 = arith.constant 1 : i32
    scf.for %scan3A_41 = %scan3A_14 to %scan3A_16 step %scan3A_17  : i32 {
      %mul3A_42 = arith.constant 1600 : i32
      %mul3A_43 = arith.muli %arg1, %mul3A_42 : i32
      %mul3A_44 = arith.constant 100 : i32
      %mul3A_45 = arith.muli %scan3A_41, %mul3A_44 : i32
      %add3A_46 = arith.addi %mul3A_43, %mul3A_45 : i32
      "tpu.region"() ({
        %run_scoped3A = tpu.sem_alloc : memref<!tpu.dma_semaphore, #tpu.memory_space<semaphore_mem>>
        %dma_start3A = arith.constant 0 : i32
        %dma_start3A_47 = tpu.memref_slice %arg4[%add3A_46, %dma_start3A] : memref<25600x16xf32, #tpu.memory_space<vmem_shared>> -> memref<100x16xf32, #tpu.memory_space<vmem_shared>>
        %dma_start3A_48 = arith.constant 0 : i32
        %dma_start3A_49 = tpu.memref_slice %arg4[%add3A_46, %dma_start3A_48] : memref<25600x16xf32, #tpu.memory_space<vmem_shared>> -> memref<100x16xf32, #tpu.memory_space<vmem_shared>>
        tpu.enqueue_dma source(%arg7 : memref<100x16xf32, #tpu.memory_space<vmem>>) target(%dma_start3A_49 : memref<100x16xf32, #tpu.memory_space<vmem_shared>>) target_semaphore(%run_scoped3A : memref<!tpu.dma_semaphore, #tpu.memory_space<semaphore_mem>>)
        %dma_wait3A = arith.constant 0 : i32
        %dma_wait3A_50 = tpu.memref_slice %arg4[%add3A_46, %dma_wait3A] : memref<25600x16xf32, #tpu.memory_space<vmem_shared>> -> memref<100x16xf32, #tpu.memory_space<vmem_shared>>
        %dma_wait3A_51 = arith.constant 0 : i32
        %dma_wait3A_52 = tpu.memref_slice %arg4[%add3A_46, %dma_wait3A_51] : memref<25600x16xf32, #tpu.memory_space<vmem_shared>> -> memref<100x16xf32, #tpu.memory_space<vmem_shared>>
        tpu.wait_dma2 semaphore(%run_scoped3A : memref<!tpu.dma_semaphore, #tpu.memory_space<semaphore_mem>>) src(%arg7 : memref<100x16xf32, #tpu.memory_space<vmem>>) dst(%dma_wait3A_52 : memref<100x16xf32, #tpu.memory_space<vmem_shared>>)
        tpu.yield
      }) : () -> ()
    }
    %scan3A_18 = arith.constant 16 : i32
    %barrier3A = arith.constant 0 : index
    tpu.barrier barrier_id(%barrier3A)
    %mul3A_19 = arith.constant 3136 : i32
    %mul3A_20 = arith.muli %arg0, %mul3A_19 : i32
    %mul3A_21 = arith.constant 196 : i32
    %mul3A_22 = arith.muli %arg1, %mul3A_21 : i32
    %add3A = arith.addi %mul3A_20, %mul3A_22 : i32
    %scan3A_23 = arith.constant 0 : i32
    %scan3A_24 = arith.constant 0 : i32
    %scan3A_25 = arith.constant 14 : i32
    %scan3A_26 = arith.addi %scan3A_24, %scan3A_25 : i32
    %scan3A_27 = arith.constant 1 : i32
    scf.for %scan3A_41 = %scan3A_24 to %scan3A_26 step %scan3A_27  : i32 {
      %mul3A_42 = arith.constant 14 : i32
      %mul3A_43 = arith.muli %scan3A_41, %mul3A_42 : i32
      %add3A_44 = arith.addi %add3A, %mul3A_43 : i32
      "tpu.region"() ({
        %run_scoped3A = tpu.sem_alloc : memref<!tpu.dma_semaphore, #tpu.memory_space<semaphore_mem>>
        %dma_start3A = arith.constant 0 : i32
        %dma_start3A_57 = tpu.memref_slice %arg2[%add3A_44, %dma_start3A] : memref<6272x128xi32, #tpu.memory_space<hbm>> -> memref<14x128xi32, #tpu.memory_space<hbm>>
        %dma_start3A_58 = arith.constant 0 : i32
        %dma_start3A_59 = tpu.memref_slice %arg2[%add3A_44, %dma_start3A_58] : memref<6272x128xi32, #tpu.memory_space<hbm>> -> memref<14x128xi32, #tpu.memory_space<hbm>>
        tpu.enqueue_dma source(%dma_start3A_59 : memref<14x128xi32, #tpu.memory_space<hbm>>) target(%arg5 : memref<14x128xi32, #tpu.memory_space<vmem>>) target_semaphore(%run_scoped3A : memref<!tpu.dma_semaphore, #tpu.memory_space<semaphore_mem>>)
        %dma_wait3A = arith.constant 0 : i32
        %dma_wait3A_60 = tpu.memref_slice %arg2[%add3A_44, %dma_wait3A] : memref<6272x128xi32, #tpu.memory_space<hbm>> -> memref<14x128xi32, #tpu.memory_space<hbm>>
        %dma_wait3A_61 = arith.constant 0 : i32
        %dma_wait3A_62 = tpu.memref_slice %arg2[%add3A_44, %dma_wait3A_61] : memref<6272x128xi32, #tpu.memory_space<hbm>> -> memref<14x128xi32, #tpu.memory_space<hbm>>
        tpu.wait_dma2 semaphore(%run_scoped3A : memref<!tpu.dma_semaphore, #tpu.memory_space<semaphore_mem>>) src(%dma_wait3A_62 : memref<14x128xi32, #tpu.memory_space<hbm>>) dst(%arg5 : memref<14x128xi32, #tpu.memory_space<vmem>>)
        tpu.yield
      }) : () -> ()
      %scan3A_45 = arith.constant 0 : i32
      %scan3A_46 = arith.constant 0 : i32
      %scan3A_47 = arith.constant 14 : i32
      %scan3A_48 = arith.addi %scan3A_46, %scan3A_47 : i32
      %scan3A_49 = arith.constant 1 : i32
      scf.for %scan3A_57 = %scan3A_46 to %scan3A_48 step %scan3A_49  : i32 {
        %dma_start3A = arith.constant 0 : i32
        %dma_start3A_58 = tpu.memref_slice %arg5[%scan3A_57, %dma_start3A] : memref<14x128xi32, #tpu.memory_space<vmem>> -> memref<1x128xi32, #tpu.memory_space<vmem>>
        %dma_start3A_59 = tpu.memref_squeeze %dma_start3A_58 : memref<1x128xi32, #tpu.memory_space<vmem>> -> memref<128xi32, #tpu.memory_space<vmem>>
        %dma_start3A_60 = arith.constant 0 : i32
        %dma_start3A_61 = arith.constant 0 : i32
        %dma_start3A_62 = tpu.memref_slice %arg4[%dma_start3A_60, %dma_start3A_61] : memref<25600x16xf32, #tpu.memory_space<vmem_shared>> -> memref<25600x16xf32, #tpu.memory_space<vmem_shared>>
        tpu.enqueue_indirect_dma source(%arg6 : memref<128x16xf32, #tpu.memory_space<vmem>>) target(%dma_start3A_62 : memref<25600x16xf32, #tpu.memory_space<vmem_shared>>) offsets(%dma_start3A_59 : memref<128xi32, #tpu.memory_space<vmem>>) semaphore(%arg8 : memref<!tpu.dma_semaphore, #tpu.memory_space<semaphore_mem>>) {add = true}
      }
      %scan3A_50 = arith.constant 14 : i32
      %scan3A_51 = arith.constant 0 : i32
      %scan3A_52 = arith.constant 0 : i32
      %scan3A_53 = arith.constant 14 : i32
      %scan3A_54 = arith.addi %scan3A_52, %scan3A_53 : i32
      %scan3A_55 = arith.constant 1 : i32
      scf.for %scan3A_57 = %scan3A_52 to %scan3A_54 step %scan3A_55  : i32 {
        %dma_wait3A = arith.constant 0 : i32
        %dma_wait3A_58 = arith.constant 0 : i32
        %dma_wait3A_59 = tpu.memref_slice %arg5[%dma_wait3A, %dma_wait3A_58] : memref<14x128xi32, #tpu.memory_space<vmem>> -> memref<1x128xi32, #tpu.memory_space<vmem>>
        %dma_wait3A_60 = tpu.memref_squeeze %dma_wait3A_59 : memref<1x128xi32, #tpu.memory_space<vmem>> -> memref<128xi32, #tpu.memory_space<vmem>>
        %dma_wait3A_61 = arith.constant 0 : i32
        %dma_wait3A_62 = arith.constant 0 : i32
        %dma_wait3A_63 = tpu.memref_slice %arg4[%dma_wait3A_61, %dma_wait3A_62] : memref<25600x16xf32, #tpu.memory_space<vmem_shared>> -> memref<25600x16xf32, #tpu.memory_space<vmem_shared>>
        tpu.wait_indirect_dma semaphore(%arg8 : memref<!tpu.dma_semaphore, #tpu.memory_space<semaphore_mem>>) src(%arg6 : memref<128x16xf32, #tpu.memory_space<vmem>>) dst(%dma_wait3A_63 : memref<25600x16xf32, #tpu.memory_space<vmem_shared>>)
      }
      %scan3A_56 = arith.constant 14 : i32
    }
    %scan3A_28 = arith.constant 14 : i32
    %barrier3A_29 = arith.constant 0 : index
    tpu.barrier barrier_id(%barrier3A_29)
    %lt3A = arith.constant 15 : i32
    %lt3A_30 = arith.cmpi slt, %arg1, %lt3A : i32
    %jit3A = arith.constant 16 : i32
    %jit3A_31 = arith.constant 10 : i32
    %select_n3A = arith.select %lt3A_30, %jit3A, %jit3A_31 : i32
    %while3A = arith.constant 0 : i32
    %while3A_32 = arith.constant 0 : i32
    %while3A_33 = arith.subi %select_n3A, %while3A_32 : i32
    %while3A_34 = arith.addi %while3A_32, %while3A_33 : i32
    %while3A_35 = arith.constant 1 : i32
    %while3A_36 = arith.divsi %while3A_33, %while3A_35 : i32
    %while3A_37 = arith.muli %while3A_36, %while3A_35 : i32
    %while3A_38 = arith.addi %while3A_32, %while3A_37 : i32
    %while3A_39 = arith.constant 1 : i32
    scf.for %while3A_41 = %while3A_32 to %while3A_38 step %while3A_39  : i32 {
      %mul3A_42 = arith.constant 1600 : i32
      %mul3A_43 = arith.muli %arg1, %mul3A_42 : i32
      %mul3A_44 = arith.constant 100 : i32
      %mul3A_45 = arith.muli %while3A_41, %mul3A_44 : i32
      %add3A_46 = arith.addi %mul3A_43, %mul3A_45 : i32
      "tpu.region"() ({
        %run_scoped3A = tpu.sem_alloc : memref<!tpu.dma_semaphore, #tpu.memory_space<semaphore_mem>>
        %dma_start3A = arith.constant 0 : i32
        %dma_start3A_48 = tpu.memref_slice %arg4[%add3A_46, %dma_start3A] : memref<25600x16xf32, #tpu.memory_space<vmem_shared>> -> memref<100x16xf32, #tpu.memory_space<vmem_shared>>
        %dma_start3A_49 = arith.constant 0 : i32
        %dma_start3A_50 = tpu.memref_slice %arg4[%add3A_46, %dma_start3A_49] : memref<25600x16xf32, #tpu.memory_space<vmem_shared>> -> memref<100x16xf32, #tpu.memory_space<vmem_shared>>
        tpu.enqueue_dma source(%dma_start3A_50 : memref<100x16xf32, #tpu.memory_space<vmem_shared>>) target(%arg7 : memref<100x16xf32, #tpu.memory_space<vmem>>) target_semaphore(%run_scoped3A : memref<!tpu.dma_semaphore, #tpu.memory_space<semaphore_mem>>)
        %dma_wait3A = arith.constant 0 : i32
        %dma_wait3A_51 = tpu.memref_slice %arg4[%add3A_46, %dma_wait3A] : memref<25600x16xf32, #tpu.memory_space<vmem_shared>> -> memref<100x16xf32, #tpu.memory_space<vmem_shared>>
        %dma_wait3A_52 = arith.constant 0 : i32
        %dma_wait3A_53 = tpu.memref_slice %arg4[%add3A_46, %dma_wait3A_52] : memref<25600x16xf32, #tpu.memory_space<vmem_shared>> -> memref<100x16xf32, #tpu.memory_space<vmem_shared>>
        tpu.wait_dma2 semaphore(%run_scoped3A : memref<!tpu.dma_semaphore, #tpu.memory_space<semaphore_mem>>) src(%dma_wait3A_53 : memref<100x16xf32, #tpu.memory_space<vmem_shared>>) dst(%arg7 : memref<100x16xf32, #tpu.memory_space<vmem>>)
        tpu.yield
      }) : () -> ()
      %add3A_47 = arith.addi %mul3A_1, %add3A_46 : i32
      "tpu.region"() ({
        %run_scoped3A = tpu.sem_alloc : memref<!tpu.dma_semaphore, #tpu.memory_space<semaphore_mem>>
        %dma_start3A = arith.constant 0 : i32
        %dma_start3A_48 = tpu.memref_slice %arg3[%add3A_47, %dma_start3A] : memref<50000x16xf32, #tpu.memory_space<hbm>> -> memref<100x16xf32, #tpu.memory_space<hbm>>
        %dma_start3A_49 = arith.constant 0 : i32
        %dma_start3A_50 = tpu.memref_slice %arg3[%add3A_47, %dma_start3A_49] : memref<50000x16xf32, #tpu.memory_space<hbm>> -> memref<100x16xf32, #tpu.memory_space<hbm>>
        tpu.enqueue_dma source(%arg7 : memref<100x16xf32, #tpu.memory_space<vmem>>) target(%dma_start3A_50 : memref<100x16xf32, #tpu.memory_space<hbm>>) target_semaphore(%run_scoped3A : memref<!tpu.dma_semaphore, #tpu.memory_space<semaphore_mem>>)
        %dma_wait3A = arith.constant 0 : i32
        %dma_wait3A_51 = tpu.memref_slice %arg3[%add3A_47, %dma_wait3A] : memref<50000x16xf32, #tpu.memory_space<hbm>> -> memref<100x16xf32, #tpu.memory_space<hbm>>
        %dma_wait3A_52 = arith.constant 0 : i32
        %dma_wait3A_53 = tpu.memref_slice %arg3[%add3A_47, %dma_wait3A_52] : memref<50000x16xf32, #tpu.memory_space<hbm>> -> memref<100x16xf32, #tpu.memory_space<hbm>>
        tpu.wait_dma2 semaphore(%run_scoped3A : memref<!tpu.dma_semaphore, #tpu.memory_space<semaphore_mem>>) src(%arg7 : memref<100x16xf32, #tpu.memory_space<vmem>>) dst(%dma_wait3A_53 : memref<100x16xf32, #tpu.memory_space<hbm>>)
        tpu.yield
      }) : () -> ()
    }
    %while3A_40 = arith.constant 1 : i32
    scf.for %while3A_41 = %while3A_38 to %while3A_34 step %while3A_40  : i32 {
      %mul3A_42 = arith.constant 1600 : i32
      %mul3A_43 = arith.muli %arg1, %mul3A_42 : i32
      %mul3A_44 = arith.constant 100 : i32
      %mul3A_45 = arith.muli %while3A_41, %mul3A_44 : i32
      %add3A_46 = arith.addi %mul3A_43, %mul3A_45 : i32
      "tpu.region"() ({
        %run_scoped3A = tpu.sem_alloc : memref<!tpu.dma_semaphore, #tpu.memory_space<semaphore_mem>>
        %dma_start3A = arith.constant 0 : i32
        %dma_start3A_48 = tpu.memref_slice %arg4[%add3A_46, %dma_start3A] : memref<25600x16xf32, #tpu.memory_space<vmem_shared>> -> memref<100x16xf32, #tpu.memory_space<vmem_shared>>
        %dma_start3A_49 = arith.constant 0 : i32
        %dma_start3A_50 = tpu.memref_slice %arg4[%add3A_46, %dma_start3A_49] : memref<25600x16xf32, #tpu.memory_space<vmem_shared>> -> memref<100x16xf32, #tpu.memory_space<vmem_shared>>
        tpu.enqueue_dma source(%dma_start3A_50 : memref<100x16xf32, #tpu.memory_space<vmem_shared>>) target(%arg7 : memref<100x16xf32, #tpu.memory_space<vmem>>) target_semaphore(%run_scoped3A : memref<!tpu.dma_semaphore, #tpu.memory_space<semaphore_mem>>)
        %dma_wait3A = arith.constant 0 : i32
        %dma_wait3A_51 = tpu.memref_slice %arg4[%add3A_46, %dma_wait3A] : memref<25600x16xf32, #tpu.memory_space<vmem_shared>> -> memref<100x16xf32, #tpu.memory_space<vmem_shared>>
        %dma_wait3A_52 = arith.constant 0 : i32
        %dma_wait3A_53 = tpu.memref_slice %arg4[%add3A_46, %dma_wait3A_52] : memref<25600x16xf32, #tpu.memory_space<vmem_shared>> -> memref<100x16xf32, #tpu.memory_space<vmem_shared>>
        tpu.wait_dma2 semaphore(%run_scoped3A : memref<!tpu.dma_semaphore, #tpu.memory_space<semaphore_mem>>) src(%dma_wait3A_53 : memref<100x16xf32, #tpu.memory_space<vmem_shared>>) dst(%arg7 : memref<100x16xf32, #tpu.memory_space<vmem>>)
        tpu.yield
      }) : () -> ()
      %add3A_47 = arith.addi %mul3A_1, %add3A_46 : i32
      "tpu.region"() ({
        %run_scoped3A = tpu.sem_alloc : memref<!tpu.dma_semaphore, #tpu.memory_space<semaphore_mem>>
        %dma_start3A = arith.constant 0 : i32
        %dma_start3A_48 = tpu.memref_slice %arg3[%add3A_47, %dma_start3A] : memref<50000x16xf32, #tpu.memory_space<hbm>> -> memref<100x16xf32, #tpu.memory_space<hbm>>
        %dma_start3A_49 = arith.constant 0 : i32
        %dma_start3A_50 = tpu.memref_slice %arg3[%add3A_47, %dma_start3A_49] : memref<50000x16xf32, #tpu.memory_space<hbm>> -> memref<100x16xf32, #tpu.memory_space<hbm>>
        tpu.enqueue_dma source(%arg7 : memref<100x16xf32, #tpu.memory_space<vmem>>) target(%dma_start3A_50 : memref<100x16xf32, #tpu.memory_space<hbm>>) target_semaphore(%run_scoped3A : memref<!tpu.dma_semaphore, #tpu.memory_space<semaphore_mem>>)
        %dma_wait3A = arith.constant 0 : i32
        %dma_wait3A_51 = tpu.memref_slice %arg3[%add3A_47, %dma_wait3A] : memref<50000x16xf32, #tpu.memory_space<hbm>> -> memref<100x16xf32, #tpu.memory_space<hbm>>
        %dma_wait3A_52 = arith.constant 0 : i32
        %dma_wait3A_53 = tpu.memref_slice %arg3[%add3A_47, %dma_wait3A_52] : memref<50000x16xf32, #tpu.memory_space<hbm>> -> memref<100x16xf32, #tpu.memory_space<hbm>>
        tpu.wait_dma2 semaphore(%run_scoped3A : memref<!tpu.dma_semaphore, #tpu.memory_space<semaphore_mem>>) src(%arg7 : memref<100x16xf32, #tpu.memory_space<vmem>>) dst(%dma_wait3A_53 : memref<100x16xf32, #tpu.memory_space<hbm>>)
        tpu.yield
      }) : () -> ()
    }
    return
  }
}

#map = affine_map<(d0, d1) -> (0, 0)>
module attributes {stable_mosaic.version = 14 : i64} {
  func.func @_spmm_body(%arg0: i32, %arg1: i32, %arg2: memref<50000x64xf32, #tpu.memory_space<hbm>>, %arg3: memref<6272x128xi32, #tpu.memory_space<hbm>>, %arg4: memref<6272x128xi32, #tpu.memory_space<hbm>>, %arg5: memref<50000x16xf32, #tpu.memory_space<hbm>>, %arg6: memref<50000x64xf32, #tpu.memory_space<hbm>>, %arg7: memref<25600x64xf32, #tpu.memory_space<vmem_shared>>, %arg8: memref<14x128xi32, #tpu.memory_space<vmem>>, %arg9: memref<14x128xi32, #tpu.memory_space<vmem>>, %arg10: memref<128x64xf32, #tpu.memory_space<vmem>>, %arg11: memref<128x64xf32, #tpu.memory_space<vmem>>, %arg12: memref<100x64xf32, #tpu.memory_space<vmem>>, %arg13: memref<100x16xf32, #tpu.memory_space<vmem>>, %arg14: memref<!tpu.dma_semaphore, #tpu.memory_space<semaphore_mem>>, %arg15: memref<!tpu.dma_semaphore, #tpu.memory_space<semaphore_mem>>, %arg16: memref<!tpu.dma_semaphore, #tpu.memory_space<semaphore_mem>>, %arg17: memref<!tpu.dma_semaphore, #tpu.memory_space<semaphore_mem>>) attributes {dimension_semantics = [#tpu.dimension_semantics<core_parallel>, #tpu.dimension_semantics<subcore_parallel>], iteration_bounds = array<i64: 2, 16>, scalar_prefetch = 0 : i64, scratch_operands = 11 : i64, tpu.core_type = #tpu.core_type<sc_vector_subcore>, window_params = [{transform_indices = #map}, {transform_indices = #map}, {transform_indices = #map}, {transform_indices = #map}, {transform_indices = #map}]} {
    %sub3A = arith.constant 1 : i32
    %sub3A_0 = arith.subi %sub3A, %arg0 : i32
    %mul3A = arith.constant 25000 : i32
    %mul3A_1 = arith.muli %sub3A_0, %mul3A : i32
    %scan3A = arith.constant 0 : i32
    %scan3A_2 = arith.constant 0 : i32
    %scan3A_3 = arith.constant 100 : i32
    %scan3A_4 = arith.addi %scan3A_2, %scan3A_3 : i32
    %scan3A_5 = arith.constant 1 : i32
    scf.for %scan3A_41 = %scan3A_2 to %scan3A_4 step %scan3A_5  : i32 {
      %broadcast_in_dim3A = arith.constant 0.000000e+00 : f32
      %broadcast_in_dim3A_42 = vector.broadcast %broadcast_in_dim3A : f32 to vector<16xf32>
      %swap3A = arith.index_cast %scan3A_41 : i32 to index
      %swap3A_43 = arith.constant 0 : index
      %swap3A_44 = tpu.vector_load %arg12[%swap3A, %swap3A_43] {strides = array<i32>} : memref<100x64xf32, #tpu.memory_space<vmem>>, vector<1x16xf32>,
      %swap3A_45 = vector.shape_cast %swap3A_44 : vector<1x16xf32> to vector<16xf32>
      %swap3A_46 = vector.shape_cast %broadcast_in_dim3A_42 : vector<16xf32> to vector<1x16xf32>
      tpu.vector_store %arg12[%swap3A, %swap3A_43], %swap3A_46 {strides = array<i32>} : memref<100x64xf32, #tpu.memory_space<vmem>>, vector<1x16xf32>,
      %broadcast_in_dim3A_47 = arith.constant 0.000000e+00 : f32
      %broadcast_in_dim3A_48 = vector.broadcast %broadcast_in_dim3A_47 : f32 to vector<16xf32>
      %swap3A_49 = arith.index_cast %scan3A_41 : i32 to index
      %swap3A_50 = arith.constant 16 : index
      %swap3A_51 = tpu.vector_load %arg12[%swap3A_49, %swap3A_50] {strides = array<i32>} : memref<100x64xf32, #tpu.memory_space<vmem>>, vector<1x16xf32>,
      %swap3A_52 = vector.shape_cast %swap3A_51 : vector<1x16xf32> to vector<16xf32>
      %swap3A_53 = vector.shape_cast %broadcast_in_dim3A_48 : vector<16xf32> to vector<1x16xf32>
      tpu.vector_store %arg12[%swap3A_49, %swap3A_50], %swap3A_53 {strides = array<i32>} : memref<100x64xf32, #tpu.memory_space<vmem>>, vector<1x16xf32>,
      %broadcast_in_dim3A_54 = arith.constant 0.000000e+00 : f32
      %broadcast_in_dim3A_55 = vector.broadcast %broadcast_in_dim3A_54 : f32 to vector<16xf32>
      %swap3A_56 = arith.index_cast %scan3A_41 : i32 to index
      %swap3A_57 = arith.constant 32 : index
      %swap3A_58 = tpu.vector_load %arg12[%swap3A_56, %swap3A_57] {strides = array<i32>} : memref<100x64xf32, #tpu.memory_space<vmem>>, vector<1x16xf32>,
      %swap3A_59 = vector.shape_cast %swap3A_58 : vector<1x16xf32> to vector<16xf32>
      %swap3A_60 = vector.shape_cast %broadcast_in_dim3A_55 : vector<16xf32> to vector<1x16xf32>
      tpu.vector_store %arg12[%swap3A_56, %swap3A_57], %swap3A_60 {strides = array<i32>} : memref<100x64xf32, #tpu.memory_space<vmem>>, vector<1x16xf32>,
      %broadcast_in_dim3A_61 = arith.constant 0.000000e+00 : f32
      %broadcast_in_dim3A_62 = vector.broadcast %broadcast_in_dim3A_61 : f32 to vector<16xf32>
      %swap3A_63 = arith.index_cast %scan3A_41 : i32 to index
      %swap3A_64 = arith.constant 48 : index
      %swap3A_65 = tpu.vector_load %arg12[%swap3A_63, %swap3A_64] {strides = array<i32>} : memref<100x64xf32, #tpu.memory_space<vmem>>, vector<1x16xf32>,
      %swap3A_66 = vector.shape_cast %swap3A_65 : vector<1x16xf32> to vector<16xf32>
      %swap3A_67 = vector.shape_cast %broadcast_in_dim3A_62 : vector<16xf32> to vector<1x16xf32>
      tpu.vector_store %arg12[%swap3A_63, %swap3A_64], %swap3A_67 {strides = array<i32>} : memref<100x64xf32, #tpu.memory_space<vmem>>, vector<1x16xf32>,
    }
    %scan3A_6 = arith.constant 100 : i32
    %scan3A_7 = arith.constant 0 : i32
    %scan3A_8 = arith.constant 0 : i32
    %scan3A_9 = arith.constant 16 : i32
    %scan3A_10 = arith.addi %scan3A_8, %scan3A_9 : i32
    %scan3A_11 = arith.constant 1 : i32
    scf.for %scan3A_41 = %scan3A_8 to %scan3A_10 step %scan3A_11  : i32 {
      %mul3A_42 = arith.constant 1600 : i32
      %mul3A_43 = arith.muli %arg1, %mul3A_42 : i32
      %mul3A_44 = arith.constant 100 : i32
      %mul3A_45 = arith.muli %scan3A_41, %mul3A_44 : i32
      %add3A_46 = arith.addi %mul3A_43, %mul3A_45 : i32
      %dma_start3A = arith.constant 0 : i32
      %dma_start3A_47 = tpu.memref_slice %arg7[%add3A_46, %dma_start3A] : memref<25600x64xf32, #tpu.memory_space<vmem_shared>> -> memref<100x64xf32, #tpu.memory_space<vmem_shared>>
      %dma_start3A_48 = arith.constant 0 : i32
      %dma_start3A_49 = tpu.memref_slice %arg7[%add3A_46, %dma_start3A_48] : memref<25600x64xf32, #tpu.memory_space<vmem_shared>> -> memref<100x64xf32, #tpu.memory_space<vmem_shared>>
      tpu.enqueue_dma source(%arg12 : memref<100x64xf32, #tpu.memory_space<vmem>>) target(%dma_start3A_49 : memref<100x64xf32, #tpu.memory_space<vmem_shared>>) target_semaphore(%arg14 : memref<!tpu.dma_semaphore, #tpu.memory_space<semaphore_mem>>)
    }
    %scan3A_12 = arith.constant 16 : i32
    %scan3A_13 = arith.constant 0 : i32
    %scan3A_14 = arith.constant 0 : i32
    %scan3A_15 = arith.constant 16 : i32
    %scan3A_16 = arith.addi %scan3A_14, %scan3A_15 : i32
    %scan3A_17 = arith.constant 1 : i32
    scf.for %scan3A_41 = %scan3A_14 to %scan3A_16 step %scan3A_17  : i32 {
      %mul3A_42 = arith.constant 1600 : i32
      %mul3A_43 = arith.muli %arg1, %mul3A_42 : i32
      %dma_wait3A = arith.constant 0 : i32
      %dma_wait3A_44 = tpu.memref_slice %arg7[%mul3A_43, %dma_wait3A] : memref<25600x64xf32, #tpu.memory_space<vmem_shared>> -> memref<100x64xf32, #tpu.memory_space<vmem_shared>>
      %dma_wait3A_45 = arith.constant 0 : i32
      %dma_wait3A_46 = tpu.memref_slice %arg7[%mul3A_43, %dma_wait3A_45] : memref<25600x64xf32, #tpu.memory_space<vmem_shared>> -> memref<100x64xf32, #tpu.memory_space<vmem_shared>>
      tpu.wait_dma2 semaphore(%arg14 : memref<!tpu.dma_semaphore, #tpu.memory_space<semaphore_mem>>) src(%arg12 : memref<100x64xf32, #tpu.memory_space<vmem>>) dst(%dma_wait3A_46 : memref<100x64xf32, #tpu.memory_space<vmem_shared>>)
    }
    %scan3A_18 = arith.constant 16 : i32
    %barrier3A = arith.constant 0 : index
    tpu.barrier barrier_id(%barrier3A)
    %mul3A_19 = arith.constant 3136 : i32
    %mul3A_20 = arith.muli %arg0, %mul3A_19 : i32
    %mul3A_21 = arith.constant 196 : i32
    %mul3A_22 = arith.muli %arg1, %mul3A_21 : i32
    %add3A = arith.addi %mul3A_20, %mul3A_22 : i32
    %scan3A_23 = arith.constant 0 : i32
    %scan3A_24 = arith.constant 0 : i32
    %scan3A_25 = arith.constant 14 : i32
    %scan3A_26 = arith.addi %scan3A_24, %scan3A_25 : i32
    %scan3A_27 = arith.constant 1 : i32
    scf.for %scan3A_41 = %scan3A_24 to %scan3A_26 step %scan3A_27  : i32 {
      %mul3A_42 = arith.constant 14 : i32
      %mul3A_43 = arith.muli %scan3A_41, %mul3A_42 : i32
      %add3A_44 = arith.addi %add3A, %mul3A_43 : i32
      "tpu.region"() ({
        %run_scoped3A = tpu.sem_alloc : memref<!tpu.dma_semaphore, #tpu.memory_space<semaphore_mem>>
        %dma_start3A_70 = arith.constant 0 : i32
        %dma_start3A_71 = tpu.memref_slice %arg3[%add3A_44, %dma_start3A_70] : memref<6272x128xi32, #tpu.memory_space<hbm>> -> memref<14x128xi32, #tpu.memory_space<hbm>>
        %dma_start3A_72 = arith.constant 0 : i32
        %dma_start3A_73 = tpu.memref_slice %arg3[%add3A_44, %dma_start3A_72] : memref<6272x128xi32, #tpu.memory_space<hbm>> -> memref<14x128xi32, #tpu.memory_space<hbm>>
        tpu.enqueue_dma source(%dma_start3A_73 : memref<14x128xi32, #tpu.memory_space<hbm>>) target(%arg8 : memref<14x128xi32, #tpu.memory_space<vmem>>) target_semaphore(%run_scoped3A : memref<!tpu.dma_semaphore, #tpu.memory_space<semaphore_mem>>)
        %dma_wait3A_74 = arith.constant 0 : i32
        %dma_wait3A_75 = tpu.memref_slice %arg3[%add3A_44, %dma_wait3A_74] : memref<6272x128xi32, #tpu.memory_space<hbm>> -> memref<14x128xi32, #tpu.memory_space<hbm>>
        %dma_wait3A_76 = arith.constant 0 : i32
        %dma_wait3A_77 = tpu.memref_slice %arg3[%add3A_44, %dma_wait3A_76] : memref<6272x128xi32, #tpu.memory_space<hbm>> -> memref<14x128xi32, #tpu.memory_space<hbm>>
        tpu.wait_dma2 semaphore(%run_scoped3A : memref<!tpu.dma_semaphore, #tpu.memory_space<semaphore_mem>>) src(%dma_wait3A_77 : memref<14x128xi32, #tpu.memory_space<hbm>>) dst(%arg8 : memref<14x128xi32, #tpu.memory_space<vmem>>)
        tpu.yield
      }) : () -> ()
      "tpu.region"() ({
        %run_scoped3A = tpu.sem_alloc : memref<!tpu.dma_semaphore, #tpu.memory_space<semaphore_mem>>
        %dma_start3A_70 = arith.constant 0 : i32
        %dma_start3A_71 = tpu.memref_slice %arg4[%add3A_44, %dma_start3A_70] : memref<6272x128xi32, #tpu.memory_space<hbm>> -> memref<14x128xi32, #tpu.memory_space<hbm>>
        %dma_start3A_72 = arith.constant 0 : i32
        %dma_start3A_73 = tpu.memref_slice %arg4[%add3A_44, %dma_start3A_72] : memref<6272x128xi32, #tpu.memory_space<hbm>> -> memref<14x128xi32, #tpu.memory_space<hbm>>
        tpu.enqueue_dma source(%dma_start3A_73 : memref<14x128xi32, #tpu.memory_space<hbm>>) target(%arg9 : memref<14x128xi32, #tpu.memory_space<vmem>>) target_semaphore(%run_scoped3A : memref<!tpu.dma_semaphore, #tpu.memory_space<semaphore_mem>>)
        %dma_wait3A_74 = arith.constant 0 : i32
        %dma_wait3A_75 = tpu.memref_slice %arg4[%add3A_44, %dma_wait3A_74] : memref<6272x128xi32, #tpu.memory_space<hbm>> -> memref<14x128xi32, #tpu.memory_space<hbm>>
        %dma_wait3A_76 = arith.constant 0 : i32
        %dma_wait3A_77 = tpu.memref_slice %arg4[%add3A_44, %dma_wait3A_76] : memref<6272x128xi32, #tpu.memory_space<hbm>> -> memref<14x128xi32, #tpu.memory_space<hbm>>
        tpu.wait_dma2 semaphore(%run_scoped3A : memref<!tpu.dma_semaphore, #tpu.memory_space<semaphore_mem>>) src(%dma_wait3A_77 : memref<14x128xi32, #tpu.memory_space<hbm>>) dst(%arg9 : memref<14x128xi32, #tpu.memory_space<vmem>>)
        tpu.yield
      }) : () -> ()
      %dma_start3A = arith.constant 0 : i32
      %dma_start3A_45 = arith.constant 0 : i32
      %dma_start3A_46 = tpu.memref_slice %arg8[%dma_start3A, %dma_start3A_45] : memref<14x128xi32, #tpu.memory_space<vmem>> -> memref<1x128xi32, #tpu.memory_space<vmem>>
      %dma_start3A_47 = tpu.memref_squeeze %dma_start3A_46 : memref<1x128xi32, #tpu.memory_space<vmem>> -> memref<128xi32, #tpu.memory_space<vmem>>
      %dma_start3A_48 = arith.constant 0 : i32
      %dma_start3A_49 = arith.constant 0 : i32
      %dma_start3A_50 = tpu.memref_slice %arg2[%dma_start3A_48, %dma_start3A_49] : memref<50000x64xf32, #tpu.memory_space<hbm>> -> memref<50000x64xf32, #tpu.memory_space<hbm>>
      tpu.enqueue_indirect_dma source(%dma_start3A_50 : memref<50000x64xf32, #tpu.memory_space<hbm>>) target(%arg10 : memref<128x64xf32, #tpu.memory_space<vmem>>) offsets(%dma_start3A_47 : memref<128xi32, #tpu.memory_space<vmem>>) semaphore(%arg14 : memref<!tpu.dma_semaphore, #tpu.memory_space<semaphore_mem>>)
      %scan3A_51 = arith.constant 0 : i32
      %scan3A_52 = arith.constant 0 : i32
      %scan3A_53 = arith.constant 7 : i32
      %scan3A_54 = arith.addi %scan3A_52, %scan3A_53 : i32
      %scan3A_55 = arith.constant 1 : i32
      scf.for %scan3A_70 = %scan3A_52 to %scan3A_54 step %scan3A_55  : i32 {
        %mul3A_71 = arith.constant 2 : i32
        %mul3A_72 = arith.muli %mul3A_71, %scan3A_70 : i32
        %gt3A = arith.constant 0 : i32
        %gt3A_73 = arith.cmpi sgt, %scan3A_70, %gt3A : i32
        %convert_element_type3A = arith.extui %gt3A_73 : i1 to i32
        %cond3A = arith.constant 0 : i32
        %cond3A_74 = arith.cmpi ne, %convert_element_type3A, %cond3A : i32
        scf.if %cond3A_74 {
          %dma_wait3A_116 = arith.constant 0 : i32
          %dma_wait3A_117 = arith.constant 0 : i32
          %dma_wait3A_118 = tpu.memref_slice %arg9[%dma_wait3A_116, %dma_wait3A_117] : memref<14x128xi32, #tpu.memory_space<vmem>> -> memref<1x128xi32, #tpu.memory_space<vmem>>
          %dma_wait3A_119 = tpu.memref_squeeze %dma_wait3A_118 : memref<1x128xi32, #tpu.memory_space<vmem>> -> memref<128xi32, #tpu.memory_space<vmem>>
          %dma_wait3A_120 = arith.constant 0 : i32
          %dma_wait3A_121 = arith.constant 0 : i32
          %dma_wait3A_122 = tpu.memref_slice %arg7[%dma_wait3A_120, %dma_wait3A_121] : memref<25600x64xf32, #tpu.memory_space<vmem_shared>> -> memref<25600x64xf32, #tpu.memory_space<vmem_shared>>
          tpu.wait_indirect_dma semaphore(%arg17 : memref<!tpu.dma_semaphore, #tpu.memory_space<semaphore_mem>>) src(%arg11 : memref<128x64xf32, #tpu.memory_space<vmem>>) dst(%dma_wait3A_122 : memref<25600x64xf32, #tpu.memory_space<vmem_shared>>)
        } else {
        }
        %add3A_75 = arith.constant 1 : i32
        %add3A_76 = arith.addi %mul3A_72, %add3A_75 : i32
        %dma_start3A_77 = arith.constant 0 : i32
        %dma_start3A_78 = tpu.memref_slice %arg8[%add3A_76, %dma_start3A_77] : memref<14x128xi32, #tpu.memory_space<vmem>> -> memref<1x128xi32, #tpu.memory_space<vmem>>
        %dma_start3A_79 = tpu.memref_squeeze %dma_start3A_78 : memref<1x128xi32, #tpu.memory_space<vmem>> -> memref<128xi32, #tpu.memory_space<vmem>>
        %dma_start3A_80 = arith.constant 0 : i32
        %dma_start3A_81 = arith.constant 0 : i32
        %dma_start3A_82 = tpu.memref_slice %arg2[%dma_start3A_80, %dma_start3A_81] : memref<50000x64xf32, #tpu.memory_space<hbm>> -> memref<50000x64xf32, #tpu.memory_space<hbm>>
        tpu.enqueue_indirect_dma source(%dma_start3A_82 : memref<50000x64xf32, #tpu.memory_space<hbm>>) target(%arg11 : memref<128x64xf32, #tpu.memory_space<vmem>>) offsets(%dma_start3A_79 : memref<128xi32, #tpu.memory_space<vmem>>) semaphore(%arg15 : memref<!tpu.dma_semaphore, #tpu.memory_space<semaphore_mem>>)
        %dma_wait3A_83 = arith.constant 0 : i32
        %dma_wait3A_84 = arith.constant 0 : i32
        %dma_wait3A_85 = tpu.memref_slice %arg8[%dma_wait3A_83, %dma_wait3A_84] : memref<14x128xi32, #tpu.memory_space<vmem>> -> memref<1x128xi32, #tpu.memory_space<vmem>>
        %dma_wait3A_86 = tpu.memref_squeeze %dma_wait3A_85 : memref<1x128xi32, #tpu.memory_space<vmem>> -> memref<128xi32, #tpu.memory_space<vmem>>
        %dma_wait3A_87 = arith.constant 0 : i32
        %dma_wait3A_88 = arith.constant 0 : i32
        %dma_wait3A_89 = tpu.memref_slice %arg2[%dma_wait3A_87, %dma_wait3A_88] : memref<50000x64xf32, #tpu.memory_space<hbm>> -> memref<50000x64xf32, #tpu.memory_space<hbm>>
        tpu.wait_indirect_dma semaphore(%arg14 : memref<!tpu.dma_semaphore, #tpu.memory_space<semaphore_mem>>) src(%dma_wait3A_89 : memref<50000x64xf32, #tpu.memory_space<hbm>>) dst(%arg10 : memref<128x64xf32, #tpu.memory_space<vmem>>)
        %dma_start3A_90 = arith.constant 0 : i32
        %dma_start3A_91 = tpu.memref_slice %arg9[%mul3A_72, %dma_start3A_90] : memref<14x128xi32, #tpu.memory_space<vmem>> -> memref<1x128xi32, #tpu.memory_space<vmem>>
        %dma_start3A_92 = tpu.memref_squeeze %dma_start3A_91 : memref<1x128xi32, #tpu.memory_space<vmem>> -> memref<128xi32, #tpu.memory_space<vmem>>
        %dma_start3A_93 = arith.constant 0 : i32
        %dma_start3A_94 = arith.constant 0 : i32
        %dma_start3A_95 = tpu.memref_slice %arg7[%dma_start3A_93, %dma_start3A_94] : memref<25600x64xf32, #tpu.memory_space<vmem_shared>> -> memref<25600x64xf32, #tpu.memory_space<vmem_shared>>
        tpu.enqueue_indirect_dma source(%arg10 : memref<128x64xf32, #tpu.memory_space<vmem>>) target(%dma_start3A_95 : memref<25600x64xf32, #tpu.memory_space<vmem_shared>>) offsets(%dma_start3A_92 : memref<128xi32, #tpu.memory_space<vmem>>) semaphore(%arg16 : memref<!tpu.dma_semaphore, #tpu.memory_space<semaphore_mem>>) {add = true}
        %lt3A_96 = arith.constant 6 : i32
        %lt3A_97 = arith.cmpi slt, %scan3A_70, %lt3A_96 : i32
        %convert_element_type3A_98 = arith.extui %lt3A_97 : i1 to i32
        %cond3A_99 = arith.constant 0 : i32
        %cond3A_100 = arith.cmpi ne, %convert_element_type3A_98, %cond3A_99 : i32
        scf.if %cond3A_100 {
          %dma_wait3A_116 = arith.constant 0 : i32
          %dma_wait3A_117 = arith.constant 0 : i32
          %dma_wait3A_118 = tpu.memref_slice %arg9[%dma_wait3A_116, %dma_wait3A_117] : memref<14x128xi32, #tpu.memory_space<vmem>> -> memref<1x128xi32, #tpu.memory_space<vmem>>
          %dma_wait3A_119 = tpu.memref_squeeze %dma_wait3A_118 : memref<1x128xi32, #tpu.memory_space<vmem>> -> memref<128xi32, #tpu.memory_space<vmem>>
          %dma_wait3A_120 = arith.constant 0 : i32
          %dma_wait3A_121 = arith.constant 0 : i32
          %dma_wait3A_122 = tpu.memref_slice %arg7[%dma_wait3A_120, %dma_wait3A_121] : memref<25600x64xf32, #tpu.memory_space<vmem_shared>> -> memref<25600x64xf32, #tpu.memory_space<vmem_shared>>
          tpu.wait_indirect_dma semaphore(%arg16 : memref<!tpu.dma_semaphore, #tpu.memory_space<semaphore_mem>>) src(%arg10 : memref<128x64xf32, #tpu.memory_space<vmem>>) dst(%dma_wait3A_122 : memref<25600x64xf32, #tpu.memory_space<vmem_shared>>)
          %add3A_123 = arith.constant 2 : i32
          %add3A_124 = arith.addi %mul3A_72, %add3A_123 : i32
          %dma_start3A_125 = arith.constant 0 : i32
          %dma_start3A_126 = tpu.memref_slice %arg8[%add3A_124, %dma_start3A_125] : memref<14x128xi32, #tpu.memory_space<vmem>> -> memref<1x128xi32, #tpu.memory_space<vmem>>
          %dma_start3A_127 = tpu.memref_squeeze %dma_start3A_126 : memref<1x128xi32, #tpu.memory_space<vmem>> -> memref<128xi32, #tpu.memory_space<vmem>>
          %dma_start3A_128 = arith.constant 0 : i32
          %dma_start3A_129 = arith.constant 0 : i32
          %dma_start3A_130 = tpu.memref_slice %arg2[%dma_start3A_128, %dma_start3A_129] : memref<50000x64xf32, #tpu.memory_space<hbm>> -> memref<50000x64xf32, #tpu.memory_space<hbm>>
          tpu.enqueue_indirect_dma source(%dma_start3A_130 : memref<50000x64xf32, #tpu.memory_space<hbm>>) target(%arg10 : memref<128x64xf32, #tpu.memory_space<vmem>>) offsets(%dma_start3A_127 : memref<128xi32, #tpu.memory_space<vmem>>) semaphore(%arg14 : memref<!tpu.dma_semaphore, #tpu.memory_space<semaphore_mem>>)
        } else {
        }
        %dma_wait3A_101 = arith.constant 0 : i32
        %dma_wait3A_102 = arith.constant 0 : i32
        %dma_wait3A_103 = tpu.memref_slice %arg8[%dma_wait3A_101, %dma_wait3A_102] : memref<14x128xi32, #tpu.memory_space<vmem>> -> memref<1x128xi32, #tpu.memory_space<vmem>>
        %dma_wait3A_104 = tpu.memref_squeeze %dma_wait3A_103 : memref<1x128xi32, #tpu.memory_space<vmem>> -> memref<128xi32, #tpu.memory_space<vmem>>
        %dma_wait3A_105 = arith.constant 0 : i32
        %dma_wait3A_106 = arith.constant 0 : i32
        %dma_wait3A_107 = tpu.memref_slice %arg2[%dma_wait3A_105, %dma_wait3A_106] : memref<50000x64xf32, #tpu.memory_space<hbm>> -> memref<50000x64xf32, #tpu.memory_space<hbm>>
        tpu.wait_indirect_dma semaphore(%arg15 : memref<!tpu.dma_semaphore, #tpu.memory_space<semaphore_mem>>) src(%dma_wait3A_107 : memref<50000x64xf32, #tpu.memory_space<hbm>>) dst(%arg11 : memref<128x64xf32, #tpu.memory_space<vmem>>)
        %add3A_108 = arith.constant 1 : i32
        %add3A_109 = arith.addi %mul3A_72, %add3A_108 : i32
        %dma_start3A_110 = arith.constant 0 : i32
        %dma_start3A_111 = tpu.memref_slice %arg9[%add3A_109, %dma_start3A_110] : memref<14x128xi32, #tpu.memory_space<vmem>> -> memref<1x128xi32, #tpu.memory_space<vmem>>
        %dma_start3A_112 = tpu.memref_squeeze %dma_start3A_111 : memref<1x128xi32, #tpu.memory_space<vmem>> -> memref<128xi32, #tpu.memory_space<vmem>>
        %dma_start3A_113 = arith.constant 0 : i32
        %dma_start3A_114 = arith.constant 0 : i32
        %dma_start3A_115 = tpu.memref_slice %arg7[%dma_start3A_113, %dma_start3A_114] : memref<25600x64xf32, #tpu.memory_space<vmem_shared>> -> memref<25600x64xf32, #tpu.memory_space<vmem_shared>>
        tpu.enqueue_indirect_dma source(%arg11 : memref<128x64xf32, #tpu.memory_space<vmem>>) target(%dma_start3A_115 : memref<25600x64xf32, #tpu.memory_space<vmem_shared>>) offsets(%dma_start3A_112 : memref<128xi32, #tpu.memory_space<vmem>>) semaphore(%arg17 : memref<!tpu.dma_semaphore, #tpu.memory_space<semaphore_mem>>) {add = true}
      }
      %scan3A_56 = arith.constant 7 : i32
      %dma_wait3A = arith.constant 0 : i32
      %dma_wait3A_57 = arith.constant 0 : i32
      %dma_wait3A_58 = tpu.memref_slice %arg9[%dma_wait3A, %dma_wait3A_57] : memref<14x128xi32, #tpu.memory_space<vmem>> -> memref<1x128xi32, #tpu.memory_space<vmem>>
      %dma_wait3A_59 = tpu.memref_squeeze %dma_wait3A_58 : memref<1x128xi32, #tpu.memory_space<vmem>> -> memref<128xi32, #tpu.memory_space<vmem>>
      %dma_wait3A_60 = arith.constant 0 : i32
      %dma_wait3A_61 = arith.constant 0 : i32
      %dma_wait3A_62 = tpu.memref_slice %arg7[%dma_wait3A_60, %dma_wait3A_61] : memref<25600x64xf32, #tpu.memory_space<vmem_shared>> -> memref<25600x64xf32, #tpu.memory_space<vmem_shared>>
      tpu.wait_indirect_dma semaphore(%arg16 : memref<!tpu.dma_semaphore, #tpu.memory_space<semaphore_mem>>) src(%arg10 : memref<128x64xf32, #tpu.memory_space<vmem>>) dst(%dma_wait3A_62 : memref<25600x64xf32, #tpu.memory_space<vmem_shared>>)
      %dma_wait3A_63 = arith.constant 0 : i32
      %dma_wait3A_64 = arith.constant 0 : i32
      %dma_wait3A_65 = tpu.memref_slice %arg9[%dma_wait3A_63, %dma_wait3A_64] : memref<14x128xi32, #tpu.memory_space<vmem>> -> memref<1x128xi32, #tpu.memory_space<vmem>>
      %dma_wait3A_66 = tpu.memref_squeeze %dma_wait3A_65 : memref<1x128xi32, #tpu.memory_space<vmem>> -> memref<128xi32, #tpu.memory_space<vmem>>
      %dma_wait3A_67 = arith.constant 0 : i32
      %dma_wait3A_68 = arith.constant 0 : i32
      %dma_wait3A_69 = tpu.memref_slice %arg7[%dma_wait3A_67, %dma_wait3A_68] : memref<25600x64xf32, #tpu.memory_space<vmem_shared>> -> memref<25600x64xf32, #tpu.memory_space<vmem_shared>>
      tpu.wait_indirect_dma semaphore(%arg17 : memref<!tpu.dma_semaphore, #tpu.memory_space<semaphore_mem>>) src(%arg11 : memref<128x64xf32, #tpu.memory_space<vmem>>) dst(%dma_wait3A_69 : memref<25600x64xf32, #tpu.memory_space<vmem_shared>>)
    }
    %scan3A_28 = arith.constant 14 : i32
    %barrier3A_29 = arith.constant 0 : index
    tpu.barrier barrier_id(%barrier3A_29)
    %lt3A = arith.constant 15 : i32
    %lt3A_30 = arith.cmpi slt, %arg1, %lt3A : i32
    %jit3A = arith.constant 16 : i32
    %jit3A_31 = arith.constant 10 : i32
    %select_n3A = arith.select %lt3A_30, %jit3A, %jit3A_31 : i32
    %while3A = arith.constant 0 : i32
    %while3A_32 = arith.constant 0 : i32
    %while3A_33 = arith.subi %select_n3A, %while3A_32 : i32
    %while3A_34 = arith.addi %while3A_32, %while3A_33 : i32
    %while3A_35 = arith.constant 1 : i32
    %while3A_36 = arith.divsi %while3A_33, %while3A_35 : i32
    %while3A_37 = arith.muli %while3A_36, %while3A_35 : i32
    %while3A_38 = arith.addi %while3A_32, %while3A_37 : i32
    %while3A_39 = arith.constant 1 : i32
    scf.for %while3A_41 = %while3A_32 to %while3A_38 step %while3A_39  : i32 {
      %mul3A_42 = arith.constant 1600 : i32
      %mul3A_43 = arith.muli %arg1, %mul3A_42 : i32
      %mul3A_44 = arith.constant 100 : i32
      %mul3A_45 = arith.muli %while3A_41, %mul3A_44 : i32
      %add3A_46 = arith.addi %mul3A_43, %mul3A_45 : i32
      "tpu.region"() ({
        %run_scoped3A = tpu.sem_alloc : memref<!tpu.dma_semaphore, #tpu.memory_space<semaphore_mem>>
        %dma_start3A = arith.constant 0 : i32
        %dma_start3A_55 = tpu.memref_slice %arg7[%add3A_46, %dma_start3A] : memref<25600x64xf32, #tpu.memory_space<vmem_shared>> -> memref<100x64xf32, #tpu.memory_space<vmem_shared>>
        %dma_start3A_56 = arith.constant 0 : i32
        %dma_start3A_57 = tpu.memref_slice %arg7[%add3A_46, %dma_start3A_56] : memref<25600x64xf32, #tpu.memory_space<vmem_shared>> -> memref<100x64xf32, #tpu.memory_space<vmem_shared>>
        tpu.enqueue_dma source(%dma_start3A_57 : memref<100x64xf32, #tpu.memory_space<vmem_shared>>) target(%arg12 : memref<100x64xf32, #tpu.memory_space<vmem>>) target_semaphore(%run_scoped3A : memref<!tpu.dma_semaphore, #tpu.memory_space<semaphore_mem>>)
        %dma_wait3A = arith.constant 0 : i32
        %dma_wait3A_58 = tpu.memref_slice %arg7[%add3A_46, %dma_wait3A] : memref<25600x64xf32, #tpu.memory_space<vmem_shared>> -> memref<100x64xf32, #tpu.memory_space<vmem_shared>>
        %dma_wait3A_59 = arith.constant 0 : i32
        %dma_wait3A_60 = tpu.memref_slice %arg7[%add3A_46, %dma_wait3A_59] : memref<25600x64xf32, #tpu.memory_space<vmem_shared>> -> memref<100x64xf32, #tpu.memory_space<vmem_shared>>
        tpu.wait_dma2 semaphore(%run_scoped3A : memref<!tpu.dma_semaphore, #tpu.memory_space<semaphore_mem>>) src(%dma_wait3A_60 : memref<100x64xf32, #tpu.memory_space<vmem_shared>>) dst(%arg12 : memref<100x64xf32, #tpu.memory_space<vmem>>)
        tpu.yield
      }) : () -> ()
      %add3A_47 = arith.addi %mul3A_1, %add3A_46 : i32
      "tpu.region"() ({
        %run_scoped3A = tpu.sem_alloc : memref<!tpu.dma_semaphore, #tpu.memory_space<semaphore_mem>>
        %dma_start3A = arith.constant 0 : i32
        %dma_start3A_55 = tpu.memref_slice %arg5[%add3A_47, %dma_start3A] : memref<50000x16xf32, #tpu.memory_space<hbm>> -> memref<100x16xf32, #tpu.memory_space<hbm>>
        %dma_start3A_56 = arith.constant 0 : i32
        %dma_start3A_57 = tpu.memref_slice %arg5[%add3A_47, %dma_start3A_56] : memref<50000x16xf32, #tpu.memory_space<hbm>> -> memref<100x16xf32, #tpu.memory_space<hbm>>
        tpu.enqueue_dma source(%dma_start3A_57 : memref<100x16xf32, #tpu.memory_space<hbm>>) target(%arg13 : memref<100x16xf32, #tpu.memory_space<vmem>>) target_semaphore(%run_scoped3A : memref<!tpu.dma_semaphore, #tpu.memory_space<semaphore_mem>>)
        %dma_wait3A = arith.constant 0 : i32
        %dma_wait3A_58 = tpu.memref_slice %arg5[%add3A_47, %dma_wait3A] : memref<50000x16xf32, #tpu.memory_space<hbm>> -> memref<100x16xf32, #tpu.memory_space<hbm>>
        %dma_wait3A_59 = arith.constant 0 : i32
        %dma_wait3A_60 = tpu.memref_slice %arg5[%add3A_47, %dma_wait3A_59] : memref<50000x16xf32, #tpu.memory_space<hbm>> -> memref<100x16xf32, #tpu.memory_space<hbm>>
        tpu.wait_dma2 semaphore(%run_scoped3A : memref<!tpu.dma_semaphore, #tpu.memory_space<semaphore_mem>>) src(%dma_wait3A_60 : memref<100x16xf32, #tpu.memory_space<hbm>>) dst(%arg13 : memref<100x16xf32, #tpu.memory_space<vmem>>)
        tpu.yield
      }) : () -> ()
      %scan3A_48 = arith.constant 0 : i32
      %scan3A_49 = arith.constant 0 : i32
      %scan3A_50 = arith.constant 100 : i32
      %scan3A_51 = arith.addi %scan3A_49, %scan3A_50 : i32
      %scan3A_52 = arith.constant 1 : i32
      scf.for %scan3A_55 = %scan3A_49 to %scan3A_51 step %scan3A_52  : i32 {
        %get3A = arith.index_cast %scan3A_55 : i32 to index
        %get3A_56 = arith.constant 0 : index
        %get3A_57 = tpu.vector_load %arg13[%get3A, %get3A_56] {strides = array<i32>} : memref<100x16xf32, #tpu.memory_space<vmem>>, vector<1x16xf32>,
        %get3A_58 = vector.shape_cast %get3A_57 : vector<1x16xf32> to vector<16xf32>
        %broadcast_in_dim3A = arith.constant 0 : i32
        %broadcast_in_dim3A_59 = vector.broadcast %broadcast_in_dim3A : i32 to vector<16x1xi32>
        %gather3A = vector.shape_cast %broadcast_in_dim3A_59 : vector<16x1xi32> to vector<16xi32>
        %gather3A_60 = tpu.dynamic_gather %get3A_58[%gather3A] in [0] : vector<16xf32>, vector<16xi32> -> vector<16xf32>
        %get3A_61 = arith.index_cast %scan3A_55 : i32 to index
        %get3A_62 = arith.constant 0 : index
        %get3A_63 = tpu.vector_load %arg12[%get3A_61, %get3A_62] {strides = array<i32>} : memref<100x64xf32, #tpu.memory_space<vmem>>, vector<1x16xf32>,
        %get3A_64 = vector.shape_cast %get3A_63 : vector<1x16xf32> to vector<16xf32>
        %mul3A_65 = arith.mulf %get3A_64, %gather3A_60 : vector<16xf32>
        %swap3A = arith.index_cast %scan3A_55 : i32 to index
        %swap3A_66 = arith.constant 0 : index
        %swap3A_67 = tpu.vector_load %arg12[%swap3A, %swap3A_66] {strides = array<i32>} : memref<100x64xf32, #tpu.memory_space<vmem>>, vector<1x16xf32>,
        %swap3A_68 = vector.shape_cast %swap3A_67 : vector<1x16xf32> to vector<16xf32>
        %swap3A_69 = vector.shape_cast %mul3A_65 : vector<16xf32> to vector<1x16xf32>
        tpu.vector_store %arg12[%swap3A, %swap3A_66], %swap3A_69 {strides = array<i32>} : memref<100x64xf32, #tpu.memory_space<vmem>>, vector<1x16xf32>,
        %get3A_70 = arith.index_cast %scan3A_55 : i32 to index
        %get3A_71 = arith.constant 16 : index
        %get3A_72 = tpu.vector_load %arg12[%get3A_70, %get3A_71] {strides = array<i32>} : memref<100x64xf32, #tpu.memory_space<vmem>>, vector<1x16xf32>,
        %get3A_73 = vector.shape_cast %get3A_72 : vector<1x16xf32> to vector<16xf32>
        %mul3A_74 = arith.mulf %get3A_73, %gather3A_60 : vector<16xf32>
        %swap3A_75 = arith.index_cast %scan3A_55 : i32 to index
        %swap3A_76 = arith.constant 16 : index
        %swap3A_77 = tpu.vector_load %arg12[%swap3A_75, %swap3A_76] {strides = array<i32>} : memref<100x64xf32, #tpu.memory_space<vmem>>, vector<1x16xf32>,
        %swap3A_78 = vector.shape_cast %swap3A_77 : vector<1x16xf32> to vector<16xf32>
        %swap3A_79 = vector.shape_cast %mul3A_74 : vector<16xf32> to vector<1x16xf32>
        tpu.vector_store %arg12[%swap3A_75, %swap3A_76], %swap3A_79 {strides = array<i32>} : memref<100x64xf32, #tpu.memory_space<vmem>>, vector<1x16xf32>,
        %get3A_80 = arith.index_cast %scan3A_55 : i32 to index
        %get3A_81 = arith.constant 32 : index
        %get3A_82 = tpu.vector_load %arg12[%get3A_80, %get3A_81] {strides = array<i32>} : memref<100x64xf32, #tpu.memory_space<vmem>>, vector<1x16xf32>,
        %get3A_83 = vector.shape_cast %get3A_82 : vector<1x16xf32> to vector<16xf32>
        %mul3A_84 = arith.mulf %get3A_83, %gather3A_60 : vector<16xf32>
        %swap3A_85 = arith.index_cast %scan3A_55 : i32 to index
        %swap3A_86 = arith.constant 32 : index
        %swap3A_87 = tpu.vector_load %arg12[%swap3A_85, %swap3A_86] {strides = array<i32>} : memref<100x64xf32, #tpu.memory_space<vmem>>, vector<1x16xf32>,
        %swap3A_88 = vector.shape_cast %swap3A_87 : vector<1x16xf32> to vector<16xf32>
        %swap3A_89 = vector.shape_cast %mul3A_84 : vector<16xf32> to vector<1x16xf32>
        tpu.vector_store %arg12[%swap3A_85, %swap3A_86], %swap3A_89 {strides = array<i32>} : memref<100x64xf32, #tpu.memory_space<vmem>>, vector<1x16xf32>,
        %get3A_90 = arith.index_cast %scan3A_55 : i32 to index
        %get3A_91 = arith.constant 48 : index
        %get3A_92 = tpu.vector_load %arg12[%get3A_90, %get3A_91] {strides = array<i32>} : memref<100x64xf32, #tpu.memory_space<vmem>>, vector<1x16xf32>,
        %get3A_93 = vector.shape_cast %get3A_92 : vector<1x16xf32> to vector<16xf32>
        %mul3A_94 = arith.mulf %get3A_93, %gather3A_60 : vector<16xf32>
        %swap3A_95 = arith.index_cast %scan3A_55 : i32 to index
        %swap3A_96 = arith.constant 48 : index
        %swap3A_97 = tpu.vector_load %arg12[%swap3A_95, %swap3A_96] {strides = array<i32>} : memref<100x64xf32, #tpu.memory_space<vmem>>, vector<1x16xf32>,
        %swap3A_98 = vector.shape_cast %swap3A_97 : vector<1x16xf32> to vector<16xf32>
        %swap3A_99 = vector.shape_cast %mul3A_94 : vector<16xf32> to vector<1x16xf32>
        tpu.vector_store %arg12[%swap3A_95, %swap3A_96], %swap3A_99 {strides = array<i32>} : memref<100x64xf32, #tpu.memory_space<vmem>>, vector<1x16xf32>,
      }
      %scan3A_53 = arith.constant 100 : i32
      %add3A_54 = arith.addi %mul3A_1, %add3A_46 : i32
      "tpu.region"() ({
        %run_scoped3A = tpu.sem_alloc : memref<!tpu.dma_semaphore, #tpu.memory_space<semaphore_mem>>
        %dma_start3A = arith.constant 0 : i32
        %dma_start3A_55 = tpu.memref_slice %arg6[%add3A_54, %dma_start3A] : memref<50000x64xf32, #tpu.memory_space<hbm>> -> memref<100x64xf32, #tpu.memory_space<hbm>>
        %dma_start3A_56 = arith.constant 0 : i32
        %dma_start3A_57 = tpu.memref_slice %arg6[%add3A_54, %dma_start3A_56] : memref<50000x64xf32, #tpu.memory_space<hbm>> -> memref<100x64xf32, #tpu.memory_space<hbm>>
        tpu.enqueue_dma source(%arg12 : memref<100x64xf32, #tpu.memory_space<vmem>>) target(%dma_start3A_57 : memref<100x64xf32, #tpu.memory_space<hbm>>) target_semaphore(%run_scoped3A : memref<!tpu.dma_semaphore, #tpu.memory_space<semaphore_mem>>)
        %dma_wait3A = arith.constant 0 : i32
        %dma_wait3A_58 = tpu.memref_slice %arg6[%add3A_54, %dma_wait3A] : memref<50000x64xf32, #tpu.memory_space<hbm>> -> memref<100x64xf32, #tpu.memory_space<hbm>>
        %dma_wait3A_59 = arith.constant 0 : i32
        %dma_wait3A_60 = tpu.memref_slice %arg6[%add3A_54, %dma_wait3A_59] : memref<50000x64xf32, #tpu.memory_space<hbm>> -> memref<100x64xf32, #tpu.memory_space<hbm>>
        tpu.wait_dma2 semaphore(%run_scoped3A : memref<!tpu.dma_semaphore, #tpu.memory_space<semaphore_mem>>) src(%arg12 : memref<100x64xf32, #tpu.memory_space<vmem>>) dst(%dma_wait3A_60 : memref<100x64xf32, #tpu.memory_space<hbm>>)
        tpu.yield
      }) : () -> ()
    }
    %while3A_40 = arith.constant 1 : i32
    scf.for %while3A_41 = %while3A_38 to %while3A_34 step %while3A_40  : i32 {
      %mul3A_42 = arith.constant 1600 : i32
      %mul3A_43 = arith.muli %arg1, %mul3A_42 : i32
      %mul3A_44 = arith.constant 100 : i32
      %mul3A_45 = arith.muli %while3A_41, %mul3A_44 : i32
      %add3A_46 = arith.addi %mul3A_43, %mul3A_45 : i32
      "tpu.region"() ({
        %run_scoped3A = tpu.sem_alloc : memref<!tpu.dma_semaphore, #tpu.memory_space<semaphore_mem>>
        %dma_start3A = arith.constant 0 : i32
        %dma_start3A_55 = tpu.memref_slice %arg7[%add3A_46, %dma_start3A] : memref<25600x64xf32, #tpu.memory_space<vmem_shared>> -> memref<100x64xf32, #tpu.memory_space<vmem_shared>>
        %dma_start3A_56 = arith.constant 0 : i32
        %dma_start3A_57 = tpu.memref_slice %arg7[%add3A_46, %dma_start3A_56] : memref<25600x64xf32, #tpu.memory_space<vmem_shared>> -> memref<100x64xf32, #tpu.memory_space<vmem_shared>>
        tpu.enqueue_dma source(%dma_start3A_57 : memref<100x64xf32, #tpu.memory_space<vmem_shared>>) target(%arg12 : memref<100x64xf32, #tpu.memory_space<vmem>>) target_semaphore(%run_scoped3A : memref<!tpu.dma_semaphore, #tpu.memory_space<semaphore_mem>>)
        %dma_wait3A = arith.constant 0 : i32
        %dma_wait3A_58 = tpu.memref_slice %arg7[%add3A_46, %dma_wait3A] : memref<25600x64xf32, #tpu.memory_space<vmem_shared>> -> memref<100x64xf32, #tpu.memory_space<vmem_shared>>
        %dma_wait3A_59 = arith.constant 0 : i32
        %dma_wait3A_60 = tpu.memref_slice %arg7[%add3A_46, %dma_wait3A_59] : memref<25600x64xf32, #tpu.memory_space<vmem_shared>> -> memref<100x64xf32, #tpu.memory_space<vmem_shared>>
        tpu.wait_dma2 semaphore(%run_scoped3A : memref<!tpu.dma_semaphore, #tpu.memory_space<semaphore_mem>>) src(%dma_wait3A_60 : memref<100x64xf32, #tpu.memory_space<vmem_shared>>) dst(%arg12 : memref<100x64xf32, #tpu.memory_space<vmem>>)
        tpu.yield
      }) : () -> ()
      %add3A_47 = arith.addi %mul3A_1, %add3A_46 : i32
      "tpu.region"() ({
        %run_scoped3A = tpu.sem_alloc : memref<!tpu.dma_semaphore, #tpu.memory_space<semaphore_mem>>
        %dma_start3A = arith.constant 0 : i32
        %dma_start3A_55 = tpu.memref_slice %arg5[%add3A_47, %dma_start3A] : memref<50000x16xf32, #tpu.memory_space<hbm>> -> memref<100x16xf32, #tpu.memory_space<hbm>>
        %dma_start3A_56 = arith.constant 0 : i32
        %dma_start3A_57 = tpu.memref_slice %arg5[%add3A_47, %dma_start3A_56] : memref<50000x16xf32, #tpu.memory_space<hbm>> -> memref<100x16xf32, #tpu.memory_space<hbm>>
        tpu.enqueue_dma source(%dma_start3A_57 : memref<100x16xf32, #tpu.memory_space<hbm>>) target(%arg13 : memref<100x16xf32, #tpu.memory_space<vmem>>) target_semaphore(%run_scoped3A : memref<!tpu.dma_semaphore, #tpu.memory_space<semaphore_mem>>)
        %dma_wait3A = arith.constant 0 : i32
        %dma_wait3A_58 = tpu.memref_slice %arg5[%add3A_47, %dma_wait3A] : memref<50000x16xf32, #tpu.memory_space<hbm>> -> memref<100x16xf32, #tpu.memory_space<hbm>>
        %dma_wait3A_59 = arith.constant 0 : i32
        %dma_wait3A_60 = tpu.memref_slice %arg5[%add3A_47, %dma_wait3A_59] : memref<50000x16xf32, #tpu.memory_space<hbm>> -> memref<100x16xf32, #tpu.memory_space<hbm>>
        tpu.wait_dma2 semaphore(%run_scoped3A : memref<!tpu.dma_semaphore, #tpu.memory_space<semaphore_mem>>) src(%dma_wait3A_60 : memref<100x16xf32, #tpu.memory_space<hbm>>) dst(%arg13 : memref<100x16xf32, #tpu.memory_space<vmem>>)
        tpu.yield
      }) : () -> ()
      %scan3A_48 = arith.constant 0 : i32
      %scan3A_49 = arith.constant 0 : i32
      %scan3A_50 = arith.constant 100 : i32
      %scan3A_51 = arith.addi %scan3A_49, %scan3A_50 : i32
      %scan3A_52 = arith.constant 1 : i32
      scf.for %scan3A_55 = %scan3A_49 to %scan3A_51 step %scan3A_52  : i32 {
        %get3A = arith.index_cast %scan3A_55 : i32 to index
        %get3A_56 = arith.constant 0 : index
        %get3A_57 = tpu.vector_load %arg13[%get3A, %get3A_56] {strides = array<i32>} : memref<100x16xf32, #tpu.memory_space<vmem>>, vector<1x16xf32>,
        %get3A_58 = vector.shape_cast %get3A_57 : vector<1x16xf32> to vector<16xf32>
        %broadcast_in_dim3A = arith.constant 0 : i32
        %broadcast_in_dim3A_59 = vector.broadcast %broadcast_in_dim3A : i32 to vector<16x1xi32>
        %gather3A = vector.shape_cast %broadcast_in_dim3A_59 : vector<16x1xi32> to vector<16xi32>
        %gather3A_60 = tpu.dynamic_gather %get3A_58[%gather3A] in [0] : vector<16xf32>, vector<16xi32> -> vector<16xf32>
        %get3A_61 = arith.index_cast %scan3A_55 : i32 to index
        %get3A_62 = arith.constant 0 : index
        %get3A_63 = tpu.vector_load %arg12[%get3A_61, %get3A_62] {strides = array<i32>} : memref<100x64xf32, #tpu.memory_space<vmem>>, vector<1x16xf32>,
        %get3A_64 = vector.shape_cast %get3A_63 : vector<1x16xf32> to vector<16xf32>
        %mul3A_65 = arith.mulf %get3A_64, %gather3A_60 : vector<16xf32>
        %swap3A = arith.index_cast %scan3A_55 : i32 to index
        %swap3A_66 = arith.constant 0 : index
        %swap3A_67 = tpu.vector_load %arg12[%swap3A, %swap3A_66] {strides = array<i32>} : memref<100x64xf32, #tpu.memory_space<vmem>>, vector<1x16xf32>,
        %swap3A_68 = vector.shape_cast %swap3A_67 : vector<1x16xf32> to vector<16xf32>
        %swap3A_69 = vector.shape_cast %mul3A_65 : vector<16xf32> to vector<1x16xf32>
        tpu.vector_store %arg12[%swap3A, %swap3A_66], %swap3A_69 {strides = array<i32>} : memref<100x64xf32, #tpu.memory_space<vmem>>, vector<1x16xf32>,
        %get3A_70 = arith.index_cast %scan3A_55 : i32 to index
        %get3A_71 = arith.constant 16 : index
        %get3A_72 = tpu.vector_load %arg12[%get3A_70, %get3A_71] {strides = array<i32>} : memref<100x64xf32, #tpu.memory_space<vmem>>, vector<1x16xf32>,
        %get3A_73 = vector.shape_cast %get3A_72 : vector<1x16xf32> to vector<16xf32>
        %mul3A_74 = arith.mulf %get3A_73, %gather3A_60 : vector<16xf32>
        %swap3A_75 = arith.index_cast %scan3A_55 : i32 to index
        %swap3A_76 = arith.constant 16 : index
        %swap3A_77 = tpu.vector_load %arg12[%swap3A_75, %swap3A_76] {strides = array<i32>} : memref<100x64xf32, #tpu.memory_space<vmem>>, vector<1x16xf32>,
        %swap3A_78 = vector.shape_cast %swap3A_77 : vector<1x16xf32> to vector<16xf32>
        %swap3A_79 = vector.shape_cast %mul3A_74 : vector<16xf32> to vector<1x16xf32>
        tpu.vector_store %arg12[%swap3A_75, %swap3A_76], %swap3A_79 {strides = array<i32>} : memref<100x64xf32, #tpu.memory_space<vmem>>, vector<1x16xf32>,
        %get3A_80 = arith.index_cast %scan3A_55 : i32 to index
        %get3A_81 = arith.constant 32 : index
        %get3A_82 = tpu.vector_load %arg12[%get3A_80, %get3A_81] {strides = array<i32>} : memref<100x64xf32, #tpu.memory_space<vmem>>, vector<1x16xf32>,
        %get3A_83 = vector.shape_cast %get3A_82 : vector<1x16xf32> to vector<16xf32>
        %mul3A_84 = arith.mulf %get3A_83, %gather3A_60 : vector<16xf32>
        %swap3A_85 = arith.index_cast %scan3A_55 : i32 to index
        %swap3A_86 = arith.constant 32 : index
        %swap3A_87 = tpu.vector_load %arg12[%swap3A_85, %swap3A_86] {strides = array<i32>} : memref<100x64xf32, #tpu.memory_space<vmem>>, vector<1x16xf32>,
        %swap3A_88 = vector.shape_cast %swap3A_87 : vector<1x16xf32> to vector<16xf32>
        %swap3A_89 = vector.shape_cast %mul3A_84 : vector<16xf32> to vector<1x16xf32>
        tpu.vector_store %arg12[%swap3A_85, %swap3A_86], %swap3A_89 {strides = array<i32>} : memref<100x64xf32, #tpu.memory_space<vmem>>, vector<1x16xf32>,
        %get3A_90 = arith.index_cast %scan3A_55 : i32 to index
        %get3A_91 = arith.constant 48 : index
        %get3A_92 = tpu.vector_load %arg12[%get3A_90, %get3A_91] {strides = array<i32>} : memref<100x64xf32, #tpu.memory_space<vmem>>, vector<1x16xf32>,
        %get3A_93 = vector.shape_cast %get3A_92 : vector<1x16xf32> to vector<16xf32>
        %mul3A_94 = arith.mulf %get3A_93, %gather3A_60 : vector<16xf32>
        %swap3A_95 = arith.index_cast %scan3A_55 : i32 to index
        %swap3A_96 = arith.constant 48 : index
        %swap3A_97 = tpu.vector_load %arg12[%swap3A_95, %swap3A_96] {strides = array<i32>} : memref<100x64xf32, #tpu.memory_space<vmem>>, vector<1x16xf32>,
        %swap3A_98 = vector.shape_cast %swap3A_97 : vector<1x16xf32> to vector<16xf32>
        %swap3A_99 = vector.shape_cast %mul3A_94 : vector<16xf32> to vector<1x16xf32>
        tpu.vector_store %arg12[%swap3A_95, %swap3A_96], %swap3A_99 {strides = array<i32>} : memref<100x64xf32, #tpu.memory_space<vmem>>, vector<1x16xf32>,
      }
      %scan3A_53 = arith.constant 100 : i32
      %add3A_54 = arith.addi %mul3A_1, %add3A_46 : i32
      "tpu.region"() ({
        %run_scoped3A = tpu.sem_alloc : memref<!tpu.dma_semaphore, #tpu.memory_space<semaphore_mem>>
        %dma_start3A = arith.constant 0 : i32
        %dma_start3A_55 = tpu.memref_slice %arg6[%add3A_54, %dma_start3A] : memref<50000x64xf32, #tpu.memory_space<hbm>> -> memref<100x64xf32, #tpu.memory_space<hbm>>
        %dma_start3A_56 = arith.constant 0 : i32
        %dma_start3A_57 = tpu.memref_slice %arg6[%add3A_54, %dma_start3A_56] : memref<50000x64xf32, #tpu.memory_space<hbm>> -> memref<100x64xf32, #tpu.memory_space<hbm>>
        tpu.enqueue_dma source(%arg12 : memref<100x64xf32, #tpu.memory_space<vmem>>) target(%dma_start3A_57 : memref<100x64xf32, #tpu.memory_space<hbm>>) target_semaphore(%run_scoped3A : memref<!tpu.dma_semaphore, #tpu.memory_space<semaphore_mem>>)
        %dma_wait3A = arith.constant 0 : i32
        %dma_wait3A_58 = tpu.memref_slice %arg6[%add3A_54, %dma_wait3A] : memref<50000x64xf32, #tpu.memory_space<hbm>> -> memref<100x64xf32, #tpu.memory_space<hbm>>
        %dma_wait3A_59 = arith.constant 0 : i32
        %dma_wait3A_60 = tpu.memref_slice %arg6[%add3A_54, %dma_wait3A_59] : memref<50000x64xf32, #tpu.memory_space<hbm>> -> memref<100x64xf32, #tpu.memory_space<hbm>>
        tpu.wait_dma2 semaphore(%run_scoped3A : memref<!tpu.dma_semaphore, #tpu.memory_space<semaphore_mem>>) src(%arg12 : memref<100x64xf32, #tpu.memory_space<vmem>>) dst(%dma_wait3A_60 : memref<100x64xf32, #tpu.memory_space<hbm>>)
        tpu.yield
      }) : () -> ()
    }
    return
  }
}

#map = affine_map<(d0, d1) -> (0, 0)>
module attributes {stable_mosaic.version = 14 : i64} {
  func.func @_spmm_body(%arg0: i32, %arg1: i32, %arg2: memref<50000x64xf32, #tpu.memory_space<hbm>>, %arg3: memref<6272x128xi32, #tpu.memory_space<hbm>>, %arg4: memref<6272x128xi32, #tpu.memory_space<hbm>>, %arg5: memref<50000x16xf32, #tpu.memory_space<hbm>>, %arg6: memref<50000x64xf32, #tpu.memory_space<hbm>>, %arg7: memref<25600x64xf32, #tpu.memory_space<vmem_shared>>, %arg8: memref<14x128xi32, #tpu.memory_space<vmem>>, %arg9: memref<14x128xi32, #tpu.memory_space<vmem>>, %arg10: memref<128x64xf32, #tpu.memory_space<vmem>>, %arg11: memref<128x64xf32, #tpu.memory_space<vmem>>, %arg12: memref<100x64xf32, #tpu.memory_space<vmem>>, %arg13: memref<100x16xf32, #tpu.memory_space<vmem>>, %arg14: memref<!tpu.dma_semaphore, #tpu.memory_space<semaphore_mem>>, %arg15: memref<!tpu.dma_semaphore, #tpu.memory_space<semaphore_mem>>, %arg16: memref<!tpu.dma_semaphore, #tpu.memory_space<semaphore_mem>>, %arg17: memref<!tpu.dma_semaphore, #tpu.memory_space<semaphore_mem>>) attributes {dimension_semantics = [#tpu.dimension_semantics<core_parallel>, #tpu.dimension_semantics<subcore_parallel>], iteration_bounds = array<i64: 2, 16>, scalar_prefetch = 0 : i64, scratch_operands = 11 : i64, tpu.core_type = #tpu.core_type<sc_vector_subcore>, window_params = [{transform_indices = #map}, {transform_indices = #map}, {transform_indices = #map}, {transform_indices = #map}, {transform_indices = #map}]} {
    %sub3A = arith.constant 1 : i32
    %sub3A_0 = arith.subi %sub3A, %arg0 : i32
    %mul3A = arith.constant 25000 : i32
    %mul3A_1 = arith.muli %sub3A_0, %mul3A : i32
    %scan3A = arith.constant 0 : i32
    %scan3A_2 = arith.constant 0 : i32
    %scan3A_3 = arith.constant 100 : i32
    %scan3A_4 = arith.addi %scan3A_2, %scan3A_3 : i32
    %scan3A_5 = arith.constant 1 : i32
    scf.for %scan3A_41 = %scan3A_2 to %scan3A_4 step %scan3A_5  : i32 {
      %broadcast_in_dim3A = arith.constant 0.000000e+00 : f32
      %broadcast_in_dim3A_42 = vector.broadcast %broadcast_in_dim3A : f32 to vector<16xf32>
      %swap3A = arith.index_cast %scan3A_41 : i32 to index
      %swap3A_43 = arith.constant 0 : index
      %swap3A_44 = tpu.vector_load %arg12[%swap3A, %swap3A_43] {strides = array<i32>} : memref<100x64xf32, #tpu.memory_space<vmem>>, vector<1x16xf32>,
      %swap3A_45 = vector.shape_cast %swap3A_44 : vector<1x16xf32> to vector<16xf32>
      %swap3A_46 = vector.shape_cast %broadcast_in_dim3A_42 : vector<16xf32> to vector<1x16xf32>
      tpu.vector_store %arg12[%swap3A, %swap3A_43], %swap3A_46 {strides = array<i32>} : memref<100x64xf32, #tpu.memory_space<vmem>>, vector<1x16xf32>,
      %broadcast_in_dim3A_47 = arith.constant 0.000000e+00 : f32
      %broadcast_in_dim3A_48 = vector.broadcast %broadcast_in_dim3A_47 : f32 to vector<16xf32>
      %swap3A_49 = arith.index_cast %scan3A_41 : i32 to index
      %swap3A_50 = arith.constant 16 : index
      %swap3A_51 = tpu.vector_load %arg12[%swap3A_49, %swap3A_50] {strides = array<i32>} : memref<100x64xf32, #tpu.memory_space<vmem>>, vector<1x16xf32>,
      %swap3A_52 = vector.shape_cast %swap3A_51 : vector<1x16xf32> to vector<16xf32>
      %swap3A_53 = vector.shape_cast %broadcast_in_dim3A_48 : vector<16xf32> to vector<1x16xf32>
      tpu.vector_store %arg12[%swap3A_49, %swap3A_50], %swap3A_53 {strides = array<i32>} : memref<100x64xf32, #tpu.memory_space<vmem>>, vector<1x16xf32>,
      %broadcast_in_dim3A_54 = arith.constant 0.000000e+00 : f32
      %broadcast_in_dim3A_55 = vector.broadcast %broadcast_in_dim3A_54 : f32 to vector<16xf32>
      %swap3A_56 = arith.index_cast %scan3A_41 : i32 to index
      %swap3A_57 = arith.constant 32 : index
      %swap3A_58 = tpu.vector_load %arg12[%swap3A_56, %swap3A_57] {strides = array<i32>} : memref<100x64xf32, #tpu.memory_space<vmem>>, vector<1x16xf32>,
      %swap3A_59 = vector.shape_cast %swap3A_58 : vector<1x16xf32> to vector<16xf32>
      %swap3A_60 = vector.shape_cast %broadcast_in_dim3A_55 : vector<16xf32> to vector<1x16xf32>
      tpu.vector_store %arg12[%swap3A_56, %swap3A_57], %swap3A_60 {strides = array<i32>} : memref<100x64xf32, #tpu.memory_space<vmem>>, vector<1x16xf32>,
      %broadcast_in_dim3A_61 = arith.constant 0.000000e+00 : f32
      %broadcast_in_dim3A_62 = vector.broadcast %broadcast_in_dim3A_61 : f32 to vector<16xf32>
      %swap3A_63 = arith.index_cast %scan3A_41 : i32 to index
      %swap3A_64 = arith.constant 48 : index
      %swap3A_65 = tpu.vector_load %arg12[%swap3A_63, %swap3A_64] {strides = array<i32>} : memref<100x64xf32, #tpu.memory_space<vmem>>, vector<1x16xf32>,
      %swap3A_66 = vector.shape_cast %swap3A_65 : vector<1x16xf32> to vector<16xf32>
      %swap3A_67 = vector.shape_cast %broadcast_in_dim3A_62 : vector<16xf32> to vector<1x16xf32>
      tpu.vector_store %arg12[%swap3A_63, %swap3A_64], %swap3A_67 {strides = array<i32>} : memref<100x64xf32, #tpu.memory_space<vmem>>, vector<1x16xf32>,
    }
    %scan3A_6 = arith.constant 100 : i32
    %scan3A_7 = arith.constant 0 : i32
    %scan3A_8 = arith.constant 0 : i32
    %scan3A_9 = arith.constant 16 : i32
    %scan3A_10 = arith.addi %scan3A_8, %scan3A_9 : i32
    %scan3A_11 = arith.constant 1 : i32
    scf.for %scan3A_41 = %scan3A_8 to %scan3A_10 step %scan3A_11  : i32 {
      %mul3A_42 = arith.constant 1600 : i32
      %mul3A_43 = arith.muli %arg1, %mul3A_42 : i32
      %mul3A_44 = arith.constant 100 : i32
      %mul3A_45 = arith.muli %scan3A_41, %mul3A_44 : i32
      %add3A_46 = arith.addi %mul3A_43, %mul3A_45 : i32
      %dma_start3A = arith.constant 0 : i32
      %dma_start3A_47 = tpu.memref_slice %arg7[%add3A_46, %dma_start3A] : memref<25600x64xf32, #tpu.memory_space<vmem_shared>> -> memref<100x64xf32, #tpu.memory_space<vmem_shared>>
      %dma_start3A_48 = arith.constant 0 : i32
      %dma_start3A_49 = tpu.memref_slice %arg7[%add3A_46, %dma_start3A_48] : memref<25600x64xf32, #tpu.memory_space<vmem_shared>> -> memref<100x64xf32, #tpu.memory_space<vmem_shared>>
      tpu.enqueue_dma source(%arg12 : memref<100x64xf32, #tpu.memory_space<vmem>>) target(%dma_start3A_49 : memref<100x64xf32, #tpu.memory_space<vmem_shared>>) target_semaphore(%arg14 : memref<!tpu.dma_semaphore, #tpu.memory_space<semaphore_mem>>)
    }
    %scan3A_12 = arith.constant 16 : i32
    %scan3A_13 = arith.constant 0 : i32
    %scan3A_14 = arith.constant 0 : i32
    %scan3A_15 = arith.constant 16 : i32
    %scan3A_16 = arith.addi %scan3A_14, %scan3A_15 : i32
    %scan3A_17 = arith.constant 1 : i32
    scf.for %scan3A_41 = %scan3A_14 to %scan3A_16 step %scan3A_17  : i32 {
      %mul3A_42 = arith.constant 1600 : i32
      %mul3A_43 = arith.muli %arg1, %mul3A_42 : i32
      %dma_wait3A = arith.constant 0 : i32
      %dma_wait3A_44 = tpu.memref_slice %arg7[%mul3A_43, %dma_wait3A] : memref<25600x64xf32, #tpu.memory_space<vmem_shared>> -> memref<100x64xf32, #tpu.memory_space<vmem_shared>>
      %dma_wait3A_45 = arith.constant 0 : i32
      %dma_wait3A_46 = tpu.memref_slice %arg7[%mul3A_43, %dma_wait3A_45] : memref<25600x64xf32, #tpu.memory_space<vmem_shared>> -> memref<100x64xf32, #tpu.memory_space<vmem_shared>>
      tpu.wait_dma2 semaphore(%arg14 : memref<!tpu.dma_semaphore, #tpu.memory_space<semaphore_mem>>) src(%arg12 : memref<100x64xf32, #tpu.memory_space<vmem>>) dst(%dma_wait3A_46 : memref<100x64xf32, #tpu.memory_space<vmem_shared>>)
    }
    %scan3A_18 = arith.constant 16 : i32
    %barrier3A = arith.constant 0 : index
    tpu.barrier barrier_id(%barrier3A)
    %mul3A_19 = arith.constant 3136 : i32
    %mul3A_20 = arith.muli %arg0, %mul3A_19 : i32
    %mul3A_21 = arith.constant 196 : i32
    %mul3A_22 = arith.muli %arg1, %mul3A_21 : i32
    %add3A = arith.addi %mul3A_20, %mul3A_22 : i32
    %scan3A_23 = arith.constant 0 : i32
    %scan3A_24 = arith.constant 0 : i32
    %scan3A_25 = arith.constant 14 : i32
    %scan3A_26 = arith.addi %scan3A_24, %scan3A_25 : i32
    %scan3A_27 = arith.constant 1 : i32
    scf.for %scan3A_41 = %scan3A_24 to %scan3A_26 step %scan3A_27  : i32 {
      %mul3A_42 = arith.constant 14 : i32
      %mul3A_43 = arith.muli %scan3A_41, %mul3A_42 : i32
      %add3A_44 = arith.addi %add3A, %mul3A_43 : i32
      "tpu.region"() ({
        %run_scoped3A = tpu.sem_alloc : memref<!tpu.dma_semaphore, #tpu.memory_space<semaphore_mem>>
        %dma_start3A_70 = arith.constant 0 : i32
        %dma_start3A_71 = tpu.memref_slice %arg3[%add3A_44, %dma_start3A_70] : memref<6272x128xi32, #tpu.memory_space<hbm>> -> memref<14x128xi32, #tpu.memory_space<hbm>>
        %dma_start3A_72 = arith.constant 0 : i32
        %dma_start3A_73 = tpu.memref_slice %arg3[%add3A_44, %dma_start3A_72] : memref<6272x128xi32, #tpu.memory_space<hbm>> -> memref<14x128xi32, #tpu.memory_space<hbm>>
        tpu.enqueue_dma source(%dma_start3A_73 : memref<14x128xi32, #tpu.memory_space<hbm>>) target(%arg8 : memref<14x128xi32, #tpu.memory_space<vmem>>) target_semaphore(%run_scoped3A : memref<!tpu.dma_semaphore, #tpu.memory_space<semaphore_mem>>)
        %dma_wait3A_74 = arith.constant 0 : i32
        %dma_wait3A_75 = tpu.memref_slice %arg3[%add3A_44, %dma_wait3A_74] : memref<6272x128xi32, #tpu.memory_space<hbm>> -> memref<14x128xi32, #tpu.memory_space<hbm>>
        %dma_wait3A_76 = arith.constant 0 : i32
        %dma_wait3A_77 = tpu.memref_slice %arg3[%add3A_44, %dma_wait3A_76] : memref<6272x128xi32, #tpu.memory_space<hbm>> -> memref<14x128xi32, #tpu.memory_space<hbm>>
        tpu.wait_dma2 semaphore(%run_scoped3A : memref<!tpu.dma_semaphore, #tpu.memory_space<semaphore_mem>>) src(%dma_wait3A_77 : memref<14x128xi32, #tpu.memory_space<hbm>>) dst(%arg8 : memref<14x128xi32, #tpu.memory_space<vmem>>)
        tpu.yield
      }) : () -> ()
      "tpu.region"() ({
        %run_scoped3A = tpu.sem_alloc : memref<!tpu.dma_semaphore, #tpu.memory_space<semaphore_mem>>
        %dma_start3A_70 = arith.constant 0 : i32
        %dma_start3A_71 = tpu.memref_slice %arg4[%add3A_44, %dma_start3A_70] : memref<6272x128xi32, #tpu.memory_space<hbm>> -> memref<14x128xi32, #tpu.memory_space<hbm>>
        %dma_start3A_72 = arith.constant 0 : i32
        %dma_start3A_73 = tpu.memref_slice %arg4[%add3A_44, %dma_start3A_72] : memref<6272x128xi32, #tpu.memory_space<hbm>> -> memref<14x128xi32, #tpu.memory_space<hbm>>
        tpu.enqueue_dma source(%dma_start3A_73 : memref<14x128xi32, #tpu.memory_space<hbm>>) target(%arg9 : memref<14x128xi32, #tpu.memory_space<vmem>>) target_semaphore(%run_scoped3A : memref<!tpu.dma_semaphore, #tpu.memory_space<semaphore_mem>>)
        %dma_wait3A_74 = arith.constant 0 : i32
        %dma_wait3A_75 = tpu.memref_slice %arg4[%add3A_44, %dma_wait3A_74] : memref<6272x128xi32, #tpu.memory_space<hbm>> -> memref<14x128xi32, #tpu.memory_space<hbm>>
        %dma_wait3A_76 = arith.constant 0 : i32
        %dma_wait3A_77 = tpu.memref_slice %arg4[%add3A_44, %dma_wait3A_76] : memref<6272x128xi32, #tpu.memory_space<hbm>> -> memref<14x128xi32, #tpu.memory_space<hbm>>
        tpu.wait_dma2 semaphore(%run_scoped3A : memref<!tpu.dma_semaphore, #tpu.memory_space<semaphore_mem>>) src(%dma_wait3A_77 : memref<14x128xi32, #tpu.memory_space<hbm>>) dst(%arg9 : memref<14x128xi32, #tpu.memory_space<vmem>>)
        tpu.yield
      }) : () -> ()
      %dma_start3A = arith.constant 0 : i32
      %dma_start3A_45 = arith.constant 0 : i32
      %dma_start3A_46 = tpu.memref_slice %arg8[%dma_start3A, %dma_start3A_45] : memref<14x128xi32, #tpu.memory_space<vmem>> -> memref<1x128xi32, #tpu.memory_space<vmem>>
      %dma_start3A_47 = tpu.memref_squeeze %dma_start3A_46 : memref<1x128xi32, #tpu.memory_space<vmem>> -> memref<128xi32, #tpu.memory_space<vmem>>
      %dma_start3A_48 = arith.constant 0 : i32
      %dma_start3A_49 = arith.constant 0 : i32
      %dma_start3A_50 = tpu.memref_slice %arg2[%dma_start3A_48, %dma_start3A_49] : memref<50000x64xf32, #tpu.memory_space<hbm>> -> memref<50000x64xf32, #tpu.memory_space<hbm>>
      tpu.enqueue_indirect_dma source(%dma_start3A_50 : memref<50000x64xf32, #tpu.memory_space<hbm>>) target(%arg10 : memref<128x64xf32, #tpu.memory_space<vmem>>) offsets(%dma_start3A_47 : memref<128xi32, #tpu.memory_space<vmem>>) semaphore(%arg14 : memref<!tpu.dma_semaphore, #tpu.memory_space<semaphore_mem>>)
      %scan3A_51 = arith.constant 0 : i32
      %scan3A_52 = arith.constant 0 : i32
      %scan3A_53 = arith.constant 7 : i32
      %scan3A_54 = arith.addi %scan3A_52, %scan3A_53 : i32
      %scan3A_55 = arith.constant 1 : i32
      scf.for %scan3A_70 = %scan3A_52 to %scan3A_54 step %scan3A_55  : i32 {
        %mul3A_71 = arith.constant 2 : i32
        %mul3A_72 = arith.muli %mul3A_71, %scan3A_70 : i32
        %gt3A = arith.constant 0 : i32
        %gt3A_73 = arith.cmpi sgt, %scan3A_70, %gt3A : i32
        %convert_element_type3A = arith.extui %gt3A_73 : i1 to i32
        %cond3A = arith.constant 0 : i32
        %cond3A_74 = arith.cmpi ne, %convert_element_type3A, %cond3A : i32
        scf.if %cond3A_74 {
          %dma_wait3A_116 = arith.constant 0 : i32
          %dma_wait3A_117 = arith.constant 0 : i32
          %dma_wait3A_118 = tpu.memref_slice %arg9[%dma_wait3A_116, %dma_wait3A_117] : memref<14x128xi32, #tpu.memory_space<vmem>> -> memref<1x128xi32, #tpu.memory_space<vmem>>
          %dma_wait3A_119 = tpu.memref_squeeze %dma_wait3A_118 : memref<1x128xi32, #tpu.memory_space<vmem>> -> memref<128xi32, #tpu.memory_space<vmem>>
          %dma_wait3A_120 = arith.constant 0 : i32
          %dma_wait3A_121 = arith.constant 0 : i32
          %dma_wait3A_122 = tpu.memref_slice %arg7[%dma_wait3A_120, %dma_wait3A_121] : memref<25600x64xf32, #tpu.memory_space<vmem_shared>> -> memref<25600x64xf32, #tpu.memory_space<vmem_shared>>
          tpu.wait_indirect_dma semaphore(%arg17 : memref<!tpu.dma_semaphore, #tpu.memory_space<semaphore_mem>>) src(%arg11 : memref<128x64xf32, #tpu.memory_space<vmem>>) dst(%dma_wait3A_122 : memref<25600x64xf32, #tpu.memory_space<vmem_shared>>)
        } else {
        }
        %add3A_75 = arith.constant 1 : i32
        %add3A_76 = arith.addi %mul3A_72, %add3A_75 : i32
        %dma_start3A_77 = arith.constant 0 : i32
        %dma_start3A_78 = tpu.memref_slice %arg8[%add3A_76, %dma_start3A_77] : memref<14x128xi32, #tpu.memory_space<vmem>> -> memref<1x128xi32, #tpu.memory_space<vmem>>
        %dma_start3A_79 = tpu.memref_squeeze %dma_start3A_78 : memref<1x128xi32, #tpu.memory_space<vmem>> -> memref<128xi32, #tpu.memory_space<vmem>>
        %dma_start3A_80 = arith.constant 0 : i32
        %dma_start3A_81 = arith.constant 0 : i32
        %dma_start3A_82 = tpu.memref_slice %arg2[%dma_start3A_80, %dma_start3A_81] : memref<50000x64xf32, #tpu.memory_space<hbm>> -> memref<50000x64xf32, #tpu.memory_space<hbm>>
        tpu.enqueue_indirect_dma source(%dma_start3A_82 : memref<50000x64xf32, #tpu.memory_space<hbm>>) target(%arg11 : memref<128x64xf32, #tpu.memory_space<vmem>>) offsets(%dma_start3A_79 : memref<128xi32, #tpu.memory_space<vmem>>) semaphore(%arg15 : memref<!tpu.dma_semaphore, #tpu.memory_space<semaphore_mem>>)
        %dma_wait3A_83 = arith.constant 0 : i32
        %dma_wait3A_84 = arith.constant 0 : i32
        %dma_wait3A_85 = tpu.memref_slice %arg8[%dma_wait3A_83, %dma_wait3A_84] : memref<14x128xi32, #tpu.memory_space<vmem>> -> memref<1x128xi32, #tpu.memory_space<vmem>>
        %dma_wait3A_86 = tpu.memref_squeeze %dma_wait3A_85 : memref<1x128xi32, #tpu.memory_space<vmem>> -> memref<128xi32, #tpu.memory_space<vmem>>
        %dma_wait3A_87 = arith.constant 0 : i32
        %dma_wait3A_88 = arith.constant 0 : i32
        %dma_wait3A_89 = tpu.memref_slice %arg2[%dma_wait3A_87, %dma_wait3A_88] : memref<50000x64xf32, #tpu.memory_space<hbm>> -> memref<50000x64xf32, #tpu.memory_space<hbm>>
        tpu.wait_indirect_dma semaphore(%arg14 : memref<!tpu.dma_semaphore, #tpu.memory_space<semaphore_mem>>) src(%dma_wait3A_89 : memref<50000x64xf32, #tpu.memory_space<hbm>>) dst(%arg10 : memref<128x64xf32, #tpu.memory_space<vmem>>)
        %dma_start3A_90 = arith.constant 0 : i32
        %dma_start3A_91 = tpu.memref_slice %arg9[%mul3A_72, %dma_start3A_90] : memref<14x128xi32, #tpu.memory_space<vmem>> -> memref<1x128xi32, #tpu.memory_space<vmem>>
        %dma_start3A_92 = tpu.memref_squeeze %dma_start3A_91 : memref<1x128xi32, #tpu.memory_space<vmem>> -> memref<128xi32, #tpu.memory_space<vmem>>
        %dma_start3A_93 = arith.constant 0 : i32
        %dma_start3A_94 = arith.constant 0 : i32
        %dma_start3A_95 = tpu.memref_slice %arg7[%dma_start3A_93, %dma_start3A_94] : memref<25600x64xf32, #tpu.memory_space<vmem_shared>> -> memref<25600x64xf32, #tpu.memory_space<vmem_shared>>
        tpu.enqueue_indirect_dma source(%arg10 : memref<128x64xf32, #tpu.memory_space<vmem>>) target(%dma_start3A_95 : memref<25600x64xf32, #tpu.memory_space<vmem_shared>>) offsets(%dma_start3A_92 : memref<128xi32, #tpu.memory_space<vmem>>) semaphore(%arg16 : memref<!tpu.dma_semaphore, #tpu.memory_space<semaphore_mem>>) {add = true}
        %lt3A_96 = arith.constant 6 : i32
        %lt3A_97 = arith.cmpi slt, %scan3A_70, %lt3A_96 : i32
        %convert_element_type3A_98 = arith.extui %lt3A_97 : i1 to i32
        %cond3A_99 = arith.constant 0 : i32
        %cond3A_100 = arith.cmpi ne, %convert_element_type3A_98, %cond3A_99 : i32
        scf.if %cond3A_100 {
          %dma_wait3A_116 = arith.constant 0 : i32
          %dma_wait3A_117 = arith.constant 0 : i32
          %dma_wait3A_118 = tpu.memref_slice %arg9[%dma_wait3A_116, %dma_wait3A_117] : memref<14x128xi32, #tpu.memory_space<vmem>> -> memref<1x128xi32, #tpu.memory_space<vmem>>
          %dma_wait3A_119 = tpu.memref_squeeze %dma_wait3A_118 : memref<1x128xi32, #tpu.memory_space<vmem>> -> memref<128xi32, #tpu.memory_space<vmem>>
          %dma_wait3A_120 = arith.constant 0 : i32
          %dma_wait3A_121 = arith.constant 0 : i32
          %dma_wait3A_122 = tpu.memref_slice %arg7[%dma_wait3A_120, %dma_wait3A_121] : memref<25600x64xf32, #tpu.memory_space<vmem_shared>> -> memref<25600x64xf32, #tpu.memory_space<vmem_shared>>
          tpu.wait_indirect_dma semaphore(%arg16 : memref<!tpu.dma_semaphore, #tpu.memory_space<semaphore_mem>>) src(%arg10 : memref<128x64xf32, #tpu.memory_space<vmem>>) dst(%dma_wait3A_122 : memref<25600x64xf32, #tpu.memory_space<vmem_shared>>)
          %add3A_123 = arith.constant 2 : i32
          %add3A_124 = arith.addi %mul3A_72, %add3A_123 : i32
          %dma_start3A_125 = arith.constant 0 : i32
          %dma_start3A_126 = tpu.memref_slice %arg8[%add3A_124, %dma_start3A_125] : memref<14x128xi32, #tpu.memory_space<vmem>> -> memref<1x128xi32, #tpu.memory_space<vmem>>
          %dma_start3A_127 = tpu.memref_squeeze %dma_start3A_126 : memref<1x128xi32, #tpu.memory_space<vmem>> -> memref<128xi32, #tpu.memory_space<vmem>>
          %dma_start3A_128 = arith.constant 0 : i32
          %dma_start3A_129 = arith.constant 0 : i32
          %dma_start3A_130 = tpu.memref_slice %arg2[%dma_start3A_128, %dma_start3A_129] : memref<50000x64xf32, #tpu.memory_space<hbm>> -> memref<50000x64xf32, #tpu.memory_space<hbm>>
          tpu.enqueue_indirect_dma source(%dma_start3A_130 : memref<50000x64xf32, #tpu.memory_space<hbm>>) target(%arg10 : memref<128x64xf32, #tpu.memory_space<vmem>>) offsets(%dma_start3A_127 : memref<128xi32, #tpu.memory_space<vmem>>) semaphore(%arg14 : memref<!tpu.dma_semaphore, #tpu.memory_space<semaphore_mem>>)
        } else {
        }
        %dma_wait3A_101 = arith.constant 0 : i32
        %dma_wait3A_102 = arith.constant 0 : i32
        %dma_wait3A_103 = tpu.memref_slice %arg8[%dma_wait3A_101, %dma_wait3A_102] : memref<14x128xi32, #tpu.memory_space<vmem>> -> memref<1x128xi32, #tpu.memory_space<vmem>>
        %dma_wait3A_104 = tpu.memref_squeeze %dma_wait3A_103 : memref<1x128xi32, #tpu.memory_space<vmem>> -> memref<128xi32, #tpu.memory_space<vmem>>
        %dma_wait3A_105 = arith.constant 0 : i32
        %dma_wait3A_106 = arith.constant 0 : i32
        %dma_wait3A_107 = tpu.memref_slice %arg2[%dma_wait3A_105, %dma_wait3A_106] : memref<50000x64xf32, #tpu.memory_space<hbm>> -> memref<50000x64xf32, #tpu.memory_space<hbm>>
        tpu.wait_indirect_dma semaphore(%arg15 : memref<!tpu.dma_semaphore, #tpu.memory_space<semaphore_mem>>) src(%dma_wait3A_107 : memref<50000x64xf32, #tpu.memory_space<hbm>>) dst(%arg11 : memref<128x64xf32, #tpu.memory_space<vmem>>)
        %add3A_108 = arith.constant 1 : i32
        %add3A_109 = arith.addi %mul3A_72, %add3A_108 : i32
        %dma_start3A_110 = arith.constant 0 : i32
        %dma_start3A_111 = tpu.memref_slice %arg9[%add3A_109, %dma_start3A_110] : memref<14x128xi32, #tpu.memory_space<vmem>> -> memref<1x128xi32, #tpu.memory_space<vmem>>
        %dma_start3A_112 = tpu.memref_squeeze %dma_start3A_111 : memref<1x128xi32, #tpu.memory_space<vmem>> -> memref<128xi32, #tpu.memory_space<vmem>>
        %dma_start3A_113 = arith.constant 0 : i32
        %dma_start3A_114 = arith.constant 0 : i32
        %dma_start3A_115 = tpu.memref_slice %arg7[%dma_start3A_113, %dma_start3A_114] : memref<25600x64xf32, #tpu.memory_space<vmem_shared>> -> memref<25600x64xf32, #tpu.memory_space<vmem_shared>>
        tpu.enqueue_indirect_dma source(%arg11 : memref<128x64xf32, #tpu.memory_space<vmem>>) target(%dma_start3A_115 : memref<25600x64xf32, #tpu.memory_space<vmem_shared>>) offsets(%dma_start3A_112 : memref<128xi32, #tpu.memory_space<vmem>>) semaphore(%arg17 : memref<!tpu.dma_semaphore, #tpu.memory_space<semaphore_mem>>) {add = true}
      }
      %scan3A_56 = arith.constant 7 : i32
      %dma_wait3A = arith.constant 0 : i32
      %dma_wait3A_57 = arith.constant 0 : i32
      %dma_wait3A_58 = tpu.memref_slice %arg9[%dma_wait3A, %dma_wait3A_57] : memref<14x128xi32, #tpu.memory_space<vmem>> -> memref<1x128xi32, #tpu.memory_space<vmem>>
      %dma_wait3A_59 = tpu.memref_squeeze %dma_wait3A_58 : memref<1x128xi32, #tpu.memory_space<vmem>> -> memref<128xi32, #tpu.memory_space<vmem>>
      %dma_wait3A_60 = arith.constant 0 : i32
      %dma_wait3A_61 = arith.constant 0 : i32
      %dma_wait3A_62 = tpu.memref_slice %arg7[%dma_wait3A_60, %dma_wait3A_61] : memref<25600x64xf32, #tpu.memory_space<vmem_shared>> -> memref<25600x64xf32, #tpu.memory_space<vmem_shared>>
      tpu.wait_indirect_dma semaphore(%arg16 : memref<!tpu.dma_semaphore, #tpu.memory_space<semaphore_mem>>) src(%arg10 : memref<128x64xf32, #tpu.memory_space<vmem>>) dst(%dma_wait3A_62 : memref<25600x64xf32, #tpu.memory_space<vmem_shared>>)
      %dma_wait3A_63 = arith.constant 0 : i32
      %dma_wait3A_64 = arith.constant 0 : i32
      %dma_wait3A_65 = tpu.memref_slice %arg9[%dma_wait3A_63, %dma_wait3A_64] : memref<14x128xi32, #tpu.memory_space<vmem>> -> memref<1x128xi32, #tpu.memory_space<vmem>>
      %dma_wait3A_66 = tpu.memref_squeeze %dma_wait3A_65 : memref<1x128xi32, #tpu.memory_space<vmem>> -> memref<128xi32, #tpu.memory_space<vmem>>
      %dma_wait3A_67 = arith.constant 0 : i32
      %dma_wait3A_68 = arith.constant 0 : i32
      %dma_wait3A_69 = tpu.memref_slice %arg7[%dma_wait3A_67, %dma_wait3A_68] : memref<25600x64xf32, #tpu.memory_space<vmem_shared>> -> memref<25600x64xf32, #tpu.memory_space<vmem_shared>>
      tpu.wait_indirect_dma semaphore(%arg17 : memref<!tpu.dma_semaphore, #tpu.memory_space<semaphore_mem>>) src(%arg11 : memref<128x64xf32, #tpu.memory_space<vmem>>) dst(%dma_wait3A_69 : memref<25600x64xf32, #tpu.memory_space<vmem_shared>>)
    }
    %scan3A_28 = arith.constant 14 : i32
    %barrier3A_29 = arith.constant 0 : index
    tpu.barrier barrier_id(%barrier3A_29)
    %lt3A = arith.constant 15 : i32
    %lt3A_30 = arith.cmpi slt, %arg1, %lt3A : i32
    %jit3A = arith.constant 16 : i32
    %jit3A_31 = arith.constant 10 : i32
    %select_n3A = arith.select %lt3A_30, %jit3A, %jit3A_31 : i32
    %while3A = arith.constant 0 : i32
    %while3A_32 = arith.constant 0 : i32
    %while3A_33 = arith.subi %select_n3A, %while3A_32 : i32
    %while3A_34 = arith.addi %while3A_32, %while3A_33 : i32
    %while3A_35 = arith.constant 1 : i32
    %while3A_36 = arith.divsi %while3A_33, %while3A_35 : i32
    %while3A_37 = arith.muli %while3A_36, %while3A_35 : i32
    %while3A_38 = arith.addi %while3A_32, %while3A_37 : i32
    %while3A_39 = arith.constant 1 : i32
    scf.for %while3A_41 = %while3A_32 to %while3A_38 step %while3A_39  : i32 {
      %mul3A_42 = arith.constant 1600 : i32
      %mul3A_43 = arith.muli %arg1, %mul3A_42 : i32
      %mul3A_44 = arith.constant 100 : i32
      %mul3A_45 = arith.muli %while3A_41, %mul3A_44 : i32
      %add3A_46 = arith.addi %mul3A_43, %mul3A_45 : i32
      "tpu.region"() ({
        %run_scoped3A = tpu.sem_alloc : memref<!tpu.dma_semaphore, #tpu.memory_space<semaphore_mem>>
        %dma_start3A = arith.constant 0 : i32
        %dma_start3A_55 = tpu.memref_slice %arg7[%add3A_46, %dma_start3A] : memref<25600x64xf32, #tpu.memory_space<vmem_shared>> -> memref<100x64xf32, #tpu.memory_space<vmem_shared>>
        %dma_start3A_56 = arith.constant 0 : i32
        %dma_start3A_57 = tpu.memref_slice %arg7[%add3A_46, %dma_start3A_56] : memref<25600x64xf32, #tpu.memory_space<vmem_shared>> -> memref<100x64xf32, #tpu.memory_space<vmem_shared>>
        tpu.enqueue_dma source(%dma_start3A_57 : memref<100x64xf32, #tpu.memory_space<vmem_shared>>) target(%arg12 : memref<100x64xf32, #tpu.memory_space<vmem>>) target_semaphore(%run_scoped3A : memref<!tpu.dma_semaphore, #tpu.memory_space<semaphore_mem>>)
        %dma_wait3A = arith.constant 0 : i32
        %dma_wait3A_58 = tpu.memref_slice %arg7[%add3A_46, %dma_wait3A] : memref<25600x64xf32, #tpu.memory_space<vmem_shared>> -> memref<100x64xf32, #tpu.memory_space<vmem_shared>>
        %dma_wait3A_59 = arith.constant 0 : i32
        %dma_wait3A_60 = tpu.memref_slice %arg7[%add3A_46, %dma_wait3A_59] : memref<25600x64xf32, #tpu.memory_space<vmem_shared>> -> memref<100x64xf32, #tpu.memory_space<vmem_shared>>
        tpu.wait_dma2 semaphore(%run_scoped3A : memref<!tpu.dma_semaphore, #tpu.memory_space<semaphore_mem>>) src(%dma_wait3A_60 : memref<100x64xf32, #tpu.memory_space<vmem_shared>>) dst(%arg12 : memref<100x64xf32, #tpu.memory_space<vmem>>)
        tpu.yield
      }) : () -> ()
      %add3A_47 = arith.addi %mul3A_1, %add3A_46 : i32
      "tpu.region"() ({
        %run_scoped3A = tpu.sem_alloc : memref<!tpu.dma_semaphore, #tpu.memory_space<semaphore_mem>>
        %dma_start3A = arith.constant 0 : i32
        %dma_start3A_55 = tpu.memref_slice %arg5[%add3A_47, %dma_start3A] : memref<50000x16xf32, #tpu.memory_space<hbm>> -> memref<100x16xf32, #tpu.memory_space<hbm>>
        %dma_start3A_56 = arith.constant 0 : i32
        %dma_start3A_57 = tpu.memref_slice %arg5[%add3A_47, %dma_start3A_56] : memref<50000x16xf32, #tpu.memory_space<hbm>> -> memref<100x16xf32, #tpu.memory_space<hbm>>
        tpu.enqueue_dma source(%dma_start3A_57 : memref<100x16xf32, #tpu.memory_space<hbm>>) target(%arg13 : memref<100x16xf32, #tpu.memory_space<vmem>>) target_semaphore(%run_scoped3A : memref<!tpu.dma_semaphore, #tpu.memory_space<semaphore_mem>>)
        %dma_wait3A = arith.constant 0 : i32
        %dma_wait3A_58 = tpu.memref_slice %arg5[%add3A_47, %dma_wait3A] : memref<50000x16xf32, #tpu.memory_space<hbm>> -> memref<100x16xf32, #tpu.memory_space<hbm>>
        %dma_wait3A_59 = arith.constant 0 : i32
        %dma_wait3A_60 = tpu.memref_slice %arg5[%add3A_47, %dma_wait3A_59] : memref<50000x16xf32, #tpu.memory_space<hbm>> -> memref<100x16xf32, #tpu.memory_space<hbm>>
        tpu.wait_dma2 semaphore(%run_scoped3A : memref<!tpu.dma_semaphore, #tpu.memory_space<semaphore_mem>>) src(%dma_wait3A_60 : memref<100x16xf32, #tpu.memory_space<hbm>>) dst(%arg13 : memref<100x16xf32, #tpu.memory_space<vmem>>)
        tpu.yield
      }) : () -> ()
      %scan3A_48 = arith.constant 0 : i32
      %scan3A_49 = arith.constant 0 : i32
      %scan3A_50 = arith.constant 100 : i32
      %scan3A_51 = arith.addi %scan3A_49, %scan3A_50 : i32
      %scan3A_52 = arith.constant 1 : i32
      scf.for %scan3A_55 = %scan3A_49 to %scan3A_51 step %scan3A_52  : i32 {
        %get3A = arith.index_cast %scan3A_55 : i32 to index
        %get3A_56 = arith.constant 0 : index
        %get3A_57 = tpu.vector_load %arg13[%get3A, %get3A_56] {strides = array<i32>} : memref<100x16xf32, #tpu.memory_space<vmem>>, vector<1x16xf32>,
        %get3A_58 = vector.shape_cast %get3A_57 : vector<1x16xf32> to vector<16xf32>
        %broadcast_in_dim3A = arith.constant 0 : i32
        %broadcast_in_dim3A_59 = vector.broadcast %broadcast_in_dim3A : i32 to vector<16x1xi32>
        %gather3A = vector.shape_cast %broadcast_in_dim3A_59 : vector<16x1xi32> to vector<16xi32>
        %gather3A_60 = tpu.dynamic_gather %get3A_58[%gather3A] in [0] : vector<16xf32>, vector<16xi32> -> vector<16xf32>
        %get3A_61 = arith.index_cast %scan3A_55 : i32 to index
        %get3A_62 = arith.constant 0 : index
        %get3A_63 = tpu.vector_load %arg12[%get3A_61, %get3A_62] {strides = array<i32>} : memref<100x64xf32, #tpu.memory_space<vmem>>, vector<1x16xf32>,
        %get3A_64 = vector.shape_cast %get3A_63 : vector<1x16xf32> to vector<16xf32>
        %mul3A_65 = arith.mulf %get3A_64, %gather3A_60 : vector<16xf32>
        %swap3A = arith.index_cast %scan3A_55 : i32 to index
        %swap3A_66 = arith.constant 0 : index
        %swap3A_67 = tpu.vector_load %arg12[%swap3A, %swap3A_66] {strides = array<i32>} : memref<100x64xf32, #tpu.memory_space<vmem>>, vector<1x16xf32>,
        %swap3A_68 = vector.shape_cast %swap3A_67 : vector<1x16xf32> to vector<16xf32>
        %swap3A_69 = vector.shape_cast %mul3A_65 : vector<16xf32> to vector<1x16xf32>
        tpu.vector_store %arg12[%swap3A, %swap3A_66], %swap3A_69 {strides = array<i32>} : memref<100x64xf32, #tpu.memory_space<vmem>>, vector<1x16xf32>,
        %get3A_70 = arith.index_cast %scan3A_55 : i32 to index
        %get3A_71 = arith.constant 16 : index
        %get3A_72 = tpu.vector_load %arg12[%get3A_70, %get3A_71] {strides = array<i32>} : memref<100x64xf32, #tpu.memory_space<vmem>>, vector<1x16xf32>,
        %get3A_73 = vector.shape_cast %get3A_72 : vector<1x16xf32> to vector<16xf32>
        %mul3A_74 = arith.mulf %get3A_73, %gather3A_60 : vector<16xf32>
        %swap3A_75 = arith.index_cast %scan3A_55 : i32 to index
        %swap3A_76 = arith.constant 16 : index
        %swap3A_77 = tpu.vector_load %arg12[%swap3A_75, %swap3A_76] {strides = array<i32>} : memref<100x64xf32, #tpu.memory_space<vmem>>, vector<1x16xf32>,
        %swap3A_78 = vector.shape_cast %swap3A_77 : vector<1x16xf32> to vector<16xf32>
        %swap3A_79 = vector.shape_cast %mul3A_74 : vector<16xf32> to vector<1x16xf32>
        tpu.vector_store %arg12[%swap3A_75, %swap3A_76], %swap3A_79 {strides = array<i32>} : memref<100x64xf32, #tpu.memory_space<vmem>>, vector<1x16xf32>,
        %get3A_80 = arith.index_cast %scan3A_55 : i32 to index
        %get3A_81 = arith.constant 32 : index
        %get3A_82 = tpu.vector_load %arg12[%get3A_80, %get3A_81] {strides = array<i32>} : memref<100x64xf32, #tpu.memory_space<vmem>>, vector<1x16xf32>,
        %get3A_83 = vector.shape_cast %get3A_82 : vector<1x16xf32> to vector<16xf32>
        %mul3A_84 = arith.mulf %get3A_83, %gather3A_60 : vector<16xf32>
        %swap3A_85 = arith.index_cast %scan3A_55 : i32 to index
        %swap3A_86 = arith.constant 32 : index
        %swap3A_87 = tpu.vector_load %arg12[%swap3A_85, %swap3A_86] {strides = array<i32>} : memref<100x64xf32, #tpu.memory_space<vmem>>, vector<1x16xf32>,
        %swap3A_88 = vector.shape_cast %swap3A_87 : vector<1x16xf32> to vector<16xf32>
        %swap3A_89 = vector.shape_cast %mul3A_84 : vector<16xf32> to vector<1x16xf32>
        tpu.vector_store %arg12[%swap3A_85, %swap3A_86], %swap3A_89 {strides = array<i32>} : memref<100x64xf32, #tpu.memory_space<vmem>>, vector<1x16xf32>,
        %get3A_90 = arith.index_cast %scan3A_55 : i32 to index
        %get3A_91 = arith.constant 48 : index
        %get3A_92 = tpu.vector_load %arg12[%get3A_90, %get3A_91] {strides = array<i32>} : memref<100x64xf32, #tpu.memory_space<vmem>>, vector<1x16xf32>,
        %get3A_93 = vector.shape_cast %get3A_92 : vector<1x16xf32> to vector<16xf32>
        %mul3A_94 = arith.mulf %get3A_93, %gather3A_60 : vector<16xf32>
        %swap3A_95 = arith.index_cast %scan3A_55 : i32 to index
        %swap3A_96 = arith.constant 48 : index
        %swap3A_97 = tpu.vector_load %arg12[%swap3A_95, %swap3A_96] {strides = array<i32>} : memref<100x64xf32, #tpu.memory_space<vmem>>, vector<1x16xf32>,
        %swap3A_98 = vector.shape_cast %swap3A_97 : vector<1x16xf32> to vector<16xf32>
        %swap3A_99 = vector.shape_cast %mul3A_94 : vector<16xf32> to vector<1x16xf32>
        tpu.vector_store %arg12[%swap3A_95, %swap3A_96], %swap3A_99 {strides = array<i32>} : memref<100x64xf32, #tpu.memory_space<vmem>>, vector<1x16xf32>,
      }
      %scan3A_53 = arith.constant 100 : i32
      %add3A_54 = arith.addi %mul3A_1, %add3A_46 : i32
      "tpu.region"() ({
        %run_scoped3A = tpu.sem_alloc : memref<!tpu.dma_semaphore, #tpu.memory_space<semaphore_mem>>
        %dma_start3A = arith.constant 0 : i32
        %dma_start3A_55 = tpu.memref_slice %arg6[%add3A_54, %dma_start3A] : memref<50000x64xf32, #tpu.memory_space<hbm>> -> memref<100x64xf32, #tpu.memory_space<hbm>>
        %dma_start3A_56 = arith.constant 0 : i32
        %dma_start3A_57 = tpu.memref_slice %arg6[%add3A_54, %dma_start3A_56] : memref<50000x64xf32, #tpu.memory_space<hbm>> -> memref<100x64xf32, #tpu.memory_space<hbm>>
        tpu.enqueue_dma source(%arg12 : memref<100x64xf32, #tpu.memory_space<vmem>>) target(%dma_start3A_57 : memref<100x64xf32, #tpu.memory_space<hbm>>) target_semaphore(%run_scoped3A : memref<!tpu.dma_semaphore, #tpu.memory_space<semaphore_mem>>)
        %dma_wait3A = arith.constant 0 : i32
        %dma_wait3A_58 = tpu.memref_slice %arg6[%add3A_54, %dma_wait3A] : memref<50000x64xf32, #tpu.memory_space<hbm>> -> memref<100x64xf32, #tpu.memory_space<hbm>>
        %dma_wait3A_59 = arith.constant 0 : i32
        %dma_wait3A_60 = tpu.memref_slice %arg6[%add3A_54, %dma_wait3A_59] : memref<50000x64xf32, #tpu.memory_space<hbm>> -> memref<100x64xf32, #tpu.memory_space<hbm>>
        tpu.wait_dma2 semaphore(%run_scoped3A : memref<!tpu.dma_semaphore, #tpu.memory_space<semaphore_mem>>) src(%arg12 : memref<100x64xf32, #tpu.memory_space<vmem>>) dst(%dma_wait3A_60 : memref<100x64xf32, #tpu.memory_space<hbm>>)
        tpu.yield
      }) : () -> ()
    }
    %while3A_40 = arith.constant 1 : i32
    scf.for %while3A_41 = %while3A_38 to %while3A_34 step %while3A_40  : i32 {
      %mul3A_42 = arith.constant 1600 : i32
      %mul3A_43 = arith.muli %arg1, %mul3A_42 : i32
      %mul3A_44 = arith.constant 100 : i32
      %mul3A_45 = arith.muli %while3A_41, %mul3A_44 : i32
      %add3A_46 = arith.addi %mul3A_43, %mul3A_45 : i32
      "tpu.region"() ({
        %run_scoped3A = tpu.sem_alloc : memref<!tpu.dma_semaphore, #tpu.memory_space<semaphore_mem>>
        %dma_start3A = arith.constant 0 : i32
        %dma_start3A_55 = tpu.memref_slice %arg7[%add3A_46, %dma_start3A] : memref<25600x64xf32, #tpu.memory_space<vmem_shared>> -> memref<100x64xf32, #tpu.memory_space<vmem_shared>>
        %dma_start3A_56 = arith.constant 0 : i32
        %dma_start3A_57 = tpu.memref_slice %arg7[%add3A_46, %dma_start3A_56] : memref<25600x64xf32, #tpu.memory_space<vmem_shared>> -> memref<100x64xf32, #tpu.memory_space<vmem_shared>>
        tpu.enqueue_dma source(%dma_start3A_57 : memref<100x64xf32, #tpu.memory_space<vmem_shared>>) target(%arg12 : memref<100x64xf32, #tpu.memory_space<vmem>>) target_semaphore(%run_scoped3A : memref<!tpu.dma_semaphore, #tpu.memory_space<semaphore_mem>>)
        %dma_wait3A = arith.constant 0 : i32
        %dma_wait3A_58 = tpu.memref_slice %arg7[%add3A_46, %dma_wait3A] : memref<25600x64xf32, #tpu.memory_space<vmem_shared>> -> memref<100x64xf32, #tpu.memory_space<vmem_shared>>
        %dma_wait3A_59 = arith.constant 0 : i32
        %dma_wait3A_60 = tpu.memref_slice %arg7[%add3A_46, %dma_wait3A_59] : memref<25600x64xf32, #tpu.memory_space<vmem_shared>> -> memref<100x64xf32, #tpu.memory_space<vmem_shared>>
        tpu.wait_dma2 semaphore(%run_scoped3A : memref<!tpu.dma_semaphore, #tpu.memory_space<semaphore_mem>>) src(%dma_wait3A_60 : memref<100x64xf32, #tpu.memory_space<vmem_shared>>) dst(%arg12 : memref<100x64xf32, #tpu.memory_space<vmem>>)
        tpu.yield
      }) : () -> ()
      %add3A_47 = arith.addi %mul3A_1, %add3A_46 : i32
      "tpu.region"() ({
        %run_scoped3A = tpu.sem_alloc : memref<!tpu.dma_semaphore, #tpu.memory_space<semaphore_mem>>
        %dma_start3A = arith.constant 0 : i32
        %dma_start3A_55 = tpu.memref_slice %arg5[%add3A_47, %dma_start3A] : memref<50000x16xf32, #tpu.memory_space<hbm>> -> memref<100x16xf32, #tpu.memory_space<hbm>>
        %dma_start3A_56 = arith.constant 0 : i32
        %dma_start3A_57 = tpu.memref_slice %arg5[%add3A_47, %dma_start3A_56] : memref<50000x16xf32, #tpu.memory_space<hbm>> -> memref<100x16xf32, #tpu.memory_space<hbm>>
        tpu.enqueue_dma source(%dma_start3A_57 : memref<100x16xf32, #tpu.memory_space<hbm>>) target(%arg13 : memref<100x16xf32, #tpu.memory_space<vmem>>) target_semaphore(%run_scoped3A : memref<!tpu.dma_semaphore, #tpu.memory_space<semaphore_mem>>)
        %dma_wait3A = arith.constant 0 : i32
        %dma_wait3A_58 = tpu.memref_slice %arg5[%add3A_47, %dma_wait3A] : memref<50000x16xf32, #tpu.memory_space<hbm>> -> memref<100x16xf32, #tpu.memory_space<hbm>>
        %dma_wait3A_59 = arith.constant 0 : i32
        %dma_wait3A_60 = tpu.memref_slice %arg5[%add3A_47, %dma_wait3A_59] : memref<50000x16xf32, #tpu.memory_space<hbm>> -> memref<100x16xf32, #tpu.memory_space<hbm>>
        tpu.wait_dma2 semaphore(%run_scoped3A : memref<!tpu.dma_semaphore, #tpu.memory_space<semaphore_mem>>) src(%dma_wait3A_60 : memref<100x16xf32, #tpu.memory_space<hbm>>) dst(%arg13 : memref<100x16xf32, #tpu.memory_space<vmem>>)
        tpu.yield
      }) : () -> ()
      %scan3A_48 = arith.constant 0 : i32
      %scan3A_49 = arith.constant 0 : i32
      %scan3A_50 = arith.constant 100 : i32
      %scan3A_51 = arith.addi %scan3A_49, %scan3A_50 : i32
      %scan3A_52 = arith.constant 1 : i32
      scf.for %scan3A_55 = %scan3A_49 to %scan3A_51 step %scan3A_52  : i32 {
        %get3A = arith.index_cast %scan3A_55 : i32 to index
        %get3A_56 = arith.constant 0 : index
        %get3A_57 = tpu.vector_load %arg13[%get3A, %get3A_56] {strides = array<i32>} : memref<100x16xf32, #tpu.memory_space<vmem>>, vector<1x16xf32>,
        %get3A_58 = vector.shape_cast %get3A_57 : vector<1x16xf32> to vector<16xf32>
        %broadcast_in_dim3A = arith.constant 0 : i32
        %broadcast_in_dim3A_59 = vector.broadcast %broadcast_in_dim3A : i32 to vector<16x1xi32>
        %gather3A = vector.shape_cast %broadcast_in_dim3A_59 : vector<16x1xi32> to vector<16xi32>
        %gather3A_60 = tpu.dynamic_gather %get3A_58[%gather3A] in [0] : vector<16xf32>, vector<16xi32> -> vector<16xf32>
        %get3A_61 = arith.index_cast %scan3A_55 : i32 to index
        %get3A_62 = arith.constant 0 : index
        %get3A_63 = tpu.vector_load %arg12[%get3A_61, %get3A_62] {strides = array<i32>} : memref<100x64xf32, #tpu.memory_space<vmem>>, vector<1x16xf32>,
        %get3A_64 = vector.shape_cast %get3A_63 : vector<1x16xf32> to vector<16xf32>
        %mul3A_65 = arith.mulf %get3A_64, %gather3A_60 : vector<16xf32>
        %swap3A = arith.index_cast %scan3A_55 : i32 to index
        %swap3A_66 = arith.constant 0 : index
        %swap3A_67 = tpu.vector_load %arg12[%swap3A, %swap3A_66] {strides = array<i32>} : memref<100x64xf32, #tpu.memory_space<vmem>>, vector<1x16xf32>,
        %swap3A_68 = vector.shape_cast %swap3A_67 : vector<1x16xf32> to vector<16xf32>
        %swap3A_69 = vector.shape_cast %mul3A_65 : vector<16xf32> to vector<1x16xf32>
        tpu.vector_store %arg12[%swap3A, %swap3A_66], %swap3A_69 {strides = array<i32>} : memref<100x64xf32, #tpu.memory_space<vmem>>, vector<1x16xf32>,
        %get3A_70 = arith.index_cast %scan3A_55 : i32 to index
        %get3A_71 = arith.constant 16 : index
        %get3A_72 = tpu.vector_load %arg12[%get3A_70, %get3A_71] {strides = array<i32>} : memref<100x64xf32, #tpu.memory_space<vmem>>, vector<1x16xf32>,
        %get3A_73 = vector.shape_cast %get3A_72 : vector<1x16xf32> to vector<16xf32>
        %mul3A_74 = arith.mulf %get3A_73, %gather3A_60 : vector<16xf32>
        %swap3A_75 = arith.index_cast %scan3A_55 : i32 to index
        %swap3A_76 = arith.constant 16 : index
        %swap3A_77 = tpu.vector_load %arg12[%swap3A_75, %swap3A_76] {strides = array<i32>} : memref<100x64xf32, #tpu.memory_space<vmem>>, vector<1x16xf32>,
        %swap3A_78 = vector.shape_cast %swap3A_77 : vector<1x16xf32> to vector<16xf32>
        %swap3A_79 = vector.shape_cast %mul3A_74 : vector<16xf32> to vector<1x16xf32>
        tpu.vector_store %arg12[%swap3A_75, %swap3A_76], %swap3A_79 {strides = array<i32>} : memref<100x64xf32, #tpu.memory_space<vmem>>, vector<1x16xf32>,
        %get3A_80 = arith.index_cast %scan3A_55 : i32 to index
        %get3A_81 = arith.constant 32 : index
        %get3A_82 = tpu.vector_load %arg12[%get3A_80, %get3A_81] {strides = array<i32>} : memref<100x64xf32, #tpu.memory_space<vmem>>, vector<1x16xf32>,
        %get3A_83 = vector.shape_cast %get3A_82 : vector<1x16xf32> to vector<16xf32>
        %mul3A_84 = arith.mulf %get3A_83, %gather3A_60 : vector<16xf32>
        %swap3A_85 = arith.index_cast %scan3A_55 : i32 to index
        %swap3A_86 = arith.constant 32 : index
        %swap3A_87 = tpu.vector_load %arg12[%swap3A_85, %swap3A_86] {strides = array<i32>} : memref<100x64xf32, #tpu.memory_space<vmem>>, vector<1x16xf32>,
        %swap3A_88 = vector.shape_cast %swap3A_87 : vector<1x16xf32> to vector<16xf32>
        %swap3A_89 = vector.shape_cast %mul3A_84 : vector<16xf32> to vector<1x16xf32>
        tpu.vector_store %arg12[%swap3A_85, %swap3A_86], %swap3A_89 {strides = array<i32>} : memref<100x64xf32, #tpu.memory_space<vmem>>, vector<1x16xf32>,
        %get3A_90 = arith.index_cast %scan3A_55 : i32 to index
        %get3A_91 = arith.constant 48 : index
        %get3A_92 = tpu.vector_load %arg12[%get3A_90, %get3A_91] {strides = array<i32>} : memref<100x64xf32, #tpu.memory_space<vmem>>, vector<1x16xf32>,
        %get3A_93 = vector.shape_cast %get3A_92 : vector<1x16xf32> to vector<16xf32>
        %mul3A_94 = arith.mulf %get3A_93, %gather3A_60 : vector<16xf32>
        %swap3A_95 = arith.index_cast %scan3A_55 : i32 to index
        %swap3A_96 = arith.constant 48 : index
        %swap3A_97 = tpu.vector_load %arg12[%swap3A_95, %swap3A_96] {strides = array<i32>} : memref<100x64xf32, #tpu.memory_space<vmem>>, vector<1x16xf32>,
        %swap3A_98 = vector.shape_cast %swap3A_97 : vector<1x16xf32> to vector<16xf32>
        %swap3A_99 = vector.shape_cast %mul3A_94 : vector<16xf32> to vector<1x16xf32>
        tpu.vector_store %arg12[%swap3A_95, %swap3A_96], %swap3A_99 {strides = array<i32>} : memref<100x64xf32, #tpu.memory_space<vmem>>, vector<1x16xf32>,
      }
      %scan3A_53 = arith.constant 100 : i32
      %add3A_54 = arith.addi %mul3A_1, %add3A_46 : i32
      "tpu.region"() ({
        %run_scoped3A = tpu.sem_alloc : memref<!tpu.dma_semaphore, #tpu.memory_space<semaphore_mem>>
        %dma_start3A = arith.constant 0 : i32
        %dma_start3A_55 = tpu.memref_slice %arg6[%add3A_54, %dma_start3A] : memref<50000x64xf32, #tpu.memory_space<hbm>> -> memref<100x64xf32, #tpu.memory_space<hbm>>
        %dma_start3A_56 = arith.constant 0 : i32
        %dma_start3A_57 = tpu.memref_slice %arg6[%add3A_54, %dma_start3A_56] : memref<50000x64xf32, #tpu.memory_space<hbm>> -> memref<100x64xf32, #tpu.memory_space<hbm>>
        tpu.enqueue_dma source(%arg12 : memref<100x64xf32, #tpu.memory_space<vmem>>) target(%dma_start3A_57 : memref<100x64xf32, #tpu.memory_space<hbm>>) target_semaphore(%run_scoped3A : memref<!tpu.dma_semaphore, #tpu.memory_space<semaphore_mem>>)
        %dma_wait3A = arith.constant 0 : i32
        %dma_wait3A_58 = tpu.memref_slice %arg6[%add3A_54, %dma_wait3A] : memref<50000x64xf32, #tpu.memory_space<hbm>> -> memref<100x64xf32, #tpu.memory_space<hbm>>
        %dma_wait3A_59 = arith.constant 0 : i32
        %dma_wait3A_60 = tpu.memref_slice %arg6[%add3A_54, %dma_wait3A_59] : memref<50000x64xf32, #tpu.memory_space<hbm>> -> memref<100x64xf32, #tpu.memory_space<hbm>>
        tpu.wait_dma2 semaphore(%run_scoped3A : memref<!tpu.dma_semaphore, #tpu.memory_space<semaphore_mem>>) src(%arg12 : memref<100x64xf32, #tpu.memory_space<vmem>>) dst(%dma_wait3A_60 : memref<100x64xf32, #tpu.memory_space<hbm>>)
        tpu.yield
      }) : () -> ()
    }
    return
  }
}

#map = affine_map<(d0, d1) -> (0, 0)>
module attributes {stable_mosaic.version = 14 : i64} {
  func.func @_spmm_body(%arg0: i32, %arg1: i32, %arg2: memref<50000x64xf32, #tpu.memory_space<hbm>>, %arg3: memref<6272x128xi32, #tpu.memory_space<hbm>>, %arg4: memref<6272x128xi32, #tpu.memory_space<hbm>>, %arg5: memref<50000x16xf32, #tpu.memory_space<hbm>>, %arg6: memref<50000x64xf32, #tpu.memory_space<hbm>>, %arg7: memref<25600x64xf32, #tpu.memory_space<vmem_shared>>, %arg8: memref<14x128xi32, #tpu.memory_space<vmem>>, %arg9: memref<14x128xi32, #tpu.memory_space<vmem>>, %arg10: memref<128x64xf32, #tpu.memory_space<vmem>>, %arg11: memref<128x64xf32, #tpu.memory_space<vmem>>, %arg12: memref<100x64xf32, #tpu.memory_space<vmem>>, %arg13: memref<100x16xf32, #tpu.memory_space<vmem>>, %arg14: memref<!tpu.dma_semaphore, #tpu.memory_space<semaphore_mem>>, %arg15: memref<!tpu.dma_semaphore, #tpu.memory_space<semaphore_mem>>, %arg16: memref<!tpu.dma_semaphore, #tpu.memory_space<semaphore_mem>>, %arg17: memref<!tpu.dma_semaphore, #tpu.memory_space<semaphore_mem>>) attributes {dimension_semantics = [#tpu.dimension_semantics<core_parallel>, #tpu.dimension_semantics<subcore_parallel>], iteration_bounds = array<i64: 2, 16>, scalar_prefetch = 0 : i64, scratch_operands = 11 : i64, tpu.core_type = #tpu.core_type<sc_vector_subcore>, window_params = [{transform_indices = #map}, {transform_indices = #map}, {transform_indices = #map}, {transform_indices = #map}, {transform_indices = #map}]} {
    %sub3A = arith.constant 1 : i32
    %sub3A_0 = arith.subi %sub3A, %arg0 : i32
    %mul3A = arith.constant 25000 : i32
    %mul3A_1 = arith.muli %sub3A_0, %mul3A : i32
    %scan3A = arith.constant 0 : i32
    %scan3A_2 = arith.constant 0 : i32
    %scan3A_3 = arith.constant 100 : i32
    %scan3A_4 = arith.addi %scan3A_2, %scan3A_3 : i32
    %scan3A_5 = arith.constant 1 : i32
    scf.for %scan3A_41 = %scan3A_2 to %scan3A_4 step %scan3A_5  : i32 {
      %broadcast_in_dim3A = arith.constant 0.000000e+00 : f32
      %broadcast_in_dim3A_42 = vector.broadcast %broadcast_in_dim3A : f32 to vector<16xf32>
      %swap3A = arith.index_cast %scan3A_41 : i32 to index
      %swap3A_43 = arith.constant 0 : index
      %swap3A_44 = tpu.vector_load %arg12[%swap3A, %swap3A_43] {strides = array<i32>} : memref<100x64xf32, #tpu.memory_space<vmem>>, vector<1x16xf32>,
      %swap3A_45 = vector.shape_cast %swap3A_44 : vector<1x16xf32> to vector<16xf32>
      %swap3A_46 = vector.shape_cast %broadcast_in_dim3A_42 : vector<16xf32> to vector<1x16xf32>
      tpu.vector_store %arg12[%swap3A, %swap3A_43], %swap3A_46 {strides = array<i32>} : memref<100x64xf32, #tpu.memory_space<vmem>>, vector<1x16xf32>,
      %broadcast_in_dim3A_47 = arith.constant 0.000000e+00 : f32
      %broadcast_in_dim3A_48 = vector.broadcast %broadcast_in_dim3A_47 : f32 to vector<16xf32>
      %swap3A_49 = arith.index_cast %scan3A_41 : i32 to index
      %swap3A_50 = arith.constant 16 : index
      %swap3A_51 = tpu.vector_load %arg12[%swap3A_49, %swap3A_50] {strides = array<i32>} : memref<100x64xf32, #tpu.memory_space<vmem>>, vector<1x16xf32>,
      %swap3A_52 = vector.shape_cast %swap3A_51 : vector<1x16xf32> to vector<16xf32>
      %swap3A_53 = vector.shape_cast %broadcast_in_dim3A_48 : vector<16xf32> to vector<1x16xf32>
      tpu.vector_store %arg12[%swap3A_49, %swap3A_50], %swap3A_53 {strides = array<i32>} : memref<100x64xf32, #tpu.memory_space<vmem>>, vector<1x16xf32>,
      %broadcast_in_dim3A_54 = arith.constant 0.000000e+00 : f32
      %broadcast_in_dim3A_55 = vector.broadcast %broadcast_in_dim3A_54 : f32 to vector<16xf32>
      %swap3A_56 = arith.index_cast %scan3A_41 : i32 to index
      %swap3A_57 = arith.constant 32 : index
      %swap3A_58 = tpu.vector_load %arg12[%swap3A_56, %swap3A_57] {strides = array<i32>} : memref<100x64xf32, #tpu.memory_space<vmem>>, vector<1x16xf32>,
      %swap3A_59 = vector.shape_cast %swap3A_58 : vector<1x16xf32> to vector<16xf32>
      %swap3A_60 = vector.shape_cast %broadcast_in_dim3A_55 : vector<16xf32> to vector<1x16xf32>
      tpu.vector_store %arg12[%swap3A_56, %swap3A_57], %swap3A_60 {strides = array<i32>} : memref<100x64xf32, #tpu.memory_space<vmem>>, vector<1x16xf32>,
      %broadcast_in_dim3A_61 = arith.constant 0.000000e+00 : f32
      %broadcast_in_dim3A_62 = vector.broadcast %broadcast_in_dim3A_61 : f32 to vector<16xf32>
      %swap3A_63 = arith.index_cast %scan3A_41 : i32 to index
      %swap3A_64 = arith.constant 48 : index
      %swap3A_65 = tpu.vector_load %arg12[%swap3A_63, %swap3A_64] {strides = array<i32>} : memref<100x64xf32, #tpu.memory_space<vmem>>, vector<1x16xf32>,
      %swap3A_66 = vector.shape_cast %swap3A_65 : vector<1x16xf32> to vector<16xf32>
      %swap3A_67 = vector.shape_cast %broadcast_in_dim3A_62 : vector<16xf32> to vector<1x16xf32>
      tpu.vector_store %arg12[%swap3A_63, %swap3A_64], %swap3A_67 {strides = array<i32>} : memref<100x64xf32, #tpu.memory_space<vmem>>, vector<1x16xf32>,
    }
    %scan3A_6 = arith.constant 100 : i32
    %scan3A_7 = arith.constant 0 : i32
    %scan3A_8 = arith.constant 0 : i32
    %scan3A_9 = arith.constant 16 : i32
    %scan3A_10 = arith.addi %scan3A_8, %scan3A_9 : i32
    %scan3A_11 = arith.constant 1 : i32
    scf.for %scan3A_41 = %scan3A_8 to %scan3A_10 step %scan3A_11  : i32 {
      %mul3A_42 = arith.constant 1600 : i32
      %mul3A_43 = arith.muli %arg1, %mul3A_42 : i32
      %mul3A_44 = arith.constant 100 : i32
      %mul3A_45 = arith.muli %scan3A_41, %mul3A_44 : i32
      %add3A_46 = arith.addi %mul3A_43, %mul3A_45 : i32
      %dma_start3A = arith.constant 0 : i32
      %dma_start3A_47 = tpu.memref_slice %arg7[%add3A_46, %dma_start3A] : memref<25600x64xf32, #tpu.memory_space<vmem_shared>> -> memref<100x64xf32, #tpu.memory_space<vmem_shared>>
      %dma_start3A_48 = arith.constant 0 : i32
      %dma_start3A_49 = tpu.memref_slice %arg7[%add3A_46, %dma_start3A_48] : memref<25600x64xf32, #tpu.memory_space<vmem_shared>> -> memref<100x64xf32, #tpu.memory_space<vmem_shared>>
      tpu.enqueue_dma source(%arg12 : memref<100x64xf32, #tpu.memory_space<vmem>>) target(%dma_start3A_49 : memref<100x64xf32, #tpu.memory_space<vmem_shared>>) target_semaphore(%arg14 : memref<!tpu.dma_semaphore, #tpu.memory_space<semaphore_mem>>)
    }
    %scan3A_12 = arith.constant 16 : i32
    %scan3A_13 = arith.constant 0 : i32
    %scan3A_14 = arith.constant 0 : i32
    %scan3A_15 = arith.constant 16 : i32
    %scan3A_16 = arith.addi %scan3A_14, %scan3A_15 : i32
    %scan3A_17 = arith.constant 1 : i32
    scf.for %scan3A_41 = %scan3A_14 to %scan3A_16 step %scan3A_17  : i32 {
      %mul3A_42 = arith.constant 1600 : i32
      %mul3A_43 = arith.muli %arg1, %mul3A_42 : i32
      %dma_wait3A = arith.constant 0 : i32
      %dma_wait3A_44 = tpu.memref_slice %arg7[%mul3A_43, %dma_wait3A] : memref<25600x64xf32, #tpu.memory_space<vmem_shared>> -> memref<100x64xf32, #tpu.memory_space<vmem_shared>>
      %dma_wait3A_45 = arith.constant 0 : i32
      %dma_wait3A_46 = tpu.memref_slice %arg7[%mul3A_43, %dma_wait3A_45] : memref<25600x64xf32, #tpu.memory_space<vmem_shared>> -> memref<100x64xf32, #tpu.memory_space<vmem_shared>>
      tpu.wait_dma2 semaphore(%arg14 : memref<!tpu.dma_semaphore, #tpu.memory_space<semaphore_mem>>) src(%arg12 : memref<100x64xf32, #tpu.memory_space<vmem>>) dst(%dma_wait3A_46 : memref<100x64xf32, #tpu.memory_space<vmem_shared>>)
    }
    %scan3A_18 = arith.constant 16 : i32
    %barrier3A = arith.constant 0 : index
    tpu.barrier barrier_id(%barrier3A)
    %mul3A_19 = arith.constant 3136 : i32
    %mul3A_20 = arith.muli %arg0, %mul3A_19 : i32
    %mul3A_21 = arith.constant 196 : i32
    %mul3A_22 = arith.muli %arg1, %mul3A_21 : i32
    %add3A = arith.addi %mul3A_20, %mul3A_22 : i32
    %scan3A_23 = arith.constant 0 : i32
    %scan3A_24 = arith.constant 0 : i32
    %scan3A_25 = arith.constant 14 : i32
    %scan3A_26 = arith.addi %scan3A_24, %scan3A_25 : i32
    %scan3A_27 = arith.constant 1 : i32
    scf.for %scan3A_41 = %scan3A_24 to %scan3A_26 step %scan3A_27  : i32 {
      %mul3A_42 = arith.constant 14 : i32
      %mul3A_43 = arith.muli %scan3A_41, %mul3A_42 : i32
      %add3A_44 = arith.addi %add3A, %mul3A_43 : i32
      "tpu.region"() ({
        %run_scoped3A = tpu.sem_alloc : memref<!tpu.dma_semaphore, #tpu.memory_space<semaphore_mem>>
        %dma_start3A_70 = arith.constant 0 : i32
        %dma_start3A_71 = tpu.memref_slice %arg3[%add3A_44, %dma_start3A_70] : memref<6272x128xi32, #tpu.memory_space<hbm>> -> memref<14x128xi32, #tpu.memory_space<hbm>>
        %dma_start3A_72 = arith.constant 0 : i32
        %dma_start3A_73 = tpu.memref_slice %arg3[%add3A_44, %dma_start3A_72] : memref<6272x128xi32, #tpu.memory_space<hbm>> -> memref<14x128xi32, #tpu.memory_space<hbm>>
        tpu.enqueue_dma source(%dma_start3A_73 : memref<14x128xi32, #tpu.memory_space<hbm>>) target(%arg8 : memref<14x128xi32, #tpu.memory_space<vmem>>) target_semaphore(%run_scoped3A : memref<!tpu.dma_semaphore, #tpu.memory_space<semaphore_mem>>)
        %dma_wait3A_74 = arith.constant 0 : i32
        %dma_wait3A_75 = tpu.memref_slice %arg3[%add3A_44, %dma_wait3A_74] : memref<6272x128xi32, #tpu.memory_space<hbm>> -> memref<14x128xi32, #tpu.memory_space<hbm>>
        %dma_wait3A_76 = arith.constant 0 : i32
        %dma_wait3A_77 = tpu.memref_slice %arg3[%add3A_44, %dma_wait3A_76] : memref<6272x128xi32, #tpu.memory_space<hbm>> -> memref<14x128xi32, #tpu.memory_space<hbm>>
        tpu.wait_dma2 semaphore(%run_scoped3A : memref<!tpu.dma_semaphore, #tpu.memory_space<semaphore_mem>>) src(%dma_wait3A_77 : memref<14x128xi32, #tpu.memory_space<hbm>>) dst(%arg8 : memref<14x128xi32, #tpu.memory_space<vmem>>)
        tpu.yield
      }) : () -> ()
      "tpu.region"() ({
        %run_scoped3A = tpu.sem_alloc : memref<!tpu.dma_semaphore, #tpu.memory_space<semaphore_mem>>
        %dma_start3A_70 = arith.constant 0 : i32
        %dma_start3A_71 = tpu.memref_slice %arg4[%add3A_44, %dma_start3A_70] : memref<6272x128xi32, #tpu.memory_space<hbm>> -> memref<14x128xi32, #tpu.memory_space<hbm>>
        %dma_start3A_72 = arith.constant 0 : i32
        %dma_start3A_73 = tpu.memref_slice %arg4[%add3A_44, %dma_start3A_72] : memref<6272x128xi32, #tpu.memory_space<hbm>> -> memref<14x128xi32, #tpu.memory_space<hbm>>
        tpu.enqueue_dma source(%dma_start3A_73 : memref<14x128xi32, #tpu.memory_space<hbm>>) target(%arg9 : memref<14x128xi32, #tpu.memory_space<vmem>>) target_semaphore(%run_scoped3A : memref<!tpu.dma_semaphore, #tpu.memory_space<semaphore_mem>>)
        %dma_wait3A_74 = arith.constant 0 : i32
        %dma_wait3A_75 = tpu.memref_slice %arg4[%add3A_44, %dma_wait3A_74] : memref<6272x128xi32, #tpu.memory_space<hbm>> -> memref<14x128xi32, #tpu.memory_space<hbm>>
        %dma_wait3A_76 = arith.constant 0 : i32
        %dma_wait3A_77 = tpu.memref_slice %arg4[%add3A_44, %dma_wait3A_76] : memref<6272x128xi32, #tpu.memory_space<hbm>> -> memref<14x128xi32, #tpu.memory_space<hbm>>
        tpu.wait_dma2 semaphore(%run_scoped3A : memref<!tpu.dma_semaphore, #tpu.memory_space<semaphore_mem>>) src(%dma_wait3A_77 : memref<14x128xi32, #tpu.memory_space<hbm>>) dst(%arg9 : memref<14x128xi32, #tpu.memory_space<vmem>>)
        tpu.yield
      }) : () -> ()
      %dma_start3A = arith.constant 0 : i32
      %dma_start3A_45 = arith.constant 0 : i32
      %dma_start3A_46 = tpu.memref_slice %arg8[%dma_start3A, %dma_start3A_45] : memref<14x128xi32, #tpu.memory_space<vmem>> -> memref<1x128xi32, #tpu.memory_space<vmem>>
      %dma_start3A_47 = tpu.memref_squeeze %dma_start3A_46 : memref<1x128xi32, #tpu.memory_space<vmem>> -> memref<128xi32, #tpu.memory_space<vmem>>
      %dma_start3A_48 = arith.constant 0 : i32
      %dma_start3A_49 = arith.constant 0 : i32
      %dma_start3A_50 = tpu.memref_slice %arg2[%dma_start3A_48, %dma_start3A_49] : memref<50000x64xf32, #tpu.memory_space<hbm>> -> memref<50000x64xf32, #tpu.memory_space<hbm>>
      tpu.enqueue_indirect_dma source(%dma_start3A_50 : memref<50000x64xf32, #tpu.memory_space<hbm>>) target(%arg10 : memref<128x64xf32, #tpu.memory_space<vmem>>) offsets(%dma_start3A_47 : memref<128xi32, #tpu.memory_space<vmem>>) semaphore(%arg14 : memref<!tpu.dma_semaphore, #tpu.memory_space<semaphore_mem>>)
      %scan3A_51 = arith.constant 0 : i32
      %scan3A_52 = arith.constant 0 : i32
      %scan3A_53 = arith.constant 7 : i32
      %scan3A_54 = arith.addi %scan3A_52, %scan3A_53 : i32
      %scan3A_55 = arith.constant 1 : i32
      scf.for %scan3A_70 = %scan3A_52 to %scan3A_54 step %scan3A_55  : i32 {
        %mul3A_71 = arith.constant 2 : i32
        %mul3A_72 = arith.muli %mul3A_71, %scan3A_70 : i32
        %gt3A = arith.constant 0 : i32
        %gt3A_73 = arith.cmpi sgt, %scan3A_70, %gt3A : i32
        %convert_element_type3A = arith.extui %gt3A_73 : i1 to i32
        %cond3A = arith.constant 0 : i32
        %cond3A_74 = arith.cmpi ne, %convert_element_type3A, %cond3A : i32
        scf.if %cond3A_74 {
          %dma_wait3A_116 = arith.constant 0 : i32
          %dma_wait3A_117 = arith.constant 0 : i32
          %dma_wait3A_118 = tpu.memref_slice %arg9[%dma_wait3A_116, %dma_wait3A_117] : memref<14x128xi32, #tpu.memory_space<vmem>> -> memref<1x128xi32, #tpu.memory_space<vmem>>
          %dma_wait3A_119 = tpu.memref_squeeze %dma_wait3A_118 : memref<1x128xi32, #tpu.memory_space<vmem>> -> memref<128xi32, #tpu.memory_space<vmem>>
          %dma_wait3A_120 = arith.constant 0 : i32
          %dma_wait3A_121 = arith.constant 0 : i32
          %dma_wait3A_122 = tpu.memref_slice %arg7[%dma_wait3A_120, %dma_wait3A_121] : memref<25600x64xf32, #tpu.memory_space<vmem_shared>> -> memref<25600x64xf32, #tpu.memory_space<vmem_shared>>
          tpu.wait_indirect_dma semaphore(%arg17 : memref<!tpu.dma_semaphore, #tpu.memory_space<semaphore_mem>>) src(%arg11 : memref<128x64xf32, #tpu.memory_space<vmem>>) dst(%dma_wait3A_122 : memref<25600x64xf32, #tpu.memory_space<vmem_shared>>)
        } else {
        }
        %add3A_75 = arith.constant 1 : i32
        %add3A_76 = arith.addi %mul3A_72, %add3A_75 : i32
        %dma_start3A_77 = arith.constant 0 : i32
        %dma_start3A_78 = tpu.memref_slice %arg8[%add3A_76, %dma_start3A_77] : memref<14x128xi32, #tpu.memory_space<vmem>> -> memref<1x128xi32, #tpu.memory_space<vmem>>
        %dma_start3A_79 = tpu.memref_squeeze %dma_start3A_78 : memref<1x128xi32, #tpu.memory_space<vmem>> -> memref<128xi32, #tpu.memory_space<vmem>>
        %dma_start3A_80 = arith.constant 0 : i32
        %dma_start3A_81 = arith.constant 0 : i32
        %dma_start3A_82 = tpu.memref_slice %arg2[%dma_start3A_80, %dma_start3A_81] : memref<50000x64xf32, #tpu.memory_space<hbm>> -> memref<50000x64xf32, #tpu.memory_space<hbm>>
        tpu.enqueue_indirect_dma source(%dma_start3A_82 : memref<50000x64xf32, #tpu.memory_space<hbm>>) target(%arg11 : memref<128x64xf32, #tpu.memory_space<vmem>>) offsets(%dma_start3A_79 : memref<128xi32, #tpu.memory_space<vmem>>) semaphore(%arg15 : memref<!tpu.dma_semaphore, #tpu.memory_space<semaphore_mem>>)
        %dma_wait3A_83 = arith.constant 0 : i32
        %dma_wait3A_84 = arith.constant 0 : i32
        %dma_wait3A_85 = tpu.memref_slice %arg8[%dma_wait3A_83, %dma_wait3A_84] : memref<14x128xi32, #tpu.memory_space<vmem>> -> memref<1x128xi32, #tpu.memory_space<vmem>>
        %dma_wait3A_86 = tpu.memref_squeeze %dma_wait3A_85 : memref<1x128xi32, #tpu.memory_space<vmem>> -> memref<128xi32, #tpu.memory_space<vmem>>
        %dma_wait3A_87 = arith.constant 0 : i32
        %dma_wait3A_88 = arith.constant 0 : i32
        %dma_wait3A_89 = tpu.memref_slice %arg2[%dma_wait3A_87, %dma_wait3A_88] : memref<50000x64xf32, #tpu.memory_space<hbm>> -> memref<50000x64xf32, #tpu.memory_space<hbm>>
        tpu.wait_indirect_dma semaphore(%arg14 : memref<!tpu.dma_semaphore, #tpu.memory_space<semaphore_mem>>) src(%dma_wait3A_89 : memref<50000x64xf32, #tpu.memory_space<hbm>>) dst(%arg10 : memref<128x64xf32, #tpu.memory_space<vmem>>)
        %dma_start3A_90 = arith.constant 0 : i32
        %dma_start3A_91 = tpu.memref_slice %arg9[%mul3A_72, %dma_start3A_90] : memref<14x128xi32, #tpu.memory_space<vmem>> -> memref<1x128xi32, #tpu.memory_space<vmem>>
        %dma_start3A_92 = tpu.memref_squeeze %dma_start3A_91 : memref<1x128xi32, #tpu.memory_space<vmem>> -> memref<128xi32, #tpu.memory_space<vmem>>
        %dma_start3A_93 = arith.constant 0 : i32
        %dma_start3A_94 = arith.constant 0 : i32
        %dma_start3A_95 = tpu.memref_slice %arg7[%dma_start3A_93, %dma_start3A_94] : memref<25600x64xf32, #tpu.memory_space<vmem_shared>> -> memref<25600x64xf32, #tpu.memory_space<vmem_shared>>
        tpu.enqueue_indirect_dma source(%arg10 : memref<128x64xf32, #tpu.memory_space<vmem>>) target(%dma_start3A_95 : memref<25600x64xf32, #tpu.memory_space<vmem_shared>>) offsets(%dma_start3A_92 : memref<128xi32, #tpu.memory_space<vmem>>) semaphore(%arg16 : memref<!tpu.dma_semaphore, #tpu.memory_space<semaphore_mem>>) {add = true}
        %lt3A_96 = arith.constant 6 : i32
        %lt3A_97 = arith.cmpi slt, %scan3A_70, %lt3A_96 : i32
        %convert_element_type3A_98 = arith.extui %lt3A_97 : i1 to i32
        %cond3A_99 = arith.constant 0 : i32
        %cond3A_100 = arith.cmpi ne, %convert_element_type3A_98, %cond3A_99 : i32
        scf.if %cond3A_100 {
          %dma_wait3A_116 = arith.constant 0 : i32
          %dma_wait3A_117 = arith.constant 0 : i32
          %dma_wait3A_118 = tpu.memref_slice %arg9[%dma_wait3A_116, %dma_wait3A_117] : memref<14x128xi32, #tpu.memory_space<vmem>> -> memref<1x128xi32, #tpu.memory_space<vmem>>
          %dma_wait3A_119 = tpu.memref_squeeze %dma_wait3A_118 : memref<1x128xi32, #tpu.memory_space<vmem>> -> memref<128xi32, #tpu.memory_space<vmem>>
          %dma_wait3A_120 = arith.constant 0 : i32
          %dma_wait3A_121 = arith.constant 0 : i32
          %dma_wait3A_122 = tpu.memref_slice %arg7[%dma_wait3A_120, %dma_wait3A_121] : memref<25600x64xf32, #tpu.memory_space<vmem_shared>> -> memref<25600x64xf32, #tpu.memory_space<vmem_shared>>
          tpu.wait_indirect_dma semaphore(%arg16 : memref<!tpu.dma_semaphore, #tpu.memory_space<semaphore_mem>>) src(%arg10 : memref<128x64xf32, #tpu.memory_space<vmem>>) dst(%dma_wait3A_122 : memref<25600x64xf32, #tpu.memory_space<vmem_shared>>)
          %add3A_123 = arith.constant 2 : i32
          %add3A_124 = arith.addi %mul3A_72, %add3A_123 : i32
          %dma_start3A_125 = arith.constant 0 : i32
          %dma_start3A_126 = tpu.memref_slice %arg8[%add3A_124, %dma_start3A_125] : memref<14x128xi32, #tpu.memory_space<vmem>> -> memref<1x128xi32, #tpu.memory_space<vmem>>
          %dma_start3A_127 = tpu.memref_squeeze %dma_start3A_126 : memref<1x128xi32, #tpu.memory_space<vmem>> -> memref<128xi32, #tpu.memory_space<vmem>>
          %dma_start3A_128 = arith.constant 0 : i32
          %dma_start3A_129 = arith.constant 0 : i32
          %dma_start3A_130 = tpu.memref_slice %arg2[%dma_start3A_128, %dma_start3A_129] : memref<50000x64xf32, #tpu.memory_space<hbm>> -> memref<50000x64xf32, #tpu.memory_space<hbm>>
          tpu.enqueue_indirect_dma source(%dma_start3A_130 : memref<50000x64xf32, #tpu.memory_space<hbm>>) target(%arg10 : memref<128x64xf32, #tpu.memory_space<vmem>>) offsets(%dma_start3A_127 : memref<128xi32, #tpu.memory_space<vmem>>) semaphore(%arg14 : memref<!tpu.dma_semaphore, #tpu.memory_space<semaphore_mem>>)
        } else {
        }
        %dma_wait3A_101 = arith.constant 0 : i32
        %dma_wait3A_102 = arith.constant 0 : i32
        %dma_wait3A_103 = tpu.memref_slice %arg8[%dma_wait3A_101, %dma_wait3A_102] : memref<14x128xi32, #tpu.memory_space<vmem>> -> memref<1x128xi32, #tpu.memory_space<vmem>>
        %dma_wait3A_104 = tpu.memref_squeeze %dma_wait3A_103 : memref<1x128xi32, #tpu.memory_space<vmem>> -> memref<128xi32, #tpu.memory_space<vmem>>
        %dma_wait3A_105 = arith.constant 0 : i32
        %dma_wait3A_106 = arith.constant 0 : i32
        %dma_wait3A_107 = tpu.memref_slice %arg2[%dma_wait3A_105, %dma_wait3A_106] : memref<50000x64xf32, #tpu.memory_space<hbm>> -> memref<50000x64xf32, #tpu.memory_space<hbm>>
        tpu.wait_indirect_dma semaphore(%arg15 : memref<!tpu.dma_semaphore, #tpu.memory_space<semaphore_mem>>) src(%dma_wait3A_107 : memref<50000x64xf32, #tpu.memory_space<hbm>>) dst(%arg11 : memref<128x64xf32, #tpu.memory_space<vmem>>)
        %add3A_108 = arith.constant 1 : i32
        %add3A_109 = arith.addi %mul3A_72, %add3A_108 : i32
        %dma_start3A_110 = arith.constant 0 : i32
        %dma_start3A_111 = tpu.memref_slice %arg9[%add3A_109, %dma_start3A_110] : memref<14x128xi32, #tpu.memory_space<vmem>> -> memref<1x128xi32, #tpu.memory_space<vmem>>
        %dma_start3A_112 = tpu.memref_squeeze %dma_start3A_111 : memref<1x128xi32, #tpu.memory_space<vmem>> -> memref<128xi32, #tpu.memory_space<vmem>>
        %dma_start3A_113 = arith.constant 0 : i32
        %dma_start3A_114 = arith.constant 0 : i32
        %dma_start3A_115 = tpu.memref_slice %arg7[%dma_start3A_113, %dma_start3A_114] : memref<25600x64xf32, #tpu.memory_space<vmem_shared>> -> memref<25600x64xf32, #tpu.memory_space<vmem_shared>>
        tpu.enqueue_indirect_dma source(%arg11 : memref<128x64xf32, #tpu.memory_space<vmem>>) target(%dma_start3A_115 : memref<25600x64xf32, #tpu.memory_space<vmem_shared>>) offsets(%dma_start3A_112 : memref<128xi32, #tpu.memory_space<vmem>>) semaphore(%arg17 : memref<!tpu.dma_semaphore, #tpu.memory_space<semaphore_mem>>) {add = true}
      }
      %scan3A_56 = arith.constant 7 : i32
      %dma_wait3A = arith.constant 0 : i32
      %dma_wait3A_57 = arith.constant 0 : i32
      %dma_wait3A_58 = tpu.memref_slice %arg9[%dma_wait3A, %dma_wait3A_57] : memref<14x128xi32, #tpu.memory_space<vmem>> -> memref<1x128xi32, #tpu.memory_space<vmem>>
      %dma_wait3A_59 = tpu.memref_squeeze %dma_wait3A_58 : memref<1x128xi32, #tpu.memory_space<vmem>> -> memref<128xi32, #tpu.memory_space<vmem>>
      %dma_wait3A_60 = arith.constant 0 : i32
      %dma_wait3A_61 = arith.constant 0 : i32
      %dma_wait3A_62 = tpu.memref_slice %arg7[%dma_wait3A_60, %dma_wait3A_61] : memref<25600x64xf32, #tpu.memory_space<vmem_shared>> -> memref<25600x64xf32, #tpu.memory_space<vmem_shared>>
      tpu.wait_indirect_dma semaphore(%arg16 : memref<!tpu.dma_semaphore, #tpu.memory_space<semaphore_mem>>) src(%arg10 : memref<128x64xf32, #tpu.memory_space<vmem>>) dst(%dma_wait3A_62 : memref<25600x64xf32, #tpu.memory_space<vmem_shared>>)
      %dma_wait3A_63 = arith.constant 0 : i32
      %dma_wait3A_64 = arith.constant 0 : i32
      %dma_wait3A_65 = tpu.memref_slice %arg9[%dma_wait3A_63, %dma_wait3A_64] : memref<14x128xi32, #tpu.memory_space<vmem>> -> memref<1x128xi32, #tpu.memory_space<vmem>>
      %dma_wait3A_66 = tpu.memref_squeeze %dma_wait3A_65 : memref<1x128xi32, #tpu.memory_space<vmem>> -> memref<128xi32, #tpu.memory_space<vmem>>
      %dma_wait3A_67 = arith.constant 0 : i32
      %dma_wait3A_68 = arith.constant 0 : i32
      %dma_wait3A_69 = tpu.memref_slice %arg7[%dma_wait3A_67, %dma_wait3A_68] : memref<25600x64xf32, #tpu.memory_space<vmem_shared>> -> memref<25600x64xf32, #tpu.memory_space<vmem_shared>>
      tpu.wait_indirect_dma semaphore(%arg17 : memref<!tpu.dma_semaphore, #tpu.memory_space<semaphore_mem>>) src(%arg11 : memref<128x64xf32, #tpu.memory_space<vmem>>) dst(%dma_wait3A_69 : memref<25600x64xf32, #tpu.memory_space<vmem_shared>>)
    }
    %scan3A_28 = arith.constant 14 : i32
    %barrier3A_29 = arith.constant 0 : index
    tpu.barrier barrier_id(%barrier3A_29)
    %lt3A = arith.constant 15 : i32
    %lt3A_30 = arith.cmpi slt, %arg1, %lt3A : i32
    %jit3A = arith.constant 16 : i32
    %jit3A_31 = arith.constant 10 : i32
    %select_n3A = arith.select %lt3A_30, %jit3A, %jit3A_31 : i32
    %while3A = arith.constant 0 : i32
    %while3A_32 = arith.constant 0 : i32
    %while3A_33 = arith.subi %select_n3A, %while3A_32 : i32
    %while3A_34 = arith.addi %while3A_32, %while3A_33 : i32
    %while3A_35 = arith.constant 1 : i32
    %while3A_36 = arith.divsi %while3A_33, %while3A_35 : i32
    %while3A_37 = arith.muli %while3A_36, %while3A_35 : i32
    %while3A_38 = arith.addi %while3A_32, %while3A_37 : i32
    %while3A_39 = arith.constant 1 : i32
    scf.for %while3A_41 = %while3A_32 to %while3A_38 step %while3A_39  : i32 {
      %mul3A_42 = arith.constant 1600 : i32
      %mul3A_43 = arith.muli %arg1, %mul3A_42 : i32
      %mul3A_44 = arith.constant 100 : i32
      %mul3A_45 = arith.muli %while3A_41, %mul3A_44 : i32
      %add3A_46 = arith.addi %mul3A_43, %mul3A_45 : i32
      "tpu.region"() ({
        %run_scoped3A = tpu.sem_alloc : memref<!tpu.dma_semaphore, #tpu.memory_space<semaphore_mem>>
        %dma_start3A = arith.constant 0 : i32
        %dma_start3A_55 = tpu.memref_slice %arg7[%add3A_46, %dma_start3A] : memref<25600x64xf32, #tpu.memory_space<vmem_shared>> -> memref<100x64xf32, #tpu.memory_space<vmem_shared>>
        %dma_start3A_56 = arith.constant 0 : i32
        %dma_start3A_57 = tpu.memref_slice %arg7[%add3A_46, %dma_start3A_56] : memref<25600x64xf32, #tpu.memory_space<vmem_shared>> -> memref<100x64xf32, #tpu.memory_space<vmem_shared>>
        tpu.enqueue_dma source(%dma_start3A_57 : memref<100x64xf32, #tpu.memory_space<vmem_shared>>) target(%arg12 : memref<100x64xf32, #tpu.memory_space<vmem>>) target_semaphore(%run_scoped3A : memref<!tpu.dma_semaphore, #tpu.memory_space<semaphore_mem>>)
        %dma_wait3A = arith.constant 0 : i32
        %dma_wait3A_58 = tpu.memref_slice %arg7[%add3A_46, %dma_wait3A] : memref<25600x64xf32, #tpu.memory_space<vmem_shared>> -> memref<100x64xf32, #tpu.memory_space<vmem_shared>>
        %dma_wait3A_59 = arith.constant 0 : i32
        %dma_wait3A_60 = tpu.memref_slice %arg7[%add3A_46, %dma_wait3A_59] : memref<25600x64xf32, #tpu.memory_space<vmem_shared>> -> memref<100x64xf32, #tpu.memory_space<vmem_shared>>
        tpu.wait_dma2 semaphore(%run_scoped3A : memref<!tpu.dma_semaphore, #tpu.memory_space<semaphore_mem>>) src(%dma_wait3A_60 : memref<100x64xf32, #tpu.memory_space<vmem_shared>>) dst(%arg12 : memref<100x64xf32, #tpu.memory_space<vmem>>)
        tpu.yield
      }) : () -> ()
      %add3A_47 = arith.addi %mul3A_1, %add3A_46 : i32
      "tpu.region"() ({
        %run_scoped3A = tpu.sem_alloc : memref<!tpu.dma_semaphore, #tpu.memory_space<semaphore_mem>>
        %dma_start3A = arith.constant 0 : i32
        %dma_start3A_55 = tpu.memref_slice %arg5[%add3A_47, %dma_start3A] : memref<50000x16xf32, #tpu.memory_space<hbm>> -> memref<100x16xf32, #tpu.memory_space<hbm>>
        %dma_start3A_56 = arith.constant 0 : i32
        %dma_start3A_57 = tpu.memref_slice %arg5[%add3A_47, %dma_start3A_56] : memref<50000x16xf32, #tpu.memory_space<hbm>> -> memref<100x16xf32, #tpu.memory_space<hbm>>
        tpu.enqueue_dma source(%dma_start3A_57 : memref<100x16xf32, #tpu.memory_space<hbm>>) target(%arg13 : memref<100x16xf32, #tpu.memory_space<vmem>>) target_semaphore(%run_scoped3A : memref<!tpu.dma_semaphore, #tpu.memory_space<semaphore_mem>>)
        %dma_wait3A = arith.constant 0 : i32
        %dma_wait3A_58 = tpu.memref_slice %arg5[%add3A_47, %dma_wait3A] : memref<50000x16xf32, #tpu.memory_space<hbm>> -> memref<100x16xf32, #tpu.memory_space<hbm>>
        %dma_wait3A_59 = arith.constant 0 : i32
        %dma_wait3A_60 = tpu.memref_slice %arg5[%add3A_47, %dma_wait3A_59] : memref<50000x16xf32, #tpu.memory_space<hbm>> -> memref<100x16xf32, #tpu.memory_space<hbm>>
        tpu.wait_dma2 semaphore(%run_scoped3A : memref<!tpu.dma_semaphore, #tpu.memory_space<semaphore_mem>>) src(%dma_wait3A_60 : memref<100x16xf32, #tpu.memory_space<hbm>>) dst(%arg13 : memref<100x16xf32, #tpu.memory_space<vmem>>)
        tpu.yield
      }) : () -> ()
      %scan3A_48 = arith.constant 0 : i32
      %scan3A_49 = arith.constant 0 : i32
      %scan3A_50 = arith.constant 100 : i32
      %scan3A_51 = arith.addi %scan3A_49, %scan3A_50 : i32
      %scan3A_52 = arith.constant 1 : i32
      scf.for %scan3A_55 = %scan3A_49 to %scan3A_51 step %scan3A_52  : i32 {
        %get3A = arith.index_cast %scan3A_55 : i32 to index
        %get3A_56 = arith.constant 0 : index
        %get3A_57 = tpu.vector_load %arg13[%get3A, %get3A_56] {strides = array<i32>} : memref<100x16xf32, #tpu.memory_space<vmem>>, vector<1x16xf32>,
        %get3A_58 = vector.shape_cast %get3A_57 : vector<1x16xf32> to vector<16xf32>
        %broadcast_in_dim3A = arith.constant 0 : i32
        %broadcast_in_dim3A_59 = vector.broadcast %broadcast_in_dim3A : i32 to vector<16x1xi32>
        %gather3A = vector.shape_cast %broadcast_in_dim3A_59 : vector<16x1xi32> to vector<16xi32>
        %gather3A_60 = tpu.dynamic_gather %get3A_58[%gather3A] in [0] : vector<16xf32>, vector<16xi32> -> vector<16xf32>
        %get3A_61 = arith.index_cast %scan3A_55 : i32 to index
        %get3A_62 = arith.constant 0 : index
        %get3A_63 = tpu.vector_load %arg12[%get3A_61, %get3A_62] {strides = array<i32>} : memref<100x64xf32, #tpu.memory_space<vmem>>, vector<1x16xf32>,
        %get3A_64 = vector.shape_cast %get3A_63 : vector<1x16xf32> to vector<16xf32>
        %mul3A_65 = arith.mulf %get3A_64, %gather3A_60 : vector<16xf32>
        %swap3A = arith.index_cast %scan3A_55 : i32 to index
        %swap3A_66 = arith.constant 0 : index
        %swap3A_67 = tpu.vector_load %arg12[%swap3A, %swap3A_66] {strides = array<i32>} : memref<100x64xf32, #tpu.memory_space<vmem>>, vector<1x16xf32>,
        %swap3A_68 = vector.shape_cast %swap3A_67 : vector<1x16xf32> to vector<16xf32>
        %swap3A_69 = vector.shape_cast %mul3A_65 : vector<16xf32> to vector<1x16xf32>
        tpu.vector_store %arg12[%swap3A, %swap3A_66], %swap3A_69 {strides = array<i32>} : memref<100x64xf32, #tpu.memory_space<vmem>>, vector<1x16xf32>,
        %get3A_70 = arith.index_cast %scan3A_55 : i32 to index
        %get3A_71 = arith.constant 16 : index
        %get3A_72 = tpu.vector_load %arg12[%get3A_70, %get3A_71] {strides = array<i32>} : memref<100x64xf32, #tpu.memory_space<vmem>>, vector<1x16xf32>,
        %get3A_73 = vector.shape_cast %get3A_72 : vector<1x16xf32> to vector<16xf32>
        %mul3A_74 = arith.mulf %get3A_73, %gather3A_60 : vector<16xf32>
        %swap3A_75 = arith.index_cast %scan3A_55 : i32 to index
        %swap3A_76 = arith.constant 16 : index
        %swap3A_77 = tpu.vector_load %arg12[%swap3A_75, %swap3A_76] {strides = array<i32>} : memref<100x64xf32, #tpu.memory_space<vmem>>, vector<1x16xf32>,
        %swap3A_78 = vector.shape_cast %swap3A_77 : vector<1x16xf32> to vector<16xf32>
        %swap3A_79 = vector.shape_cast %mul3A_74 : vector<16xf32> to vector<1x16xf32>
        tpu.vector_store %arg12[%swap3A_75, %swap3A_76], %swap3A_79 {strides = array<i32>} : memref<100x64xf32, #tpu.memory_space<vmem>>, vector<1x16xf32>,
        %get3A_80 = arith.index_cast %scan3A_55 : i32 to index
        %get3A_81 = arith.constant 32 : index
        %get3A_82 = tpu.vector_load %arg12[%get3A_80, %get3A_81] {strides = array<i32>} : memref<100x64xf32, #tpu.memory_space<vmem>>, vector<1x16xf32>,
        %get3A_83 = vector.shape_cast %get3A_82 : vector<1x16xf32> to vector<16xf32>
        %mul3A_84 = arith.mulf %get3A_83, %gather3A_60 : vector<16xf32>
        %swap3A_85 = arith.index_cast %scan3A_55 : i32 to index
        %swap3A_86 = arith.constant 32 : index
        %swap3A_87 = tpu.vector_load %arg12[%swap3A_85, %swap3A_86] {strides = array<i32>} : memref<100x64xf32, #tpu.memory_space<vmem>>, vector<1x16xf32>,
        %swap3A_88 = vector.shape_cast %swap3A_87 : vector<1x16xf32> to vector<16xf32>
        %swap3A_89 = vector.shape_cast %mul3A_84 : vector<16xf32> to vector<1x16xf32>
        tpu.vector_store %arg12[%swap3A_85, %swap3A_86], %swap3A_89 {strides = array<i32>} : memref<100x64xf32, #tpu.memory_space<vmem>>, vector<1x16xf32>,
        %get3A_90 = arith.index_cast %scan3A_55 : i32 to index
        %get3A_91 = arith.constant 48 : index
        %get3A_92 = tpu.vector_load %arg12[%get3A_90, %get3A_91] {strides = array<i32>} : memref<100x64xf32, #tpu.memory_space<vmem>>, vector<1x16xf32>,
        %get3A_93 = vector.shape_cast %get3A_92 : vector<1x16xf32> to vector<16xf32>
        %mul3A_94 = arith.mulf %get3A_93, %gather3A_60 : vector<16xf32>
        %swap3A_95 = arith.index_cast %scan3A_55 : i32 to index
        %swap3A_96 = arith.constant 48 : index
        %swap3A_97 = tpu.vector_load %arg12[%swap3A_95, %swap3A_96] {strides = array<i32>} : memref<100x64xf32, #tpu.memory_space<vmem>>, vector<1x16xf32>,
        %swap3A_98 = vector.shape_cast %swap3A_97 : vector<1x16xf32> to vector<16xf32>
        %swap3A_99 = vector.shape_cast %mul3A_94 : vector<16xf32> to vector<1x16xf32>
        tpu.vector_store %arg12[%swap3A_95, %swap3A_96], %swap3A_99 {strides = array<i32>} : memref<100x64xf32, #tpu.memory_space<vmem>>, vector<1x16xf32>,
      }
      %scan3A_53 = arith.constant 100 : i32
      %add3A_54 = arith.addi %mul3A_1, %add3A_46 : i32
      "tpu.region"() ({
        %run_scoped3A = tpu.sem_alloc : memref<!tpu.dma_semaphore, #tpu.memory_space<semaphore_mem>>
        %dma_start3A = arith.constant 0 : i32
        %dma_start3A_55 = tpu.memref_slice %arg6[%add3A_54, %dma_start3A] : memref<50000x64xf32, #tpu.memory_space<hbm>> -> memref<100x64xf32, #tpu.memory_space<hbm>>
        %dma_start3A_56 = arith.constant 0 : i32
        %dma_start3A_57 = tpu.memref_slice %arg6[%add3A_54, %dma_start3A_56] : memref<50000x64xf32, #tpu.memory_space<hbm>> -> memref<100x64xf32, #tpu.memory_space<hbm>>
        tpu.enqueue_dma source(%arg12 : memref<100x64xf32, #tpu.memory_space<vmem>>) target(%dma_start3A_57 : memref<100x64xf32, #tpu.memory_space<hbm>>) target_semaphore(%run_scoped3A : memref<!tpu.dma_semaphore, #tpu.memory_space<semaphore_mem>>)
        %dma_wait3A = arith.constant 0 : i32
        %dma_wait3A_58 = tpu.memref_slice %arg6[%add3A_54, %dma_wait3A] : memref<50000x64xf32, #tpu.memory_space<hbm>> -> memref<100x64xf32, #tpu.memory_space<hbm>>
        %dma_wait3A_59 = arith.constant 0 : i32
        %dma_wait3A_60 = tpu.memref_slice %arg6[%add3A_54, %dma_wait3A_59] : memref<50000x64xf32, #tpu.memory_space<hbm>> -> memref<100x64xf32, #tpu.memory_space<hbm>>
        tpu.wait_dma2 semaphore(%run_scoped3A : memref<!tpu.dma_semaphore, #tpu.memory_space<semaphore_mem>>) src(%arg12 : memref<100x64xf32, #tpu.memory_space<vmem>>) dst(%dma_wait3A_60 : memref<100x64xf32, #tpu.memory_space<hbm>>)
        tpu.yield
      }) : () -> ()
    }
    %while3A_40 = arith.constant 1 : i32
    scf.for %while3A_41 = %while3A_38 to %while3A_34 step %while3A_40  : i32 {
      %mul3A_42 = arith.constant 1600 : i32
      %mul3A_43 = arith.muli %arg1, %mul3A_42 : i32
      %mul3A_44 = arith.constant 100 : i32
      %mul3A_45 = arith.muli %while3A_41, %mul3A_44 : i32
      %add3A_46 = arith.addi %mul3A_43, %mul3A_45 : i32
      "tpu.region"() ({
        %run_scoped3A = tpu.sem_alloc : memref<!tpu.dma_semaphore, #tpu.memory_space<semaphore_mem>>
        %dma_start3A = arith.constant 0 : i32
        %dma_start3A_55 = tpu.memref_slice %arg7[%add3A_46, %dma_start3A] : memref<25600x64xf32, #tpu.memory_space<vmem_shared>> -> memref<100x64xf32, #tpu.memory_space<vmem_shared>>
        %dma_start3A_56 = arith.constant 0 : i32
        %dma_start3A_57 = tpu.memref_slice %arg7[%add3A_46, %dma_start3A_56] : memref<25600x64xf32, #tpu.memory_space<vmem_shared>> -> memref<100x64xf32, #tpu.memory_space<vmem_shared>>
        tpu.enqueue_dma source(%dma_start3A_57 : memref<100x64xf32, #tpu.memory_space<vmem_shared>>) target(%arg12 : memref<100x64xf32, #tpu.memory_space<vmem>>) target_semaphore(%run_scoped3A : memref<!tpu.dma_semaphore, #tpu.memory_space<semaphore_mem>>)
        %dma_wait3A = arith.constant 0 : i32
        %dma_wait3A_58 = tpu.memref_slice %arg7[%add3A_46, %dma_wait3A] : memref<25600x64xf32, #tpu.memory_space<vmem_shared>> -> memref<100x64xf32, #tpu.memory_space<vmem_shared>>
        %dma_wait3A_59 = arith.constant 0 : i32
        %dma_wait3A_60 = tpu.memref_slice %arg7[%add3A_46, %dma_wait3A_59] : memref<25600x64xf32, #tpu.memory_space<vmem_shared>> -> memref<100x64xf32, #tpu.memory_space<vmem_shared>>
        tpu.wait_dma2 semaphore(%run_scoped3A : memref<!tpu.dma_semaphore, #tpu.memory_space<semaphore_mem>>) src(%dma_wait3A_60 : memref<100x64xf32, #tpu.memory_space<vmem_shared>>) dst(%arg12 : memref<100x64xf32, #tpu.memory_space<vmem>>)
        tpu.yield
      }) : () -> ()
      %add3A_47 = arith.addi %mul3A_1, %add3A_46 : i32
      "tpu.region"() ({
        %run_scoped3A = tpu.sem_alloc : memref<!tpu.dma_semaphore, #tpu.memory_space<semaphore_mem>>
        %dma_start3A = arith.constant 0 : i32
        %dma_start3A_55 = tpu.memref_slice %arg5[%add3A_47, %dma_start3A] : memref<50000x16xf32, #tpu.memory_space<hbm>> -> memref<100x16xf32, #tpu.memory_space<hbm>>
        %dma_start3A_56 = arith.constant 0 : i32
        %dma_start3A_57 = tpu.memref_slice %arg5[%add3A_47, %dma_start3A_56] : memref<50000x16xf32, #tpu.memory_space<hbm>> -> memref<100x16xf32, #tpu.memory_space<hbm>>
        tpu.enqueue_dma source(%dma_start3A_57 : memref<100x16xf32, #tpu.memory_space<hbm>>) target(%arg13 : memref<100x16xf32, #tpu.memory_space<vmem>>) target_semaphore(%run_scoped3A : memref<!tpu.dma_semaphore, #tpu.memory_space<semaphore_mem>>)
        %dma_wait3A = arith.constant 0 : i32
        %dma_wait3A_58 = tpu.memref_slice %arg5[%add3A_47, %dma_wait3A] : memref<50000x16xf32, #tpu.memory_space<hbm>> -> memref<100x16xf32, #tpu.memory_space<hbm>>
        %dma_wait3A_59 = arith.constant 0 : i32
        %dma_wait3A_60 = tpu.memref_slice %arg5[%add3A_47, %dma_wait3A_59] : memref<50000x16xf32, #tpu.memory_space<hbm>> -> memref<100x16xf32, #tpu.memory_space<hbm>>
        tpu.wait_dma2 semaphore(%run_scoped3A : memref<!tpu.dma_semaphore, #tpu.memory_space<semaphore_mem>>) src(%dma_wait3A_60 : memref<100x16xf32, #tpu.memory_space<hbm>>) dst(%arg13 : memref<100x16xf32, #tpu.memory_space<vmem>>)
        tpu.yield
      }) : () -> ()
      %scan3A_48 = arith.constant 0 : i32
      %scan3A_49 = arith.constant 0 : i32
      %scan3A_50 = arith.constant 100 : i32
      %scan3A_51 = arith.addi %scan3A_49, %scan3A_50 : i32
      %scan3A_52 = arith.constant 1 : i32
      scf.for %scan3A_55 = %scan3A_49 to %scan3A_51 step %scan3A_52  : i32 {
        %get3A = arith.index_cast %scan3A_55 : i32 to index
        %get3A_56 = arith.constant 0 : index
        %get3A_57 = tpu.vector_load %arg13[%get3A, %get3A_56] {strides = array<i32>} : memref<100x16xf32, #tpu.memory_space<vmem>>, vector<1x16xf32>,
        %get3A_58 = vector.shape_cast %get3A_57 : vector<1x16xf32> to vector<16xf32>
        %broadcast_in_dim3A = arith.constant 0 : i32
        %broadcast_in_dim3A_59 = vector.broadcast %broadcast_in_dim3A : i32 to vector<16x1xi32>
        %gather3A = vector.shape_cast %broadcast_in_dim3A_59 : vector<16x1xi32> to vector<16xi32>
        %gather3A_60 = tpu.dynamic_gather %get3A_58[%gather3A] in [0] : vector<16xf32>, vector<16xi32> -> vector<16xf32>
        %get3A_61 = arith.index_cast %scan3A_55 : i32 to index
        %get3A_62 = arith.constant 0 : index
        %get3A_63 = tpu.vector_load %arg12[%get3A_61, %get3A_62] {strides = array<i32>} : memref<100x64xf32, #tpu.memory_space<vmem>>, vector<1x16xf32>,
        %get3A_64 = vector.shape_cast %get3A_63 : vector<1x16xf32> to vector<16xf32>
        %mul3A_65 = arith.mulf %get3A_64, %gather3A_60 : vector<16xf32>
        %swap3A = arith.index_cast %scan3A_55 : i32 to index
        %swap3A_66 = arith.constant 0 : index
        %swap3A_67 = tpu.vector_load %arg12[%swap3A, %swap3A_66] {strides = array<i32>} : memref<100x64xf32, #tpu.memory_space<vmem>>, vector<1x16xf32>,
        %swap3A_68 = vector.shape_cast %swap3A_67 : vector<1x16xf32> to vector<16xf32>
        %swap3A_69 = vector.shape_cast %mul3A_65 : vector<16xf32> to vector<1x16xf32>
        tpu.vector_store %arg12[%swap3A, %swap3A_66], %swap3A_69 {strides = array<i32>} : memref<100x64xf32, #tpu.memory_space<vmem>>, vector<1x16xf32>,
        %get3A_70 = arith.index_cast %scan3A_55 : i32 to index
        %get3A_71 = arith.constant 16 : index
        %get3A_72 = tpu.vector_load %arg12[%get3A_70, %get3A_71] {strides = array<i32>} : memref<100x64xf32, #tpu.memory_space<vmem>>, vector<1x16xf32>,
        %get3A_73 = vector.shape_cast %get3A_72 : vector<1x16xf32> to vector<16xf32>
        %mul3A_74 = arith.mulf %get3A_73, %gather3A_60 : vector<16xf32>
        %swap3A_75 = arith.index_cast %scan3A_55 : i32 to index
        %swap3A_76 = arith.constant 16 : index
        %swap3A_77 = tpu.vector_load %arg12[%swap3A_75, %swap3A_76] {strides = array<i32>} : memref<100x64xf32, #tpu.memory_space<vmem>>, vector<1x16xf32>,
        %swap3A_78 = vector.shape_cast %swap3A_77 : vector<1x16xf32> to vector<16xf32>
        %swap3A_79 = vector.shape_cast %mul3A_74 : vector<16xf32> to vector<1x16xf32>
        tpu.vector_store %arg12[%swap3A_75, %swap3A_76], %swap3A_79 {strides = array<i32>} : memref<100x64xf32, #tpu.memory_space<vmem>>, vector<1x16xf32>,
        %get3A_80 = arith.index_cast %scan3A_55 : i32 to index
        %get3A_81 = arith.constant 32 : index
        %get3A_82 = tpu.vector_load %arg12[%get3A_80, %get3A_81] {strides = array<i32>} : memref<100x64xf32, #tpu.memory_space<vmem>>, vector<1x16xf32>,
        %get3A_83 = vector.shape_cast %get3A_82 : vector<1x16xf32> to vector<16xf32>
        %mul3A_84 = arith.mulf %get3A_83, %gather3A_60 : vector<16xf32>
        %swap3A_85 = arith.index_cast %scan3A_55 : i32 to index
        %swap3A_86 = arith.constant 32 : index
        %swap3A_87 = tpu.vector_load %arg12[%swap3A_85, %swap3A_86] {strides = array<i32>} : memref<100x64xf32, #tpu.memory_space<vmem>>, vector<1x16xf32>,
        %swap3A_88 = vector.shape_cast %swap3A_87 : vector<1x16xf32> to vector<16xf32>
        %swap3A_89 = vector.shape_cast %mul3A_84 : vector<16xf32> to vector<1x16xf32>
        tpu.vector_store %arg12[%swap3A_85, %swap3A_86], %swap3A_89 {strides = array<i32>} : memref<100x64xf32, #tpu.memory_space<vmem>>, vector<1x16xf32>,
        %get3A_90 = arith.index_cast %scan3A_55 : i32 to index
        %get3A_91 = arith.constant 48 : index
        %get3A_92 = tpu.vector_load %arg12[%get3A_90, %get3A_91] {strides = array<i32>} : memref<100x64xf32, #tpu.memory_space<vmem>>, vector<1x16xf32>,
        %get3A_93 = vector.shape_cast %get3A_92 : vector<1x16xf32> to vector<16xf32>
        %mul3A_94 = arith.mulf %get3A_93, %gather3A_60 : vector<16xf32>
        %swap3A_95 = arith.index_cast %scan3A_55 : i32 to index
        %swap3A_96 = arith.constant 48 : index
        %swap3A_97 = tpu.vector_load %arg12[%swap3A_95, %swap3A_96] {strides = array<i32>} : memref<100x64xf32, #tpu.memory_space<vmem>>, vector<1x16xf32>,
        %swap3A_98 = vector.shape_cast %swap3A_97 : vector<1x16xf32> to vector<16xf32>
        %swap3A_99 = vector.shape_cast %mul3A_94 : vector<16xf32> to vector<1x16xf32>
        tpu.vector_store %arg12[%swap3A_95, %swap3A_96], %swap3A_99 {strides = array<i32>} : memref<100x64xf32, #tpu.memory_space<vmem>>, vector<1x16xf32>,
      }
      %scan3A_53 = arith.constant 100 : i32
      %add3A_54 = arith.addi %mul3A_1, %add3A_46 : i32
      "tpu.region"() ({
        %run_scoped3A = tpu.sem_alloc : memref<!tpu.dma_semaphore, #tpu.memory_space<semaphore_mem>>
        %dma_start3A = arith.constant 0 : i32
        %dma_start3A_55 = tpu.memref_slice %arg6[%add3A_54, %dma_start3A] : memref<50000x64xf32, #tpu.memory_space<hbm>> -> memref<100x64xf32, #tpu.memory_space<hbm>>
        %dma_start3A_56 = arith.constant 0 : i32
        %dma_start3A_57 = tpu.memref_slice %arg6[%add3A_54, %dma_start3A_56] : memref<50000x64xf32, #tpu.memory_space<hbm>> -> memref<100x64xf32, #tpu.memory_space<hbm>>
        tpu.enqueue_dma source(%arg12 : memref<100x64xf32, #tpu.memory_space<vmem>>) target(%dma_start3A_57 : memref<100x64xf32, #tpu.memory_space<hbm>>) target_semaphore(%run_scoped3A : memref<!tpu.dma_semaphore, #tpu.memory_space<semaphore_mem>>)
        %dma_wait3A = arith.constant 0 : i32
        %dma_wait3A_58 = tpu.memref_slice %arg6[%add3A_54, %dma_wait3A] : memref<50000x64xf32, #tpu.memory_space<hbm>> -> memref<100x64xf32, #tpu.memory_space<hbm>>
        %dma_wait3A_59 = arith.constant 0 : i32
        %dma_wait3A_60 = tpu.memref_slice %arg6[%add3A_54, %dma_wait3A_59] : memref<50000x64xf32, #tpu.memory_space<hbm>> -> memref<100x64xf32, #tpu.memory_space<hbm>>
        tpu.wait_dma2 semaphore(%run_scoped3A : memref<!tpu.dma_semaphore, #tpu.memory_space<semaphore_mem>>) src(%arg12 : memref<100x64xf32, #tpu.memory_space<vmem>>) dst(%dma_wait3A_60 : memref<100x64xf32, #tpu.memory_space<hbm>>)
        tpu.yield
      }) : () -> ()
    }
    return
  }
}

#map = affine_map<(d0, d1) -> (0, 0)>
#map1 = affine_map<(d0, d1) -> (0)>
module attributes {stable_mosaic.version = 14 : i64} {
  func.func @_gather_body(%arg0: i32, %arg1: i32, %arg2: memref<50000x64xf32, #tpu.memory_space<hbm>>, %arg3: memref<50000x64xf32, #tpu.memory_space<hbm>>, %arg4: memref<50000x64xf32, #tpu.memory_space<hbm>>, %arg5: memref<50000x64xf32, #tpu.memory_space<hbm>>, %arg6: memref<50000x16xf32, #tpu.memory_space<hbm>>, %arg7: memref<4096xi32, #tpu.memory_space<hbm>>, %arg8: memref<4096xi32, #tpu.memory_space<hbm>>, %arg9: memref<4096xi32, #tpu.memory_space<hbm>>, %arg10: memref<4096x64xf32, #tpu.memory_space<hbm>>, %arg11: memref<4096x64xf32, #tpu.memory_space<hbm>>, %arg12: memref<4096x64xf32, #tpu.memory_space<hbm>>, %arg13: memref<4096x64xf32, #tpu.memory_space<hbm>>, %arg14: memref<4096x64xf32, #tpu.memory_space<hbm>>, %arg15: memref<4096x64xf32, #tpu.memory_space<hbm>>, %arg16: memref<128xi32, #tpu.memory_space<vmem>>, %arg17: memref<128x64xf32, #tpu.memory_space<vmem>>, %arg18: memref<128x64xf32, #tpu.memory_space<vmem>>, %arg19: memref<128x64xf32, #tpu.memory_space<vmem>>, %arg20: memref<128x64xf32, #tpu.memory_space<vmem>>, %arg21: memref<128x16xf32, #tpu.memory_space<vmem>>, %arg22: memref<!tpu.dma_semaphore, #tpu.memory_space<semaphore_mem>>) attributes {dimension_semantics = [#tpu.dimension_semantics<core_parallel>, #tpu.dimension_semantics<subcore_parallel>], iteration_bounds = array<i64: 2, 16>, scalar_prefetch = 0 : i64, scratch_operands = 7 : i64, tpu.core_type = #tpu.core_type<sc_vector_subcore>, window_params = [{transform_indices = #map}, {transform_indices = #map}, {transform_indices = #map}, {transform_indices = #map}, {transform_indices = #map}, {transform_indices = #map1}, {transform_indices = #map1}, {transform_indices = #map1}, {transform_indices = #map}, {transform_indices = #map}, {transform_indices = #map}, {transform_indices = #map}, {transform_indices = #map}, {transform_indices = #map}]} {
    %mul3A = arith.constant 2 : i32
    %mul3A_0 = arith.muli %arg1, %mul3A : i32
    %add3A = arith.addi %mul3A_0, %arg0 : i32
    %mul3A_1 = arith.constant 128 : i32
    %mul3A_2 = arith.muli %add3A, %mul3A_1 : i32
    "tpu.region"() ({
      %run_scoped3A = tpu.sem_alloc : memref<!tpu.dma_semaphore, #tpu.memory_space<semaphore_mem>>
      %dma_start3A_266 = tpu.memref_slice %arg7[%mul3A_2] : memref<4096xi32, #tpu.memory_space<hbm>> -> memref<128xi32, #tpu.memory_space<hbm>>
      %dma_start3A_267 = tpu.memref_slice %arg7[%mul3A_2] : memref<4096xi32, #tpu.memory_space<hbm>> -> memref<128xi32, #tpu.memory_space<hbm>>
      tpu.enqueue_dma source(%dma_start3A_267 : memref<128xi32, #tpu.memory_space<hbm>>) target(%arg16 : memref<128xi32, #tpu.memory_space<vmem>>) target_semaphore(%run_scoped3A : memref<!tpu.dma_semaphore, #tpu.memory_space<semaphore_mem>>)
      %dma_wait3A_268 = tpu.memref_slice %arg7[%mul3A_2] : memref<4096xi32, #tpu.memory_space<hbm>> -> memref<128xi32, #tpu.memory_space<hbm>>
      %dma_wait3A_269 = tpu.memref_slice %arg7[%mul3A_2] : memref<4096xi32, #tpu.memory_space<hbm>> -> memref<128xi32, #tpu.memory_space<hbm>>
      tpu.wait_dma2 semaphore(%run_scoped3A : memref<!tpu.dma_semaphore, #tpu.memory_space<semaphore_mem>>) src(%dma_wait3A_269 : memref<128xi32, #tpu.memory_space<hbm>>) dst(%arg16 : memref<128xi32, #tpu.memory_space<vmem>>)
      tpu.yield
    }) : () -> ()
    %dma_start3A = arith.constant 0 : i32
    %dma_start3A_3 = arith.constant 0 : i32
    %dma_start3A_4 = tpu.memref_slice %arg2[%dma_start3A, %dma_start3A_3] : memref<50000x64xf32, #tpu.memory_space<hbm>> -> memref<50000x64xf32, #tpu.memory_space<hbm>>
    tpu.enqueue_indirect_dma source(%dma_start3A_4 : memref<50000x64xf32, #tpu.memory_space<hbm>>) target(%arg17 : memref<128x64xf32, #tpu.memory_space<vmem>>) offsets(%arg16 : memref<128xi32, #tpu.memory_space<vmem>>) semaphore(%arg22 : memref<!tpu.dma_semaphore, #tpu.memory_space<semaphore_mem>>)
    %dma_wait3A = arith.constant 0 : i32
    %dma_wait3A_5 = arith.constant 0 : i32
    %dma_wait3A_6 = tpu.memref_slice %arg2[%dma_wait3A, %dma_wait3A_5] : memref<50000x64xf32, #tpu.memory_space<hbm>> -> memref<50000x64xf32, #tpu.memory_space<hbm>>
    tpu.wait_indirect_dma semaphore(%arg22 : memref<!tpu.dma_semaphore, #tpu.memory_space<semaphore_mem>>) src(%dma_wait3A_6 : memref<50000x64xf32, #tpu.memory_space<hbm>>) dst(%arg17 : memref<128x64xf32, #tpu.memory_space<vmem>>)
    %dma_start3A_7 = arith.constant 0 : i32
    %dma_start3A_8 = arith.constant 0 : i32
    %dma_start3A_9 = tpu.memref_slice %arg3[%dma_start3A_7, %dma_start3A_8] : memref<50000x64xf32, #tpu.memory_space<hbm>> -> memref<50000x64xf32, #tpu.memory_space<hbm>>
    tpu.enqueue_indirect_dma source(%dma_start3A_9 : memref<50000x64xf32, #tpu.memory_space<hbm>>) target(%arg18 : memref<128x64xf32, #tpu.memory_space<vmem>>) offsets(%arg16 : memref<128xi32, #tpu.memory_space<vmem>>) semaphore(%arg22 : memref<!tpu.dma_semaphore, #tpu.memory_space<semaphore_mem>>)
    %dma_wait3A_10 = arith.constant 0 : i32
    %dma_wait3A_11 = arith.constant 0 : i32
    %dma_wait3A_12 = tpu.memref_slice %arg3[%dma_wait3A_10, %dma_wait3A_11] : memref<50000x64xf32, #tpu.memory_space<hbm>> -> memref<50000x64xf32, #tpu.memory_space<hbm>>
    tpu.wait_indirect_dma semaphore(%arg22 : memref<!tpu.dma_semaphore, #tpu.memory_space<semaphore_mem>>) src(%dma_wait3A_12 : memref<50000x64xf32, #tpu.memory_space<hbm>>) dst(%arg18 : memref<128x64xf32, #tpu.memory_space<vmem>>)
    %dma_start3A_13 = arith.constant 0 : i32
    %dma_start3A_14 = arith.constant 0 : i32
    %dma_start3A_15 = tpu.memref_slice %arg4[%dma_start3A_13, %dma_start3A_14] : memref<50000x64xf32, #tpu.memory_space<hbm>> -> memref<50000x64xf32, #tpu.memory_space<hbm>>
    tpu.enqueue_indirect_dma source(%dma_start3A_15 : memref<50000x64xf32, #tpu.memory_space<hbm>>) target(%arg19 : memref<128x64xf32, #tpu.memory_space<vmem>>) offsets(%arg16 : memref<128xi32, #tpu.memory_space<vmem>>) semaphore(%arg22 : memref<!tpu.dma_semaphore, #tpu.memory_space<semaphore_mem>>)
    %dma_wait3A_16 = arith.constant 0 : i32
    %dma_wait3A_17 = arith.constant 0 : i32
    %dma_wait3A_18 = tpu.memref_slice %arg4[%dma_wait3A_16, %dma_wait3A_17] : memref<50000x64xf32, #tpu.memory_space<hbm>> -> memref<50000x64xf32, #tpu.memory_space<hbm>>
    tpu.wait_indirect_dma semaphore(%arg22 : memref<!tpu.dma_semaphore, #tpu.memory_space<semaphore_mem>>) src(%dma_wait3A_18 : memref<50000x64xf32, #tpu.memory_space<hbm>>) dst(%arg19 : memref<128x64xf32, #tpu.memory_space<vmem>>)
    %dma_start3A_19 = arith.constant 0 : i32
    %dma_start3A_20 = arith.constant 0 : i32
    %dma_start3A_21 = tpu.memref_slice %arg5[%dma_start3A_19, %dma_start3A_20] : memref<50000x64xf32, #tpu.memory_space<hbm>> -> memref<50000x64xf32, #tpu.memory_space<hbm>>
    tpu.enqueue_indirect_dma source(%dma_start3A_21 : memref<50000x64xf32, #tpu.memory_space<hbm>>) target(%arg20 : memref<128x64xf32, #tpu.memory_space<vmem>>) offsets(%arg16 : memref<128xi32, #tpu.memory_space<vmem>>) semaphore(%arg22 : memref<!tpu.dma_semaphore, #tpu.memory_space<semaphore_mem>>)
    %dma_wait3A_22 = arith.constant 0 : i32
    %dma_wait3A_23 = arith.constant 0 : i32
    %dma_wait3A_24 = tpu.memref_slice %arg5[%dma_wait3A_22, %dma_wait3A_23] : memref<50000x64xf32, #tpu.memory_space<hbm>> -> memref<50000x64xf32, #tpu.memory_space<hbm>>
    tpu.wait_indirect_dma semaphore(%arg22 : memref<!tpu.dma_semaphore, #tpu.memory_space<semaphore_mem>>) src(%dma_wait3A_24 : memref<50000x64xf32, #tpu.memory_space<hbm>>) dst(%arg20 : memref<128x64xf32, #tpu.memory_space<vmem>>)
    %dma_start3A_25 = arith.constant 0 : i32
    %dma_start3A_26 = arith.constant 0 : i32
    %dma_start3A_27 = tpu.memref_slice %arg6[%dma_start3A_25, %dma_start3A_26] : memref<50000x16xf32, #tpu.memory_space<hbm>> -> memref<50000x16xf32, #tpu.memory_space<hbm>>
    tpu.enqueue_indirect_dma source(%dma_start3A_27 : memref<50000x16xf32, #tpu.memory_space<hbm>>) target(%arg21 : memref<128x16xf32, #tpu.memory_space<vmem>>) offsets(%arg16 : memref<128xi32, #tpu.memory_space<vmem>>) semaphore(%arg22 : memref<!tpu.dma_semaphore, #tpu.memory_space<semaphore_mem>>)
    %dma_wait3A_28 = arith.constant 0 : i32
    %dma_wait3A_29 = arith.constant 0 : i32
    %dma_wait3A_30 = tpu.memref_slice %arg6[%dma_wait3A_28, %dma_wait3A_29] : memref<50000x16xf32, #tpu.memory_space<hbm>> -> memref<50000x16xf32, #tpu.memory_space<hbm>>
    tpu.wait_indirect_dma semaphore(%arg22 : memref<!tpu.dma_semaphore, #tpu.memory_space<semaphore_mem>>) src(%dma_wait3A_30 : memref<50000x16xf32, #tpu.memory_space<hbm>>) dst(%arg21 : memref<128x16xf32, #tpu.memory_space<vmem>>)
    %scan3A = arith.constant 0 : i32
    %scan3A_31 = arith.constant 0 : i32
    %scan3A_32 = arith.constant 128 : i32
    %scan3A_33 = arith.addi %scan3A_31, %scan3A_32 : i32
    %scan3A_34 = arith.constant 1 : i32
    scf.for %scan3A_266 = %scan3A_31 to %scan3A_33 step %scan3A_34  : i32 {
      %get3A_267 = arith.index_cast %scan3A_266 : i32 to index
      %get3A_268 = arith.constant 0 : index
      %get3A_269 = tpu.vector_load %arg21[%get3A_267, %get3A_268] {strides = array<i32>} : memref<128x16xf32, #tpu.memory_space<vmem>>, vector<1x16xf32>,
      %get3A_270 = vector.shape_cast %get3A_269 : vector<1x16xf32> to vector<16xf32>
      %broadcast_in_dim3A = arith.constant 8 : i32
      %broadcast_in_dim3A_271 = vector.broadcast %broadcast_in_dim3A : i32 to vector<16x1xi32>
      %gather3A = vector.shape_cast %broadcast_in_dim3A_271 : vector<16x1xi32> to vector<16xi32>
      %gather3A_272 = tpu.dynamic_gather %get3A_270[%gather3A] in [0] : vector<16xf32>, vector<16xi32> -> vector<16xf32>
      %get3A_273 = arith.index_cast %scan3A_266 : i32 to index
      %get3A_274 = arith.constant 0 : index
      %get3A_275 = tpu.vector_load %arg17[%get3A_273, %get3A_274] {strides = array<i32>} : memref<128x64xf32, #tpu.memory_space<vmem>>, vector<1x16xf32>,
      %get3A_276 = vector.shape_cast %get3A_275 : vector<1x16xf32> to vector<16xf32>
      %get3A_277 = arith.index_cast %scan3A_266 : i32 to index
      %get3A_278 = arith.constant 0 : index
      %get3A_279 = tpu.vector_load %arg18[%get3A_277, %get3A_278] {strides = array<i32>} : memref<128x64xf32, #tpu.memory_space<vmem>>, vector<1x16xf32>,
      %get3A_280 = vector.shape_cast %get3A_279 : vector<1x16xf32> to vector<16xf32>
      %add3A_281 = arith.addf %get3A_276, %get3A_280 : vector<16xf32>
      %get3A_282 = arith.index_cast %scan3A_266 : i32 to index
      %get3A_283 = arith.constant 0 : index
      %get3A_284 = tpu.vector_load %arg19[%get3A_282, %get3A_283] {strides = array<i32>} : memref<128x64xf32, #tpu.memory_space<vmem>>, vector<1x16xf32>,
      %get3A_285 = vector.shape_cast %get3A_284 : vector<1x16xf32> to vector<16xf32>
      %add3A_286 = arith.addf %add3A_281, %get3A_285 : vector<16xf32>
      %get3A_287 = arith.index_cast %scan3A_266 : i32 to index
      %get3A_288 = arith.constant 0 : index
      %get3A_289 = tpu.vector_load %arg20[%get3A_287, %get3A_288] {strides = array<i32>} : memref<128x64xf32, #tpu.memory_space<vmem>>, vector<1x16xf32>,
      %get3A_290 = vector.shape_cast %get3A_289 : vector<1x16xf32> to vector<16xf32>
      %add3A_291 = arith.addf %add3A_286, %get3A_290 : vector<16xf32>
      %mul3A_292 = arith.constant 2.500000e-01 : f32
      %mul3A_293 = vector.broadcast %mul3A_292 : f32 to vector<16xf32>
      %mul3A_294 = arith.mulf %gather3A_272, %mul3A_293 : vector<16xf32>
      %mul3A_295 = arith.mulf %add3A_291, %mul3A_294 : vector<16xf32>
      %swap3A_296 = arith.index_cast %scan3A_266 : i32 to index
      %swap3A_297 = arith.constant 0 : index
      %swap3A_298 = tpu.vector_load %arg18[%swap3A_296, %swap3A_297] {strides = array<i32>} : memref<128x64xf32, #tpu.memory_space<vmem>>, vector<1x16xf32>,
      %swap3A_299 = vector.shape_cast %swap3A_298 : vector<1x16xf32> to vector<16xf32>
      %swap3A_300 = vector.shape_cast %mul3A_295 : vector<16xf32> to vector<1x16xf32>
      tpu.vector_store %arg18[%swap3A_296, %swap3A_297], %swap3A_300 {strides = array<i32>} : memref<128x64xf32, #tpu.memory_space<vmem>>, vector<1x16xf32>,
      %get3A_301 = arith.index_cast %scan3A_266 : i32 to index
      %get3A_302 = arith.constant 0 : index
      %get3A_303 = tpu.vector_load %arg17[%get3A_301, %get3A_302] {strides = array<i32>} : memref<128x64xf32, #tpu.memory_space<vmem>>, vector<1x16xf32>,
      %get3A_304 = vector.shape_cast %get3A_303 : vector<1x16xf32> to vector<16xf32>
      %mul3A_305 = arith.mulf %get3A_304, %gather3A_272 : vector<16xf32>
      %swap3A_306 = arith.index_cast %scan3A_266 : i32 to index
      %swap3A_307 = arith.constant 0 : index
      %swap3A_308 = tpu.vector_load %arg17[%swap3A_306, %swap3A_307] {strides = array<i32>} : memref<128x64xf32, #tpu.memory_space<vmem>>, vector<1x16xf32>,
      %swap3A_309 = vector.shape_cast %swap3A_308 : vector<1x16xf32> to vector<16xf32>
      %swap3A_310 = vector.shape_cast %mul3A_305 : vector<16xf32> to vector<1x16xf32>
      tpu.vector_store %arg17[%swap3A_306, %swap3A_307], %swap3A_310 {strides = array<i32>} : memref<128x64xf32, #tpu.memory_space<vmem>>, vector<1x16xf32>,
      %get3A_311 = arith.index_cast %scan3A_266 : i32 to index
      %get3A_312 = arith.constant 16 : index
      %get3A_313 = tpu.vector_load %arg17[%get3A_311, %get3A_312] {strides = array<i32>} : memref<128x64xf32, #tpu.memory_space<vmem>>, vector<1x16xf32>,
      %get3A_314 = vector.shape_cast %get3A_313 : vector<1x16xf32> to vector<16xf32>
      %get3A_315 = arith.index_cast %scan3A_266 : i32 to index
      %get3A_316 = arith.constant 16 : index
      %get3A_317 = tpu.vector_load %arg18[%get3A_315, %get3A_316] {strides = array<i32>} : memref<128x64xf32, #tpu.memory_space<vmem>>, vector<1x16xf32>,
      %get3A_318 = vector.shape_cast %get3A_317 : vector<1x16xf32> to vector<16xf32>
      %add3A_319 = arith.addf %get3A_314, %get3A_318 : vector<16xf32>
      %get3A_320 = arith.index_cast %scan3A_266 : i32 to index
      %get3A_321 = arith.constant 16 : index
      %get3A_322 = tpu.vector_load %arg19[%get3A_320, %get3A_321] {strides = array<i32>} : memref<128x64xf32, #tpu.memory_space<vmem>>, vector<1x16xf32>,
      %get3A_323 = vector.shape_cast %get3A_322 : vector<1x16xf32> to vector<16xf32>
      %add3A_324 = arith.addf %add3A_319, %get3A_323 : vector<16xf32>
      %get3A_325 = arith.index_cast %scan3A_266 : i32 to index
      %get3A_326 = arith.constant 16 : index
      %get3A_327 = tpu.vector_load %arg20[%get3A_325, %get3A_326] {strides = array<i32>} : memref<128x64xf32, #tpu.memory_space<vmem>>, vector<1x16xf32>,
      %get3A_328 = vector.shape_cast %get3A_327 : vector<1x16xf32> to vector<16xf32>
      %add3A_329 = arith.addf %add3A_324, %get3A_328 : vector<16xf32>
      %mul3A_330 = arith.constant 2.500000e-01 : f32
      %mul3A_331 = vector.broadcast %mul3A_330 : f32 to vector<16xf32>
      %mul3A_332 = arith.mulf %gather3A_272, %mul3A_331 : vector<16xf32>
      %mul3A_333 = arith.mulf %add3A_329, %mul3A_332 : vector<16xf32>
      %swap3A_334 = arith.index_cast %scan3A_266 : i32 to index
      %swap3A_335 = arith.constant 16 : index
      %swap3A_336 = tpu.vector_load %arg18[%swap3A_334, %swap3A_335] {strides = array<i32>} : memref<128x64xf32, #tpu.memory_space<vmem>>, vector<1x16xf32>,
      %swap3A_337 = vector.shape_cast %swap3A_336 : vector<1x16xf32> to vector<16xf32>
      %swap3A_338 = vector.shape_cast %mul3A_333 : vector<16xf32> to vector<1x16xf32>
      tpu.vector_store %arg18[%swap3A_334, %swap3A_335], %swap3A_338 {strides = array<i32>} : memref<128x64xf32, #tpu.memory_space<vmem>>, vector<1x16xf32>,
      %get3A_339 = arith.index_cast %scan3A_266 : i32 to index
      %get3A_340 = arith.constant 16 : index
      %get3A_341 = tpu.vector_load %arg17[%get3A_339, %get3A_340] {strides = array<i32>} : memref<128x64xf32, #tpu.memory_space<vmem>>, vector<1x16xf32>,
      %get3A_342 = vector.shape_cast %get3A_341 : vector<1x16xf32> to vector<16xf32>
      %mul3A_343 = arith.mulf %get3A_342, %gather3A_272 : vector<16xf32>
      %swap3A_344 = arith.index_cast %scan3A_266 : i32 to index
      %swap3A_345 = arith.constant 16 : index
      %swap3A_346 = tpu.vector_load %arg17[%swap3A_344, %swap3A_345] {strides = array<i32>} : memref<128x64xf32, #tpu.memory_space<vmem>>, vector<1x16xf32>,
      %swap3A_347 = vector.shape_cast %swap3A_346 : vector<1x16xf32> to vector<16xf32>
      %swap3A_348 = vector.shape_cast %mul3A_343 : vector<16xf32> to vector<1x16xf32>
      tpu.vector_store %arg17[%swap3A_344, %swap3A_345], %swap3A_348 {strides = array<i32>} : memref<128x64xf32, #tpu.memory_space<vmem>>, vector<1x16xf32>,
      %get3A_349 = arith.index_cast %scan3A_266 : i32 to index
      %get3A_350 = arith.constant 32 : index
      %get3A_351 = tpu.vector_load %arg17[%get3A_349, %get3A_350] {strides = array<i32>} : memref<128x64xf32, #tpu.memory_space<vmem>>, vector<1x16xf32>,
      %get3A_352 = vector.shape_cast %get3A_351 : vector<1x16xf32> to vector<16xf32>
      %get3A_353 = arith.index_cast %scan3A_266 : i32 to index
      %get3A_354 = arith.constant 32 : index
      %get3A_355 = tpu.vector_load %arg18[%get3A_353, %get3A_354] {strides = array<i32>} : memref<128x64xf32, #tpu.memory_space<vmem>>, vector<1x16xf32>,
      %get3A_356 = vector.shape_cast %get3A_355 : vector<1x16xf32> to vector<16xf32>
      %add3A_357 = arith.addf %get3A_352, %get3A_356 : vector<16xf32>
      %get3A_358 = arith.index_cast %scan3A_266 : i32 to index
      %get3A_359 = arith.constant 32 : index
      %get3A_360 = tpu.vector_load %arg19[%get3A_358, %get3A_359] {strides = array<i32>} : memref<128x64xf32, #tpu.memory_space<vmem>>, vector<1x16xf32>,
      %get3A_361 = vector.shape_cast %get3A_360 : vector<1x16xf32> to vector<16xf32>
      %add3A_362 = arith.addf %add3A_357, %get3A_361 : vector<16xf32>
      %get3A_363 = arith.index_cast %scan3A_266 : i32 to index
      %get3A_364 = arith.constant 32 : index
      %get3A_365 = tpu.vector_load %arg20[%get3A_363, %get3A_364] {strides = array<i32>} : memref<128x64xf32, #tpu.memory_space<vmem>>, vector<1x16xf32>,
      %get3A_366 = vector.shape_cast %get3A_365 : vector<1x16xf32> to vector<16xf32>
      %add3A_367 = arith.addf %add3A_362, %get3A_366 : vector<16xf32>
      %mul3A_368 = arith.constant 2.500000e-01 : f32
      %mul3A_369 = vector.broadcast %mul3A_368 : f32 to vector<16xf32>
      %mul3A_370 = arith.mulf %gather3A_272, %mul3A_369 : vector<16xf32>
      %mul3A_371 = arith.mulf %add3A_367, %mul3A_370 : vector<16xf32>
      %swap3A_372 = arith.index_cast %scan3A_266 : i32 to index
      %swap3A_373 = arith.constant 32 : index
      %swap3A_374 = tpu.vector_load %arg18[%swap3A_372, %swap3A_373] {strides = array<i32>} : memref<128x64xf32, #tpu.memory_space<vmem>>, vector<1x16xf32>,
      %swap3A_375 = vector.shape_cast %swap3A_374 : vector<1x16xf32> to vector<16xf32>
      %swap3A_376 = vector.shape_cast %mul3A_371 : vector<16xf32> to vector<1x16xf32>
      tpu.vector_store %arg18[%swap3A_372, %swap3A_373], %swap3A_376 {strides = array<i32>} : memref<128x64xf32, #tpu.memory_space<vmem>>, vector<1x16xf32>,
      %get3A_377 = arith.index_cast %scan3A_266 : i32 to index
      %get3A_378 = arith.constant 32 : index
      %get3A_379 = tpu.vector_load %arg17[%get3A_377, %get3A_378] {strides = array<i32>} : memref<128x64xf32, #tpu.memory_space<vmem>>, vector<1x16xf32>,
      %get3A_380 = vector.shape_cast %get3A_379 : vector<1x16xf32> to vector<16xf32>
      %mul3A_381 = arith.mulf %get3A_380, %gather3A_272 : vector<16xf32>
      %swap3A_382 = arith.index_cast %scan3A_266 : i32 to index
      %swap3A_383 = arith.constant 32 : index
      %swap3A_384 = tpu.vector_load %arg17[%swap3A_382, %swap3A_383] {strides = array<i32>} : memref<128x64xf32, #tpu.memory_space<vmem>>, vector<1x16xf32>,
      %swap3A_385 = vector.shape_cast %swap3A_384 : vector<1x16xf32> to vector<16xf32>
      %swap3A_386 = vector.shape_cast %mul3A_381 : vector<16xf32> to vector<1x16xf32>
      tpu.vector_store %arg17[%swap3A_382, %swap3A_383], %swap3A_386 {strides = array<i32>} : memref<128x64xf32, #tpu.memory_space<vmem>>, vector<1x16xf32>,
      %get3A_387 = arith.index_cast %scan3A_266 : i32 to index
      %get3A_388 = arith.constant 48 : index
      %get3A_389 = tpu.vector_load %arg17[%get3A_387, %get3A_388] {strides = array<i32>} : memref<128x64xf32, #tpu.memory_space<vmem>>, vector<1x16xf32>,
      %get3A_390 = vector.shape_cast %get3A_389 : vector<1x16xf32> to vector<16xf32>
      %get3A_391 = arith.index_cast %scan3A_266 : i32 to index
      %get3A_392 = arith.constant 48 : index
      %get3A_393 = tpu.vector_load %arg18[%get3A_391, %get3A_392] {strides = array<i32>} : memref<128x64xf32, #tpu.memory_space<vmem>>, vector<1x16xf32>,
      %get3A_394 = vector.shape_cast %get3A_393 : vector<1x16xf32> to vector<16xf32>
      %add3A_395 = arith.addf %get3A_390, %get3A_394 : vector<16xf32>
      %get3A_396 = arith.index_cast %scan3A_266 : i32 to index
      %get3A_397 = arith.constant 48 : index
      %get3A_398 = tpu.vector_load %arg19[%get3A_396, %get3A_397] {strides = array<i32>} : memref<128x64xf32, #tpu.memory_space<vmem>>, vector<1x16xf32>,
      %get3A_399 = vector.shape_cast %get3A_398 : vector<1x16xf32> to vector<16xf32>
      %add3A_400 = arith.addf %add3A_395, %get3A_399 : vector<16xf32>
      %get3A_401 = arith.index_cast %scan3A_266 : i32 to index
      %get3A_402 = arith.constant 48 : index
      %get3A_403 = tpu.vector_load %arg20[%get3A_401, %get3A_402] {strides = array<i32>} : memref<128x64xf32, #tpu.memory_space<vmem>>, vector<1x16xf32>,
      %get3A_404 = vector.shape_cast %get3A_403 : vector<1x16xf32> to vector<16xf32>
      %add3A_405 = arith.addf %add3A_400, %get3A_404 : vector<16xf32>
      %mul3A_406 = arith.constant 2.500000e-01 : f32
      %mul3A_407 = vector.broadcast %mul3A_406 : f32 to vector<16xf32>
      %mul3A_408 = arith.mulf %gather3A_272, %mul3A_407 : vector<16xf32>
      %mul3A_409 = arith.mulf %add3A_405, %mul3A_408 : vector<16xf32>
      %swap3A_410 = arith.index_cast %scan3A_266 : i32 to index
      %swap3A_411 = arith.constant 48 : index
      %swap3A_412 = tpu.vector_load %arg18[%swap3A_410, %swap3A_411] {strides = array<i32>} : memref<128x64xf32, #tpu.memory_space<vmem>>, vector<1x16xf32>,
      %swap3A_413 = vector.shape_cast %swap3A_412 : vector<1x16xf32> to vector<16xf32>
      %swap3A_414 = vector.shape_cast %mul3A_409 : vector<16xf32> to vector<1x16xf32>
      tpu.vector_store %arg18[%swap3A_410, %swap3A_411], %swap3A_414 {strides = array<i32>} : memref<128x64xf32, #tpu.memory_space<vmem>>, vector<1x16xf32>,
      %get3A_415 = arith.index_cast %scan3A_266 : i32 to index
      %get3A_416 = arith.constant 48 : index
      %get3A_417 = tpu.vector_load %arg17[%get3A_415, %get3A_416] {strides = array<i32>} : memref<128x64xf32, #tpu.memory_space<vmem>>, vector<1x16xf32>,
      %get3A_418 = vector.shape_cast %get3A_417 : vector<1x16xf32> to vector<16xf32>
      %mul3A_419 = arith.mulf %get3A_418, %gather3A_272 : vector<16xf32>
      %swap3A_420 = arith.index_cast %scan3A_266 : i32 to index
      %swap3A_421 = arith.constant 48 : index
      %swap3A_422 = tpu.vector_load %arg17[%swap3A_420, %swap3A_421] {strides = array<i32>} : memref<128x64xf32, #tpu.memory_space<vmem>>, vector<1x16xf32>,
      %swap3A_423 = vector.shape_cast %swap3A_422 : vector<1x16xf32> to vector<16xf32>
      %swap3A_424 = vector.shape_cast %mul3A_419 : vector<16xf32> to vector<1x16xf32>
      tpu.vector_store %arg17[%swap3A_420, %swap3A_421], %swap3A_424 {strides = array<i32>} : memref<128x64xf32, #tpu.memory_space<vmem>>, vector<1x16xf32>,
    }
    %scan3A_35 = arith.constant 128 : i32
    "tpu.region"() ({
      %run_scoped3A = tpu.sem_alloc : memref<!tpu.dma_semaphore, #tpu.memory_space<semaphore_mem>>
      %dma_start3A_266 = arith.constant 0 : i32
      %dma_start3A_267 = tpu.memref_slice %arg13[%mul3A_2, %dma_start3A_266] : memref<4096x64xf32, #tpu.memory_space<hbm>> -> memref<128x64xf32, #tpu.memory_space<hbm>>
      %dma_start3A_268 = arith.constant 0 : i32
      %dma_start3A_269 = tpu.memref_slice %arg13[%mul3A_2, %dma_start3A_268] : memref<4096x64xf32, #tpu.memory_space<hbm>> -> memref<128x64xf32, #tpu.memory_space<hbm>>
      tpu.enqueue_dma source(%arg17 : memref<128x64xf32, #tpu.memory_space<vmem>>) target(%dma_start3A_269 : memref<128x64xf32, #tpu.memory_space<hbm>>) target_semaphore(%run_scoped3A : memref<!tpu.dma_semaphore, #tpu.memory_space<semaphore_mem>>)
      %dma_wait3A_270 = arith.constant 0 : i32
      %dma_wait3A_271 = tpu.memref_slice %arg13[%mul3A_2, %dma_wait3A_270] : memref<4096x64xf32, #tpu.memory_space<hbm>> -> memref<128x64xf32, #tpu.memory_space<hbm>>
      %dma_wait3A_272 = arith.constant 0 : i32
      %dma_wait3A_273 = tpu.memref_slice %arg13[%mul3A_2, %dma_wait3A_272] : memref<4096x64xf32, #tpu.memory_space<hbm>> -> memref<128x64xf32, #tpu.memory_space<hbm>>
      tpu.wait_dma2 semaphore(%run_scoped3A : memref<!tpu.dma_semaphore, #tpu.memory_space<semaphore_mem>>) src(%arg17 : memref<128x64xf32, #tpu.memory_space<vmem>>) dst(%dma_wait3A_273 : memref<128x64xf32, #tpu.memory_space<hbm>>)
      tpu.yield
    }) : () -> ()
    "tpu.region"() ({
      %run_scoped3A = tpu.sem_alloc : memref<!tpu.dma_semaphore, #tpu.memory_space<semaphore_mem>>
      %dma_start3A_266 = arith.constant 0 : i32
      %dma_start3A_267 = tpu.memref_slice %arg10[%mul3A_2, %dma_start3A_266] : memref<4096x64xf32, #tpu.memory_space<hbm>> -> memref<128x64xf32, #tpu.memory_space<hbm>>
      %dma_start3A_268 = arith.constant 0 : i32
      %dma_start3A_269 = tpu.memref_slice %arg10[%mul3A_2, %dma_start3A_268] : memref<4096x64xf32, #tpu.memory_space<hbm>> -> memref<128x64xf32, #tpu.memory_space<hbm>>
      tpu.enqueue_dma source(%arg18 : memref<128x64xf32, #tpu.memory_space<vmem>>) target(%dma_start3A_269 : memref<128x64xf32, #tpu.memory_space<hbm>>) target_semaphore(%run_scoped3A : memref<!tpu.dma_semaphore, #tpu.memory_space<semaphore_mem>>)
      %dma_wait3A_270 = arith.constant 0 : i32
      %dma_wait3A_271 = tpu.memref_slice %arg10[%mul3A_2, %dma_wait3A_270] : memref<4096x64xf32, #tpu.memory_space<hbm>> -> memref<128x64xf32, #tpu.memory_space<hbm>>
      %dma_wait3A_272 = arith.constant 0 : i32
      %dma_wait3A_273 = tpu.memref_slice %arg10[%mul3A_2, %dma_wait3A_272] : memref<4096x64xf32, #tpu.memory_space<hbm>> -> memref<128x64xf32, #tpu.memory_space<hbm>>
      tpu.wait_dma2 semaphore(%run_scoped3A : memref<!tpu.dma_semaphore, #tpu.memory_space<semaphore_mem>>) src(%arg18 : memref<128x64xf32, #tpu.memory_space<vmem>>) dst(%dma_wait3A_273 : memref<128x64xf32, #tpu.memory_space<hbm>>)
      tpu.yield
    }) : () -> ()
    "tpu.region"() ({
      %run_scoped3A = tpu.sem_alloc : memref<!tpu.dma_semaphore, #tpu.memory_space<semaphore_mem>>
      %dma_start3A_266 = tpu.memref_slice %arg8[%mul3A_2] : memref<4096xi32, #tpu.memory_space<hbm>> -> memref<128xi32, #tpu.memory_space<hbm>>
      %dma_start3A_267 = tpu.memref_slice %arg8[%mul3A_2] : memref<4096xi32, #tpu.memory_space<hbm>> -> memref<128xi32, #tpu.memory_space<hbm>>
      tpu.enqueue_dma source(%dma_start3A_267 : memref<128xi32, #tpu.memory_space<hbm>>) target(%arg16 : memref<128xi32, #tpu.memory_space<vmem>>) target_semaphore(%run_scoped3A : memref<!tpu.dma_semaphore, #tpu.memory_space<semaphore_mem>>)
      %dma_wait3A_268 = tpu.memref_slice %arg8[%mul3A_2] : memref<4096xi32, #tpu.memory_space<hbm>> -> memref<128xi32, #tpu.memory_space<hbm>>
      %dma_wait3A_269 = tpu.memref_slice %arg8[%mul3A_2] : memref<4096xi32, #tpu.memory_space<hbm>> -> memref<128xi32, #tpu.memory_space<hbm>>
      tpu.wait_dma2 semaphore(%run_scoped3A : memref<!tpu.dma_semaphore, #tpu.memory_space<semaphore_mem>>) src(%dma_wait3A_269 : memref<128xi32, #tpu.memory_space<hbm>>) dst(%arg16 : memref<128xi32, #tpu.memory_space<vmem>>)
      tpu.yield
    }) : () -> ()
    %get3A = arith.constant 0 : index
    %get3A_36 = tpu.vector_load %arg16[%get3A] {strides = array<i32>} : memref<128xi32, #tpu.memory_space<vmem>>, vector<16xi32>,
    %get3A_37 = vector.shape_cast %get3A_36 : vector<16xi32> to vector<16xi32>
    %add3A_38 = arith.constant 25000 : i32
    %add3A_39 = vector.broadcast %add3A_38 : i32 to vector<16xi32>
    %add3A_40 = arith.addi %get3A_37, %add3A_39 : vector<16xi32>
    %swap3A = arith.constant 0 : index
    %swap3A_41 = tpu.vector_load %arg16[%swap3A] {strides = array<i32>} : memref<128xi32, #tpu.memory_space<vmem>>, vector<16xi32>,
    %swap3A_42 = vector.shape_cast %swap3A_41 : vector<16xi32> to vector<16xi32>
    %swap3A_43 = vector.shape_cast %add3A_40 : vector<16xi32> to vector<16xi32>
    tpu.vector_store %arg16[%swap3A], %swap3A_43 {strides = array<i32>} : memref<128xi32, #tpu.memory_space<vmem>>, vector<16xi32>,
    %get3A_44 = arith.constant 16 : index
    %get3A_45 = tpu.vector_load %arg16[%get3A_44] {strides = array<i32>} : memref<128xi32, #tpu.memory_space<vmem>>, vector<16xi32>,
    %get3A_46 = vector.shape_cast %get3A_45 : vector<16xi32> to vector<16xi32>
    %add3A_47 = arith.constant 25000 : i32
    %add3A_48 = vector.broadcast %add3A_47 : i32 to vector<16xi32>
    %add3A_49 = arith.addi %get3A_46, %add3A_48 : vector<16xi32>
    %swap3A_50 = arith.constant 16 : index
    %swap3A_51 = tpu.vector_load %arg16[%swap3A_50] {strides = array<i32>} : memref<128xi32, #tpu.memory_space<vmem>>, vector<16xi32>,
    %swap3A_52 = vector.shape_cast %swap3A_51 : vector<16xi32> to vector<16xi32>
    %swap3A_53 = vector.shape_cast %add3A_49 : vector<16xi32> to vector<16xi32>
    tpu.vector_store %arg16[%swap3A_50], %swap3A_53 {strides = array<i32>} : memref<128xi32, #tpu.memory_space<vmem>>, vector<16xi32>,
    %get3A_54 = arith.constant 32 : index
    %get3A_55 = tpu.vector_load %arg16[%get3A_54] {strides = array<i32>} : memref<128xi32, #tpu.memory_space<vmem>>, vector<16xi32>,
    %get3A_56 = vector.shape_cast %get3A_55 : vector<16xi32> to vector<16xi32>
    %add3A_57 = arith.constant 25000 : i32
    %add3A_58 = vector.broadcast %add3A_57 : i32 to vector<16xi32>
    %add3A_59 = arith.addi %get3A_56, %add3A_58 : vector<16xi32>
    %swap3A_60 = arith.constant 32 : index
    %swap3A_61 = tpu.vector_load %arg16[%swap3A_60] {strides = array<i32>} : memref<128xi32, #tpu.memory_space<vmem>>, vector<16xi32>,
    %swap3A_62 = vector.shape_cast %swap3A_61 : vector<16xi32> to vector<16xi32>
    %swap3A_63 = vector.shape_cast %add3A_59 : vector<16xi32> to vector<16xi32>
    tpu.vector_store %arg16[%swap3A_60], %swap3A_63 {strides = array<i32>} : memref<128xi32, #tpu.memory_space<vmem>>, vector<16xi32>,
    %get3A_64 = arith.constant 48 : index
    %get3A_65 = tpu.vector_load %arg16[%get3A_64] {strides = array<i32>} : memref<128xi32, #tpu.memory_space<vmem>>, vector<16xi32>,
    %get3A_66 = vector.shape_cast %get3A_65 : vector<16xi32> to vector<16xi32>
    %add3A_67 = arith.constant 25000 : i32
    %add3A_68 = vector.broadcast %add3A_67 : i32 to vector<16xi32>
    %add3A_69 = arith.addi %get3A_66, %add3A_68 : vector<16xi32>
    %swap3A_70 = arith.constant 48 : index
    %swap3A_71 = tpu.vector_load %arg16[%swap3A_70] {strides = array<i32>} : memref<128xi32, #tpu.memory_space<vmem>>, vector<16xi32>,
    %swap3A_72 = vector.shape_cast %swap3A_71 : vector<16xi32> to vector<16xi32>
    %swap3A_73 = vector.shape_cast %add3A_69 : vector<16xi32> to vector<16xi32>
    tpu.vector_store %arg16[%swap3A_70], %swap3A_73 {strides = array<i32>} : memref<128xi32, #tpu.memory_space<vmem>>, vector<16xi32>,
    %get3A_74 = arith.constant 64 : index
    %get3A_75 = tpu.vector_load %arg16[%get3A_74] {strides = array<i32>} : memref<128xi32, #tpu.memory_space<vmem>>, vector<16xi32>,
    %get3A_76 = vector.shape_cast %get3A_75 : vector<16xi32> to vector<16xi32>
    %add3A_77 = arith.constant 25000 : i32
    %add3A_78 = vector.broadcast %add3A_77 : i32 to vector<16xi32>
    %add3A_79 = arith.addi %get3A_76, %add3A_78 : vector<16xi32>
    %swap3A_80 = arith.constant 64 : index
    %swap3A_81 = tpu.vector_load %arg16[%swap3A_80] {strides = array<i32>} : memref<128xi32, #tpu.memory_space<vmem>>, vector<16xi32>,
    %swap3A_82 = vector.shape_cast %swap3A_81 : vector<16xi32> to vector<16xi32>
    %swap3A_83 = vector.shape_cast %add3A_79 : vector<16xi32> to vector<16xi32>
    tpu.vector_store %arg16[%swap3A_80], %swap3A_83 {strides = array<i32>} : memref<128xi32, #tpu.memory_space<vmem>>, vector<16xi32>,
    %get3A_84 = arith.constant 80 : index
    %get3A_85 = tpu.vector_load %arg16[%get3A_84] {strides = array<i32>} : memref<128xi32, #tpu.memory_space<vmem>>, vector<16xi32>,
    %get3A_86 = vector.shape_cast %get3A_85 : vector<16xi32> to vector<16xi32>
    %add3A_87 = arith.constant 25000 : i32
    %add3A_88 = vector.broadcast %add3A_87 : i32 to vector<16xi32>
    %add3A_89 = arith.addi %get3A_86, %add3A_88 : vector<16xi32>
    %swap3A_90 = arith.constant 80 : index
    %swap3A_91 = tpu.vector_load %arg16[%swap3A_90] {strides = array<i32>} : memref<128xi32, #tpu.memory_space<vmem>>, vector<16xi32>,
    %swap3A_92 = vector.shape_cast %swap3A_91 : vector<16xi32> to vector<16xi32>
    %swap3A_93 = vector.shape_cast %add3A_89 : vector<16xi32> to vector<16xi32>
    tpu.vector_store %arg16[%swap3A_90], %swap3A_93 {strides = array<i32>} : memref<128xi32, #tpu.memory_space<vmem>>, vector<16xi32>,
    %get3A_94 = arith.constant 96 : index
    %get3A_95 = tpu.vector_load %arg16[%get3A_94] {strides = array<i32>} : memref<128xi32, #tpu.memory_space<vmem>>, vector<16xi32>,
    %get3A_96 = vector.shape_cast %get3A_95 : vector<16xi32> to vector<16xi32>
    %add3A_97 = arith.constant 25000 : i32
    %add3A_98 = vector.broadcast %add3A_97 : i32 to vector<16xi32>
    %add3A_99 = arith.addi %get3A_96, %add3A_98 : vector<16xi32>
    %swap3A_100 = arith.constant 96 : index
    %swap3A_101 = tpu.vector_load %arg16[%swap3A_100] {strides = array<i32>} : memref<128xi32, #tpu.memory_space<vmem>>, vector<16xi32>,
    %swap3A_102 = vector.shape_cast %swap3A_101 : vector<16xi32> to vector<16xi32>
    %swap3A_103 = vector.shape_cast %add3A_99 : vector<16xi32> to vector<16xi32>
    tpu.vector_store %arg16[%swap3A_100], %swap3A_103 {strides = array<i32>} : memref<128xi32, #tpu.memory_space<vmem>>, vector<16xi32>,
    %get3A_104 = arith.constant 112 : index
    %get3A_105 = tpu.vector_load %arg16[%get3A_104] {strides = array<i32>} : memref<128xi32, #tpu.memory_space<vmem>>, vector<16xi32>,
    %get3A_106 = vector.shape_cast %get3A_105 : vector<16xi32> to vector<16xi32>
    %add3A_107 = arith.constant 25000 : i32
    %add3A_108 = vector.broadcast %add3A_107 : i32 to vector<16xi32>
    %add3A_109 = arith.addi %get3A_106, %add3A_108 : vector<16xi32>
    %swap3A_110 = arith.constant 112 : index
    %swap3A_111 = tpu.vector_load %arg16[%swap3A_110] {strides = array<i32>} : memref<128xi32, #tpu.memory_space<vmem>>, vector<16xi32>,
    %swap3A_112 = vector.shape_cast %swap3A_111 : vector<16xi32> to vector<16xi32>
    %swap3A_113 = vector.shape_cast %add3A_109 : vector<16xi32> to vector<16xi32>
    tpu.vector_store %arg16[%swap3A_110], %swap3A_113 {strides = array<i32>} : memref<128xi32, #tpu.memory_space<vmem>>, vector<16xi32>,
    %dma_start3A_114 = arith.constant 0 : i32
    %dma_start3A_115 = arith.constant 0 : i32
    %dma_start3A_116 = tpu.memref_slice %arg2[%dma_start3A_114, %dma_start3A_115] : memref<50000x64xf32, #tpu.memory_space<hbm>> -> memref<50000x64xf32, #tpu.memory_space<hbm>>
    tpu.enqueue_indirect_dma source(%dma_start3A_116 : memref<50000x64xf32, #tpu.memory_space<hbm>>) target(%arg17 : memref<128x64xf32, #tpu.memory_space<vmem>>) offsets(%arg16 : memref<128xi32, #tpu.memory_space<vmem>>) semaphore(%arg22 : memref<!tpu.dma_semaphore, #tpu.memory_space<semaphore_mem>>)
    %dma_wait3A_117 = arith.constant 0 : i32
    %dma_wait3A_118 = arith.constant 0 : i32
    %dma_wait3A_119 = tpu.memref_slice %arg2[%dma_wait3A_117, %dma_wait3A_118] : memref<50000x64xf32, #tpu.memory_space<hbm>> -> memref<50000x64xf32, #tpu.memory_space<hbm>>
    tpu.wait_indirect_dma semaphore(%arg22 : memref<!tpu.dma_semaphore, #tpu.memory_space<semaphore_mem>>) src(%dma_wait3A_119 : memref<50000x64xf32, #tpu.memory_space<hbm>>) dst(%arg17 : memref<128x64xf32, #tpu.memory_space<vmem>>)
    %dma_start3A_120 = arith.constant 0 : i32
    %dma_start3A_121 = arith.constant 0 : i32
    %dma_start3A_122 = tpu.memref_slice %arg3[%dma_start3A_120, %dma_start3A_121] : memref<50000x64xf32, #tpu.memory_space<hbm>> -> memref<50000x64xf32, #tpu.memory_space<hbm>>
    tpu.enqueue_indirect_dma source(%dma_start3A_122 : memref<50000x64xf32, #tpu.memory_space<hbm>>) target(%arg18 : memref<128x64xf32, #tpu.memory_space<vmem>>) offsets(%arg16 : memref<128xi32, #tpu.memory_space<vmem>>) semaphore(%arg22 : memref<!tpu.dma_semaphore, #tpu.memory_space<semaphore_mem>>)
    %dma_wait3A_123 = arith.constant 0 : i32
    %dma_wait3A_124 = arith.constant 0 : i32
    %dma_wait3A_125 = tpu.memref_slice %arg3[%dma_wait3A_123, %dma_wait3A_124] : memref<50000x64xf32, #tpu.memory_space<hbm>> -> memref<50000x64xf32, #tpu.memory_space<hbm>>
    tpu.wait_indirect_dma semaphore(%arg22 : memref<!tpu.dma_semaphore, #tpu.memory_space<semaphore_mem>>) src(%dma_wait3A_125 : memref<50000x64xf32, #tpu.memory_space<hbm>>) dst(%arg18 : memref<128x64xf32, #tpu.memory_space<vmem>>)
    %dma_start3A_126 = arith.constant 0 : i32
    %dma_start3A_127 = arith.constant 0 : i32
    %dma_start3A_128 = tpu.memref_slice %arg4[%dma_start3A_126, %dma_start3A_127] : memref<50000x64xf32, #tpu.memory_space<hbm>> -> memref<50000x64xf32, #tpu.memory_space<hbm>>
    tpu.enqueue_indirect_dma source(%dma_start3A_128 : memref<50000x64xf32, #tpu.memory_space<hbm>>) target(%arg19 : memref<128x64xf32, #tpu.memory_space<vmem>>) offsets(%arg16 : memref<128xi32, #tpu.memory_space<vmem>>) semaphore(%arg22 : memref<!tpu.dma_semaphore, #tpu.memory_space<semaphore_mem>>)
    %dma_wait3A_129 = arith.constant 0 : i32
    %dma_wait3A_130 = arith.constant 0 : i32
    %dma_wait3A_131 = tpu.memref_slice %arg4[%dma_wait3A_129, %dma_wait3A_130] : memref<50000x64xf32, #tpu.memory_space<hbm>> -> memref<50000x64xf32, #tpu.memory_space<hbm>>
    tpu.wait_indirect_dma semaphore(%arg22 : memref<!tpu.dma_semaphore, #tpu.memory_space<semaphore_mem>>) src(%dma_wait3A_131 : memref<50000x64xf32, #tpu.memory_space<hbm>>) dst(%arg19 : memref<128x64xf32, #tpu.memory_space<vmem>>)
    %dma_start3A_132 = arith.constant 0 : i32
    %dma_start3A_133 = arith.constant 0 : i32
    %dma_start3A_134 = tpu.memref_slice %arg5[%dma_start3A_132, %dma_start3A_133] : memref<50000x64xf32, #tpu.memory_space<hbm>> -> memref<50000x64xf32, #tpu.memory_space<hbm>>
    tpu.enqueue_indirect_dma source(%dma_start3A_134 : memref<50000x64xf32, #tpu.memory_space<hbm>>) target(%arg20 : memref<128x64xf32, #tpu.memory_space<vmem>>) offsets(%arg16 : memref<128xi32, #tpu.memory_space<vmem>>) semaphore(%arg22 : memref<!tpu.dma_semaphore, #tpu.memory_space<semaphore_mem>>)
    %dma_wait3A_135 = arith.constant 0 : i32
    %dma_wait3A_136 = arith.constant 0 : i32
    %dma_wait3A_137 = tpu.memref_slice %arg5[%dma_wait3A_135, %dma_wait3A_136] : memref<50000x64xf32, #tpu.memory_space<hbm>> -> memref<50000x64xf32, #tpu.memory_space<hbm>>
    tpu.wait_indirect_dma semaphore(%arg22 : memref<!tpu.dma_semaphore, #tpu.memory_space<semaphore_mem>>) src(%dma_wait3A_137 : memref<50000x64xf32, #tpu.memory_space<hbm>>) dst(%arg20 : memref<128x64xf32, #tpu.memory_space<vmem>>)
    %dma_start3A_138 = arith.constant 0 : i32
    %dma_start3A_139 = arith.constant 0 : i32
    %dma_start3A_140 = tpu.memref_slice %arg6[%dma_start3A_138, %dma_start3A_139] : memref<50000x16xf32, #tpu.memory_space<hbm>> -> memref<50000x16xf32, #tpu.memory_space<hbm>>
    tpu.enqueue_indirect_dma source(%dma_start3A_140 : memref<50000x16xf32, #tpu.memory_space<hbm>>) target(%arg21 : memref<128x16xf32, #tpu.memory_space<vmem>>) offsets(%arg16 : memref<128xi32, #tpu.memory_space<vmem>>) semaphore(%arg22 : memref<!tpu.dma_semaphore, #tpu.memory_space<semaphore_mem>>)
    %dma_wait3A_141 = arith.constant 0 : i32
    %dma_wait3A_142 = arith.constant 0 : i32
    %dma_wait3A_143 = tpu.memref_slice %arg6[%dma_wait3A_141, %dma_wait3A_142] : memref<50000x16xf32, #tpu.memory_space<hbm>> -> memref<50000x16xf32, #tpu.memory_space<hbm>>
    tpu.wait_indirect_dma semaphore(%arg22 : memref<!tpu.dma_semaphore, #tpu.memory_space<semaphore_mem>>) src(%dma_wait3A_143 : memref<50000x16xf32, #tpu.memory_space<hbm>>) dst(%arg21 : memref<128x16xf32, #tpu.memory_space<vmem>>)
    %scan3A_144 = arith.constant 0 : i32
    %scan3A_145 = arith.constant 0 : i32
    %scan3A_146 = arith.constant 128 : i32
    %scan3A_147 = arith.addi %scan3A_145, %scan3A_146 : i32
    %scan3A_148 = arith.constant 1 : i32
    scf.for %scan3A_266 = %scan3A_145 to %scan3A_147 step %scan3A_148  : i32 {
      %get3A_267 = arith.index_cast %scan3A_266 : i32 to index
      %get3A_268 = arith.constant 0 : index
      %get3A_269 = tpu.vector_load %arg21[%get3A_267, %get3A_268] {strides = array<i32>} : memref<128x16xf32, #tpu.memory_space<vmem>>, vector<1x16xf32>,
      %get3A_270 = vector.shape_cast %get3A_269 : vector<1x16xf32> to vector<16xf32>
      %broadcast_in_dim3A = arith.constant 8 : i32
      %broadcast_in_dim3A_271 = vector.broadcast %broadcast_in_dim3A : i32 to vector<16x1xi32>
      %gather3A = vector.shape_cast %broadcast_in_dim3A_271 : vector<16x1xi32> to vector<16xi32>
      %gather3A_272 = tpu.dynamic_gather %get3A_270[%gather3A] in [0] : vector<16xf32>, vector<16xi32> -> vector<16xf32>
      %get3A_273 = arith.index_cast %scan3A_266 : i32 to index
      %get3A_274 = arith.constant 0 : index
      %get3A_275 = tpu.vector_load %arg17[%get3A_273, %get3A_274] {strides = array<i32>} : memref<128x64xf32, #tpu.memory_space<vmem>>, vector<1x16xf32>,
      %get3A_276 = vector.shape_cast %get3A_275 : vector<1x16xf32> to vector<16xf32>
      %get3A_277 = arith.index_cast %scan3A_266 : i32 to index
      %get3A_278 = arith.constant 0 : index
      %get3A_279 = tpu.vector_load %arg18[%get3A_277, %get3A_278] {strides = array<i32>} : memref<128x64xf32, #tpu.memory_space<vmem>>, vector<1x16xf32>,
      %get3A_280 = vector.shape_cast %get3A_279 : vector<1x16xf32> to vector<16xf32>
      %add3A_281 = arith.addf %get3A_276, %get3A_280 : vector<16xf32>
      %get3A_282 = arith.index_cast %scan3A_266 : i32 to index
      %get3A_283 = arith.constant 0 : index
      %get3A_284 = tpu.vector_load %arg19[%get3A_282, %get3A_283] {strides = array<i32>} : memref<128x64xf32, #tpu.memory_space<vmem>>, vector<1x16xf32>,
      %get3A_285 = vector.shape_cast %get3A_284 : vector<1x16xf32> to vector<16xf32>
      %add3A_286 = arith.addf %add3A_281, %get3A_285 : vector<16xf32>
      %get3A_287 = arith.index_cast %scan3A_266 : i32 to index
      %get3A_288 = arith.constant 0 : index
      %get3A_289 = tpu.vector_load %arg20[%get3A_287, %get3A_288] {strides = array<i32>} : memref<128x64xf32, #tpu.memory_space<vmem>>, vector<1x16xf32>,
      %get3A_290 = vector.shape_cast %get3A_289 : vector<1x16xf32> to vector<16xf32>
      %add3A_291 = arith.addf %add3A_286, %get3A_290 : vector<16xf32>
      %mul3A_292 = arith.constant 2.500000e-01 : f32
      %mul3A_293 = vector.broadcast %mul3A_292 : f32 to vector<16xf32>
      %mul3A_294 = arith.mulf %gather3A_272, %mul3A_293 : vector<16xf32>
      %mul3A_295 = arith.mulf %add3A_291, %mul3A_294 : vector<16xf32>
      %swap3A_296 = arith.index_cast %scan3A_266 : i32 to index
      %swap3A_297 = arith.constant 0 : index
      %swap3A_298 = tpu.vector_load %arg18[%swap3A_296, %swap3A_297] {strides = array<i32>} : memref<128x64xf32, #tpu.memory_space<vmem>>, vector<1x16xf32>,
      %swap3A_299 = vector.shape_cast %swap3A_298 : vector<1x16xf32> to vector<16xf32>
      %swap3A_300 = vector.shape_cast %mul3A_295 : vector<16xf32> to vector<1x16xf32>
      tpu.vector_store %arg18[%swap3A_296, %swap3A_297], %swap3A_300 {strides = array<i32>} : memref<128x64xf32, #tpu.memory_space<vmem>>, vector<1x16xf32>,
      %get3A_301 = arith.index_cast %scan3A_266 : i32 to index
      %get3A_302 = arith.constant 0 : index
      %get3A_303 = tpu.vector_load %arg17[%get3A_301, %get3A_302] {strides = array<i32>} : memref<128x64xf32, #tpu.memory_space<vmem>>, vector<1x16xf32>,
      %get3A_304 = vector.shape_cast %get3A_303 : vector<1x16xf32> to vector<16xf32>
      %mul3A_305 = arith.mulf %get3A_304, %gather3A_272 : vector<16xf32>
      %swap3A_306 = arith.index_cast %scan3A_266 : i32 to index
      %swap3A_307 = arith.constant 0 : index
      %swap3A_308 = tpu.vector_load %arg17[%swap3A_306, %swap3A_307] {strides = array<i32>} : memref<128x64xf32, #tpu.memory_space<vmem>>, vector<1x16xf32>,
      %swap3A_309 = vector.shape_cast %swap3A_308 : vector<1x16xf32> to vector<16xf32>
      %swap3A_310 = vector.shape_cast %mul3A_305 : vector<16xf32> to vector<1x16xf32>
      tpu.vector_store %arg17[%swap3A_306, %swap3A_307], %swap3A_310 {strides = array<i32>} : memref<128x64xf32, #tpu.memory_space<vmem>>, vector<1x16xf32>,
      %get3A_311 = arith.index_cast %scan3A_266 : i32 to index
      %get3A_312 = arith.constant 16 : index
      %get3A_313 = tpu.vector_load %arg17[%get3A_311, %get3A_312] {strides = array<i32>} : memref<128x64xf32, #tpu.memory_space<vmem>>, vector<1x16xf32>,
      %get3A_314 = vector.shape_cast %get3A_313 : vector<1x16xf32> to vector<16xf32>
      %get3A_315 = arith.index_cast %scan3A_266 : i32 to index
      %get3A_316 = arith.constant 16 : index
      %get3A_317 = tpu.vector_load %arg18[%get3A_315, %get3A_316] {strides = array<i32>} : memref<128x64xf32, #tpu.memory_space<vmem>>, vector<1x16xf32>,
      %get3A_318 = vector.shape_cast %get3A_317 : vector<1x16xf32> to vector<16xf32>
      %add3A_319 = arith.addf %get3A_314, %get3A_318 : vector<16xf32>
      %get3A_320 = arith.index_cast %scan3A_266 : i32 to index
      %get3A_321 = arith.constant 16 : index
      %get3A_322 = tpu.vector_load %arg19[%get3A_320, %get3A_321] {strides = array<i32>} : memref<128x64xf32, #tpu.memory_space<vmem>>, vector<1x16xf32>,
      %get3A_323 = vector.shape_cast %get3A_322 : vector<1x16xf32> to vector<16xf32>
      %add3A_324 = arith.addf %add3A_319, %get3A_323 : vector<16xf32>
      %get3A_325 = arith.index_cast %scan3A_266 : i32 to index
      %get3A_326 = arith.constant 16 : index
      %get3A_327 = tpu.vector_load %arg20[%get3A_325, %get3A_326] {strides = array<i32>} : memref<128x64xf32, #tpu.memory_space<vmem>>, vector<1x16xf32>,
      %get3A_328 = vector.shape_cast %get3A_327 : vector<1x16xf32> to vector<16xf32>
      %add3A_329 = arith.addf %add3A_324, %get3A_328 : vector<16xf32>
      %mul3A_330 = arith.constant 2.500000e-01 : f32
      %mul3A_331 = vector.broadcast %mul3A_330 : f32 to vector<16xf32>
      %mul3A_332 = arith.mulf %gather3A_272, %mul3A_331 : vector<16xf32>
      %mul3A_333 = arith.mulf %add3A_329, %mul3A_332 : vector<16xf32>
      %swap3A_334 = arith.index_cast %scan3A_266 : i32 to index
      %swap3A_335 = arith.constant 16 : index
      %swap3A_336 = tpu.vector_load %arg18[%swap3A_334, %swap3A_335] {strides = array<i32>} : memref<128x64xf32, #tpu.memory_space<vmem>>, vector<1x16xf32>,
      %swap3A_337 = vector.shape_cast %swap3A_336 : vector<1x16xf32> to vector<16xf32>
      %swap3A_338 = vector.shape_cast %mul3A_333 : vector<16xf32> to vector<1x16xf32>
      tpu.vector_store %arg18[%swap3A_334, %swap3A_335], %swap3A_338 {strides = array<i32>} : memref<128x64xf32, #tpu.memory_space<vmem>>, vector<1x16xf32>,
      %get3A_339 = arith.index_cast %scan3A_266 : i32 to index
      %get3A_340 = arith.constant 16 : index
      %get3A_341 = tpu.vector_load %arg17[%get3A_339, %get3A_340] {strides = array<i32>} : memref<128x64xf32, #tpu.memory_space<vmem>>, vector<1x16xf32>,
      %get3A_342 = vector.shape_cast %get3A_341 : vector<1x16xf32> to vector<16xf32>
      %mul3A_343 = arith.mulf %get3A_342, %gather3A_272 : vector<16xf32>
      %swap3A_344 = arith.index_cast %scan3A_266 : i32 to index
      %swap3A_345 = arith.constant 16 : index
      %swap3A_346 = tpu.vector_load %arg17[%swap3A_344, %swap3A_345] {strides = array<i32>} : memref<128x64xf32, #tpu.memory_space<vmem>>, vector<1x16xf32>,
      %swap3A_347 = vector.shape_cast %swap3A_346 : vector<1x16xf32> to vector<16xf32>
      %swap3A_348 = vector.shape_cast %mul3A_343 : vector<16xf32> to vector<1x16xf32>
      tpu.vector_store %arg17[%swap3A_344, %swap3A_345], %swap3A_348 {strides = array<i32>} : memref<128x64xf32, #tpu.memory_space<vmem>>, vector<1x16xf32>,
      %get3A_349 = arith.index_cast %scan3A_266 : i32 to index
      %get3A_350 = arith.constant 32 : index
      %get3A_351 = tpu.vector_load %arg17[%get3A_349, %get3A_350] {strides = array<i32>} : memref<128x64xf32, #tpu.memory_space<vmem>>, vector<1x16xf32>,
      %get3A_352 = vector.shape_cast %get3A_351 : vector<1x16xf32> to vector<16xf32>
      %get3A_353 = arith.index_cast %scan3A_266 : i32 to index
      %get3A_354 = arith.constant 32 : index
      %get3A_355 = tpu.vector_load %arg18[%get3A_353, %get3A_354] {strides = array<i32>} : memref<128x64xf32, #tpu.memory_space<vmem>>, vector<1x16xf32>,
      %get3A_356 = vector.shape_cast %get3A_355 : vector<1x16xf32> to vector<16xf32>
      %add3A_357 = arith.addf %get3A_352, %get3A_356 : vector<16xf32>
      %get3A_358 = arith.index_cast %scan3A_266 : i32 to index
      %get3A_359 = arith.constant 32 : index
      %get3A_360 = tpu.vector_load %arg19[%get3A_358, %get3A_359] {strides = array<i32>} : memref<128x64xf32, #tpu.memory_space<vmem>>, vector<1x16xf32>,
      %get3A_361 = vector.shape_cast %get3A_360 : vector<1x16xf32> to vector<16xf32>
      %add3A_362 = arith.addf %add3A_357, %get3A_361 : vector<16xf32>
      %get3A_363 = arith.index_cast %scan3A_266 : i32 to index
      %get3A_364 = arith.constant 32 : index
      %get3A_365 = tpu.vector_load %arg20[%get3A_363, %get3A_364] {strides = array<i32>} : memref<128x64xf32, #tpu.memory_space<vmem>>, vector<1x16xf32>,
      %get3A_366 = vector.shape_cast %get3A_365 : vector<1x16xf32> to vector<16xf32>
      %add3A_367 = arith.addf %add3A_362, %get3A_366 : vector<16xf32>
      %mul3A_368 = arith.constant 2.500000e-01 : f32
      %mul3A_369 = vector.broadcast %mul3A_368 : f32 to vector<16xf32>
      %mul3A_370 = arith.mulf %gather3A_272, %mul3A_369 : vector<16xf32>
      %mul3A_371 = arith.mulf %add3A_367, %mul3A_370 : vector<16xf32>
      %swap3A_372 = arith.index_cast %scan3A_266 : i32 to index
      %swap3A_373 = arith.constant 32 : index
      %swap3A_374 = tpu.vector_load %arg18[%swap3A_372, %swap3A_373] {strides = array<i32>} : memref<128x64xf32, #tpu.memory_space<vmem>>, vector<1x16xf32>,
      %swap3A_375 = vector.shape_cast %swap3A_374 : vector<1x16xf32> to vector<16xf32>
      %swap3A_376 = vector.shape_cast %mul3A_371 : vector<16xf32> to vector<1x16xf32>
      tpu.vector_store %arg18[%swap3A_372, %swap3A_373], %swap3A_376 {strides = array<i32>} : memref<128x64xf32, #tpu.memory_space<vmem>>, vector<1x16xf32>,
      %get3A_377 = arith.index_cast %scan3A_266 : i32 to index
      %get3A_378 = arith.constant 32 : index
      %get3A_379 = tpu.vector_load %arg17[%get3A_377, %get3A_378] {strides = array<i32>} : memref<128x64xf32, #tpu.memory_space<vmem>>, vector<1x16xf32>,
      %get3A_380 = vector.shape_cast %get3A_379 : vector<1x16xf32> to vector<16xf32>
      %mul3A_381 = arith.mulf %get3A_380, %gather3A_272 : vector<16xf32>
      %swap3A_382 = arith.index_cast %scan3A_266 : i32 to index
      %swap3A_383 = arith.constant 32 : index
      %swap3A_384 = tpu.vector_load %arg17[%swap3A_382, %swap3A_383] {strides = array<i32>} : memref<128x64xf32, #tpu.memory_space<vmem>>, vector<1x16xf32>,
      %swap3A_385 = vector.shape_cast %swap3A_384 : vector<1x16xf32> to vector<16xf32>
      %swap3A_386 = vector.shape_cast %mul3A_381 : vector<16xf32> to vector<1x16xf32>
      tpu.vector_store %arg17[%swap3A_382, %swap3A_383], %swap3A_386 {strides = array<i32>} : memref<128x64xf32, #tpu.memory_space<vmem>>, vector<1x16xf32>,
      %get3A_387 = arith.index_cast %scan3A_266 : i32 to index
      %get3A_388 = arith.constant 48 : index
      %get3A_389 = tpu.vector_load %arg17[%get3A_387, %get3A_388] {strides = array<i32>} : memref<128x64xf32, #tpu.memory_space<vmem>>, vector<1x16xf32>,
      %get3A_390 = vector.shape_cast %get3A_389 : vector<1x16xf32> to vector<16xf32>
      %get3A_391 = arith.index_cast %scan3A_266 : i32 to index
      %get3A_392 = arith.constant 48 : index
      %get3A_393 = tpu.vector_load %arg18[%get3A_391, %get3A_392] {strides = array<i32>} : memref<128x64xf32, #tpu.memory_space<vmem>>, vector<1x16xf32>,
      %get3A_394 = vector.shape_cast %get3A_393 : vector<1x16xf32> to vector<16xf32>
      %add3A_395 = arith.addf %get3A_390, %get3A_394 : vector<16xf32>
      %get3A_396 = arith.index_cast %scan3A_266 : i32 to index
      %get3A_397 = arith.constant 48 : index
      %get3A_398 = tpu.vector_load %arg19[%get3A_396, %get3A_397] {strides = array<i32>} : memref<128x64xf32, #tpu.memory_space<vmem>>, vector<1x16xf32>,
      %get3A_399 = vector.shape_cast %get3A_398 : vector<1x16xf32> to vector<16xf32>
      %add3A_400 = arith.addf %add3A_395, %get3A_399 : vector<16xf32>
      %get3A_401 = arith.index_cast %scan3A_266 : i32 to index
      %get3A_402 = arith.constant 48 : index
      %get3A_403 = tpu.vector_load %arg20[%get3A_401, %get3A_402] {strides = array<i32>} : memref<128x64xf32, #tpu.memory_space<vmem>>, vector<1x16xf32>,
      %get3A_404 = vector.shape_cast %get3A_403 : vector<1x16xf32> to vector<16xf32>
      %add3A_405 = arith.addf %add3A_400, %get3A_404 : vector<16xf32>
      %mul3A_406 = arith.constant 2.500000e-01 : f32
      %mul3A_407 = vector.broadcast %mul3A_406 : f32 to vector<16xf32>
      %mul3A_408 = arith.mulf %gather3A_272, %mul3A_407 : vector<16xf32>
      %mul3A_409 = arith.mulf %add3A_405, %mul3A_408 : vector<16xf32>
      %swap3A_410 = arith.index_cast %scan3A_266 : i32 to index
      %swap3A_411 = arith.constant 48 : index
      %swap3A_412 = tpu.vector_load %arg18[%swap3A_410, %swap3A_411] {strides = array<i32>} : memref<128x64xf32, #tpu.memory_space<vmem>>, vector<1x16xf32>,
      %swap3A_413 = vector.shape_cast %swap3A_412 : vector<1x16xf32> to vector<16xf32>
      %swap3A_414 = vector.shape_cast %mul3A_409 : vector<16xf32> to vector<1x16xf32>
      tpu.vector_store %arg18[%swap3A_410, %swap3A_411], %swap3A_414 {strides = array<i32>} : memref<128x64xf32, #tpu.memory_space<vmem>>, vector<1x16xf32>,
      %get3A_415 = arith.index_cast %scan3A_266 : i32 to index
      %get3A_416 = arith.constant 48 : index
      %get3A_417 = tpu.vector_load %arg17[%get3A_415, %get3A_416] {strides = array<i32>} : memref<128x64xf32, #tpu.memory_space<vmem>>, vector<1x16xf32>,
      %get3A_418 = vector.shape_cast %get3A_417 : vector<1x16xf32> to vector<16xf32>
      %mul3A_419 = arith.mulf %get3A_418, %gather3A_272 : vector<16xf32>
      %swap3A_420 = arith.index_cast %scan3A_266 : i32 to index
      %swap3A_421 = arith.constant 48 : index
      %swap3A_422 = tpu.vector_load %arg17[%swap3A_420, %swap3A_421] {strides = array<i32>} : memref<128x64xf32, #tpu.memory_space<vmem>>, vector<1x16xf32>,
      %swap3A_423 = vector.shape_cast %swap3A_422 : vector<1x16xf32> to vector<16xf32>
      %swap3A_424 = vector.shape_cast %mul3A_419 : vector<16xf32> to vector<1x16xf32>
      tpu.vector_store %arg17[%swap3A_420, %swap3A_421], %swap3A_424 {strides = array<i32>} : memref<128x64xf32, #tpu.memory_space<vmem>>, vector<1x16xf32>,
    }
    %scan3A_149 = arith.constant 128 : i32
    "tpu.region"() ({
      %run_scoped3A = tpu.sem_alloc : memref<!tpu.dma_semaphore, #tpu.memory_space<semaphore_mem>>
      %dma_start3A_266 = arith.constant 0 : i32
      %dma_start3A_267 = tpu.memref_slice %arg14[%mul3A_2, %dma_start3A_266] : memref<4096x64xf32, #tpu.memory_space<hbm>> -> memref<128x64xf32, #tpu.memory_space<hbm>>
      %dma_start3A_268 = arith.constant 0 : i32
      %dma_start3A_269 = tpu.memref_slice %arg14[%mul3A_2, %dma_start3A_268] : memref<4096x64xf32, #tpu.memory_space<hbm>> -> memref<128x64xf32, #tpu.memory_space<hbm>>
      tpu.enqueue_dma source(%arg17 : memref<128x64xf32, #tpu.memory_space<vmem>>) target(%dma_start3A_269 : memref<128x64xf32, #tpu.memory_space<hbm>>) target_semaphore(%run_scoped3A : memref<!tpu.dma_semaphore, #tpu.memory_space<semaphore_mem>>)
      %dma_wait3A_270 = arith.constant 0 : i32
      %dma_wait3A_271 = tpu.memref_slice %arg14[%mul3A_2, %dma_wait3A_270] : memref<4096x64xf32, #tpu.memory_space<hbm>> -> memref<128x64xf32, #tpu.memory_space<hbm>>
      %dma_wait3A_272 = arith.constant 0 : i32
      %dma_wait3A_273 = tpu.memref_slice %arg14[%mul3A_2, %dma_wait3A_272] : memref<4096x64xf32, #tpu.memory_space<hbm>> -> memref<128x64xf32, #tpu.memory_space<hbm>>
      tpu.wait_dma2 semaphore(%run_scoped3A : memref<!tpu.dma_semaphore, #tpu.memory_space<semaphore_mem>>) src(%arg17 : memref<128x64xf32, #tpu.memory_space<vmem>>) dst(%dma_wait3A_273 : memref<128x64xf32, #tpu.memory_space<hbm>>)
      tpu.yield
    }) : () -> ()
    "tpu.region"() ({
      %run_scoped3A = tpu.sem_alloc : memref<!tpu.dma_semaphore, #tpu.memory_space<semaphore_mem>>
      %dma_start3A_266 = arith.constant 0 : i32
      %dma_start3A_267 = tpu.memref_slice %arg11[%mul3A_2, %dma_start3A_266] : memref<4096x64xf32, #tpu.memory_space<hbm>> -> memref<128x64xf32, #tpu.memory_space<hbm>>
      %dma_start3A_268 = arith.constant 0 : i32
      %dma_start3A_269 = tpu.memref_slice %arg11[%mul3A_2, %dma_start3A_268] : memref<4096x64xf32, #tpu.memory_space<hbm>> -> memref<128x64xf32, #tpu.memory_space<hbm>>
      tpu.enqueue_dma source(%arg18 : memref<128x64xf32, #tpu.memory_space<vmem>>) target(%dma_start3A_269 : memref<128x64xf32, #tpu.memory_space<hbm>>) target_semaphore(%run_scoped3A : memref<!tpu.dma_semaphore, #tpu.memory_space<semaphore_mem>>)
      %dma_wait3A_270 = arith.constant 0 : i32
      %dma_wait3A_271 = tpu.memref_slice %arg11[%mul3A_2, %dma_wait3A_270] : memref<4096x64xf32, #tpu.memory_space<hbm>> -> memref<128x64xf32, #tpu.memory_space<hbm>>
      %dma_wait3A_272 = arith.constant 0 : i32
      %dma_wait3A_273 = tpu.memref_slice %arg11[%mul3A_2, %dma_wait3A_272] : memref<4096x64xf32, #tpu.memory_space<hbm>> -> memref<128x64xf32, #tpu.memory_space<hbm>>
      tpu.wait_dma2 semaphore(%run_scoped3A : memref<!tpu.dma_semaphore, #tpu.memory_space<semaphore_mem>>) src(%arg18 : memref<128x64xf32, #tpu.memory_space<vmem>>) dst(%dma_wait3A_273 : memref<128x64xf32, #tpu.memory_space<hbm>>)
      tpu.yield
    }) : () -> ()
    "tpu.region"() ({
      %run_scoped3A = tpu.sem_alloc : memref<!tpu.dma_semaphore, #tpu.memory_space<semaphore_mem>>
      %dma_start3A_266 = tpu.memref_slice %arg9[%mul3A_2] : memref<4096xi32, #tpu.memory_space<hbm>> -> memref<128xi32, #tpu.memory_space<hbm>>
      %dma_start3A_267 = tpu.memref_slice %arg9[%mul3A_2] : memref<4096xi32, #tpu.memory_space<hbm>> -> memref<128xi32, #tpu.memory_space<hbm>>
      tpu.enqueue_dma source(%dma_start3A_267 : memref<128xi32, #tpu.memory_space<hbm>>) target(%arg16 : memref<128xi32, #tpu.memory_space<vmem>>) target_semaphore(%run_scoped3A : memref<!tpu.dma_semaphore, #tpu.memory_space<semaphore_mem>>)
      %dma_wait3A_268 = tpu.memref_slice %arg9[%mul3A_2] : memref<4096xi32, #tpu.memory_space<hbm>> -> memref<128xi32, #tpu.memory_space<hbm>>
      %dma_wait3A_269 = tpu.memref_slice %arg9[%mul3A_2] : memref<4096xi32, #tpu.memory_space<hbm>> -> memref<128xi32, #tpu.memory_space<hbm>>
      tpu.wait_dma2 semaphore(%run_scoped3A : memref<!tpu.dma_semaphore, #tpu.memory_space<semaphore_mem>>) src(%dma_wait3A_269 : memref<128xi32, #tpu.memory_space<hbm>>) dst(%arg16 : memref<128xi32, #tpu.memory_space<vmem>>)
      tpu.yield
    }) : () -> ()
    %get3A_150 = arith.constant 0 : index
    %get3A_151 = tpu.vector_load %arg16[%get3A_150] {strides = array<i32>} : memref<128xi32, #tpu.memory_space<vmem>>, vector<16xi32>,
    %get3A_152 = vector.shape_cast %get3A_151 : vector<16xi32> to vector<16xi32>
    %add3A_153 = arith.constant 25000 : i32
    %add3A_154 = vector.broadcast %add3A_153 : i32 to vector<16xi32>
    %add3A_155 = arith.addi %get3A_152, %add3A_154 : vector<16xi32>
    %swap3A_156 = arith.constant 0 : index
    %swap3A_157 = tpu.vector_load %arg16[%swap3A_156] {strides = array<i32>} : memref<128xi32, #tpu.memory_space<vmem>>, vector<16xi32>,
    %swap3A_158 = vector.shape_cast %swap3A_157 : vector<16xi32> to vector<16xi32>
    %swap3A_159 = vector.shape_cast %add3A_155 : vector<16xi32> to vector<16xi32>
    tpu.vector_store %arg16[%swap3A_156], %swap3A_159 {strides = array<i32>} : memref<128xi32, #tpu.memory_space<vmem>>, vector<16xi32>,
    %get3A_160 = arith.constant 16 : index
    %get3A_161 = tpu.vector_load %arg16[%get3A_160] {strides = array<i32>} : memref<128xi32, #tpu.memory_space<vmem>>, vector<16xi32>,
    %get3A_162 = vector.shape_cast %get3A_161 : vector<16xi32> to vector<16xi32>
    %add3A_163 = arith.constant 25000 : i32
    %add3A_164 = vector.broadcast %add3A_163 : i32 to vector<16xi32>
    %add3A_165 = arith.addi %get3A_162, %add3A_164 : vector<16xi32>
    %swap3A_166 = arith.constant 16 : index
    %swap3A_167 = tpu.vector_load %arg16[%swap3A_166] {strides = array<i32>} : memref<128xi32, #tpu.memory_space<vmem>>, vector<16xi32>,
    %swap3A_168 = vector.shape_cast %swap3A_167 : vector<16xi32> to vector<16xi32>
    %swap3A_169 = vector.shape_cast %add3A_165 : vector<16xi32> to vector<16xi32>
    tpu.vector_store %arg16[%swap3A_166], %swap3A_169 {strides = array<i32>} : memref<128xi32, #tpu.memory_space<vmem>>, vector<16xi32>,
    %get3A_170 = arith.constant 32 : index
    %get3A_171 = tpu.vector_load %arg16[%get3A_170] {strides = array<i32>} : memref<128xi32, #tpu.memory_space<vmem>>, vector<16xi32>,
    %get3A_172 = vector.shape_cast %get3A_171 : vector<16xi32> to vector<16xi32>
    %add3A_173 = arith.constant 25000 : i32
    %add3A_174 = vector.broadcast %add3A_173 : i32 to vector<16xi32>
    %add3A_175 = arith.addi %get3A_172, %add3A_174 : vector<16xi32>
    %swap3A_176 = arith.constant 32 : index
    %swap3A_177 = tpu.vector_load %arg16[%swap3A_176] {strides = array<i32>} : memref<128xi32, #tpu.memory_space<vmem>>, vector<16xi32>,
    %swap3A_178 = vector.shape_cast %swap3A_177 : vector<16xi32> to vector<16xi32>
    %swap3A_179 = vector.shape_cast %add3A_175 : vector<16xi32> to vector<16xi32>
    tpu.vector_store %arg16[%swap3A_176], %swap3A_179 {strides = array<i32>} : memref<128xi32, #tpu.memory_space<vmem>>, vector<16xi32>,
    %get3A_180 = arith.constant 48 : index
    %get3A_181 = tpu.vector_load %arg16[%get3A_180] {strides = array<i32>} : memref<128xi32, #tpu.memory_space<vmem>>, vector<16xi32>,
    %get3A_182 = vector.shape_cast %get3A_181 : vector<16xi32> to vector<16xi32>
    %add3A_183 = arith.constant 25000 : i32
    %add3A_184 = vector.broadcast %add3A_183 : i32 to vector<16xi32>
    %add3A_185 = arith.addi %get3A_182, %add3A_184 : vector<16xi32>
    %swap3A_186 = arith.constant 48 : index
    %swap3A_187 = tpu.vector_load %arg16[%swap3A_186] {strides = array<i32>} : memref<128xi32, #tpu.memory_space<vmem>>, vector<16xi32>,
    %swap3A_188 = vector.shape_cast %swap3A_187 : vector<16xi32> to vector<16xi32>
    %swap3A_189 = vector.shape_cast %add3A_185 : vector<16xi32> to vector<16xi32>
    tpu.vector_store %arg16[%swap3A_186], %swap3A_189 {strides = array<i32>} : memref<128xi32, #tpu.memory_space<vmem>>, vector<16xi32>,
    %get3A_190 = arith.constant 64 : index
    %get3A_191 = tpu.vector_load %arg16[%get3A_190] {strides = array<i32>} : memref<128xi32, #tpu.memory_space<vmem>>, vector<16xi32>,
    %get3A_192 = vector.shape_cast %get3A_191 : vector<16xi32> to vector<16xi32>
    %add3A_193 = arith.constant 25000 : i32
    %add3A_194 = vector.broadcast %add3A_193 : i32 to vector<16xi32>
    %add3A_195 = arith.addi %get3A_192, %add3A_194 : vector<16xi32>
    %swap3A_196 = arith.constant 64 : index
    %swap3A_197 = tpu.vector_load %arg16[%swap3A_196] {strides = array<i32>} : memref<128xi32, #tpu.memory_space<vmem>>, vector<16xi32>,
    %swap3A_198 = vector.shape_cast %swap3A_197 : vector<16xi32> to vector<16xi32>
    %swap3A_199 = vector.shape_cast %add3A_195 : vector<16xi32> to vector<16xi32>
    tpu.vector_store %arg16[%swap3A_196], %swap3A_199 {strides = array<i32>} : memref<128xi32, #tpu.memory_space<vmem>>, vector<16xi32>,
    %get3A_200 = arith.constant 80 : index
    %get3A_201 = tpu.vector_load %arg16[%get3A_200] {strides = array<i32>} : memref<128xi32, #tpu.memory_space<vmem>>, vector<16xi32>,
    %get3A_202 = vector.shape_cast %get3A_201 : vector<16xi32> to vector<16xi32>
    %add3A_203 = arith.constant 25000 : i32
    %add3A_204 = vector.broadcast %add3A_203 : i32 to vector<16xi32>
    %add3A_205 = arith.addi %get3A_202, %add3A_204 : vector<16xi32>
    %swap3A_206 = arith.constant 80 : index
    %swap3A_207 = tpu.vector_load %arg16[%swap3A_206] {strides = array<i32>} : memref<128xi32, #tpu.memory_space<vmem>>, vector<16xi32>,
    %swap3A_208 = vector.shape_cast %swap3A_207 : vector<16xi32> to vector<16xi32>
    %swap3A_209 = vector.shape_cast %add3A_205 : vector<16xi32> to vector<16xi32>
    tpu.vector_store %arg16[%swap3A_206], %swap3A_209 {strides = array<i32>} : memref<128xi32, #tpu.memory_space<vmem>>, vector<16xi32>,
    %get3A_210 = arith.constant 96 : index
    %get3A_211 = tpu.vector_load %arg16[%get3A_210] {strides = array<i32>} : memref<128xi32, #tpu.memory_space<vmem>>, vector<16xi32>,
    %get3A_212 = vector.shape_cast %get3A_211 : vector<16xi32> to vector<16xi32>
    %add3A_213 = arith.constant 25000 : i32
    %add3A_214 = vector.broadcast %add3A_213 : i32 to vector<16xi32>
    %add3A_215 = arith.addi %get3A_212, %add3A_214 : vector<16xi32>
    %swap3A_216 = arith.constant 96 : index
    %swap3A_217 = tpu.vector_load %arg16[%swap3A_216] {strides = array<i32>} : memref<128xi32, #tpu.memory_space<vmem>>, vector<16xi32>,
    %swap3A_218 = vector.shape_cast %swap3A_217 : vector<16xi32> to vector<16xi32>
    %swap3A_219 = vector.shape_cast %add3A_215 : vector<16xi32> to vector<16xi32>
    tpu.vector_store %arg16[%swap3A_216], %swap3A_219 {strides = array<i32>} : memref<128xi32, #tpu.memory_space<vmem>>, vector<16xi32>,
    %get3A_220 = arith.constant 112 : index
    %get3A_221 = tpu.vector_load %arg16[%get3A_220] {strides = array<i32>} : memref<128xi32, #tpu.memory_space<vmem>>, vector<16xi32>,
    %get3A_222 = vector.shape_cast %get3A_221 : vector<16xi32> to vector<16xi32>
    %add3A_223 = arith.constant 25000 : i32
    %add3A_224 = vector.broadcast %add3A_223 : i32 to vector<16xi32>
    %add3A_225 = arith.addi %get3A_222, %add3A_224 : vector<16xi32>
    %swap3A_226 = arith.constant 112 : index
    %swap3A_227 = tpu.vector_load %arg16[%swap3A_226] {strides = array<i32>} : memref<128xi32, #tpu.memory_space<vmem>>, vector<16xi32>,
    %swap3A_228 = vector.shape_cast %swap3A_227 : vector<16xi32> to vector<16xi32>
    %swap3A_229 = vector.shape_cast %add3A_225 : vector<16xi32> to vector<16xi32>
    tpu.vector_store %arg16[%swap3A_226], %swap3A_229 {strides = array<i32>} : memref<128xi32, #tpu.memory_space<vmem>>, vector<16xi32>,
    %dma_start3A_230 = arith.constant 0 : i32
    %dma_start3A_231 = arith.constant 0 : i32
    %dma_start3A_232 = tpu.memref_slice %arg2[%dma_start3A_230, %dma_start3A_231] : memref<50000x64xf32, #tpu.memory_space<hbm>> -> memref<50000x64xf32, #tpu.memory_space<hbm>>
    tpu.enqueue_indirect_dma source(%dma_start3A_232 : memref<50000x64xf32, #tpu.memory_space<hbm>>) target(%arg17 : memref<128x64xf32, #tpu.memory_space<vmem>>) offsets(%arg16 : memref<128xi32, #tpu.memory_space<vmem>>) semaphore(%arg22 : memref<!tpu.dma_semaphore, #tpu.memory_space<semaphore_mem>>)
    %dma_wait3A_233 = arith.constant 0 : i32
    %dma_wait3A_234 = arith.constant 0 : i32
    %dma_wait3A_235 = tpu.memref_slice %arg2[%dma_wait3A_233, %dma_wait3A_234] : memref<50000x64xf32, #tpu.memory_space<hbm>> -> memref<50000x64xf32, #tpu.memory_space<hbm>>
    tpu.wait_indirect_dma semaphore(%arg22 : memref<!tpu.dma_semaphore, #tpu.memory_space<semaphore_mem>>) src(%dma_wait3A_235 : memref<50000x64xf32, #tpu.memory_space<hbm>>) dst(%arg17 : memref<128x64xf32, #tpu.memory_space<vmem>>)
    %dma_start3A_236 = arith.constant 0 : i32
    %dma_start3A_237 = arith.constant 0 : i32
    %dma_start3A_238 = tpu.memref_slice %arg3[%dma_start3A_236, %dma_start3A_237] : memref<50000x64xf32, #tpu.memory_space<hbm>> -> memref<50000x64xf32, #tpu.memory_space<hbm>>
    tpu.enqueue_indirect_dma source(%dma_start3A_238 : memref<50000x64xf32, #tpu.memory_space<hbm>>) target(%arg18 : memref<128x64xf32, #tpu.memory_space<vmem>>) offsets(%arg16 : memref<128xi32, #tpu.memory_space<vmem>>) semaphore(%arg22 : memref<!tpu.dma_semaphore, #tpu.memory_space<semaphore_mem>>)
    %dma_wait3A_239 = arith.constant 0 : i32
    %dma_wait3A_240 = arith.constant 0 : i32
    %dma_wait3A_241 = tpu.memref_slice %arg3[%dma_wait3A_239, %dma_wait3A_240] : memref<50000x64xf32, #tpu.memory_space<hbm>> -> memref<50000x64xf32, #tpu.memory_space<hbm>>
    tpu.wait_indirect_dma semaphore(%arg22 : memref<!tpu.dma_semaphore, #tpu.memory_space<semaphore_mem>>) src(%dma_wait3A_241 : memref<50000x64xf32, #tpu.memory_space<hbm>>) dst(%arg18 : memref<128x64xf32, #tpu.memory_space<vmem>>)
    %dma_start3A_242 = arith.constant 0 : i32
    %dma_start3A_243 = arith.constant 0 : i32
    %dma_start3A_244 = tpu.memref_slice %arg4[%dma_start3A_242, %dma_start3A_243] : memref<50000x64xf32, #tpu.memory_space<hbm>> -> memref<50000x64xf32, #tpu.memory_space<hbm>>
    tpu.enqueue_indirect_dma source(%dma_start3A_244 : memref<50000x64xf32, #tpu.memory_space<hbm>>) target(%arg19 : memref<128x64xf32, #tpu.memory_space<vmem>>) offsets(%arg16 : memref<128xi32, #tpu.memory_space<vmem>>) semaphore(%arg22 : memref<!tpu.dma_semaphore, #tpu.memory_space<semaphore_mem>>)
    %dma_wait3A_245 = arith.constant 0 : i32
    %dma_wait3A_246 = arith.constant 0 : i32
    %dma_wait3A_247 = tpu.memref_slice %arg4[%dma_wait3A_245, %dma_wait3A_246] : memref<50000x64xf32, #tpu.memory_space<hbm>> -> memref<50000x64xf32, #tpu.memory_space<hbm>>
    tpu.wait_indirect_dma semaphore(%arg22 : memref<!tpu.dma_semaphore, #tpu.memory_space<semaphore_mem>>) src(%dma_wait3A_247 : memref<50000x64xf32, #tpu.memory_space<hbm>>) dst(%arg19 : memref<128x64xf32, #tpu.memory_space<vmem>>)
    %dma_start3A_248 = arith.constant 0 : i32
    %dma_start3A_249 = arith.constant 0 : i32
    %dma_start3A_250 = tpu.memref_slice %arg5[%dma_start3A_248, %dma_start3A_249] : memref<50000x64xf32, #tpu.memory_space<hbm>> -> memref<50000x64xf32, #tpu.memory_space<hbm>>
    tpu.enqueue_indirect_dma source(%dma_start3A_250 : memref<50000x64xf32, #tpu.memory_space<hbm>>) target(%arg20 : memref<128x64xf32, #tpu.memory_space<vmem>>) offsets(%arg16 : memref<128xi32, #tpu.memory_space<vmem>>) semaphore(%arg22 : memref<!tpu.dma_semaphore, #tpu.memory_space<semaphore_mem>>)
    %dma_wait3A_251 = arith.constant 0 : i32
    %dma_wait3A_252 = arith.constant 0 : i32
    %dma_wait3A_253 = tpu.memref_slice %arg5[%dma_wait3A_251, %dma_wait3A_252] : memref<50000x64xf32, #tpu.memory_space<hbm>> -> memref<50000x64xf32, #tpu.memory_space<hbm>>
    tpu.wait_indirect_dma semaphore(%arg22 : memref<!tpu.dma_semaphore, #tpu.memory_space<semaphore_mem>>) src(%dma_wait3A_253 : memref<50000x64xf32, #tpu.memory_space<hbm>>) dst(%arg20 : memref<128x64xf32, #tpu.memory_space<vmem>>)
    %dma_start3A_254 = arith.constant 0 : i32
    %dma_start3A_255 = arith.constant 0 : i32
    %dma_start3A_256 = tpu.memref_slice %arg6[%dma_start3A_254, %dma_start3A_255] : memref<50000x16xf32, #tpu.memory_space<hbm>> -> memref<50000x16xf32, #tpu.memory_space<hbm>>
    tpu.enqueue_indirect_dma source(%dma_start3A_256 : memref<50000x16xf32, #tpu.memory_space<hbm>>) target(%arg21 : memref<128x16xf32, #tpu.memory_space<vmem>>) offsets(%arg16 : memref<128xi32, #tpu.memory_space<vmem>>) semaphore(%arg22 : memref<!tpu.dma_semaphore, #tpu.memory_space<semaphore_mem>>)
    %dma_wait3A_257 = arith.constant 0 : i32
    %dma_wait3A_258 = arith.constant 0 : i32
    %dma_wait3A_259 = tpu.memref_slice %arg6[%dma_wait3A_257, %dma_wait3A_258] : memref<50000x16xf32, #tpu.memory_space<hbm>> -> memref<50000x16xf32, #tpu.memory_space<hbm>>
    tpu.wait_indirect_dma semaphore(%arg22 : memref<!tpu.dma_semaphore, #tpu.memory_space<semaphore_mem>>) src(%dma_wait3A_259 : memref<50000x16xf32, #tpu.memory_space<hbm>>) dst(%arg21 : memref<128x16xf32, #tpu.memory_space<vmem>>)
    %scan3A_260 = arith.constant 0 : i32
    %scan3A_261 = arith.constant 0 : i32
    %scan3A_262 = arith.constant 128 : i32
    %scan3A_263 = arith.addi %scan3A_261, %scan3A_262 : i32
    %scan3A_264 = arith.constant 1 : i32
    scf.for %scan3A_266 = %scan3A_261 to %scan3A_263 step %scan3A_264  : i32 {
      %get3A_267 = arith.index_cast %scan3A_266 : i32 to index
      %get3A_268 = arith.constant 0 : index
      %get3A_269 = tpu.vector_load %arg21[%get3A_267, %get3A_268] {strides = array<i32>} : memref<128x16xf32, #tpu.memory_space<vmem>>, vector<1x16xf32>,
      %get3A_270 = vector.shape_cast %get3A_269 : vector<1x16xf32> to vector<16xf32>
      %broadcast_in_dim3A = arith.constant 8 : i32
      %broadcast_in_dim3A_271 = vector.broadcast %broadcast_in_dim3A : i32 to vector<16x1xi32>
      %gather3A = vector.shape_cast %broadcast_in_dim3A_271 : vector<16x1xi32> to vector<16xi32>
      %gather3A_272 = tpu.dynamic_gather %get3A_270[%gather3A] in [0] : vector<16xf32>, vector<16xi32> -> vector<16xf32>
      %get3A_273 = arith.index_cast %scan3A_266 : i32 to index
      %get3A_274 = arith.constant 0 : index
      %get3A_275 = tpu.vector_load %arg17[%get3A_273, %get3A_274] {strides = array<i32>} : memref<128x64xf32, #tpu.memory_space<vmem>>, vector<1x16xf32>,
      %get3A_276 = vector.shape_cast %get3A_275 : vector<1x16xf32> to vector<16xf32>
      %get3A_277 = arith.index_cast %scan3A_266 : i32 to index
      %get3A_278 = arith.constant 0 : index
      %get3A_279 = tpu.vector_load %arg18[%get3A_277, %get3A_278] {strides = array<i32>} : memref<128x64xf32, #tpu.memory_space<vmem>>, vector<1x16xf32>,
      %get3A_280 = vector.shape_cast %get3A_279 : vector<1x16xf32> to vector<16xf32>
      %add3A_281 = arith.addf %get3A_276, %get3A_280 : vector<16xf32>
      %get3A_282 = arith.index_cast %scan3A_266 : i32 to index
      %get3A_283 = arith.constant 0 : index
      %get3A_284 = tpu.vector_load %arg19[%get3A_282, %get3A_283] {strides = array<i32>} : memref<128x64xf32, #tpu.memory_space<vmem>>, vector<1x16xf32>,
      %get3A_285 = vector.shape_cast %get3A_284 : vector<1x16xf32> to vector<16xf32>
      %add3A_286 = arith.addf %add3A_281, %get3A_285 : vector<16xf32>
      %get3A_287 = arith.index_cast %scan3A_266 : i32 to index
      %get3A_288 = arith.constant 0 : index
      %get3A_289 = tpu.vector_load %arg20[%get3A_287, %get3A_288] {strides = array<i32>} : memref<128x64xf32, #tpu.memory_space<vmem>>, vector<1x16xf32>,
      %get3A_290 = vector.shape_cast %get3A_289 : vector<1x16xf32> to vector<16xf32>
      %add3A_291 = arith.addf %add3A_286, %get3A_290 : vector<16xf32>
      %mul3A_292 = arith.constant 2.500000e-01 : f32
      %mul3A_293 = vector.broadcast %mul3A_292 : f32 to vector<16xf32>
      %mul3A_294 = arith.mulf %gather3A_272, %mul3A_293 : vector<16xf32>
      %mul3A_295 = arith.mulf %add3A_291, %mul3A_294 : vector<16xf32>
      %swap3A_296 = arith.index_cast %scan3A_266 : i32 to index
      %swap3A_297 = arith.constant 0 : index
      %swap3A_298 = tpu.vector_load %arg18[%swap3A_296, %swap3A_297] {strides = array<i32>} : memref<128x64xf32, #tpu.memory_space<vmem>>, vector<1x16xf32>,
      %swap3A_299 = vector.shape_cast %swap3A_298 : vector<1x16xf32> to vector<16xf32>
      %swap3A_300 = vector.shape_cast %mul3A_295 : vector<16xf32> to vector<1x16xf32>
      tpu.vector_store %arg18[%swap3A_296, %swap3A_297], %swap3A_300 {strides = array<i32>} : memref<128x64xf32, #tpu.memory_space<vmem>>, vector<1x16xf32>,
      %get3A_301 = arith.index_cast %scan3A_266 : i32 to index
      %get3A_302 = arith.constant 0 : index
      %get3A_303 = tpu.vector_load %arg17[%get3A_301, %get3A_302] {strides = array<i32>} : memref<128x64xf32, #tpu.memory_space<vmem>>, vector<1x16xf32>,
      %get3A_304 = vector.shape_cast %get3A_303 : vector<1x16xf32> to vector<16xf32>
      %mul3A_305 = arith.mulf %get3A_304, %gather3A_272 : vector<16xf32>
      %swap3A_306 = arith.index_cast %scan3A_266 : i32 to index
      %swap3A_307 = arith.constant 0 : index
      %swap3A_308 = tpu.vector_load %arg17[%swap3A_306, %swap3A_307] {strides = array<i32>} : memref<128x64xf32, #tpu.memory_space<vmem>>, vector<1x16xf32>,
      %swap3A_309 = vector.shape_cast %swap3A_308 : vector<1x16xf32> to vector<16xf32>
      %swap3A_310 = vector.shape_cast %mul3A_305 : vector<16xf32> to vector<1x16xf32>
      tpu.vector_store %arg17[%swap3A_306, %swap3A_307], %swap3A_310 {strides = array<i32>} : memref<128x64xf32, #tpu.memory_space<vmem>>, vector<1x16xf32>,
      %get3A_311 = arith.index_cast %scan3A_266 : i32 to index
      %get3A_312 = arith.constant 16 : index
      %get3A_313 = tpu.vector_load %arg17[%get3A_311, %get3A_312] {strides = array<i32>} : memref<128x64xf32, #tpu.memory_space<vmem>>, vector<1x16xf32>,
      %get3A_314 = vector.shape_cast %get3A_313 : vector<1x16xf32> to vector<16xf32>
      %get3A_315 = arith.index_cast %scan3A_266 : i32 to index
      %get3A_316 = arith.constant 16 : index
      %get3A_317 = tpu.vector_load %arg18[%get3A_315, %get3A_316] {strides = array<i32>} : memref<128x64xf32, #tpu.memory_space<vmem>>, vector<1x16xf32>,
      %get3A_318 = vector.shape_cast %get3A_317 : vector<1x16xf32> to vector<16xf32>
      %add3A_319 = arith.addf %get3A_314, %get3A_318 : vector<16xf32>
      %get3A_320 = arith.index_cast %scan3A_266 : i32 to index
      %get3A_321 = arith.constant 16 : index
      %get3A_322 = tpu.vector_load %arg19[%get3A_320, %get3A_321] {strides = array<i32>} : memref<128x64xf32, #tpu.memory_space<vmem>>, vector<1x16xf32>,
      %get3A_323 = vector.shape_cast %get3A_322 : vector<1x16xf32> to vector<16xf32>
      %add3A_324 = arith.addf %add3A_319, %get3A_323 : vector<16xf32>
      %get3A_325 = arith.index_cast %scan3A_266 : i32 to index
      %get3A_326 = arith.constant 16 : index
      %get3A_327 = tpu.vector_load %arg20[%get3A_325, %get3A_326] {strides = array<i32>} : memref<128x64xf32, #tpu.memory_space<vmem>>, vector<1x16xf32>,
      %get3A_328 = vector.shape_cast %get3A_327 : vector<1x16xf32> to vector<16xf32>
      %add3A_329 = arith.addf %add3A_324, %get3A_328 : vector<16xf32>
      %mul3A_330 = arith.constant 2.500000e-01 : f32
      %mul3A_331 = vector.broadcast %mul3A_330 : f32 to vector<16xf32>
      %mul3A_332 = arith.mulf %gather3A_272, %mul3A_331 : vector<16xf32>
      %mul3A_333 = arith.mulf %add3A_329, %mul3A_332 : vector<16xf32>
      %swap3A_334 = arith.index_cast %scan3A_266 : i32 to index
      %swap3A_335 = arith.constant 16 : index
      %swap3A_336 = tpu.vector_load %arg18[%swap3A_334, %swap3A_335] {strides = array<i32>} : memref<128x64xf32, #tpu.memory_space<vmem>>, vector<1x16xf32>,
      %swap3A_337 = vector.shape_cast %swap3A_336 : vector<1x16xf32> to vector<16xf32>
      %swap3A_338 = vector.shape_cast %mul3A_333 : vector<16xf32> to vector<1x16xf32>
      tpu.vector_store %arg18[%swap3A_334, %swap3A_335], %swap3A_338 {strides = array<i32>} : memref<128x64xf32, #tpu.memory_space<vmem>>, vector<1x16xf32>,
      %get3A_339 = arith.index_cast %scan3A_266 : i32 to index
      %get3A_340 = arith.constant 16 : index
      %get3A_341 = tpu.vector_load %arg17[%get3A_339, %get3A_340] {strides = array<i32>} : memref<128x64xf32, #tpu.memory_space<vmem>>, vector<1x16xf32>,
      %get3A_342 = vector.shape_cast %get3A_341 : vector<1x16xf32> to vector<16xf32>
      %mul3A_343 = arith.mulf %get3A_342, %gather3A_272 : vector<16xf32>
      %swap3A_344 = arith.index_cast %scan3A_266 : i32 to index
      %swap3A_345 = arith.constant 16 : index
      %swap3A_346 = tpu.vector_load %arg17[%swap3A_344, %swap3A_345] {strides = array<i32>} : memref<128x64xf32, #tpu.memory_space<vmem>>, vector<1x16xf32>,
      %swap3A_347 = vector.shape_cast %swap3A_346 : vector<1x16xf32> to vector<16xf32>
      %swap3A_348 = vector.shape_cast %mul3A_343 : vector<16xf32> to vector<1x16xf32>
      tpu.vector_store %arg17[%swap3A_344, %swap3A_345], %swap3A_348 {strides = array<i32>} : memref<128x64xf32, #tpu.memory_space<vmem>>, vector<1x16xf32>,
      %get3A_349 = arith.index_cast %scan3A_266 : i32 to index
      %get3A_350 = arith.constant 32 : index
      %get3A_351 = tpu.vector_load %arg17[%get3A_349, %get3A_350] {strides = array<i32>} : memref<128x64xf32, #tpu.memory_space<vmem>>, vector<1x16xf32>,
      %get3A_352 = vector.shape_cast %get3A_351 : vector<1x16xf32> to vector<16xf32>
      %get3A_353 = arith.index_cast %scan3A_266 : i32 to index
      %get3A_354 = arith.constant 32 : index
      %get3A_355 = tpu.vector_load %arg18[%get3A_353, %get3A_354] {strides = array<i32>} : memref<128x64xf32, #tpu.memory_space<vmem>>, vector<1x16xf32>,
      %get3A_356 = vector.shape_cast %get3A_355 : vector<1x16xf32> to vector<16xf32>
      %add3A_357 = arith.addf %get3A_352, %get3A_356 : vector<16xf32>
      %get3A_358 = arith.index_cast %scan3A_266 : i32 to index
      %get3A_359 = arith.constant 32 : index
      %get3A_360 = tpu.vector_load %arg19[%get3A_358, %get3A_359] {strides = array<i32>} : memref<128x64xf32, #tpu.memory_space<vmem>>, vector<1x16xf32>,
      %get3A_361 = vector.shape_cast %get3A_360 : vector<1x16xf32> to vector<16xf32>
      %add3A_362 = arith.addf %add3A_357, %get3A_361 : vector<16xf32>
      %get3A_363 = arith.index_cast %scan3A_266 : i32 to index
      %get3A_364 = arith.constant 32 : index
      %get3A_365 = tpu.vector_load %arg20[%get3A_363, %get3A_364] {strides = array<i32>} : memref<128x64xf32, #tpu.memory_space<vmem>>, vector<1x16xf32>,
      %get3A_366 = vector.shape_cast %get3A_365 : vector<1x16xf32> to vector<16xf32>
      %add3A_367 = arith.addf %add3A_362, %get3A_366 : vector<16xf32>
      %mul3A_368 = arith.constant 2.500000e-01 : f32
      %mul3A_369 = vector.broadcast %mul3A_368 : f32 to vector<16xf32>
      %mul3A_370 = arith.mulf %gather3A_272, %mul3A_369 : vector<16xf32>
      %mul3A_371 = arith.mulf %add3A_367, %mul3A_370 : vector<16xf32>
      %swap3A_372 = arith.index_cast %scan3A_266 : i32 to index
      %swap3A_373 = arith.constant 32 : index
      %swap3A_374 = tpu.vector_load %arg18[%swap3A_372, %swap3A_373] {strides = array<i32>} : memref<128x64xf32, #tpu.memory_space<vmem>>, vector<1x16xf32>,
      %swap3A_375 = vector.shape_cast %swap3A_374 : vector<1x16xf32> to vector<16xf32>
      %swap3A_376 = vector.shape_cast %mul3A_371 : vector<16xf32> to vector<1x16xf32>
      tpu.vector_store %arg18[%swap3A_372, %swap3A_373], %swap3A_376 {strides = array<i32>} : memref<128x64xf32, #tpu.memory_space<vmem>>, vector<1x16xf32>,
      %get3A_377 = arith.index_cast %scan3A_266 : i32 to index
      %get3A_378 = arith.constant 32 : index
      %get3A_379 = tpu.vector_load %arg17[%get3A_377, %get3A_378] {strides = array<i32>} : memref<128x64xf32, #tpu.memory_space<vmem>>, vector<1x16xf32>,
      %get3A_380 = vector.shape_cast %get3A_379 : vector<1x16xf32> to vector<16xf32>
      %mul3A_381 = arith.mulf %get3A_380, %gather3A_272 : vector<16xf32>
      %swap3A_382 = arith.index_cast %scan3A_266 : i32 to index
      %swap3A_383 = arith.constant 32 : index
      %swap3A_384 = tpu.vector_load %arg17[%swap3A_382, %swap3A_383] {strides = array<i32>} : memref<128x64xf32, #tpu.memory_space<vmem>>, vector<1x16xf32>,
      %swap3A_385 = vector.shape_cast %swap3A_384 : vector<1x16xf32> to vector<16xf32>
      %swap3A_386 = vector.shape_cast %mul3A_381 : vector<16xf32> to vector<1x16xf32>
      tpu.vector_store %arg17[%swap3A_382, %swap3A_383], %swap3A_386 {strides = array<i32>} : memref<128x64xf32, #tpu.memory_space<vmem>>, vector<1x16xf32>,
      %get3A_387 = arith.index_cast %scan3A_266 : i32 to index
      %get3A_388 = arith.constant 48 : index
      %get3A_389 = tpu.vector_load %arg17[%get3A_387, %get3A_388] {strides = array<i32>} : memref<128x64xf32, #tpu.memory_space<vmem>>, vector<1x16xf32>,
      %get3A_390 = vector.shape_cast %get3A_389 : vector<1x16xf32> to vector<16xf32>
      %get3A_391 = arith.index_cast %scan3A_266 : i32 to index
      %get3A_392 = arith.constant 48 : index
      %get3A_393 = tpu.vector_load %arg18[%get3A_391, %get3A_392] {strides = array<i32>} : memref<128x64xf32, #tpu.memory_space<vmem>>, vector<1x16xf32>,
      %get3A_394 = vector.shape_cast %get3A_393 : vector<1x16xf32> to vector<16xf32>
      %add3A_395 = arith.addf %get3A_390, %get3A_394 : vector<16xf32>
      %get3A_396 = arith.index_cast %scan3A_266 : i32 to index
      %get3A_397 = arith.constant 48 : index
      %get3A_398 = tpu.vector_load %arg19[%get3A_396, %get3A_397] {strides = array<i32>} : memref<128x64xf32, #tpu.memory_space<vmem>>, vector<1x16xf32>,
      %get3A_399 = vector.shape_cast %get3A_398 : vector<1x16xf32> to vector<16xf32>
      %add3A_400 = arith.addf %add3A_395, %get3A_399 : vector<16xf32>
      %get3A_401 = arith.index_cast %scan3A_266 : i32 to index
      %get3A_402 = arith.constant 48 : index
      %get3A_403 = tpu.vector_load %arg20[%get3A_401, %get3A_402] {strides = array<i32>} : memref<128x64xf32, #tpu.memory_space<vmem>>, vector<1x16xf32>,
      %get3A_404 = vector.shape_cast %get3A_403 : vector<1x16xf32> to vector<16xf32>
      %add3A_405 = arith.addf %add3A_400, %get3A_404 : vector<16xf32>
      %mul3A_406 = arith.constant 2.500000e-01 : f32
      %mul3A_407 = vector.broadcast %mul3A_406 : f32 to vector<16xf32>
      %mul3A_408 = arith.mulf %gather3A_272, %mul3A_407 : vector<16xf32>
      %mul3A_409 = arith.mulf %add3A_405, %mul3A_408 : vector<16xf32>
      %swap3A_410 = arith.index_cast %scan3A_266 : i32 to index
      %swap3A_411 = arith.constant 48 : index
      %swap3A_412 = tpu.vector_load %arg18[%swap3A_410, %swap3A_411] {strides = array<i32>} : memref<128x64xf32, #tpu.memory_space<vmem>>, vector<1x16xf32>,
      %swap3A_413 = vector.shape_cast %swap3A_412 : vector<1x16xf32> to vector<16xf32>
      %swap3A_414 = vector.shape_cast %mul3A_409 : vector<16xf32> to vector<1x16xf32>
      tpu.vector_store %arg18[%swap3A_410, %swap3A_411], %swap3A_414 {strides = array<i32>} : memref<128x64xf32, #tpu.memory_space<vmem>>, vector<1x16xf32>,
      %get3A_415 = arith.index_cast %scan3A_266 : i32 to index
      %get3A_416 = arith.constant 48 : index
      %get3A_417 = tpu.vector_load %arg17[%get3A_415, %get3A_416] {strides = array<i32>} : memref<128x64xf32, #tpu.memory_space<vmem>>, vector<1x16xf32>,
      %get3A_418 = vector.shape_cast %get3A_417 : vector<1x16xf32> to vector<16xf32>
      %mul3A_419 = arith.mulf %get3A_418, %gather3A_272 : vector<16xf32>
      %swap3A_420 = arith.index_cast %scan3A_266 : i32 to index
      %swap3A_421 = arith.constant 48 : index
      %swap3A_422 = tpu.vector_load %arg17[%swap3A_420, %swap3A_421] {strides = array<i32>} : memref<128x64xf32, #tpu.memory_space<vmem>>, vector<1x16xf32>,
      %swap3A_423 = vector.shape_cast %swap3A_422 : vector<1x16xf32> to vector<16xf32>
      %swap3A_424 = vector.shape_cast %mul3A_419 : vector<16xf32> to vector<1x16xf32>
      tpu.vector_store %arg17[%swap3A_420, %swap3A_421], %swap3A_424 {strides = array<i32>} : memref<128x64xf32, #tpu.memory_space<vmem>>, vector<1x16xf32>,
    }
    %scan3A_265 = arith.constant 128 : i32
    "tpu.region"() ({
      %run_scoped3A = tpu.sem_alloc : memref<!tpu.dma_semaphore, #tpu.memory_space<semaphore_mem>>
      %dma_start3A_266 = arith.constant 0 : i32
      %dma_start3A_267 = tpu.memref_slice %arg15[%mul3A_2, %dma_start3A_266] : memref<4096x64xf32, #tpu.memory_space<hbm>> -> memref<128x64xf32, #tpu.memory_space<hbm>>
      %dma_start3A_268 = arith.constant 0 : i32
      %dma_start3A_269 = tpu.memref_slice %arg15[%mul3A_2, %dma_start3A_268] : memref<4096x64xf32, #tpu.memory_space<hbm>> -> memref<128x64xf32, #tpu.memory_space<hbm>>
      tpu.enqueue_dma source(%arg17 : memref<128x64xf32, #tpu.memory_space<vmem>>) target(%dma_start3A_269 : memref<128x64xf32, #tpu.memory_space<hbm>>) target_semaphore(%run_scoped3A : memref<!tpu.dma_semaphore, #tpu.memory_space<semaphore_mem>>)
      %dma_wait3A_270 = arith.constant 0 : i32
      %dma_wait3A_271 = tpu.memref_slice %arg15[%mul3A_2, %dma_wait3A_270] : memref<4096x64xf32, #tpu.memory_space<hbm>> -> memref<128x64xf32, #tpu.memory_space<hbm>>
      %dma_wait3A_272 = arith.constant 0 : i32
      %dma_wait3A_273 = tpu.memref_slice %arg15[%mul3A_2, %dma_wait3A_272] : memref<4096x64xf32, #tpu.memory_space<hbm>> -> memref<128x64xf32, #tpu.memory_space<hbm>>
      tpu.wait_dma2 semaphore(%run_scoped3A : memref<!tpu.dma_semaphore, #tpu.memory_space<semaphore_mem>>) src(%arg17 : memref<128x64xf32, #tpu.memory_space<vmem>>) dst(%dma_wait3A_273 : memref<128x64xf32, #tpu.memory_space<hbm>>)
      tpu.yield
    }) : () -> ()
    "tpu.region"() ({
      %run_scoped3A = tpu.sem_alloc : memref<!tpu.dma_semaphore, #tpu.memory_space<semaphore_mem>>
      %dma_start3A_266 = arith.constant 0 : i32
      %dma_start3A_267 = tpu.memref_slice %arg12[%mul3A_2, %dma_start3A_266] : memref<4096x64xf32, #tpu.memory_space<hbm>> -> memref<128x64xf32, #tpu.memory_space<hbm>>
      %dma_start3A_268 = arith.constant 0 : i32
      %dma_start3A_269 = tpu.memref_slice %arg12[%mul3A_2, %dma_start3A_268] : memref<4096x64xf32, #tpu.memory_space<hbm>> -> memref<128x64xf32, #tpu.memory_space<hbm>>
      tpu.enqueue_dma source(%arg18 : memref<128x64xf32, #tpu.memory_space<vmem>>) target(%dma_start3A_269 : memref<128x64xf32, #tpu.memory_space<hbm>>) target_semaphore(%run_scoped3A : memref<!tpu.dma_semaphore, #tpu.memory_space<semaphore_mem>>)
      %dma_wait3A_270 = arith.constant 0 : i32
      %dma_wait3A_271 = tpu.memref_slice %arg12[%mul3A_2, %dma_wait3A_270] : memref<4096x64xf32, #tpu.memory_space<hbm>> -> memref<128x64xf32, #tpu.memory_space<hbm>>
      %dma_wait3A_272 = arith.constant 0 : i32
      %dma_wait3A_273 = tpu.memref_slice %arg12[%mul3A_2, %dma_wait3A_272] : memref<4096x64xf32, #tpu.memory_space<hbm>> -> memref<128x64xf32, #tpu.memory_space<hbm>>
      tpu.wait_dma2 semaphore(%run_scoped3A : memref<!tpu.dma_semaphore, #tpu.memory_space<semaphore_mem>>) src(%arg18 : memref<128x64xf32, #tpu.memory_space<vmem>>) dst(%dma_wait3A_273 : memref<128x64xf32, #tpu.memory_space<hbm>>)
      tpu.yield
    }) : () -> ()
    return
  }
}

module attributes {stable_mosaic.version = 14 : i64} {
  func.func @_mask_scale_body(%arg0: i32, %arg1: memref<1000x64xf32, #tpu.memory_space<vmem>>, %arg2: memref<1000x64xf32, #tpu.memory_space<vmem>>, %arg3: memref<1000x16xf32, #tpu.memory_space<vmem>>, %arg4: memref<1000x64xf32, #tpu.memory_space<vmem>>) attributes {dimension_semantics = [#tpu.dimension_semantics<arbitrary>], iteration_bounds = array<i64: 25>, scalar_prefetch = 0 : i64, scratch_operands = 0 : i64, tpu.core_type = #tpu.core_type<tc>, window_params = [{transform_indices = @transform_0, window_bounds = array<i64: 1000, 64>}, {transform_indices = @transform_1, window_bounds = array<i64: 1000, 64>}, {transform_indices = @transform_2, window_bounds = array<i64: 1000, 16>}, {transform_indices = @transform_3, window_bounds = array<i64: 1000, 64>}]} {
    %get3A = arith.constant 0 : index
    %get3A_0 = arith.constant 0 : index
    %get3A_1 = vector.load %arg3[%get3A, %get3A_0] : memref<1000x16xf32, #tpu.memory_space<vmem>>, vector<1000x1xf32>
    %max3A = arith.constant 1.000000e+00 : f32
    %max3A_2 = vector.broadcast %max3A : f32 to vector<1000x1xf32>
    %max3A_3 = arith.maximumf %get3A_1, %max3A_2 : vector<1000x1xf32>
    %rsqrt3A = math.rsqrt %max3A_3 : vector<1000x1xf32>
    %get3A_4 = arith.constant 0 : index
    %get3A_5 = arith.constant 0 : index
    %get3A_6 = vector.load %arg1[%get3A_4, %get3A_5] : memref<1000x64xf32, #tpu.memory_space<vmem>>, vector<1000x64xf32>
    %get3A_7 = arith.constant 0 : index
    %get3A_8 = arith.constant 0 : index
    %get3A_9 = vector.load %arg2[%get3A_7, %get3A_8] : memref<1000x64xf32, #tpu.memory_space<vmem>>, vector<1000x64xf32>
    %mul3A = arith.mulf %get3A_6, %get3A_9 : vector<1000x64xf32>
    %mul3A_10 = vector.broadcast %rsqrt3A : vector<1000x1xf32> to vector<1000x64xf32>
    %mul3A_11 = arith.mulf %mul3A, %mul3A_10 : vector<1000x64xf32>
    %swap3A = arith.constant 0 : index
    %swap3A_12 = arith.constant 0 : index
    %swap3A_13 = vector.load %arg4[%swap3A, %swap3A_12] : memref<1000x64xf32, #tpu.memory_space<vmem>>, vector<1000x64xf32>
    tpu.vector_store %arg4[%swap3A, %swap3A_12], %mul3A_11 {strides = array<i32>} : memref<1000x64xf32, #tpu.memory_space<vmem>>, vector<1000x64xf32>,
    return
  }
  func.func @transform_0(%arg0: i32) -> (i32, i32) {
    %c0_i32 = arith.constant 0 : i32
    %c0_i32_0 = arith.constant 0 : i32
    return %arg0, %c0_i32 : i32, i32
  }
  func.func @transform_1(%arg0: i32) -> (i32, i32) {
    %c0_i32 = arith.constant 0 : i32
    %c0_i32_0 = arith.constant 0 : i32
    return %arg0, %c0_i32 : i32, i32
  }
  func.func @transform_2(%arg0: i32) -> (i32, i32) {
    %c0_i32 = arith.constant 0 : i32
    %c0_i32_0 = arith.constant 0 : i32
    return %arg0, %c0_i32 : i32, i32
  }
  func.func @transform_3(%arg0: i32) -> (i32, i32) {
    %c0_i32 = arith.constant 0 : i32
    %c0_i32_0 = arith.constant 0 : i32
    return %arg0, %c0_i32 : i32, i32
  }
}

module attributes {stable_mosaic.version = 14 : i64} {
  func.func @_rsq_body(%arg0: i32, %arg1: memref<1000x16xf32, #tpu.memory_space<vmem>>, %arg2: memref<1000x16xf32, #tpu.memory_space<vmem>>) attributes {dimension_semantics = [#tpu.dimension_semantics<arbitrary>], iteration_bounds = array<i64: 50>, scalar_prefetch = 0 : i64, scratch_operands = 0 : i64, tpu.core_type = #tpu.core_type<tc>, window_params = [{transform_indices = @transform_0, window_bounds = array<i64: 1000, 16>}, {transform_indices = @transform_1, window_bounds = array<i64: 1000, 16>}]} {
    %get3A = arith.constant 0 : index
    %get3A_0 = arith.constant 0 : index
    %get3A_1 = vector.load %arg1[%get3A, %get3A_0] : memref<1000x16xf32, #tpu.memory_space<vmem>>, vector<1000x16xf32>
    %max3A = arith.constant 1.000000e+00 : f32
    %max3A_2 = vector.broadcast %max3A : f32 to vector<1000x16xf32>
    %max3A_3 = arith.maximumf %get3A_1, %max3A_2 : vector<1000x16xf32>
    %iota3A = tpu.iota {dimensions = array<i32: 1>} : vector<1000x16xi32>
    %lt3A = arith.constant 8 : i32
    %lt3A_4 = vector.broadcast %lt3A : i32 to vector<1000x16xi32>
    %lt3A_5 = arith.cmpi slt, %iota3A, %lt3A_4 : vector<1000x16xi32>
    %div3A = arith.constant 1.000000e+00 : f32
    %div3A_6 = vector.broadcast %div3A : f32 to vector<1000x16xf32>
    %div3A_7 = arith.divf %div3A_6, %max3A_3 : vector<1000x16xf32>
    %sqrt3A = math.sqrt %max3A_3 : vector<1000x16xf32>
    %select_n3A = arith.select %lt3A_5, %div3A_7, %sqrt3A : vector<1000x16xi1>, vector<1000x16xf32>
    %swap3A = arith.constant 0 : index
    %swap3A_8 = arith.constant 0 : index
    %swap3A_9 = vector.load %arg2[%swap3A, %swap3A_8] : memref<1000x16xf32, #tpu.memory_space<vmem>>, vector<1000x16xf32>
    tpu.vector_store %arg2[%swap3A, %swap3A_8], %select_n3A {strides = array<i32>} : memref<1000x16xf32, #tpu.memory_space<vmem>>, vector<1000x16xf32>,
    return
  }
  func.func @transform_0(%arg0: i32) -> (i32, i32) {
    %c0_i32 = arith.constant 0 : i32
    %c0_i32_0 = arith.constant 0 : i32
    return %arg0, %c0_i32 : i32, i32
  }
  func.func @transform_1(%arg0: i32) -> (i32, i32) {
    %c0_i32 = arith.constant 0 : i32
    %c0_i32_0 = arith.constant 0 : i32
    return %arg0, %c0_i32 : i32, i32
  }
}

</mosaic_0001>

<sc_bundles>
// kernel: kernel.10.cloned.1.call-start
scs
__scs_entry_jumppad:
0x0: {  	(pc) =	sbr.rel $0x88, $3  }
0x1: {  	(tag) =	ssettag $0x0;
	lr =	simm.s32 $0x1  }
0x2: {  	[smem:$0x3F98] =	sst lr;
	_ =	strace $0xD0000000  }
0x3: {  	_ = 	snop  }
0x4: {  	_ = 	snop  }
0x5: {  	_ = 	snop  }
0x6: {  	_ = 	snop  }
0x7: {  	_ = 	snop  }
__scs_overlays_trampoline_lowered:
0x8: {  	[smem:$0x3FA7] =	sst s0  }
0x9: {  	[smem:$0x3FA8] =	sst s1  }
0xa: {  	[smem:$0x3FA9] =	sst s2  }
0xb: {  	[smem:$0x3FAA] =	sst s3  }
0xc: {  	[smem:$0x3FAB] =	sst s4  }
0xd: {  	[smem:$0x3FAC] =	sst s5  }
0xe: {  	[smem:$0x3FAD] =	sst s6  }
0xf: {  	[smem:$0x3FAE] =	sst s7  }
0x10: {  	[smem:$0x3FAF] =	sst s8  }
0x11: {  	[smem:$0x3FB0] =	sst s9;
	s0 =	simm.s32 @!p0 $0x0  }
0x12: {  	s1 =	sld [smem:$0x3F96];
	s0 =	simm.s32 @p0 $0x1  }
0x13: {  	[smem:$0x3FB1] =	sst s0;
	s0 =	simm.s32 @!p1 $0x0  }
0x14: {  	s2 =	sld [smem:$0x3F95];
	s0 =	simm.s32 @p1 $0x1  }
0x15: {  	[smem:$0x3FB2] =	sst s0;
	s0 =	simm.s32 @!p2 $0x0  }
0x16: {  	s3 =	sld [smem:$0x3FDB];
	s0 =	simm.s32 @p2 $0x1  }
0x17: {  	s4 =	simm.s32 $0x1BF5;
	[smem:$0x3FB4] =	sst s0  }
0x18: {  	s0 =	sld [smem:$0x3F97];
	_ =	swait.ge [sflag:s4], $0x0  }
0x19: {  	s7 =	sld [smem:$0x3F98]  }
0x1a: {  	s8 =	sadd.s32 $0xFFFFE003, lr  }
0x1b: {  	s9 =	sadd.s32 $0xFFFFFEF7, lr;
	s5 =	simm.s32 $0xFFFFFFFF;
	p2 =	slt.u32 s8, $0xFFFFF086  }
0x1c: {  	p1 =	slt.u32 s9, $0xF7A;
	s5 =	simm.s32 @!p2 $0x0  }
0x1d: {  	s5 =	simm.s32 @p1 $0x1;
	p0 =	seq.s32 s7, s2  }
0x1e: {  	s7 =	smul.u32 @!p0 $0xF7A, s2;
	p2 =	seq.s32 @!p0 s5, $0x0  }
0x1f: {  	s9 =	smul.u32 $0xF7A, s1;
	s8 =	simm.s32 @!p0 $0x1BF5;
	p2 =	por !p2, p0  }
0x20: {  	[sflag:s8] =	ssyncset.s32 @!p0 $0xFFFFF086;
	s6 =	sadd.s32 @!p0 s3, s7;
	s7 =	simm.s32 @!p0 $0x108  }
0x21: {  	s3 =	sadd.s32 s3, s9;
	s6 =	sadd.s32 @!p0 $0x88, s6;
	s7 =	simm.s32 @p2 $0x1082  }
0x22: {  	[simem:s7], [sflag:s8] =	dma.local @!p0 [hbm:s6], $0xF7A  }
0x23: {  	s9 =	sor.u32 $0xD0000000, s2;
	s6 =	simm.s32 $0x108;
	_ =	swait.ge @!p0 [sflag:s8], $0x0  }
0x24: {  	s3 =	sadd.s32 $0x88, s3;
	s6 =	simm.s32 @!p1 $0x1082;
	[sflag:s4] =	ssyncset.s32 $0xFFFFF086  }
0x25: {  	[simem:s6], [sflag:s4] =	dma.local [hbm:s3], $0xF7A  }
0x26: {  	[smem:$0x3F98] =	sst s1;
	(tag) =	ssettag s2;
	_ =	strace s9  }
0x27: {  	s1 =	sld [smem:$0x3FA8]  }
0x28: {  	s2 =	sld [smem:$0x3FA9]  }
0x29: {  	s4 =	sld [smem:$0x3FAB]  }
0x2a: {  	p0 =	seq.s32 s5, $0x0;
	s5 =	sld [smem:$0x3FAC]  }
0x2b: {  	s6 =	sld [smem:$0x3FAD]  }
0x2c: {  	s7 =	sld [smem:$0x3FAE]  }
0x2d: {  	s3 =	simm.s32 $0x108;
	s8 =	sld [smem:$0x3FAF]  }
0x2e: {  	s3 =	simm.s32 @!p0 $0x1082;
	s9 =	sld [smem:$0x3FB0]  }
0x2f: {  	lr =	sadd.s32 s0, s3;
	s0 =	sld [smem:$0x3FA7]  }
0x30: {  	s3 =	sld [smem:$0x3FAA]  }
0x31: {  	[smem:$0x3FB3] =	sst s10  }
0x32: {  	s10 =	sld [smem:$0x3FB1];
	_ =	sdelay $0x3  }
0x33: {  	p0 =	seq.s32 s10, $0x1;
	s10 =	sld [smem:$0x3FB3];
	_ =	sdelay $0x3  }
0x34: {  	[smem:$0x3FB3] =	sst s10  }
0x35: {  	s10 =	sld [smem:$0x3FB2];
	_ =	sdelay $0x3  }
0x36: {  	p1 =	seq.s32 s10, $0x1;
	s10 =	sld [smem:$0x3FB3];
	_ =	sdelay $0x3  }
0x37: {  	[smem:$0x3FB3] =	sst s10  }
0x38: {  	s10 =	sld [smem:$0x3FB4]  }
0x39: {  	_ = 	snop;
	(pc) =	sbr.ind lr, $3  }
0x3a: {  	_ = 	snop  }
0x3b: {  	_ = 	snop  }
0x3c: {  	p2 =	seq.s32 s10, $0x1;
	s10 =	sld [smem:$0x3FB3]  }
0x3d: {  	_ =	shalt  }
0x3e: {  	_ =	shalt  }
0x3f: {  	_ =	shalt  }
0x40: {  	_ =	shalt  }
0x41: {  	_ =	shalt  }
0x42: {  	_ =	shalt  }
0x43: {  	_ =	shalt  }
0x44: {  	_ =	shalt  }
0x45: {  	_ =	shalt  }
0x46: {  	_ =	shalt  }
0x47: {  	_ =	shalt  }
0x48: {  	_ =	shalt  }
0x49: {  	_ =	shalt  }
0x4a: {  	_ =	shalt  }
0x4b: {  	_ =	shalt  }
0x4c: {  	_ =	shalt  }
0x4d: {  	_ =	shalt  }
0x4e: {  	_ =	shalt  }
0x4f: {  	_ =	shalt  }
0x50: {  	_ =	shalt  }
0x51: {  	_ =	shalt  }
0x52: {  	_ =	shalt  }
0x53: {  	_ =	shalt  }
0x54: {  	_ =	shalt  }
0x55: {  	_ =	shalt  }
0x56: {  	_ =	shalt  }
0x57: {  	_ =	shalt  }
0x58: {  	_ =	shalt  }
0x59: {  	_ =	shalt  }
0x5a: {  	_ =	shalt  }
0x5b: {  	_ =	shalt  }
0x5c: {  	_ =	shalt  }
0x5d: {  	_ =	shalt  }
0x5e: {  	_ =	shalt  }
0x5f: {  	_ =	shalt  }
0x60: {  	_ =	shalt  }
0x61: {  	_ =	shalt  }
0x62: {  	_ =	shalt  }
0x63: {  	_ =	shalt  }
0x64: {  	_ =	shalt  }
0x65: {  	_ =	shalt  }
0x66: {  	_ =	shalt  }
0x67: {  	_ =	shalt  }
0x68: {  	_ =	shalt  }
0x69: {  	_ =	shalt  }
0x6a: {  	_ =	shalt  }
0x6b: {  	_ =	shalt  }
0x6c: {  	_ =	shalt  }
0x6d: {  	_ =	shalt  }
0x6e: {  	_ =	shalt  }
0x6f: {  	_ =	shalt  }
0x70: {  	_ =	shalt  }
0x71: {  	_ =	shalt  }
0x72: {  	_ =	shalt  }
0x73: {  	_ =	shalt  }
0x74: {  	_ =	shalt  }
0x75: {  	_ =	shalt  }
0x76: {  	_ =	shalt  }
0x77: {  	_ =	shalt  }
0x78: {  	_ =	shalt  }
0x79: {  	_ =	shalt  }
0x7a: {  	_ =	shalt  }
0x7b: {  	_ =	shalt  }
0x7c: {  	_ =	shalt  }
0x7d: {  	_ =	shalt  }
0x7e: {  	_ =	shalt  }
0x7f: {  	_ =	shalt  }
0x80: {  	_ =	shalt  }
0x81: {  	_ =	shalt  }
0x82: {  	_ =	shalt  }
0x83: {  	_ =	shalt  }
0x84: {  	_ =	shalt  }
0x85: {  	_ =	shalt  }
0x86: {  	_ =	shalt  }
0x87: {  	_ =	shalt  }
.Lfunc_end0:
.L_simem_size_0:
called_computation_lowered:
.L_overlay_start_0:
0x88: {  	s2 =	sld [smem:$0x3FD9]  }
0x89: {  	s3 =	sld [smem:$0x3FFE];
	_ =	sdelay $0x1  }
0x8a: {  	s1 =	srdreg.scid  }
0x8b: {  	s0 =	sand.u32 $0x1, s1  }
0x8c: {  	s16 =	sshll.u32 s0, $0xA;
	s2 =	sadd.s32 s3, s2  }
0x8d: {  	s2 =	sadd.s32 s2, s16  }
0x8e: {  	[smem:$0x3FBF] =	sst s2  }
0x8f: {  	_ = 	snop  }
0x90: {  	(tm) =	ssettm $0x1  }
0x91: {  	s17 =	sld [smem:$0x3FFB];
	_ =	sdelay $0x3  }
0x92: {  	_ =	strace s17  }
0x93: {  	s2 =	sld [smem:$0x3FFC];
	_ =	sdelay $0x3  }
0x94: {  	_ =	strace s2  }
0x95: {  	s2 =	sld [smem:$0x3FFD];
	_ =	sdelay $0x3  }
0x96: {  	_ =	strace s2  }
0x97: {  	_ =	strace $0x8FFFFFFF  }
0x98: {  	s18 =	sld [smem:$0x3FDB];
	_ =	sdelay $0x1  }
0x99: {  	s19 =	simm.s32 $_scs_section_size  }
0x9a: {  	s4 =	simm.s32 $_size__tile_overlayer_lowered;
	s5 =	simm.s32 $_tile_overlayer_lowered  }
0x9b: {  	s22 =	simm.s32 $0x1BFF;
	s21 =	sshll.u32 s5, $0x1;
	s2 =	sadd.s32 s19, s18  }
0x9c: {  	s6 =	simm.s32 $0x0;
	s20 =	sshll.u32 s4, $0x1;
	s4 =	sadd.s32 s21, s2  }
0x9d: {  	[timem:s6], [sflag:s22] =	dma.local [hbm:s4], s20  }
0x9e: {  	_ =	swait.ge [sflag:s22], s20  }
0x9f: {  	s3 =	ssub.s32 $0x0, s20;
	[sflag:s22] =	ssyncset.done $0x0  }
0xa0: {  	[sflag:s22] =	ssyncadd.s32 s3;
	_ =	sdelay $0x1  }
0xa1: {  	s23 =	simm.s32 $0x1B8B  }
0xa2: {  	_ =	swait.ge [sflag:s23], $0x1  }
0xa3: {  	[sflag:s23] =	ssyncset.done $0x0  }
0xa4: {  	s25 =	simm.s32 $0x1B8E;
	s24 =	sld [smem:$0x3FFE];
	[sflag:s23] =	ssyncadd.s32 $0xFFFFFFFF  }
0xa5: {  	s26 =	simm.s32 $execute0_lowered;
	[smem:$0x3FD2] =	sst s25  }
0xa6: {  	s4 =	sshll.u32 s26, $0x1;
	_ =	strace $0x80000046;
	[dreg:$0x1] =	wrdreg $0xFFFFFFFF  }
0xa7: {  	s28 =	simm.s32 $_size_execute0_lowered;
	s2 =	sadd.s32 s2, s4;
	[dreg:$0x0] =	wrdreg $0x0  }
0xa8: {  	s4 =	sshll.u32 s28, $0x1;
	[dreg:$0x2] =	wrdreg s2  }
0xa9: {  	[dreg:$0x3] =	wrdreg s4  }
0xaa: {  	[dreg:$0x4] =	wrdreg $0xC0  }
0xab: {  	_ =	task [dreg:s6], $0x5FFFF  }
0xac: {  	[dreg:$0x1] =	wrdreg $0xFFFFFFFF  }
0xad: {  	[dreg:$0x0] =	wrdreg $0x60  }
0xae: {  	[dreg:$0x2] =	wrdreg s24  }
0xaf: {  	[dreg:$0x3] =	wrdreg $0x0  }
0xb0: {  	[dreg:$0x4] =	wrdreg $0x9  }
0xb1: {  	_ =	task.clear_ibuf [dreg:s6], $0x5FFFF;
	_ =	strace $0x90000046  }
0xb2: {  	s29 =	simm.s32 $0x9;
	_ =	strace $0x80000048  }
0xb3: {  	_ =	swait.ge [sflag:s29], $0x1  }
0xb4: {  	[sflag:s29] =	ssyncadd.s32 $0xFFFFFFFF  }
0xb5: {  	_ =	strace $0x90000048  }
0xb6: {  	_ =	sfence  }
0xb7: {  	s30 =	sld [smem:$0x0];
	_ =	sdelay $0x2  }
0xb8: {  	s31 =	sshll.u32 s1, $0xD;
	s1 =	sshrl.u32 s1, $0x2  }
0xb9: {  	s3 =	sand.u32 $0x4000, s31;
	s1 =	sadd.s32 s1, s30  }
0xba: {  	s0 =	sor.u32 s3, s0;
	s1 =	sshll.u32 s1, $0x11  }
0xbb: {  	s0 =	sor.u32 s1, s0  }
0xbc: {  	s0 =	sadd.s32 $0x8F2B, s0  }
0xbd: {  	[sflag:s0] =	ssyncadd.remote.s32 $0x1  }
0xbe: {  	_ =	sfence.sel $0xFFFF  }
0xbf: {  	[dreg:$0x0] =	wrdreg $0xFFFFFFFF;
	(pc) =	sbr.abs _section_cstart, $3  }
0xc0: {  	[dreg:$0x1] =	wrdreg $0xFFFFFFFF  }
0xc1: {  	_ =	task.clear_ibuf [dreg:s6], $0x2FFFF;
	_ =	strace $0x9FFFFFFF  }
0xc2: {  	(tm) =	ssettm $0x7FFFFFFF  }
0xc3: {  	_ =	shalt  }
tec
execute0_lowered:
.L_overlay_start_1:
0x0: {  	(tag) =	ssettag $0x1  }
0x1: {  	s0 =	rddreg [dreg:$0x0]  }
0x2: {  	s1 =	rddreg [dreg:$0x1];
	s3 =	srdreg.scid;
	s2 =	simm.s32 $0x0  }
0x3: {  	s8 =	stileid.u32;
	s28 =	simm.s32 $0x80;
	s29 =	simm.s32 $0x6B00  }
0x4: {  	s30 =	simm.s32 $0x6480;
	s3 =	sand.u32 $0x1, s3;
	s6 =	smul.u32 $0x19000, s8  }
0x5: {  	s4 =	smul.u32 $0xC400, s3;
	s5 =	sxor.u32 $0x1, s3;
	s3 =	ssub.s32 $0x2, s3  }
0x6: {  	[smem:$0x7FF] =	sst s2;
	s5 =	smul.u32 $0xC350, s5;
	s11 =	sshrl.u32 s3, $0x1  }
0x7: {  	s6 =	sshrl.u32 s6, $0x2;
	s7 =	sadd.s32 s4, s0;
	s3 =	ssub.s32 s3, s11  }
0x8: {  	s0 =	sadd.s32 s5, s0;
	s5 =	sadd.s32 s6, s1;
	s3 =	smax.u32 s3, $0x1  }
0x9: {  	_ =	strace $0x80000047;
	[dreg:$0x3] =	wrdreg s3;
	s12 =	sadd.s32 $0x640, s5  }
0xa: {  	s31 =	simm.s32 $0x6500;
	s13 =	sadd.s32 $0xC80, s5;
	[dreg:$0x4] =	wrdreg s12  }
0xb: {  	s9 =	simm.s32 $0x6800;
	s14 =	sadd.s32 $0x12C0, s5;
	[dreg:$0x5] =	wrdreg s13  }
0xc: {  	s10 =	simm.s32 $0x6880;
	s15 =	sadd.s32 $0x1900, s5;
	[dreg:$0x6] =	wrdreg s14  }
0xd: {  	p0 =	seq.s32 s8, $0xF;
	s16 =	sadd.s32 $0x1F40, s5;
	[dreg:$0x7] =	wrdreg s15  }
0xe: {  	s22 =	smul.u32 $0xC40, s8;
	s17 =	sadd.s32 $0x2580, s5;
	[dreg:$0x8] =	wrdreg s16  }
0xf: {  	s24 =	smul.u32 $0xC80, s8;
	s18 =	sadd.s32 $0x2BC0, s5;
	[dreg:$0x9] =	wrdreg s17  }
0x10: {  	s8 =	simm.s32 $0x6780;
	s19 =	sadd.s32 $0x3200, s5;
	[dreg:$0xa] =	wrdreg s18  }
0x11: {  	s4 =	simm.s32 $0xA;
	s20 =	sadd.s32 $0x3840, s5;
	[dreg:$0xb] =	wrdreg s19  }
0x12: {  	s11 =	simm.s32 $0x6900;
	s21 =	sadd.s32 $0x3E80, s5;
	[dreg:$0xc] =	wrdreg s20  }
0x13: {  	s4 =	simm.s32 @!p0 $0x10;
	s6 =	sadd.s32 $0x44C0, s5;
	[dreg:$0xd] =	wrdreg s21  }
0x14: {  	s23 =	sadd.s32 $0x4B00, s5;
	s25 =	sadd.s32 $0x5140, s5;
	[dreg:$0xe] =	wrdreg s6  }
0x15: {  	s26 =	sadd.s32 $0x5780, s5;
	s3 =	sadd.s32 s22, s7;
	[dreg:$0xf] =	wrdreg s23  }
0x16: {  	s0 =	sadd.s32 s24, s0;
	s24 =	simm.s32 $0x7300;
	[dreg:$0x10] =	wrdreg s25  }
0x17: {  	s7 =	simm.s32 $0x6700;
	[dreg:$0x11] =	wrdreg s26;
	s21 =	sadd.s32 $0x5DC0, s5  }
0x18: {  	s22 =	sadd.s32 $0x4C00, s3;
	s19 =	sadd.s32 $0x1D400, s0;
	s25 =	simm.s32 $0x2  }
0x19: {  	s26 =	simm.s32 $0x6400;
	s0 =	simm.s32 $0x6580;
	s3 =	simm.s32 $0x6600  }
0x1a: {  	s6 =	simm.s32 $0x6680;
	s12 =	simm.s32 $0x6980;
	s13 =	simm.s32 $0x6A00  }
0x1b: {  	v0 =	vimm.f32 $1.000000000e+00;
	v1 =	vimm.f32 $0.0e+00;
	s14 =	simm.s32 $0x6A80;
	s15 =	simm.s32 $0x1;
	s16 =	simm.s32 $0x0  }
.LBB2_1:
0x1c: {  	s17 =	simm.s32 $0x0  }
.LBB2_2:
0x1d: {  	p0 =	sne.s32 s17, $0x1FC0  }
.Ltmp0:
0x1e: {  	_ = 	snop;
	(pc) =	sbr.rel @p0 .LBB2_2-.Ltmp0, $3  }
0x1f: {  	_ =	sdelay $0x1  }
0x20: {  	s18 =	sshra.s32 s17, $0x2  }
0x21: {  	s17 =	sadd.s32 $0x40, s17;
	[tilespmem:s18+$0x6B00] =	vst v0  }
0x22: {  	s17 =	simm.s32 $0x40;
	s18 =	simm.s32 $0x0  }
.LBB2_4:
0x23: {  	p0 =	sne.s32 s17, $0x18C0;
	[tilespmem:s18+$0x7300] =	vst v1;
	s18 =	smov.u32 s17;
	s17 =	sadd.s32 $0x40, s17  }
.Ltmp1:
0x24: {  	(pc) =	sbr.rel @p0 .LBB2_4-.Ltmp1, $2  }
0x25: {  	_ =	sdelay $0x2  }
0x26: {  	s18 =	sshra.s32 s18, $0x2  }
0x27: {  	[tilespmem:s18+$0x7300] =	vst v1  }
0x28: {  	[spmem:s5] =	stream.linear.scatter [tilespmem:s24], [sflag:$0x2], $0x640, $0x38;
	[tilespmem:$0x7940] =	vst v63  }
0x29: {  	_ =	swait.ge [sflag:s25], $0x640  }
0x2a: {  	[sflag:s25] =	ssyncset.done $0x0  }
0x2b: {  	s17 =	rddreg [dreg:$0x4];
	[sflag:s25] =	ssyncadd.s32 $0xFFFFF9C0  }
0x2c: {  	[spmem:s17] =	stream.linear.scatter [tilespmem:s24], [sflag:$0x2], $0x640, $0x38;
	[tilespmem:$0x7940] =	vst v63  }
0x2d: {  	_ =	swait.ge [sflag:s25], $0x640  }
0x2e: {  	[sflag:s25] =	ssyncset.done $0x0  }
0x2f: {  	s20 =	rddreg [dreg:$0x5];
	[sflag:s25] =	ssyncadd.s32 $0xFFFFF9C0  }
0x30: {  	[spmem:s20] =	stream.linear.scatter [tilespmem:s24], [sflag:$0x2], $0x640, $0x38;
	[tilespmem:$0x7940] =	vst v63  }
0x31: {  	_ =	swait.ge [sflag:s25], $0x640  }
0x32: {  	[sflag:s25] =	ssyncset.done $0x0  }
0x33: {  	s23 =	rddreg [dreg:$0x6];
	[sflag:s25] =	ssyncadd.s32 $0xFFFFF9C0  }
0x34: {  	[spmem:s23] =	stream.linear.scatter [tilespmem:s24], [sflag:$0x2], $0x640, $0x38;
	[tilespmem:$0x7940] =	vst v63  }
0x35: {  	_ =	swait.ge [sflag:s25], $0x640  }
0x36: {  	[sflag:s25] =	ssyncset.done $0x0  }
0x37: {  	s18 =	rddreg [dreg:$0x7];
	[sflag:s25] =	ssyncadd.s32 $0xFFFFF9C0  }
0x38: {  	[spmem:s18] =	stream.linear.scatter [tilespmem:s24], [sflag:$0x2], $0x640, $0x38;
	[tilespmem:$0x7940] =	vst v63  }
0x39: {  	_ =	swait.ge [sflag:s25], $0x640  }
0x3a: {  	[sflag:s25] =	ssyncset.done $0x0  }
0x3b: {  	s20 =	rddreg [dreg:$0x8];
	[sflag:s25] =	ssyncadd.s32 $0xFFFFF9C0  }
0x3c: {  	[spmem:s20] =	stream.linear.scatter [tilespmem:s24], [sflag:$0x2], $0x640, $0x38;
	[tilespmem:$0x7940] =	vst v63  }
0x3d: {  	_ =	swait.ge [sflag:s25], $0x640  }
0x3e: {  	[sflag:s25] =	ssyncset.done $0x0  }
0x3f: {  	s23 =	rddreg [dreg:$0x9];
	[sflag:s25] =	ssyncadd.s32 $0xFFFFF9C0  }
0x40: {  	[spmem:s23] =	stream.linear.scatter [tilespmem:s24], [sflag:$0x2], $0x640, $0x38;
	[tilespmem:$0x7940] =	vst v63  }
0x41: {  	_ =	swait.ge [sflag:s25], $0x640  }
0x42: {  	[sflag:s25] =	ssyncset.done $0x0  }
0x43: {  	s18 =	rddreg [dreg:$0xa];
	[sflag:s25] =	ssyncadd.s32 $0xFFFFF9C0  }
0x44: {  	[spmem:s18] =	stream.linear.scatter [tilespmem:s24], [sflag:$0x2], $0x640, $0x38;
	[tilespmem:$0x7940] =	vst v63  }
0x45: {  	_ =	swait.ge [sflag:s25], $0x640  }
0x46: {  	[sflag:s25] =	ssyncset.done $0x0  }
0x47: {  	s20 =	rddreg [dreg:$0xb];
	[sflag:s25] =	ssyncadd.s32 $0xFFFFF9C0  }
0x48: {  	[spmem:s20] =	stream.linear.scatter [tilespmem:s24], [sflag:$0x2], $0x640, $0x38;
	[tilespmem:$0x7940] =	vst v63  }
0x49: {  	_ =	swait.ge [sflag:s25], $0x640  }
0x4a: {  	[sflag:s25] =	ssyncset.done $0x0  }
0x4b: {  	s23 =	rddreg [dreg:$0xc];
	[sflag:s25] =	ssyncadd.s32 $0xFFFFF9C0  }
0x4c: {  	[spmem:s23] =	stream.linear.scatter [tilespmem:s24], [sflag:$0x2], $0x640, $0x38;
	[tilespmem:$0x7940] =	vst v63  }
0x4d: {  	_ =	swait.ge [sflag:s25], $0x640  }
0x4e: {  	[sflag:s25] =	ssyncset.done $0x0  }
0x4f: {  	s18 =	rddreg [dreg:$0xd];
	[sflag:s25] =	ssyncadd.s32 $0xFFFFF9C0  }
0x50: {  	[spmem:s18] =	stream.linear.scatter [tilespmem:s24], [sflag:$0x2], $0x640, $0x38;
	[tilespmem:$0x7940] =	vst v63  }
0x51: {  	_ =	swait.ge [sflag:s25], $0x640  }
0x52: {  	[sflag:s25] =	ssyncset.done $0x0  }
0x53: {  	s20 =	rddreg [dreg:$0xe];
	[sflag:s25] =	ssyncadd.s32 $0xFFFFF9C0  }
0x54: {  	[spmem:s20] =	stream.linear.scatter [tilespmem:s24], [sflag:$0x2], $0x640, $0x38;
	[tilespmem:$0x7940] =	vst v63  }
0x55: {  	_ =	swait.ge [sflag:s25], $0x640  }
0x56: {  	[sflag:s25] =	ssyncset.done $0x0  }
0x57: {  	s23 =	rddreg [dreg:$0xf];
	[sflag:s25] =	ssyncadd.s32 $0xFFFFF9C0  }
0x58: {  	[spmem:s23] =	stream.linear.scatter [tilespmem:s24], [sflag:$0x2], $0x640, $0x38;
	[tilespmem:$0x7940] =	vst v63  }
0x59: {  	_ =	swait.ge [sflag:s25], $0x640  }
0x5a: {  	[sflag:s25] =	ssyncset.done $0x0  }
0x5b: {  	s18 =	rddreg [dreg:$0x10];
	[sflag:s25] =	ssyncadd.s32 $0xFFFFF9C0  }
0x5c: {  	[spmem:s18] =	stream.linear.scatter [tilespmem:s24], [sflag:$0x2], $0x640, $0x38;
	[tilespmem:$0x7940] =	vst v63  }
0x5d: {  	_ =	swait.ge [sflag:s25], $0x640  }
0x5e: {  	[sflag:s25] =	ssyncset.done $0x0  }
0x5f: {  	s20 =	rddreg [dreg:$0x11];
	[sflag:s25] =	ssyncadd.s32 $0xFFFFF9C0  }
0x60: {  	[spmem:s20] =	stream.linear.scatter [tilespmem:s24], [sflag:$0x2], $0x640, $0x38;
	[tilespmem:$0x7940] =	vst v63  }
0x61: {  	_ =	swait.ge [sflag:s25], $0x640  }
0x62: {  	[sflag:s25] =	ssyncset.done $0x0  }
0x63: {  	[sflag:s25] =	ssyncadd.s32 $0xFFFFF9C0  }
0x64: {  	[spmem:s21] =	stream.linear.scatter [tilespmem:s24], [sflag:$0x2], $0x640, $0x38;
	[tilespmem:$0x7940] =	vst v63  }
0x65: {  	_ =	swait.ge [sflag:s25], $0x640  }
0x66: {  	[sflag:s25] =	ssyncset.done $0x0  }
0x67: {  	[sflag:s25] =	ssyncadd.s32 $0xFFFFF9C0  }
0x68: {  	s23 =	sadd.s32 $0x0, s22;
	[bflag:$0x0] =	sbarrier.arrive $0xFFFF  }
0x69: {  	[tilespmem:s26], [sflag:$0x2] =	stream.linear.gather [hbm4b:s23+s2], $0x700, $0x38;
	[tilespmem:$0x7940] =	vst v63  }
0x6a: {  	_ =	swait.ge [sflag:s25], $0x700  }
0x6b: {  	[sflag:s25] =	ssyncset.done $0x0  }
0x6c: {  	[sflag:s25] =	ssyncadd.s32 $0xFFFFF900  }
0x6d: {  	[spmem:s1] =	stream.indirect.scatter.add.f32 [tilespmem:s29], [sflag:$0x1], $0x10, s26, s28, $0xb8;
	[tilespmem:$0x7940] =	vst v63  }
0x6e: {  	_ = 	snop  }
0x6f: {  	[spmem:s1] =	stream.indirect.scatter.add.f32 [tilespmem:s29], [sflag:$0x1], $0x10, s30, s28, $0xb8;
	[tilespmem:$0x7940] =	vst v63  }
0x70: {  	_ = 	snop  }
0x71: {  	[spmem:s1] =	stream.indirect.scatter.add.f32 [tilespmem:s29], [sflag:$0x1], $0x10, s31, s28, $0xb8;
	[tilespmem:$0x7940] =	vst v63  }
0x72: {  	_ = 	snop  }
0x73: {  	[spmem:s1] =	stream.indirect.scatter.add.f32 [tilespmem:s29], [sflag:$0x1], $0x10, s0, s28, $0xb8;
	[tilespmem:$0x7940] =	vst v63  }
0x74: {  	_ = 	snop  }
0x75: {  	[spmem:s1] =	stream.indirect.scatter.add.f32 [tilespmem:s29], [sflag:$0x1], $0x10, s3, s28, $0xb8;
	[tilespmem:$0x7940] =	vst v63  }
0x76: {  	_ = 	snop  }
0x77: {  	[spmem:s1] =	stream.indirect.scatter.add.f32 [tilespmem:s29], [sflag:$0x1], $0x10, s6, s28, $0xb8;
	[tilespmem:$0x7940] =	vst v63  }
0x78: {  	_ = 	snop  }
0x79: {  	[spmem:s1] =	stream.indirect.scatter.add.f32 [tilespmem:s29], [sflag:$0x1], $0x10, s7, s28, $0xb8;
	[tilespmem:$0x7940] =	vst v63  }
0x7a: {  	_ = 	snop  }
0x7b: {  	[spmem:s1] =	stream.indirect.scatter.add.f32 [tilespmem:s29], [sflag:$0x1], $0x10, s8, s28, $0xb8;
	[tilespmem:$0x7940] =	vst v63  }
0x7c: {  	_ = 	snop  }
0x7d: {  	[spmem:s1] =	stream.indirect.scatter.add.f32 [tilespmem:s29], [sflag:$0x1], $0x10, s9, s28, $0xb8;
	[tilespmem:$0x7940] =	vst v63  }
0x7e: {  	_ = 	snop  }
0x7f: {  	[spmem:s1] =	stream.indirect.scatter.add.f32 [tilespmem:s29], [sflag:$0x1], $0x10, s10, s28, $0xb8;
	[tilespmem:$0x7940] =	vst v63  }
0x80: {  	_ = 	snop  }
0x81: {  	[spmem:s1] =	stream.indirect.scatter.add.f32 [tilespmem:s29], [sflag:$0x1], $0x10, s11, s28, $0xb8;
	[tilespmem:$0x7940] =	vst v63  }
0x82: {  	_ = 	snop  }
0x83: {  	[spmem:s1] =	stream.indirect.scatter.add.f32 [tilespmem:s29], [sflag:$0x1], $0x10, s12, s28, $0xb8;
	[tilespmem:$0x7940] =	vst v63  }
0x84: {  	_ = 	snop  }
0x85: {  	[spmem:s1] =	stream.indirect.scatter.add.f32 [tilespmem:s29], [sflag:$0x1], $0x10, s13, s28, $0xb8;
	[tilespmem:$0x7940] =	vst v63  }
0x86: {  	_ = 	snop  }
0x87: {  	[spmem:s1] =	stream.indirect.scatter.add.f32 [tilespmem:s29], [sflag:$0x1], $0x10, s14, s28, $0xb8;
	[tilespmem:$0x7940] =	vst v63  }
0x88: {  	_ =	swait.ge [sflag:s15], $0x800  }
0x89: {  	[sflag:s15] =	ssyncset.done $0x0  }
0x8a: {  	[sflag:s15] =	ssyncadd.s32 $0xFFFFF800  }
0x8b: {  	_ =	swait.ge [sflag:s15], $0x800  }
0x8c: {  	[sflag:s15] =	ssyncset.done $0x0  }
0x8d: {  	[sflag:s15] =	ssyncadd.s32 $0xFFFFF800  }
0x8e: {  	_ =	swait.ge [sflag:s15], $0x800  }
0x8f: {  	[sflag:s15] =	ssyncset.done $0x0  }
0x90: {  	[sflag:s15] =	ssyncadd.s32 $0xFFFFF800  }
0x91: {  	_ =	swait.ge [sflag:s15], $0x800  }
0x92: {  	[sflag:s15] =	ssyncset.done $0x0  }
0x93: {  	[sflag:s15] =	ssyncadd.s32 $0xFFFFF800  }
0x94: {  	_ =	swait.ge [sflag:s15], $0x800  }
0x95: {  	[sflag:s15] =	ssyncset.done $0x0  }
0x96: {  	[sflag:s15] =	ssyncadd.s32 $0xFFFFF800  }
0x97: {  	_ =	swait.ge [sflag:s15], $0x800  }
0x98: {  	[sflag:s15] =	ssyncset.done $0x0  }
0x99: {  	[sflag:s15] =	ssyncadd.s32 $0xFFFFF800  }
0x9a: {  	_ =	swait.ge [sflag:s15], $0x800  }
0x9b: {  	[sflag:s15] =	ssyncset.done $0x0  }
0x9c: {  	[sflag:s15] =	ssyncadd.s32 $0xFFFFF800  }
0x9d: {  	_ =	swait.ge [sflag:s15], $0x800  }
0x9e: {  	[sflag:s15] =	ssyncset.done $0x0  }
0x9f: {  	[sflag:s15] =	ssyncadd.s32 $0xFFFFF800  }
0xa0: {  	_ =	swait.ge [sflag:s15], $0x800  }
0xa1: {  	[sflag:s15] =	ssyncset.done $0x0  }
0xa2: {  	[sflag:s15] =	ssyncadd.s32 $0xFFFFF800  }
0xa3: {  	_ =	swait.ge [sflag:s15], $0x800  }
0xa4: {  	[sflag:s15] =	ssyncset.done $0x0  }
0xa5: {  	[sflag:s15] =	ssyncadd.s32 $0xFFFFF800  }
0xa6: {  	_ =	swait.ge [sflag:s15], $0x800  }
0xa7: {  	[sflag:s15] =	ssyncset.done $0x0  }
0xa8: {  	[sflag:s15] =	ssyncadd.s32 $0xFFFFF800  }
0xa9: {  	_ =	swait.ge [sflag:s15], $0x800  }
0xaa: {  	[sflag:s15] =	ssyncset.done $0x0  }
0xab: {  	[sflag:s15] =	ssyncadd.s32 $0xFFFFF800  }
0xac: {  	_ =	swait.ge [sflag:s15], $0x800  }
0xad: {  	[sflag:s15] =	ssyncset.done $0x0  }
0xae: {  	[sflag:s15] =	ssyncadd.s32 $0xFFFFF800  }
0xaf: {  	_ =	swait.ge [sflag:s15], $0x800  }
0xb0: {  	s17 =	simm.s32 $0xE0;
	s23 =	simm.s32 $0x1C0;
	[sflag:s15] =	ssyncset.done $0x0  }
.LBB2_6:
0xb1: {  	s20 =	sadd.s32 s17, s22  }
0xb2: {  	[sflag:s15] =	ssyncadd.s32 $0xFFFFF800;
	s17 =	smov.u32 s23;
	s18 =	sadd.s32 $0xE0, s23  }
0xb3: {  	[tilespmem:s26], [sflag:$0x2] =	stream.linear.gather [hbm4b:s20+s2], $0x700, $0x38;
	[tilespmem:$0x7940] =	vst v63  }
0xb4: {  	p0 =	sne.s32 s23, $0xB60;
	_ =	swait.ge [sflag:s25], $0x700  }
0xb5: {  	[sflag:s25] =	ssyncset.done $0x0  }
0xb6: {  	[sflag:s25] =	ssyncadd.s32 $0xFFFFF900  }
0xb7: {  	[spmem:s1] =	stream.indirect.scatter.add.f32 [tilespmem:s29], [sflag:$0x1], $0x10, s26, s28, $0xb8;
	[tilespmem:$0x7940] =	vst v63  }
0xb8: {  	_ = 	snop  }
0xb9: {  	[spmem:s1] =	stream.indirect.scatter.add.f32 [tilespmem:s29], [sflag:$0x1], $0x10, s30, s28, $0xb8;
	[tilespmem:$0x7940] =	vst v63  }
0xba: {  	_ = 	snop  }
0xbb: {  	[spmem:s1] =	stream.indirect.scatter.add.f32 [tilespmem:s29], [sflag:$0x1], $0x10, s31, s28, $0xb8;
	[tilespmem:$0x7940] =	vst v63  }
0xbc: {  	_ = 	snop  }
0xbd: {  	[spmem:s1] =	stream.indirect.scatter.add.f32 [tilespmem:s29], [sflag:$0x1], $0x10, s0, s28, $0xb8;
	[tilespmem:$0x7940] =	vst v63  }
0xbe: {  	_ = 	snop  }
0xbf: {  	[spmem:s1] =	stream.indirect.scatter.add.f32 [tilespmem:s29], [sflag:$0x1], $0x10, s3, s28, $0xb8;
	[tilespmem:$0x7940] =	vst v63  }
0xc0: {  	_ = 	snop  }
0xc1: {  	[spmem:s1] =	stream.indirect.scatter.add.f32 [tilespmem:s29], [sflag:$0x1], $0x10, s6, s28, $0xb8;
	[tilespmem:$0x7940] =	vst v63  }
0xc2: {  	_ = 	snop  }
0xc3: {  	[spmem:s1] =	stream.indirect.scatter.add.f32 [tilespmem:s29], [sflag:$0x1], $0x10, s7, s28, $0xb8;
	[tilespmem:$0x7940] =	vst v63  }
0xc4: {  	_ = 	snop  }
0xc5: {  	[spmem:s1] =	stream.indirect.scatter.add.f32 [tilespmem:s29], [sflag:$0x1], $0x10, s8, s28, $0xb8;
	[tilespmem:$0x7940] =	vst v63  }
0xc6: {  	_ = 	snop  }
0xc7: {  	[spmem:s1] =	stream.indirect.scatter.add.f32 [tilespmem:s29], [sflag:$0x1], $0x10, s9, s28, $0xb8;
	[tilespmem:$0x7940] =	vst v63  }
0xc8: {  	_ = 	snop  }
0xc9: {  	[spmem:s1] =	stream.indirect.scatter.add.f32 [tilespmem:s29], [sflag:$0x1], $0x10, s10, s28, $0xb8;
	[tilespmem:$0x7940] =	vst v63  }
0xca: {  	_ = 	snop  }
0xcb: {  	[spmem:s1] =	stream.indirect.scatter.add.f32 [tilespmem:s29], [sflag:$0x1], $0x10, s11, s28, $0xb8;
	[tilespmem:$0x7940] =	vst v63  }
0xcc: {  	_ = 	snop  }
0xcd: {  	[spmem:s1] =	stream.indirect.scatter.add.f32 [tilespmem:s29], [sflag:$0x1], $0x10, s12, s28, $0xb8;
	[tilespmem:$0x7940] =	vst v63  }
0xce: {  	_ = 	snop  }
0xcf: {  	[spmem:s1] =	stream.indirect.scatter.add.f32 [tilespmem:s29], [sflag:$0x1], $0x10, s13, s28, $0xb8;
	[tilespmem:$0x7940] =	vst v63  }
0xd0: {  	_ = 	snop  }
0xd1: {  	[spmem:s1] =	stream.indirect.scatter.add.f32 [tilespmem:s29], [sflag:$0x1], $0x10, s14, s28, $0xb8;
	[tilespmem:$0x7940] =	vst v63  }
0xd2: {  	_ =	swait.ge [sflag:s15], $0x800  }
0xd3: {  	[sflag:s15] =	ssyncset.done $0x0  }
0xd4: {  	[sflag:s15] =	ssyncadd.s32 $0xFFFFF800  }
0xd5: {  	_ =	swait.ge [sflag:s15], $0x800  }
0xd6: {  	[sflag:s15] =	ssyncset.done $0x0  }
0xd7: {  	[sflag:s15] =	ssyncadd.s32 $0xFFFFF800  }
0xd8: {  	_ =	swait.ge [sflag:s15], $0x800  }
0xd9: {  	[sflag:s15] =	ssyncset.done $0x0  }
0xda: {  	[sflag:s15] =	ssyncadd.s32 $0xFFFFF800  }
0xdb: {  	_ =	swait.ge [sflag:s15], $0x800  }
0xdc: {  	[sflag:s15] =	ssyncset.done $0x0  }
0xdd: {  	[sflag:s15] =	ssyncadd.s32 $0xFFFFF800  }
0xde: {  	_ =	swait.ge [sflag:s15], $0x800  }
0xdf: {  	[sflag:s15] =	ssyncset.done $0x0  }
0xe0: {  	[sflag:s15] =	ssyncadd.s32 $0xFFFFF800  }
0xe1: {  	_ =	swait.ge [sflag:s15], $0x800  }
0xe2: {  	[sflag:s15] =	ssyncset.done $0x0  }
0xe3: {  	[sflag:s15] =	ssyncadd.s32 $0xFFFFF800  }
0xe4: {  	_ =	swait.ge [sflag:s15], $0x800  }
0xe5: {  	[sflag:s15] =	ssyncset.done $0x0  }
0xe6: {  	[sflag:s15] =	ssyncadd.s32 $0xFFFFF800  }
0xe7: {  	_ =	swait.ge [sflag:s15], $0x800  }
0xe8: {  	[sflag:s15] =	ssyncset.done $0x0  }
0xe9: {  	[sflag:s15] =	ssyncadd.s32 $0xFFFFF800  }
0xea: {  	_ =	swait.ge [sflag:s15], $0x800  }
0xeb: {  	[sflag:s15] =	ssyncset.done $0x0  }
0xec: {  	[sflag:s15] =	ssyncadd.s32 $0xFFFFF800  }
0xed: {  	_ =	swait.ge [sflag:s15], $0x800  }
0xee: {  	[sflag:s15] =	ssyncset.done $0x0  }
0xef: {  	[sflag:s15] =	ssyncadd.s32 $0xFFFFF800  }
0xf0: {  	_ =	swait.ge [sflag:s15], $0x800  }
0xf1: {  	[sflag:s15] =	ssyncset.done $0x0  }
0xf2: {  	[sflag:s15] =	ssyncadd.s32 $0xFFFFF800  }
0xf3: {  	_ =	swait.ge [sflag:s15], $0x800  }
0xf4: {  	[sflag:s15] =	ssyncset.done $0x0  }
0xf5: {  	[sflag:s15] =	ssyncadd.s32 $0xFFFFF800  }
.Ltmp2:
0xf6: {  	_ =	swait.ge [sflag:s15], $0x800;
	(pc) =	sbr.rel @p0 .LBB2_6-.Ltmp2, $4  }
0xf7: {  	[sflag:s15] =	ssyncset.done $0x0  }
0xf8: {  	[sflag:s15] =	ssyncadd.s32 $0xFFFFF800  }
0xf9: {  	_ =	swait.ge [sflag:s15], $0x800  }
0xfa: {  	s23 =	smov.u32 s18;
	[sflag:s15] =	ssyncset.done $0x0  }
0xfb: {  	s17 =	sadd.s32 s17, s22;
	[sflag:s15] =	ssyncadd.s32 $0xFFFFF800  }
0xfc: {  	[tilespmem:s26], [sflag:$0x2] =	stream.linear.gather [hbm4b:s17+s2], $0x700, $0x38;
	[tilespmem:$0x7940] =	vst v63  }
0xfd: {  	_ =	swait.ge [sflag:s25], $0x700  }
0xfe: {  	[sflag:s25] =	ssyncset.done $0x0  }
0xff: {  	[sflag:s25] =	ssyncadd.s32 $0xFFFFF900  }
0x100: {  	[spmem:s1] =	stream.indirect.scatter.add.f32 [tilespmem:s29], [sflag:$0x1], $0x10, s26, s28, $0xb8;
	[tilespmem:$0x7940] =	vst v63  }
0x101: {  	_ = 	snop  }
0x102: {  	[spmem:s1] =	stream.indirect.scatter.add.f32 [tilespmem:s29], [sflag:$0x1], $0x10, s30, s28, $0xb8;
	[tilespmem:$0x7940] =	vst v63  }
0x103: {  	_ = 	snop  }
0x104: {  	[spmem:s1] =	stream.indirect.scatter.add.f32 [tilespmem:s29], [sflag:$0x1], $0x10, s31, s28, $0xb8;
	[tilespmem:$0x7940] =	vst v63  }
0x105: {  	_ = 	snop  }
0x106: {  	[spmem:s1] =	stream.indirect.scatter.add.f32 [tilespmem:s29], [sflag:$0x1], $0x10, s0, s28, $0xb8;
	[tilespmem:$0x7940] =	vst v63  }
0x107: {  	_ = 	snop  }
0x108: {  	[spmem:s1] =	stream.indirect.scatter.add.f32 [tilespmem:s29], [sflag:$0x1], $0x10, s3, s28, $0xb8;
	[tilespmem:$0x7940] =	vst v63  }
0x109: {  	_ = 	snop  }
0x10a: {  	[spmem:s1] =	stream.indirect.scatter.add.f32 [tilespmem:s29], [sflag:$0x1], $0x10, s6, s28, $0xb8;
	[tilespmem:$0x7940] =	vst v63  }
0x10b: {  	_ = 	snop  }
0x10c: {  	[spmem:s1] =	stream.indirect.scatter.add.f32 [tilespmem:s29], [sflag:$0x1], $0x10, s7, s28, $0xb8;
	[tilespmem:$0x7940] =	vst v63  }
0x10d: {  	_ = 	snop  }
0x10e: {  	[spmem:s1] =	stream.indirect.scatter.add.f32 [tilespmem:s29], [sflag:$0x1], $0x10, s8, s28, $0xb8;
	[tilespmem:$0x7940] =	vst v63  }
0x10f: {  	_ = 	snop  }
0x110: {  	[spmem:s1] =	stream.indirect.scatter.add.f32 [tilespmem:s29], [sflag:$0x1], $0x10, s9, s28, $0xb8;
	[tilespmem:$0x7940] =	vst v63  }
0x111: {  	_ = 	snop  }
0x112: {  	[spmem:s1] =	stream.indirect.scatter.add.f32 [tilespmem:s29], [sflag:$0x1], $0x10, s10, s28, $0xb8;
	[tilespmem:$0x7940] =	vst v63  }
0x113: {  	_ = 	snop  }
0x114: {  	[spmem:s1] =	stream.indirect.scatter.add.f32 [tilespmem:s29], [sflag:$0x1], $0x10, s11, s28, $0xb8;
	[tilespmem:$0x7940] =	vst v63  }
0x115: {  	_ = 	snop  }
0x116: {  	[spmem:s1] =	stream.indirect.scatter.add.f32 [tilespmem:s29], [sflag:$0x1], $0x10, s12, s28, $0xb8;
	[tilespmem:$0x7940] =	vst v63  }
0x117: {  	_ = 	snop  }
0x118: {  	[spmem:s1] =	stream.indirect.scatter.add.f32 [tilespmem:s29], [sflag:$0x1], $0x10, s13, s28, $0xb8;
	[tilespmem:$0x7940] =	vst v63  }
0x119: {  	_ = 	snop  }
0x11a: {  	[spmem:s1] =	stream.indirect.scatter.add.f32 [tilespmem:s29], [sflag:$0x1], $0x10, s14, s28, $0xb8;
	[tilespmem:$0x7940] =	vst v63  }
0x11b: {  	_ =	swait.ge [sflag:s15], $0x800  }
0x11c: {  	[sflag:s15] =	ssyncset.done $0x0  }
0x11d: {  	[sflag:s15] =	ssyncadd.s32 $0xFFFFF800  }
0x11e: {  	_ =	swait.ge [sflag:s15], $0x800  }
0x11f: {  	[sflag:s15] =	ssyncset.done $0x0  }
0x120: {  	[sflag:s15] =	ssyncadd.s32 $0xFFFFF800  }
0x121: {  	_ =	swait.ge [sflag:s15], $0x800  }
0x122: {  	[sflag:s15] =	ssyncset.done $0x0  }
0x123: {  	[sflag:s15] =	ssyncadd.s32 $0xFFFFF800  }
0x124: {  	_ =	swait.ge [sflag:s15], $0x800  }
0x125: {  	[sflag:s15] =	ssyncset.done $0x0  }
0x126: {  	[sflag:s15] =	ssyncadd.s32 $0xFFFFF800  }
0x127: {  	_ =	swait.ge [sflag:s15], $0x800  }
0x128: {  	[sflag:s15] =	ssyncset.done $0x0  }
0x129: {  	[sflag:s15] =	ssyncadd.s32 $0xFFFFF800  }
0x12a: {  	_ =	swait.ge [sflag:s15], $0x800  }
0x12b: {  	[sflag:s15] =	ssyncset.done $0x0  }
0x12c: {  	[sflag:s15] =	ssyncadd.s32 $0xFFFFF800  }
0x12d: {  	_ =	swait.ge [sflag:s15], $0x800  }
0x12e: {  	[sflag:s15] =	ssyncset.done $0x0  }
0x12f: {  	[sflag:s15] =	ssyncadd.s32 $0xFFFFF800  }
0x130: {  	_ =	swait.ge [sflag:s15], $0x800  }
0x131: {  	[sflag:s15] =	ssyncset.done $0x0  }
0x132: {  	[sflag:s15] =	ssyncadd.s32 $0xFFFFF800  }
0x133: {  	_ =	swait.ge [sflag:s15], $0x800  }
0x134: {  	[sflag:s15] =	ssyncset.done $0x0  }
0x135: {  	[sflag:s15] =	ssyncadd.s32 $0xFFFFF800  }
0x136: {  	_ =	swait.ge [sflag:s15], $0x800  }
0x137: {  	[sflag:s15] =	ssyncset.done $0x0  }
0x138: {  	[sflag:s15] =	ssyncadd.s32 $0xFFFFF800  }
0x139: {  	_ =	swait.ge [sflag:s15], $0x800  }
0x13a: {  	[sflag:s15] =	ssyncset.done $0x0  }
0x13b: {  	[sflag:s15] =	ssyncadd.s32 $0xFFFFF800  }
0x13c: {  	_ =	swait.ge [sflag:s15], $0x800  }
0x13d: {  	[sflag:s15] =	ssyncset.done $0x0  }
0x13e: {  	[sflag:s15] =	ssyncadd.s32 $0xFFFFF800  }
0x13f: {  	_ =	swait.ge [sflag:s15], $0x800  }
0x140: {  	[sflag:s15] =	ssyncset.done $0x0  }
0x141: {  	[sflag:s15] =	ssyncadd.s32 $0xFFFFF800  }
0x142: {  	_ =	swait.ge [sflag:s15], $0x800  }
0x143: {  	[sflag:s15] =	ssyncset.done $0x0  }
0x144: {  	[sflag:s15] =	ssyncadd.s32 $0xFFFFF800  }
0x145: {  	[bflag:$0x0] =	sbarrier.arrive $0xFFFF  }
0x146: {  	[tilespmem:s24], [sflag:$0x2] =	stream.linear.gather [spmem:s5], $0x640, $0x38;
	[tilespmem:$0x7940] =	vst v63  }
0x147: {  	p0 =	sne.s32 s4, $0x1;
	_ =	swait.ge [sflag:s25], $0x640  }
.Ltmp3:
0x148: {  	[sflag:s25] =	ssyncset.done $0x0;
	(pc) =	sbr.rel @!p0 .LBB2_9-.Ltmp3, $4  }
0x149: {  	[sflag:s25] =	ssyncadd.s32 $0xFFFFF9C0  }
0x14a: {  	[hbm4b:s19+s2] =	stream.linear.scatter [tilespmem:s24], [sflag:$0x2], $0x640, $0x38;
	[tilespmem:$0x7940] =	vst v63  }
0x14b: {  	s18 =	smov.u32 s5;
	_ =	swait.ge [sflag:s25], $0x640  }
0x14c: {  	s23 =	smov.u32 s19;
	s17 =	sadd.s32 $0xFFFFFFFF, s4;
	[sflag:s25] =	ssyncset.done $0x0  }
.LBB2_8:
0x14d: {  	[sflag:s25] =	ssyncadd.s32 $0xFFFFF9C0;
	s18 =	sadd.s32 $0x640, s18;
	s23 =	sadd.s32 $0xC8, s23  }
0x14e: {  	[tilespmem:s24], [sflag:$0x2] =	stream.linear.gather [spmem:s18], $0x640, $0x38;
	[tilespmem:$0x7940] =	vst v63  }
0x14f: {  	p0 =	sne.s32 s17, $0x1;
	s17 =	sadd.s32 $0xFFFFFFFF, s17;
	_ =	swait.ge [sflag:s25], $0x640  }
.Ltmp4:
0x150: {  	[sflag:s25] =	ssyncset.done $0x0;
	(pc) =	sbr.rel @p0 .LBB2_8-.Ltmp4, $4  }
0x151: {  	[sflag:s25] =	ssyncadd.s32 $0xFFFFF9C0  }
0x152: {  	[hbm4b:s23+s2] =	stream.linear.scatter [tilespmem:s24], [sflag:$0x2], $0x640, $0x38;
	[tilespmem:$0x7940] =	vst v63  }
0x153: {  	_ =	swait.ge [sflag:s25], $0x640  }
0x154: {  	[sflag:s25] =	ssyncset.done $0x0  }
.LBB2_9:
0x155: {  	s16 =	sadd.s32 $0x1, s16;
	s17 =	rddreg [dreg:$0x3]  }
0x156: {  	p0 =	sne.s32 s16, s17  }
.Ltmp5:
0x157: {  	_ = 	snop;
	(pc) =	sbr.rel @p0 .LBB2_1-.Ltmp5, $2  }
0x158: {  	_ =	sdelay $0x2  }
0x159: {  	[sflag:s25] =	ssyncadd.s32 $0xFFFFF9C0  }
0x15a: {  	_ =	sfence.sel $0x180000  }
0x15b: {  	[bflag:$0x0] =	sbarrier.arrive $0xFFFF  }
0x15c: {  	_ =	strace $0x90000047  }
0x15d: {  	s0 =	stileid.u32;
	[bflag:$0x2] =	sbarrier.arrive $0xFFFF  }
0x15e: {  	p0 =	sne.s32 s0, $0x0;
	s0 =	rddreg [dreg:$0x2]  }
0x15f: {  	s0 =	sadd.s32 @!p0 $0x100000, s0  }
0x160: {  	[sflag:s0] =	ssyncadd.tile.s32 @!p0 $0x1;
	_ =	shalt  }
.Lfunc_end2:
_tile_overlayer_lowered:
.L_overlay_start_2:
0x161: {  	(tag) =	ssettag $0x2  }
0x162: {  	s0 =	rddreg [dreg:$0x0];
	s2 =	stileid.u32  }
0x163: {  	s1 =	rddreg [dreg:$0x1];
	p0 =	sne.s32 s2, $0x0  }
0x164: {  	s3 =	rddreg [dreg:$0x2];
	[bflag:$0x3] =	sbarrier.arrive $0xFFFF;
	s2 =	simm.s32 @!p0 $0x1C02  }
0x165: {  	[timem:s3], [sflag:s2] =	dma.local @!p0 [hbm:s0], s1  }
0x166: {  	s0 =	simm.s32 @!p0 $0x2  }
0x167: {  	_ =	swait.ge @!p0 [sflag:s0], s1  }
0x168: {  	s1 =	ssub.s32 @!p0 $0x0, s1;
	[sflag:s0] =	ssyncset.done @!p0 $0x0  }
0x169: {  	[sflag:s0] =	ssyncadd.s32 @!p0 s1  }
0x16a: {  	[bflag:$0x3] =	sbarrier.arrive $0xFFFF  }
0x16b: {  	_ =	shalt  }

// kernel: kernel.13.cloned.1.call-start
scs
__scs_entry_jumppad:
0x0: {  	(pc) =	sbr.rel $0x88, $3  }
0x1: {  	(tag) =	ssettag $0x0;
	lr =	simm.s32 $0x1  }
0x2: {  	[smem:$0x3F98] =	sst lr;
	_ =	strace $0xD0000000  }
0x3: {  	_ = 	snop  }
0x4: {  	_ = 	snop  }
0x5: {  	_ = 	snop  }
0x6: {  	_ = 	snop  }
0x7: {  	_ = 	snop  }
__scs_overlays_trampoline_lowered:
0x8: {  	[smem:$0x3FA7] =	sst s0  }
0x9: {  	[smem:$0x3FA8] =	sst s1  }
0xa: {  	[smem:$0x3FA9] =	sst s2  }
0xb: {  	[smem:$0x3FAA] =	sst s3  }
0xc: {  	[smem:$0x3FAB] =	sst s4  }
0xd: {  	[smem:$0x3FAC] =	sst s5  }
0xe: {  	[smem:$0x3FAD] =	sst s6  }
0xf: {  	[smem:$0x3FAE] =	sst s7  }
0x10: {  	[smem:$0x3FAF] =	sst s8  }
0x11: {  	[smem:$0x3FB0] =	sst s9;
	s0 =	simm.s32 @!p0 $0x0  }
0x12: {  	s1 =	sld [smem:$0x3F96];
	s0 =	simm.s32 @p0 $0x1  }
0x13: {  	[smem:$0x3FB1] =	sst s0;
	s0 =	simm.s32 @!p1 $0x0  }
0x14: {  	s2 =	sld [smem:$0x3F95];
	s0 =	simm.s32 @p1 $0x1  }
0x15: {  	[smem:$0x3FB2] =	sst s0;
	s0 =	simm.s32 @!p2 $0x0  }
0x16: {  	s3 =	sld [smem:$0x3FDB];
	s0 =	simm.s32 @p2 $0x1  }
0x17: {  	s4 =	simm.s32 $0x1BF5;
	[smem:$0x3FB4] =	sst s0  }
0x18: {  	s0 =	sld [smem:$0x3F97];
	_ =	swait.ge [sflag:s4], $0x0  }
0x19: {  	s7 =	sld [smem:$0x3F98]  }
0x1a: {  	s8 =	sadd.s32 $0xFFFFE003, lr  }
0x1b: {  	s9 =	sadd.s32 $0xFFFFFEF7, lr;
	s5 =	simm.s32 $0xFFFFFFFF;
	p2 =	slt.u32 s8, $0xFFFFF086  }
0x1c: {  	p1 =	slt.u32 s9, $0xF7A;
	s5 =	simm.s32 @!p2 $0x0  }
0x1d: {  	s5 =	simm.s32 @p1 $0x1;
	p0 =	seq.s32 s7, s2  }
0x1e: {  	s7 =	smul.u32 @!p0 $0xF7A, s2;
	p2 =	seq.s32 @!p0 s5, $0x0  }
0x1f: {  	s9 =	smul.u32 $0xF7A, s1;
	s8 =	simm.s32 @!p0 $0x1BF5;
	p2 =	por !p2, p0  }
0x20: {  	[sflag:s8] =	ssyncset.s32 @!p0 $0xFFFFF086;
	s6 =	sadd.s32 @!p0 s3, s7;
	s7 =	simm.s32 @!p0 $0x108  }
0x21: {  	s3 =	sadd.s32 s3, s9;
	s6 =	sadd.s32 @!p0 $0x88, s6;
	s7 =	simm.s32 @p2 $0x1082  }
0x22: {  	[simem:s7], [sflag:s8] =	dma.local @!p0 [hbm:s6], $0xF7A  }
0x23: {  	s9 =	sor.u32 $0xD0000000, s2;
	s6 =	simm.s32 $0x108;
	_ =	swait.ge @!p0 [sflag:s8], $0x0  }
0x24: {  	s3 =	sadd.s32 $0x88, s3;
	s6 =	simm.s32 @!p1 $0x1082;
	[sflag:s4] =	ssyncset.s32 $0xFFFFF086  }
0x25: {  	[simem:s6], [sflag:s4] =	dma.local [hbm:s3], $0xF7A  }
0x26: {  	[smem:$0x3F98] =	sst s1;
	(tag) =	ssettag s2;
	_ =	strace s9  }
0x27: {  	s1 =	sld [smem:$0x3FA8]  }
0x28: {  	s2 =	sld [smem:$0x3FA9]  }
0x29: {  	s4 =	sld [smem:$0x3FAB]  }
0x2a: {  	p0 =	seq.s32 s5, $0x0;
	s5 =	sld [smem:$0x3FAC]  }
0x2b: {  	s6 =	sld [smem:$0x3FAD]  }
0x2c: {  	s7 =	sld [smem:$0x3FAE]  }
0x2d: {  	s3 =	simm.s32 $0x108;
	s8 =	sld [smem:$0x3FAF]  }
0x2e: {  	s3 =	simm.s32 @!p0 $0x1082;
	s9 =	sld [smem:$0x3FB0]  }
0x2f: {  	lr =	sadd.s32 s0, s3;
	s0 =	sld [smem:$0x3FA7]  }
0x30: {  	s3 =	sld [smem:$0x3FAA]  }
0x31: {  	[smem:$0x3FB3] =	sst s10  }
0x32: {  	s10 =	sld [smem:$0x3FB1];
	_ =	sdelay $0x3  }
0x33: {  	p0 =	seq.s32 s10, $0x1;
	s10 =	sld [smem:$0x3FB3];
	_ =	sdelay $0x3  }
0x34: {  	[smem:$0x3FB3] =	sst s10  }
0x35: {  	s10 =	sld [smem:$0x3FB2];
	_ =	sdelay $0x3  }
0x36: {  	p1 =	seq.s32 s10, $0x1;
	s10 =	sld [smem:$0x3FB3];
	_ =	sdelay $0x3  }
0x37: {  	[smem:$0x3FB3] =	sst s10  }
0x38: {  	s10 =	sld [smem:$0x3FB4]  }
0x39: {  	_ = 	snop;
	(pc) =	sbr.ind lr, $3  }
0x3a: {  	_ = 	snop  }
0x3b: {  	_ = 	snop  }
0x3c: {  	p2 =	seq.s32 s10, $0x1;
	s10 =	sld [smem:$0x3FB3]  }
0x3d: {  	_ =	shalt  }
0x3e: {  	_ =	shalt  }
0x3f: {  	_ =	shalt  }
0x40: {  	_ =	shalt  }
0x41: {  	_ =	shalt  }
0x42: {  	_ =	shalt  }
0x43: {  	_ =	shalt  }
0x44: {  	_ =	shalt  }
0x45: {  	_ =	shalt  }
0x46: {  	_ =	shalt  }
0x47: {  	_ =	shalt  }
0x48: {  	_ =	shalt  }
0x49: {  	_ =	shalt  }
0x4a: {  	_ =	shalt  }
0x4b: {  	_ =	shalt  }
0x4c: {  	_ =	shalt  }
0x4d: {  	_ =	shalt  }
0x4e: {  	_ =	shalt  }
0x4f: {  	_ =	shalt  }
0x50: {  	_ =	shalt  }
0x51: {  	_ =	shalt  }
0x52: {  	_ =	shalt  }
0x53: {  	_ =	shalt  }
0x54: {  	_ =	shalt  }
0x55: {  	_ =	shalt  }
0x56: {  	_ =	shalt  }
0x57: {  	_ =	shalt  }
0x58: {  	_ =	shalt  }
0x59: {  	_ =	shalt  }
0x5a: {  	_ =	shalt  }
0x5b: {  	_ =	shalt  }
0x5c: {  	_ =	shalt  }
0x5d: {  	_ =	shalt  }
0x5e: {  	_ =	shalt  }
0x5f: {  	_ =	shalt  }
0x60: {  	_ =	shalt  }
0x61: {  	_ =	shalt  }
0x62: {  	_ =	shalt  }
0x63: {  	_ =	shalt  }
0x64: {  	_ =	shalt  }
0x65: {  	_ =	shalt  }
0x66: {  	_ =	shalt  }
0x67: {  	_ =	shalt  }
0x68: {  	_ =	shalt  }
0x69: {  	_ =	shalt  }
0x6a: {  	_ =	shalt  }
0x6b: {  	_ =	shalt  }
0x6c: {  	_ =	shalt  }
0x6d: {  	_ =	shalt  }
0x6e: {  	_ =	shalt  }
0x6f: {  	_ =	shalt  }
0x70: {  	_ =	shalt  }
0x71: {  	_ =	shalt  }
0x72: {  	_ =	shalt  }
0x73: {  	_ =	shalt  }
0x74: {  	_ =	shalt  }
0x75: {  	_ =	shalt  }
0x76: {  	_ =	shalt  }
0x77: {  	_ =	shalt  }
0x78: {  	_ =	shalt  }
0x79: {  	_ =	shalt  }
0x7a: {  	_ =	shalt  }
0x7b: {  	_ =	shalt  }
0x7c: {  	_ =	shalt  }
0x7d: {  	_ =	shalt  }
0x7e: {  	_ =	shalt  }
0x7f: {  	_ =	shalt  }
0x80: {  	_ =	shalt  }
0x81: {  	_ =	shalt  }
0x82: {  	_ =	shalt  }
0x83: {  	_ =	shalt  }
0x84: {  	_ =	shalt  }
0x85: {  	_ =	shalt  }
0x86: {  	_ =	shalt  }
0x87: {  	_ =	shalt  }
.Lfunc_end0:
.L_simem_size_0:
called_computation.1_lowered:
.L_overlay_start_0:
0x88: {  	s2 =	sld [smem:$0x3FD9]  }
0x89: {  	s3 =	sld [smem:$0x3FFE];
	_ =	sdelay $0x1  }
0x8a: {  	s1 =	srdreg.scid  }
0x8b: {  	s0 =	sand.u32 $0x1, s1  }
0x8c: {  	s16 =	sshll.u32 s0, $0xA;
	s2 =	sadd.s32 s3, s2  }
0x8d: {  	s2 =	sadd.s32 s2, s16  }
0x8e: {  	[smem:$0x3FBF] =	sst s2  }
0x8f: {  	_ = 	snop  }
0x90: {  	(tm) =	ssettm $0x1  }
0x91: {  	s17 =	sld [smem:$0x3FFB];
	_ =	sdelay $0x3  }
0x92: {  	_ =	strace s17  }
0x93: {  	s2 =	sld [smem:$0x3FFC];
	_ =	sdelay $0x3  }
0x94: {  	_ =	strace s2  }
0x95: {  	s2 =	sld [smem:$0x3FFD];
	_ =	sdelay $0x3  }
0x96: {  	_ =	strace s2  }
0x97: {  	_ =	strace $0x8FFFFFFF  }
0x98: {  	s18 =	sld [smem:$0x3FDB];
	_ =	sdelay $0x1  }
0x99: {  	s19 =	simm.s32 $_scs_section_size  }
0x9a: {  	s4 =	simm.s32 $_size__tile_overlayer_lowered;
	s5 =	simm.s32 $_tile_overlayer_lowered  }
0x9b: {  	s22 =	simm.s32 $0x1BFF;
	s21 =	sshll.u32 s5, $0x1;
	s2 =	sadd.s32 s19, s18  }
0x9c: {  	s6 =	simm.s32 $0x0;
	s20 =	sshll.u32 s4, $0x1;
	s4 =	sadd.s32 s21, s2  }
0x9d: {  	[timem:s6], [sflag:s22] =	dma.local [hbm:s4], s20  }
0x9e: {  	_ =	swait.ge [sflag:s22], s20  }
0x9f: {  	s3 =	ssub.s32 $0x0, s20;
	[sflag:s22] =	ssyncset.done $0x0  }
0xa0: {  	[sflag:s22] =	ssyncadd.s32 s3;
	_ =	sdelay $0x1  }
0xa1: {  	s23 =	simm.s32 $0x1B8B  }
0xa2: {  	_ =	swait.ge [sflag:s23], $0x1  }
0xa3: {  	[sflag:s23] =	ssyncset.done $0x0  }
0xa4: {  	s25 =	simm.s32 $0x1B8E;
	s24 =	sld [smem:$0x3FFE];
	[sflag:s23] =	ssyncadd.s32 $0xFFFFFFFF  }
0xa5: {  	s26 =	simm.s32 $execute0_lowered;
	[smem:$0x3FD2] =	sst s25  }
0xa6: {  	s4 =	sshll.u32 s26, $0x1;
	_ =	strace $0x80000049;
	[dreg:$0x1] =	wrdreg $0xFFFFFFFF  }
0xa7: {  	s28 =	simm.s32 $_size_execute0_lowered;
	s2 =	sadd.s32 s2, s4;
	[dreg:$0x0] =	wrdreg $0x0  }
0xa8: {  	s4 =	sshll.u32 s28, $0x1;
	[dreg:$0x2] =	wrdreg s2  }
0xa9: {  	[dreg:$0x3] =	wrdreg s4  }
0xaa: {  	[dreg:$0x4] =	wrdreg $0xC0  }
0xab: {  	_ =	task [dreg:s6], $0x5FFFF  }
0xac: {  	[dreg:$0x1] =	wrdreg $0xFFFFFFFF  }
0xad: {  	[dreg:$0x0] =	wrdreg $0x60  }
0xae: {  	[dreg:$0x2] =	wrdreg s24  }
0xaf: {  	[dreg:$0x3] =	wrdreg $0x0  }
0xb0: {  	[dreg:$0x4] =	wrdreg $0x9  }
0xb1: {  	_ =	task.clear_ibuf [dreg:s6], $0x5FFFF;
	_ =	strace $0x90000049  }
0xb2: {  	s29 =	simm.s32 $0x9;
	_ =	strace $0x8000004B  }
0xb3: {  	_ =	swait.ge [sflag:s29], $0x1  }
0xb4: {  	[sflag:s29] =	ssyncadd.s32 $0xFFFFFFFF  }
0xb5: {  	_ =	strace $0x9000004B  }
0xb6: {  	_ =	sfence  }
0xb7: {  	s30 =	sld [smem:$0x0];
	_ =	sdelay $0x2  }
0xb8: {  	s31 =	sshll.u32 s1, $0xD;
	s1 =	sshrl.u32 s1, $0x2  }
0xb9: {  	s3 =	sand.u32 $0x4000, s31;
	s1 =	sadd.s32 s1, s30  }
0xba: {  	s0 =	sor.u32 s3, s0;
	s1 =	sshll.u32 s1, $0x11  }
0xbb: {  	s0 =	sor.u32 s1, s0  }
0xbc: {  	s0 =	sadd.s32 $0x8F2B, s0  }
0xbd: {  	[sflag:s0] =	ssyncadd.remote.s32 $0x1  }
0xbe: {  	_ =	sfence.sel $0xFFFF  }
0xbf: {  	[dreg:$0x0] =	wrdreg $0xFFFFFFFF;
	(pc) =	sbr.abs _section_cstart, $3  }
0xc0: {  	[dreg:$0x1] =	wrdreg $0xFFFFFFFF  }
0xc1: {  	_ =	task.clear_ibuf [dreg:s6], $0x2FFFF;
	_ =	strace $0x9FFFFFFF  }
0xc2: {  	(tm) =	ssettm $0x7FFFFFFF  }
0xc3: {  	_ =	shalt  }
tec
execute0_lowered:
.L_overlay_start_1:
0x0: {  	(tag) =	ssettag $0x1  }
0x1: {  	s0 =	rddreg [dreg:$0x0]  }
0x2: {  	s1 =	rddreg [dreg:$0x1];
	s3 =	srdreg.scid  }
0x3: {  	s2 =	simm.s32 $0x0;
	s8 =	stileid.u32;
	s23 =	simm.s32 $0x19080  }
0x4: {  	[smem:$0x7FF] =	sst s2;
	s14 =	sadd.s32 $0x2FA600, s0;
	s7 =	smul.u32 $0x64000, s8  }
0x5: {  	s17 =	smul.u32 $0xC40, s8;
	_ =	strace $0x8000004A;
	[dreg:$0x12] =	wrdreg s14  }
0x6: {  	s25 =	simm.s32 $0x19100;
	s18 =	smul.u32 $0x640, s8;
	[dreg:$0x5] =	wrdreg s23  }
0x7: {  	p0 =	seq.s32 s8, $0xF;
	s8 =	simm.s32 $0x19180;
	[dreg:$0x6] =	wrdreg s25  }
0x8: {  	s10 =	simm.s32 $0x19800;
	s12 =	simm.s32 $0x19200;
	[dreg:$0x8] =	wrdreg s8  }
0x9: {  	s3 =	sand.u32 $0x1, s3;
	s4 =	sadd.s32 $0x298A00, s0;
	[dreg:$0x9] =	wrdreg s10  }
0xa: {  	s5 =	smul.u32 $0xC400, s3;
	s6 =	sxor.u32 $0x1, s3;
	[dreg:$0xa] =	wrdreg s12  }
0xb: {  	s3 =	ssub.s32 $0x2, s3;
	s14 =	simm.s32 $0x19880;
	[dreg:$0x14] =	wrdreg s18  }
0xc: {  	s6 =	smul.u32 $0x61A8, s6;
	[dreg:$0xb] =	wrdreg s14;
	s18 =	simm.s32 $0x19900  }
0xd: {  	s15 =	sshrl.u32 s3, $0x1;
	s5 =	sadd.s32 s5, s0;
	[dreg:$0xd] =	wrdreg s18  }
0xe: {  	s0 =	sadd.s32 $0x1D5400, s0;
	s16 =	ssub.s32 s3, s15;
	[dreg:$0x11] =	wrdreg s6  }
0xf: {  	s19 =	sshrl.u32 s7, $0x2;
	[dreg:$0x13] =	wrdreg s0;
	s0 =	smax.u32 s16, $0x1  }
0x10: {  	s6 =	simm.s32 $0xA;
	s16 =	simm.s32 $0x19280;
	[dreg:$0x16] =	wrdreg s0  }
0x11: {  	s3 =	sadd.s32 s17, s5;
	s5 =	sadd.s32 s19, s1;
	[dreg:$0xc] =	wrdreg s16  }
0x12: {  	s6 =	simm.s32 @!p0 $0x10;
	[dreg:$0x17] =	wrdreg s5  }
0x13: {  	s29 =	simm.s32 $0x1;
	s20 =	sadd.s32 $0x4C00, s3;
	[dreg:$0x15] =	wrdreg s6  }
0x14: {  	s30 =	simm.s32 $0x19000;
	s22 =	sadd.s32 $0x3200, s5;
	[dreg:$0x3] =	wrdreg s20  }
0x15: {  	s31 =	simm.s32 $0x5;
	s21 =	sadd.s32 $0x1BCC00, s3;
	[dreg:$0x19] =	wrdreg s22  }
0x16: {  	s28 =	simm.s32 $0x19A00;
	s24 =	sadd.s32 $0x4B00, s5;
	[dreg:$0x4] =	wrdreg s21  }
0x17: {  	s10 =	simm.s32 $0x19E00;
	s26 =	sadd.s32 $0x6400, s5;
	[dreg:$0x1a] =	wrdreg s24  }
0x18: {  	s12 =	simm.s32 $0x1BE00;
	s7 =	sadd.s32 $0x7D00, s5;
	[dreg:$0x1b] =	wrdreg s26  }
0x19: {  	s8 =	simm.s32 $0x0;
	s9 =	sadd.s32 $0x9600, s5;
	[dreg:$0x1c] =	wrdreg s7  }
0x1a: {  	s14 =	simm.s32 $0x2;
	s11 =	sadd.s32 $0xAF00, s5;
	[dreg:$0x1d] =	wrdreg s9  }
0x1b: {  	s18 =	simm.s32 $0x19A80;
	s13 =	sadd.s32 $0xC800, s5;
	[dreg:$0x1e] =	wrdreg s11  }
0x1c: {  	s15 =	sadd.s32 $0xE100, s5;
	s17 =	sadd.s32 $0xFA00, s5;
	[dreg:$0x1f] =	wrdreg s13  }
0x1d: {  	s19 =	sadd.s32 $0x11300, s5;
	s23 =	sadd.s32 $0x14500, s5;
	[smem:$0x7F7] =	sst s15  }
0x1e: {  	s25 =	sadd.s32 $0x15E00, s5;
	s0 =	simm.s32 $0x19700;
	[smem:$0x7F8] =	sst s17  }
0x1f: {  	s3 =	simm.s32 $0x80;
	s16 =	simm.s32 $0x19400;
	[smem:$0x7F9] =	sst s19  }
0x20: {  	s6 =	sadd.s32 $0x1900, s5;
	s20 =	simm.s32 $0x19300;
	[smem:$0x7FB] =	sst s23  }
0x21: {  	s21 =	sadd.s32 $0x12C00, s5;
	s22 =	simm.s32 $0x19980;
	[smem:$0x7FC] =	sst s25  }
0x22: {  	s24 =	simm.s32 $0x19380;
	s26 =	sadd.s32 $0x17700, s5;
	[dreg:$0x18] =	wrdreg s6  }
0x23: {  	s17 =	simm.s32 $0x1DE00;
	s13 =	simm.s32 $0x3;
	[smem:$0x7FA] =	sst s21  }
0x24: {  	s15 =	simm.s32 $0x4;
	s19 =	simm.s32 $0x19480;
	[dreg:$0xe] =	wrdreg s20  }
0x25: {  	s23 =	simm.s32 $0x19580;
	s25 =	simm.s32 $0x19600;
	[dreg:$0xf] =	wrdreg s22  }
0x26: {  	s11 =	simm.s32 $0x19680;
	s5 =	simm.s32 $0x19D00;
	[dreg:$0x10] =	wrdreg s24  }
0x27: {  	s6 =	simm.s32 $0x19780;
	[smem:$0x7FD] =	sst s26;
	s20 =	simm.s32 $0x19B00  }
0x28: {  	s21 =	simm.s32 $0x19500;
	s22 =	simm.s32 $0x19B80;
	s24 =	simm.s32 $0x19C00  }
0x29: {  	v0 =	vimm.f32 $0.0e+00;
	v1 =	vimm.s32 $0x0;
	s26 =	simm.s32 $0x19C80;
	[dreg:$0x7] =	wrdreg s6;
	s6 =	simm.s32 $0x19D80  }
.LBB2_1:
0x2a: {  	[smem:$0x7F6] =	sst s8;
	s8 =	simm.s32 $0x100;
	s7 =	simm.s32 $0x0  }
.LBB2_2:
0x2b: {  	p0 =	sne.s32 s8, $0x6300;
	[tilespmem:s7+$0x1DE30] =	vst v0;
	s9 =	smov.u32 s8;
	s8 =	sadd.s32 $0x100, s8  }
.Ltmp0:
0x2c: {  	[tilespmem:s7+$0x1DE20] =	vst v0;
	(pc) =	sbr.rel @p0 .LBB2_2-.Ltmp0, $3  }
0x2d: {  	[tilespmem:s7+$0x1DE00] =	vst v0  }
0x2e: {  	[tilespmem:s7+$0x1DE10] =	vst v0;
	_ =	sdelay $0x1  }
0x2f: {  	s7 =	sshra.s32 s9, $0x2  }
0x30: {  	[tilespmem:s7+$0x1DE30] =	vst v0  }
0x31: {  	[tilespmem:s7+$0x1DE20] =	vst v0  }
0x32: {  	[tilespmem:s7+$0x1DE00] =	vst v0;
	s8 =	rddreg [dreg:$0x17]  }
0x33: {  	[tilespmem:s7+$0x1DE10] =	vst v0;
	s9 =	rddreg [dreg:$0x18]  }
0x34: {  	[spmem:s8] =	stream.linear.scatter [tilespmem:s17], [sflag:$0x1], $0x1900, $0x38;
	[tilespmem:$0x1FD40] =	vst v63  }
0x35: {  	s8 =	rddreg [dreg:$0x19]  }
0x36: {  	[spmem:s9] =	stream.linear.scatter [tilespmem:s17], [sflag:$0x1], $0x1900, $0x38;
	[tilespmem:$0x1FD40] =	vst v63  }
0x37: {  	s9 =	rddreg [dreg:$0x1a]  }
0x38: {  	[spmem:s8] =	stream.linear.scatter [tilespmem:s17], [sflag:$0x1], $0x1900, $0x38;
	[tilespmem:$0x1FD40] =	vst v63  }
0x39: {  	s8 =	rddreg [dreg:$0x1b]  }
0x3a: {  	[spmem:s9] =	stream.linear.scatter [tilespmem:s17], [sflag:$0x1], $0x1900, $0x38;
	[tilespmem:$0x1FD40] =	vst v63  }
0x3b: {  	s9 =	rddreg [dreg:$0x1c]  }
0x3c: {  	[spmem:s8] =	stream.linear.scatter [tilespmem:s17], [sflag:$0x1], $0x1900, $0x38;
	[tilespmem:$0x1FD40] =	vst v63  }
0x3d: {  	s8 =	rddreg [dreg:$0x1d]  }
0x3e: {  	[spmem:s9] =	stream.linear.scatter [tilespmem:s17], [sflag:$0x1], $0x1900, $0x38;
	[tilespmem:$0x1FD40] =	vst v63  }
0x3f: {  	s9 =	rddreg [dreg:$0x1e]  }
0x40: {  	[spmem:s8] =	stream.linear.scatter [tilespmem:s17], [sflag:$0x1], $0x1900, $0x38;
	[tilespmem:$0x1FD40] =	vst v63  }
0x41: {  	s8 =	rddreg [dreg:$0x1f]  }
0x42: {  	[spmem:s9] =	stream.linear.scatter [tilespmem:s17], [sflag:$0x1], $0x1900, $0x38;
	[tilespmem:$0x1FD40] =	vst v63  }
0x43: {  	s9 =	sld [smem:$0x7F7]  }
0x44: {  	[spmem:s8] =	stream.linear.scatter [tilespmem:s17], [sflag:$0x1], $0x1900, $0x38;
	[tilespmem:$0x1FD40] =	vst v63  }
0x45: {  	s8 =	sld [smem:$0x7F8]  }
0x46: {  	[spmem:s9] =	stream.linear.scatter [tilespmem:s17], [sflag:$0x1], $0x1900, $0x38;
	[tilespmem:$0x1FD40] =	vst v63  }
0x47: {  	s9 =	sld [smem:$0x7F9]  }
0x48: {  	[spmem:s8] =	stream.linear.scatter [tilespmem:s17], [sflag:$0x1], $0x1900, $0x38;
	[tilespmem:$0x1FD40] =	vst v63  }
0x49: {  	s8 =	sld [smem:$0x7FA]  }
0x4a: {  	[spmem:s9] =	stream.linear.scatter [tilespmem:s17], [sflag:$0x1], $0x1900, $0x38;
	[tilespmem:$0x1FD40] =	vst v63  }
0x4b: {  	s9 =	sld [smem:$0x7FB]  }
0x4c: {  	[spmem:s8] =	stream.linear.scatter [tilespmem:s17], [sflag:$0x1], $0x1900, $0x38;
	[tilespmem:$0x1FD40] =	vst v63  }
0x4d: {  	s8 =	sld [smem:$0x7FC]  }
0x4e: {  	[spmem:s9] =	stream.linear.scatter [tilespmem:s17], [sflag:$0x1], $0x1900, $0x38;
	[tilespmem:$0x1FD40] =	vst v63  }
0x4f: {  	s9 =	sld [smem:$0x7FD]  }
0x50: {  	[spmem:s8] =	stream.linear.scatter [tilespmem:s17], [sflag:$0x1], $0x1900, $0x38;
	[tilespmem:$0x1FD40] =	vst v63  }
0x51: {  	_ = 	snop  }
0x52: {  	[spmem:s9] =	stream.linear.scatter [tilespmem:s17], [sflag:$0x1], $0x1900, $0x38;
	[tilespmem:$0x1FD40] =	vst v63  }
0x53: {  	_ =	swait.ge [sflag:s29], $0x1900  }
0x54: {  	[sflag:s29] =	ssyncset.done $0x0  }
0x55: {  	[sflag:s29] =	ssyncadd.s32 $0xFFFFE700  }
0x56: {  	_ =	swait.ge [sflag:s29], $0x1900  }
0x57: {  	[sflag:s29] =	ssyncset.done $0x0  }
0x58: {  	[sflag:s29] =	ssyncadd.s32 $0xFFFFE700  }
0x59: {  	_ =	swait.ge [sflag:s29], $0x1900  }
0x5a: {  	[sflag:s29] =	ssyncset.done $0x0  }
0x5b: {  	[sflag:s29] =	ssyncadd.s32 $0xFFFFE700  }
0x5c: {  	_ =	swait.ge [sflag:s29], $0x1900  }
0x5d: {  	[sflag:s29] =	ssyncset.done $0x0  }
0x5e: {  	[sflag:s29] =	ssyncadd.s32 $0xFFFFE700  }
0x5f: {  	_ =	swait.ge [sflag:s29], $0x1900  }
0x60: {  	[sflag:s29] =	ssyncset.done $0x0  }
0x61: {  	[sflag:s29] =	ssyncadd.s32 $0xFFFFE700  }
0x62: {  	_ =	swait.ge [sflag:s29], $0x1900  }
0x63: {  	[sflag:s29] =	ssyncset.done $0x0  }
0x64: {  	[sflag:s29] =	ssyncadd.s32 $0xFFFFE700  }
0x65: {  	_ =	swait.ge [sflag:s29], $0x1900  }
0x66: {  	[sflag:s29] =	ssyncset.done $0x0  }
0x67: {  	[sflag:s29] =	ssyncadd.s32 $0xFFFFE700  }
0x68: {  	_ =	swait.ge [sflag:s29], $0x1900  }
0x69: {  	[sflag:s29] =	ssyncset.done $0x0  }
0x6a: {  	[sflag:s29] =	ssyncadd.s32 $0xFFFFE700  }
0x6b: {  	_ =	swait.ge [sflag:s29], $0x1900  }
0x6c: {  	[sflag:s29] =	ssyncset.done $0x0  }
0x6d: {  	[sflag:s29] =	ssyncadd.s32 $0xFFFFE700  }
0x6e: {  	_ =	swait.ge [sflag:s29], $0x1900  }
0x6f: {  	[sflag:s29] =	ssyncset.done $0x0  }
0x70: {  	[sflag:s29] =	ssyncadd.s32 $0xFFFFE700  }
0x71: {  	_ =	swait.ge [sflag:s29], $0x1900  }
0x72: {  	[sflag:s29] =	ssyncset.done $0x0  }
0x73: {  	[sflag:s29] =	ssyncadd.s32 $0xFFFFE700  }
0x74: {  	_ =	swait.ge [sflag:s29], $0x1900  }
0x75: {  	[sflag:s29] =	ssyncset.done $0x0  }
0x76: {  	[sflag:s29] =	ssyncadd.s32 $0xFFFFE700  }
0x77: {  	_ =	swait.ge [sflag:s29], $0x1900  }
0x78: {  	[sflag:s29] =	ssyncset.done $0x0  }
0x79: {  	[sflag:s29] =	ssyncadd.s32 $0xFFFFE700  }
0x7a: {  	_ =	swait.ge [sflag:s29], $0x1900  }
0x7b: {  	[sflag:s29] =	ssyncset.done $0x0  }
0x7c: {  	[sflag:s29] =	ssyncadd.s32 $0xFFFFE700  }
0x7d: {  	_ =	swait.ge [sflag:s29], $0x1900  }
0x7e: {  	[sflag:s29] =	ssyncset.done $0x0  }
0x7f: {  	[sflag:s29] =	ssyncadd.s32 $0xFFFFE700  }
0x80: {  	_ =	swait.ge [sflag:s29], $0x1900  }
0x81: {  	[sflag:s29] =	ssyncset.done $0x0  }
0x82: {  	[sflag:s29] =	ssyncadd.s32 $0xFFFFE700  }
0x83: {  	[bflag:$0x0] =	sbarrier.arrive $0xFFFF  }
0x84: {  	s8 =	rddreg [dreg:$0x4]  }
0x85: {  	s7 =	sadd.s32 $0x0, s8  }
0x86: {  	[tilespmem:s30], [sflag:$0x5] =	stream.linear.gather [hbm4b:s7+s2], $0x700, $0x38;
	[tilespmem:$0x1FD40] =	vst v63  }
0x87: {  	_ =	swait.ge [sflag:s31], $0x700  }
0x88: {  	s9 =	rddreg [dreg:$0x3];
	[sflag:s31] =	ssyncset.done $0x0  }
0x89: {  	[sflag:s31] =	ssyncadd.s32 $0xFFFFF900;
	s7 =	sadd.s32 $0x0, s9  }
0x8a: {  	[tilespmem:s0], [sflag:$0x5] =	stream.linear.gather [hbm4b:s7+s2], $0x700, $0x38;
	[tilespmem:$0x1FD40] =	vst v63  }
0x8b: {  	_ =	swait.ge [sflag:s31], $0x700  }
0x8c: {  	[sflag:s31] =	ssyncset.done $0x0  }
0x8d: {  	[sflag:s31] =	ssyncadd.s32 $0xFFFFF900  }
0x8e: {  	[tilespmem:s10], [sflag:$0x1] =	stream.indirect.gather [hbm4b:s4+s3], $0x40, s30, s3, $0xb8;
	[tilespmem:$0x1FD40] =	vst v63  }
0x8f: {  	s8 =	rddreg [dreg:$0x5]  }
0x90: {  	[tilespmem:s12], [sflag:$0x2] =	stream.indirect.gather [hbm4b:s4+s3], $0x40, s8, s3, $0xb8;
	[tilespmem:$0x1FD40] =	vst v63  }
0x91: {  	_ =	swait.ge [sflag:s29], $0x2000  }
0x92: {  	[sflag:s29] =	ssyncset.done $0x0  }
0x93: {  	[sflag:s29] =	ssyncadd.s32 $0xFFFFE000  }
0x94: {  	[spmem:s1] =	stream.indirect.scatter.add.f32 [tilespmem:s10], [sflag:$0x3], $0x40, s0, s3, $0xb8;
	[tilespmem:$0x1FD40] =	vst v63  }
0x95: {  	_ =	swait.ge [sflag:s13], $0x2000  }
0x96: {  	[sflag:s13] =	ssyncset.done $0x0  }
0x97: {  	s9 =	rddreg [dreg:$0x6];
	[sflag:s13] =	ssyncadd.s32 $0xFFFFE000  }
0x98: {  	[tilespmem:s10], [sflag:$0x1] =	stream.indirect.gather [hbm4b:s4+s3], $0x40, s9, s3, $0xb8;
	[tilespmem:$0x1FD40] =	vst v63  }
0x99: {  	_ =	swait.ge [sflag:s14], $0x2000  }
0x9a: {  	[sflag:s14] =	ssyncset.done $0x0  }
0x9b: {  	s8 =	rddreg [dreg:$0x7];
	[sflag:s14] =	ssyncadd.s32 $0xFFFFE000  }
0x9c: {  	[spmem:s1] =	stream.indirect.scatter.add.f32 [tilespmem:s12], [sflag:$0x4], $0x40, s8, s3, $0xb8;
	[tilespmem:$0x1FD40] =	vst v63  }
0x9d: {  	_ =	swait.ge [sflag:s15], $0x2000  }
0x9e: {  	[sflag:s15] =	ssyncset.done $0x0  }
0x9f: {  	s9 =	rddreg [dreg:$0x8];
	[sflag:s15] =	ssyncadd.s32 $0xFFFFE000  }
0xa0: {  	[tilespmem:s12], [sflag:$0x2] =	stream.indirect.gather [hbm4b:s4+s3], $0x40, s9, s3, $0xb8;
	[tilespmem:$0x1FD40] =	vst v63  }
0xa1: {  	_ =	swait.ge [sflag:s29], $0x2000  }
0xa2: {  	[sflag:s29] =	ssyncset.done $0x0  }
0xa3: {  	s8 =	rddreg [dreg:$0x9];
	[sflag:s29] =	ssyncadd.s32 $0xFFFFE000  }
0xa4: {  	[spmem:s1] =	stream.indirect.scatter.add.f32 [tilespmem:s10], [sflag:$0x3], $0x40, s8, s3, $0xb8;
	[tilespmem:$0x1FD40] =	vst v63  }
0xa5: {  	_ =	swait.ge [sflag:s13], $0x2000  }
0xa6: {  	[sflag:s13] =	ssyncset.done $0x0  }
0xa7: {  	s9 =	rddreg [dreg:$0xa];
	[sflag:s13] =	ssyncadd.s32 $0xFFFFE000  }
0xa8: {  	[tilespmem:s10], [sflag:$0x1] =	stream.indirect.gather [hbm4b:s4+s3], $0x40, s9, s3, $0xb8;
	[tilespmem:$0x1FD40] =	vst v63  }
0xa9: {  	_ =	swait.ge [sflag:s14], $0x2000  }
0xaa: {  	[sflag:s14] =	ssyncset.done $0x0  }
0xab: {  	s8 =	rddreg [dreg:$0xb];
	[sflag:s14] =	ssyncadd.s32 $0xFFFFE000  }
0xac: {  	[spmem:s1] =	stream.indirect.scatter.add.f32 [tilespmem:s12], [sflag:$0x4], $0x40, s8, s3, $0xb8;
	[tilespmem:$0x1FD40] =	vst v63  }
0xad: {  	_ =	swait.ge [sflag:s15], $0x2000  }
0xae: {  	[sflag:s15] =	ssyncset.done $0x0  }
0xaf: {  	s9 =	rddreg [dreg:$0xc];
	[sflag:s15] =	ssyncadd.s32 $0xFFFFE000  }
0xb0: {  	[tilespmem:s12], [sflag:$0x2] =	stream.indirect.gather [hbm4b:s4+s3], $0x40, s9, s3, $0xb8;
	[tilespmem:$0x1FD40] =	vst v63  }
0xb1: {  	_ =	swait.ge [sflag:s29], $0x2000  }
0xb2: {  	[sflag:s29] =	ssyncset.done $0x0  }
0xb3: {  	s8 =	rddreg [dreg:$0xd];
	[sflag:s29] =	ssyncadd.s32 $0xFFFFE000  }
0xb4: {  	[spmem:s1] =	stream.indirect.scatter.add.f32 [tilespmem:s10], [sflag:$0x3], $0x40, s8, s3, $0xb8;
	[tilespmem:$0x1FD40] =	vst v63  }
0xb5: {  	_ =	swait.ge [sflag:s13], $0x2000  }
0xb6: {  	[sflag:s13] =	ssyncset.done $0x0  }
0xb7: {  	s9 =	rddreg [dreg:$0xe];
	[sflag:s13] =	ssyncadd.s32 $0xFFFFE000  }
0xb8: {  	[tilespmem:s10], [sflag:$0x1] =	stream.indirect.gather [hbm4b:s4+s3], $0x40, s9, s3, $0xb8;
	[tilespmem:$0x1FD40] =	vst v63  }
0xb9: {  	_ =	swait.ge [sflag:s14], $0x2000  }
0xba: {  	[sflag:s14] =	ssyncset.done $0x0  }
0xbb: {  	s8 =	rddreg [dreg:$0xf];
	[sflag:s14] =	ssyncadd.s32 $0xFFFFE000  }
0xbc: {  	[spmem:s1] =	stream.indirect.scatter.add.f32 [tilespmem:s12], [sflag:$0x4], $0x40, s8, s3, $0xb8;
	[tilespmem:$0x1FD40] =	vst v63  }
0xbd: {  	_ =	swait.ge [sflag:s15], $0x2000  }
0xbe: {  	[sflag:s15] =	ssyncset.done $0x0  }
0xbf: {  	s9 =	rddreg [dreg:$0x10];
	[sflag:s15] =	ssyncadd.s32 $0xFFFFE000  }
0xc0: {  	[tilespmem:s12], [sflag:$0x2] =	stream.indirect.gather [hbm4b:s4+s3], $0x40, s9, s3, $0xb8;
	[tilespmem:$0x1FD40] =	vst v63  }
0xc1: {  	_ =	swait.ge [sflag:s29], $0x2000  }
0xc2: {  	[sflag:s29] =	ssyncset.done $0x0  }
0xc3: {  	[sflag:s29] =	ssyncadd.s32 $0xFFFFE000  }
0xc4: {  	[spmem:s1] =	stream.indirect.scatter.add.f32 [tilespmem:s10], [sflag:$0x3], $0x40, s28, s3, $0xb8;
	[tilespmem:$0x1FD40] =	vst v63  }
0xc5: {  	_ =	swait.ge [sflag:s13], $0x2000  }
0xc6: {  	[sflag:s13] =	ssyncset.done $0x0  }
0xc7: {  	[sflag:s13] =	ssyncadd.s32 $0xFFFFE000  }
0xc8: {  	[tilespmem:s10], [sflag:$0x1] =	stream.indirect.gather [hbm4b:s4+s3], $0x40, s16, s3, $0xb8;
	[tilespmem:$0x1FD40] =	vst v63  }
0xc9: {  	_ =	swait.ge [sflag:s14], $0x2000  }
0xca: {  	[sflag:s14] =	ssyncset.done $0x0  }
0xcb: {  	[sflag:s14] =	ssyncadd.s32 $0xFFFFE000  }
0xcc: {  	[spmem:s1] =	stream.indirect.scatter.add.f32 [tilespmem:s12], [sflag:$0x4], $0x40, s18, s3, $0xb8;
	[tilespmem:$0x1FD40] =	vst v63  }
0xcd: {  	_ =	swait.ge [sflag:s15], $0x2000  }
0xce: {  	[sflag:s15] =	ssyncset.done $0x0  }
0xcf: {  	[sflag:s15] =	ssyncadd.s32 $0xFFFFE000  }
0xd0: {  	[tilespmem:s12], [sflag:$0x2] =	stream.indirect.gather [hbm4b:s4+s3], $0x40, s19, s3, $0xb8;
	[tilespmem:$0x1FD40] =	vst v63  }
0xd1: {  	_ =	swait.ge [sflag:s29], $0x2000  }
0xd2: {  	[sflag:s29] =	ssyncset.done $0x0  }
0xd3: {  	[sflag:s29] =	ssyncadd.s32 $0xFFFFE000  }
0xd4: {  	[spmem:s1] =	stream.indirect.scatter.add.f32 [tilespmem:s10], [sflag:$0x3], $0x40, s20, s3, $0xb8;
	[tilespmem:$0x1FD40] =	vst v63  }
0xd5: {  	_ =	swait.ge [sflag:s13], $0x2000  }
0xd6: {  	[sflag:s13] =	ssyncset.done $0x0  }
0xd7: {  	[sflag:s13] =	ssyncadd.s32 $0xFFFFE000  }
0xd8: {  	[tilespmem:s10], [sflag:$0x1] =	stream.indirect.gather [hbm4b:s4+s3], $0x40, s21, s3, $0xb8;
	[tilespmem:$0x1FD40] =	vst v63  }
0xd9: {  	_ =	swait.ge [sflag:s14], $0x2000  }
0xda: {  	[sflag:s14] =	ssyncset.done $0x0  }
0xdb: {  	[sflag:s14] =	ssyncadd.s32 $0xFFFFE000  }
0xdc: {  	[spmem:s1] =	stream.indirect.scatter.add.f32 [tilespmem:s12], [sflag:$0x4], $0x40, s22, s3, $0xb8;
	[tilespmem:$0x1FD40] =	vst v63  }
0xdd: {  	_ =	swait.ge [sflag:s15], $0x2000  }
0xde: {  	[sflag:s15] =	ssyncset.done $0x0  }
0xdf: {  	[sflag:s15] =	ssyncadd.s32 $0xFFFFE000  }
0xe0: {  	[tilespmem:s12], [sflag:$0x2] =	stream.indirect.gather [hbm4b:s4+s3], $0x40, s23, s3, $0xb8;
	[tilespmem:$0x1FD40] =	vst v63  }
0xe1: {  	_ =	swait.ge [sflag:s29], $0x2000  }
0xe2: {  	[sflag:s29] =	ssyncset.done $0x0  }
0xe3: {  	[sflag:s29] =	ssyncadd.s32 $0xFFFFE000  }
0xe4: {  	[spmem:s1] =	stream.indirect.scatter.add.f32 [tilespmem:s10], [sflag:$0x3], $0x40, s24, s3, $0xb8;
	[tilespmem:$0x1FD40] =	vst v63  }
0xe5: {  	_ =	swait.ge [sflag:s13], $0x2000  }
0xe6: {  	[sflag:s13] =	ssyncset.done $0x0  }
0xe7: {  	[sflag:s13] =	ssyncadd.s32 $0xFFFFE000  }
0xe8: {  	[tilespmem:s10], [sflag:$0x1] =	stream.indirect.gather [hbm4b:s4+s3], $0x40, s25, s3, $0xb8;
	[tilespmem:$0x1FD40] =	vst v63  }
0xe9: {  	_ =	swait.ge [sflag:s14], $0x2000  }
0xea: {  	[sflag:s14] =	ssyncset.done $0x0  }
0xeb: {  	[sflag:s14] =	ssyncadd.s32 $0xFFFFE000  }
0xec: {  	[spmem:s1] =	stream.indirect.scatter.add.f32 [tilespmem:s12], [sflag:$0x4], $0x40, s26, s3, $0xb8;
	[tilespmem:$0x1FD40] =	vst v63  }
0xed: {  	_ =	swait.ge [sflag:s15], $0x2000  }
0xee: {  	[sflag:s15] =	ssyncset.done $0x0  }
0xef: {  	[sflag:s15] =	ssyncadd.s32 $0xFFFFE000  }
0xf0: {  	[tilespmem:s12], [sflag:$0x2] =	stream.indirect.gather [hbm4b:s4+s3], $0x40, s11, s3, $0xb8;
	[tilespmem:$0x1FD40] =	vst v63  }
0xf1: {  	_ =	swait.ge [sflag:s29], $0x2000  }
0xf2: {  	[sflag:s29] =	ssyncset.done $0x0  }
0xf3: {  	[sflag:s29] =	ssyncadd.s32 $0xFFFFE000  }
0xf4: {  	[spmem:s1] =	stream.indirect.scatter.add.f32 [tilespmem:s10], [sflag:$0x3], $0x40, s5, s3, $0xb8;
	[tilespmem:$0x1FD40] =	vst v63  }
0xf5: {  	_ =	swait.ge [sflag:s14], $0x2000  }
0xf6: {  	[sflag:s14] =	ssyncset.done $0x0  }
0xf7: {  	[sflag:s14] =	ssyncadd.s32 $0xFFFFE000  }
0xf8: {  	[spmem:s1] =	stream.indirect.scatter.add.f32 [tilespmem:s12], [sflag:$0x4], $0x40, s6, s3, $0xb8;
	[tilespmem:$0x1FD40] =	vst v63  }
0xf9: {  	_ =	swait.ge [sflag:s13], $0x2000  }
0xfa: {  	[sflag:s13] =	ssyncset.done $0x0  }
0xfb: {  	[sflag:s13] =	ssyncadd.s32 $0xFFFFE000  }
0xfc: {  	s7 =	simm.s32 $0xE0;
	_ =	swait.ge [sflag:s15], $0x2000  }
0xfd: {  	s8 =	simm.s32 $0x1C0;
	s9 =	rddreg [dreg:$0x4];
	[sflag:s15] =	ssyncset.done $0x0  }
.LBB2_4:
0xfe: {  	[sflag:s15] =	ssyncadd.s32 $0xFFFFE000;
	s9 =	sadd.s32 s7, s9  }
0xff: {  	[tilespmem:s30], [sflag:$0x5] =	stream.linear.gather [hbm4b:s9+s2], $0x700, $0x38;
	[tilespmem:$0x1FD40] =	vst v63  }
0x100: {  	_ =	swait.ge [sflag:s31], $0x700  }
0x101: {  	s9 =	rddreg [dreg:$0x3];
	[sflag:s31] =	ssyncset.done $0x0  }
0x102: {  	[sflag:s31] =	ssyncadd.s32 $0xFFFFF900;
	s9 =	sadd.s32 s7, s9  }
0x103: {  	[tilespmem:s0], [sflag:$0x5] =	stream.linear.gather [hbm4b:s9+s2], $0x700, $0x38;
	[tilespmem:$0x1FD40] =	vst v63  }
0x104: {  	_ =	swait.ge [sflag:s31], $0x700  }
0x105: {  	[sflag:s31] =	ssyncset.done $0x0  }
0x106: {  	[sflag:s31] =	ssyncadd.s32 $0xFFFFF900  }
0x107: {  	[tilespmem:s10], [sflag:$0x1] =	stream.indirect.gather [hbm4b:s4+s3], $0x40, s30, s3, $0xb8;
	[tilespmem:$0x1FD40] =	vst v63  }
0x108: {  	s9 =	rddreg [dreg:$0x5]  }
0x109: {  	[tilespmem:s12], [sflag:$0x2] =	stream.indirect.gather [hbm4b:s4+s3], $0x40, s9, s3, $0xb8;
	[tilespmem:$0x1FD40] =	vst v63  }
0x10a: {  	_ =	swait.ge [sflag:s29], $0x2000  }
0x10b: {  	[sflag:s29] =	ssyncset.done $0x0  }
0x10c: {  	[sflag:s29] =	ssyncadd.s32 $0xFFFFE000  }
0x10d: {  	[spmem:s1] =	stream.indirect.scatter.add.f32 [tilespmem:s10], [sflag:$0x3], $0x40, s0, s3, $0xb8;
	[tilespmem:$0x1FD40] =	vst v63  }
0x10e: {  	_ =	swait.ge [sflag:s13], $0x2000  }
0x10f: {  	[sflag:s13] =	ssyncset.done $0x0  }
0x110: {  	s9 =	rddreg [dreg:$0x6];
	[sflag:s13] =	ssyncadd.s32 $0xFFFFE000  }
0x111: {  	[tilespmem:s10], [sflag:$0x1] =	stream.indirect.gather [hbm4b:s4+s3], $0x40, s9, s3, $0xb8;
	[tilespmem:$0x1FD40] =	vst v63  }
0x112: {  	_ =	swait.ge [sflag:s14], $0x2000  }
0x113: {  	[sflag:s14] =	ssyncset.done $0x0  }
0x114: {  	s9 =	rddreg [dreg:$0x7];
	[sflag:s14] =	ssyncadd.s32 $0xFFFFE000  }
0x115: {  	[spmem:s1] =	stream.indirect.scatter.add.f32 [tilespmem:s12], [sflag:$0x4], $0x40, s9, s3, $0xb8;
	[tilespmem:$0x1FD40] =	vst v63  }
0x116: {  	_ =	swait.ge [sflag:s15], $0x2000  }
0x117: {  	[sflag:s15] =	ssyncset.done $0x0  }
0x118: {  	s9 =	rddreg [dreg:$0x8];
	[sflag:s15] =	ssyncadd.s32 $0xFFFFE000  }
0x119: {  	[tilespmem:s12], [sflag:$0x2] =	stream.indirect.gather [hbm4b:s4+s3], $0x40, s9, s3, $0xb8;
	[tilespmem:$0x1FD40] =	vst v63  }
0x11a: {  	_ =	swait.ge [sflag:s29], $0x2000  }
0x11b: {  	[sflag:s29] =	ssyncset.done $0x0  }
0x11c: {  	s9 =	rddreg [dreg:$0x9];
	[sflag:s29] =	ssyncadd.s32 $0xFFFFE000  }
0x11d: {  	[spmem:s1] =	stream.indirect.scatter.add.f32 [tilespmem:s10], [sflag:$0x3], $0x40, s9, s3, $0xb8;
	[tilespmem:$0x1FD40] =	vst v63  }
0x11e: {  	_ =	swait.ge [sflag:s13], $0x2000  }
0x11f: {  	[sflag:s13] =	ssyncset.done $0x0  }
0x120: {  	s9 =	rddreg [dreg:$0xa];
	[sflag:s13] =	ssyncadd.s32 $0xFFFFE000  }
0x121: {  	[tilespmem:s10], [sflag:$0x1] =	stream.indirect.gather [hbm4b:s4+s3], $0x40, s9, s3, $0xb8;
	[tilespmem:$0x1FD40] =	vst v63  }
0x122: {  	_ =	swait.ge [sflag:s14], $0x2000  }
0x123: {  	[sflag:s14] =	ssyncset.done $0x0  }
0x124: {  	s9 =	rddreg [dreg:$0xb];
	[sflag:s14] =	ssyncadd.s32 $0xFFFFE000  }
0x125: {  	[spmem:s1] =	stream.indirect.scatter.add.f32 [tilespmem:s12], [sflag:$0x4], $0x40, s9, s3, $0xb8;
	[tilespmem:$0x1FD40] =	vst v63  }
0x126: {  	_ =	swait.ge [sflag:s15], $0x2000  }
0x127: {  	[sflag:s15] =	ssyncset.done $0x0  }
0x128: {  	s9 =	rddreg [dreg:$0xc];
	[sflag:s15] =	ssyncadd.s32 $0xFFFFE000  }
0x129: {  	[tilespmem:s12], [sflag:$0x2] =	stream.indirect.gather [hbm4b:s4+s3], $0x40, s9, s3, $0xb8;
	[tilespmem:$0x1FD40] =	vst v63  }
0x12a: {  	_ =	swait.ge [sflag:s29], $0x2000  }
0x12b: {  	[sflag:s29] =	ssyncset.done $0x0  }
0x12c: {  	s9 =	rddreg [dreg:$0xd];
	[sflag:s29] =	ssyncadd.s32 $0xFFFFE000  }
0x12d: {  	[spmem:s1] =	stream.indirect.scatter.add.f32 [tilespmem:s10], [sflag:$0x3], $0x40, s9, s3, $0xb8;
	[tilespmem:$0x1FD40] =	vst v63  }
0x12e: {  	_ =	swait.ge [sflag:s13], $0x2000  }
0x12f: {  	[sflag:s13] =	ssyncset.done $0x0  }
0x130: {  	s9 =	rddreg [dreg:$0xe];
	[sflag:s13] =	ssyncadd.s32 $0xFFFFE000  }
0x131: {  	[tilespmem:s10], [sflag:$0x1] =	stream.indirect.gather [hbm4b:s4+s3], $0x40, s9, s3, $0xb8;
	[tilespmem:$0x1FD40] =	vst v63  }
0x132: {  	_ =	swait.ge [sflag:s14], $0x2000  }
0x133: {  	[sflag:s14] =	ssyncset.done $0x0  }
0x134: {  	s9 =	rddreg [dreg:$0xf];
	[sflag:s14] =	ssyncadd.s32 $0xFFFFE000  }
0x135: {  	[spmem:s1] =	stream.indirect.scatter.add.f32 [tilespmem:s12], [sflag:$0x4], $0x40, s9, s3, $0xb8;
	[tilespmem:$0x1FD40] =	vst v63  }
0x136: {  	_ =	swait.ge [sflag:s15], $0x2000  }
0x137: {  	[sflag:s15] =	ssyncset.done $0x0  }
0x138: {  	s9 =	rddreg [dreg:$0x10];
	[sflag:s15] =	ssyncadd.s32 $0xFFFFE000  }
0x139: {  	[tilespmem:s12], [sflag:$0x2] =	stream.indirect.gather [hbm4b:s4+s3], $0x40, s9, s3, $0xb8;
	[tilespmem:$0x1FD40] =	vst v63  }
0x13a: {  	_ =	swait.ge [sflag:s29], $0x2000  }
0x13b: {  	[sflag:s29] =	ssyncset.done $0x0  }
0x13c: {  	[sflag:s29] =	ssyncadd.s32 $0xFFFFE000  }
0x13d: {  	[spmem:s1] =	stream.indirect.scatter.add.f32 [tilespmem:s10], [sflag:$0x3], $0x40, s28, s3, $0xb8;
	[tilespmem:$0x1FD40] =	vst v63  }
0x13e: {  	_ =	swait.ge [sflag:s13], $0x2000  }
0x13f: {  	s16 =	smov.u32 s8;
	[sflag:s13] =	ssyncset.done $0x0  }
0x140: {  	s7 =	smov.u32 s16;
	s16 =	simm.s32 $0x19400;
	[sflag:s13] =	ssyncadd.s32 $0xFFFFE000  }
0x141: {  	[tilespmem:s10], [sflag:$0x1] =	stream.indirect.gather [hbm4b:s4+s3], $0x40, s16, s3, $0xb8;
	[tilespmem:$0x1FD40] =	vst v63  }
0x142: {  	_ =	swait.ge [sflag:s14], $0x2000  }
0x143: {  	[sflag:s14] =	ssyncset.done $0x0  }
0x144: {  	[sflag:s14] =	ssyncadd.s32 $0xFFFFE000  }
0x145: {  	[spmem:s1] =	stream.indirect.scatter.add.f32 [tilespmem:s12], [sflag:$0x4], $0x40, s18, s3, $0xb8;
	[tilespmem:$0x1FD40] =	vst v63  }
0x146: {  	_ =	swait.ge [sflag:s15], $0x2000  }
0x147: {  	[sflag:s15] =	ssyncset.done $0x0  }
0x148: {  	[sflag:s15] =	ssyncadd.s32 $0xFFFFE000  }
0x149: {  	[tilespmem:s12], [sflag:$0x2] =	stream.indirect.gather [hbm4b:s4+s3], $0x40, s19, s3, $0xb8;
	[tilespmem:$0x1FD40] =	vst v63  }
0x14a: {  	_ =	swait.ge [sflag:s29], $0x2000  }
0x14b: {  	[sflag:s29] =	ssyncset.done $0x0  }
0x14c: {  	[sflag:s29] =	ssyncadd.s32 $0xFFFFE000  }
0x14d: {  	[spmem:s1] =	stream.indirect.scatter.add.f32 [tilespmem:s10], [sflag:$0x3], $0x40, s20, s3, $0xb8;
	[tilespmem:$0x1FD40] =	vst v63  }
0x14e: {  	_ =	swait.ge [sflag:s13], $0x2000  }
0x14f: {  	[sflag:s13] =	ssyncset.done $0x0  }
0x150: {  	[sflag:s13] =	ssyncadd.s32 $0xFFFFE000  }
0x151: {  	[tilespmem:s10], [sflag:$0x1] =	stream.indirect.gather [hbm4b:s4+s3], $0x40, s21, s3, $0xb8;
	[tilespmem:$0x1FD40] =	vst v63  }
0x152: {  	_ =	swait.ge [sflag:s14], $0x2000  }
0x153: {  	[sflag:s14] =	ssyncset.done $0x0  }
0x154: {  	[sflag:s14] =	ssyncadd.s32 $0xFFFFE000  }
0x155: {  	[spmem:s1] =	stream.indirect.scatter.add.f32 [tilespmem:s12], [sflag:$0x4], $0x40, s22, s3, $0xb8;
	[tilespmem:$0x1FD40] =	vst v63  }
0x156: {  	_ =	swait.ge [sflag:s15], $0x2000  }
0x157: {  	[sflag:s15] =	ssyncset.done $0x0  }
0x158: {  	[sflag:s15] =	ssyncadd.s32 $0xFFFFE000  }
0x159: {  	[tilespmem:s12], [sflag:$0x2] =	stream.indirect.gather [hbm4b:s4+s3], $0x40, s23, s3, $0xb8;
	[tilespmem:$0x1FD40] =	vst v63  }
0x15a: {  	_ =	swait.ge [sflag:s29], $0x2000  }
0x15b: {  	[sflag:s29] =	ssyncset.done $0x0  }
0x15c: {  	[sflag:s29] =	ssyncadd.s32 $0xFFFFE000  }
0x15d: {  	[spmem:s1] =	stream.indirect.scatter.add.f32 [tilespmem:s10], [sflag:$0x3], $0x40, s24, s3, $0xb8;
	[tilespmem:$0x1FD40] =	vst v63  }
0x15e: {  	_ =	swait.ge [sflag:s13], $0x2000  }
0x15f: {  	[sflag:s13] =	ssyncset.done $0x0  }
0x160: {  	[sflag:s13] =	ssyncadd.s32 $0xFFFFE000  }
0x161: {  	[tilespmem:s10], [sflag:$0x1] =	stream.indirect.gather [hbm4b:s4+s3], $0x40, s25, s3, $0xb8;
	[tilespmem:$0x1FD40] =	vst v63  }
0x162: {  	_ =	swait.ge [sflag:s14], $0x2000  }
0x163: {  	[sflag:s14] =	ssyncset.done $0x0  }
0x164: {  	[sflag:s14] =	ssyncadd.s32 $0xFFFFE000  }
0x165: {  	[spmem:s1] =	stream.indirect.scatter.add.f32 [tilespmem:s12], [sflag:$0x4], $0x40, s26, s3, $0xb8;
	[tilespmem:$0x1FD40] =	vst v63  }
0x166: {  	_ =	swait.ge [sflag:s15], $0x2000  }
0x167: {  	[sflag:s15] =	ssyncset.done $0x0  }
0x168: {  	[sflag:s15] =	ssyncadd.s32 $0xFFFFE000  }
0x169: {  	[tilespmem:s12], [sflag:$0x2] =	stream.indirect.gather [hbm4b:s4+s3], $0x40, s11, s3, $0xb8;
	[tilespmem:$0x1FD40] =	vst v63  }
0x16a: {  	_ =	swait.ge [sflag:s29], $0x2000  }
0x16b: {  	[sflag:s29] =	ssyncset.done $0x0  }
0x16c: {  	[sflag:s29] =	ssyncadd.s32 $0xFFFFE000  }
0x16d: {  	[spmem:s1] =	stream.indirect.scatter.add.f32 [tilespmem:s10], [sflag:$0x3], $0x40, s5, s3, $0xb8;
	[tilespmem:$0x1FD40] =	vst v63  }
0x16e: {  	_ =	swait.ge [sflag:s14], $0x2000  }
0x16f: {  	[sflag:s14] =	ssyncset.done $0x0  }
0x170: {  	p0 =	sne.s32 s8, $0xB60;
	[sflag:s14] =	ssyncadd.s32 $0xFFFFE000  }
0x171: {  	[spmem:s1] =	stream.indirect.scatter.add.f32 [tilespmem:s12], [sflag:$0x4], $0x40, s6, s3, $0xb8;
	[tilespmem:$0x1FD40] =	vst v63  }
.Ltmp1:
0x172: {  	_ =	swait.ge [sflag:s13], $0x2000;
	(pc) =	sbr.rel @p0 .LBB2_4-.Ltmp1, $4  }
0x173: {  	[sflag:s13] =	ssyncset.done $0x0  }
0x174: {  	[sflag:s13] =	ssyncadd.s32 $0xFFFFE000  }
0x175: {  	_ =	swait.ge [sflag:s15], $0x2000  }
0x176: {  	s8 =	sadd.s32 $0xE0, s8;
	s9 =	rddreg [dreg:$0x4];
	[sflag:s15] =	ssyncset.done $0x0  }
0x177: {  	[sflag:s15] =	ssyncadd.s32 $0xFFFFE000;
	s8 =	sadd.s32 s7, s9  }
0x178: {  	[tilespmem:s30], [sflag:$0x5] =	stream.linear.gather [hbm4b:s8+s2], $0x700, $0x38;
	[tilespmem:$0x1FD40] =	vst v63  }
0x179: {  	_ =	swait.ge [sflag:s31], $0x700  }
0x17a: {  	s9 =	rddreg [dreg:$0x3];
	[sflag:s31] =	ssyncset.done $0x0  }
0x17b: {  	[sflag:s31] =	ssyncadd.s32 $0xFFFFF900;
	s9 =	sadd.s32 s7, s9  }
0x17c: {  	[tilespmem:s0], [sflag:$0x5] =	stream.linear.gather [hbm4b:s9+s2], $0x700, $0x38;
	[tilespmem:$0x1FD40] =	vst v63  }
0x17d: {  	_ =	swait.ge [sflag:s31], $0x700  }
0x17e: {  	[sflag:s31] =	ssyncset.done $0x0  }
0x17f: {  	[sflag:s31] =	ssyncadd.s32 $0xFFFFF900  }
0x180: {  	[tilespmem:s10], [sflag:$0x1] =	stream.indirect.gather [hbm4b:s4+s3], $0x40, s30, s3, $0xb8;
	[tilespmem:$0x1FD40] =	vst v63  }
0x181: {  	s8 =	rddreg [dreg:$0x5]  }
0x182: {  	[tilespmem:s12], [sflag:$0x2] =	stream.indirect.gather [hbm4b:s4+s3], $0x40, s8, s3, $0xb8;
	[tilespmem:$0x1FD40] =	vst v63  }
0x183: {  	_ =	swait.ge [sflag:s29], $0x2000  }
0x184: {  	[sflag:s29] =	ssyncset.done $0x0  }
0x185: {  	[sflag:s29] =	ssyncadd.s32 $0xFFFFE000  }
0x186: {  	[spmem:s1] =	stream.indirect.scatter.add.f32 [tilespmem:s10], [sflag:$0x3], $0x40, s0, s3, $0xb8;
	[tilespmem:$0x1FD40] =	vst v63  }
0x187: {  	_ =	swait.ge [sflag:s13], $0x2000  }
0x188: {  	[sflag:s13] =	ssyncset.done $0x0  }
0x189: {  	s9 =	rddreg [dreg:$0x6];
	[sflag:s13] =	ssyncadd.s32 $0xFFFFE000  }
0x18a: {  	[tilespmem:s10], [sflag:$0x1] =	stream.indirect.gather [hbm4b:s4+s3], $0x40, s9, s3, $0xb8;
	[tilespmem:$0x1FD40] =	vst v63  }
0x18b: {  	_ =	swait.ge [sflag:s14], $0x2000  }
0x18c: {  	[sflag:s14] =	ssyncset.done $0x0  }
0x18d: {  	s8 =	rddreg [dreg:$0x7];
	[sflag:s14] =	ssyncadd.s32 $0xFFFFE000  }
0x18e: {  	[spmem:s1] =	stream.indirect.scatter.add.f32 [tilespmem:s12], [sflag:$0x4], $0x40, s8, s3, $0xb8;
	[tilespmem:$0x1FD40] =	vst v63  }
0x18f: {  	_ =	swait.ge [sflag:s15], $0x2000  }
0x190: {  	[sflag:s15] =	ssyncset.done $0x0  }
0x191: {  	s9 =	rddreg [dreg:$0x8];
	[sflag:s15] =	ssyncadd.s32 $0xFFFFE000  }
0x192: {  	[tilespmem:s12], [sflag:$0x2] =	stream.indirect.gather [hbm4b:s4+s3], $0x40, s9, s3, $0xb8;
	[tilespmem:$0x1FD40] =	vst v63  }
0x193: {  	_ =	swait.ge [sflag:s29], $0x2000  }
0x194: {  	[sflag:s29] =	ssyncset.done $0x0  }
0x195: {  	s8 =	rddreg [dreg:$0x9];
	[sflag:s29] =	ssyncadd.s32 $0xFFFFE000  }
0x196: {  	[spmem:s1] =	stream.indirect.scatter.add.f32 [tilespmem:s10], [sflag:$0x3], $0x40, s8, s3, $0xb8;
	[tilespmem:$0x1FD40] =	vst v63  }
0x197: {  	_ =	swait.ge [sflag:s13], $0x2000  }
0x198: {  	[sflag:s13] =	ssyncset.done $0x0  }
0x199: {  	s9 =	rddreg [dreg:$0xa];
	[sflag:s13] =	ssyncadd.s32 $0xFFFFE000  }
0x19a: {  	[tilespmem:s10], [sflag:$0x1] =	stream.indirect.gather [hbm4b:s4+s3], $0x40, s9, s3, $0xb8;
	[tilespmem:$0x1FD40] =	vst v63  }
0x19b: {  	_ =	swait.ge [sflag:s14], $0x2000  }
0x19c: {  	[sflag:s14] =	ssyncset.done $0x0  }
0x19d: {  	s8 =	rddreg [dreg:$0xb];
	[sflag:s14] =	ssyncadd.s32 $0xFFFFE000  }
0x19e: {  	[spmem:s1] =	stream.indirect.scatter.add.f32 [tilespmem:s12], [sflag:$0x4], $0x40, s8, s3, $0xb8;
	[tilespmem:$0x1FD40] =	vst v63  }
0x19f: {  	_ =	swait.ge [sflag:s15], $0x2000  }
0x1a0: {  	[sflag:s15] =	ssyncset.done $0x0  }
0x1a1: {  	s9 =	rddreg [dreg:$0xc];
	[sflag:s15] =	ssyncadd.s32 $0xFFFFE000  }
0x1a2: {  	[tilespmem:s12], [sflag:$0x2] =	stream.indirect.gather [hbm4b:s4+s3], $0x40, s9, s3, $0xb8;
	[tilespmem:$0x1FD40] =	vst v63  }
0x1a3: {  	_ =	swait.ge [sflag:s29], $0x2000  }
0x1a4: {  	[sflag:s29] =	ssyncset.done $0x0  }
0x1a5: {  	s8 =	rddreg [dreg:$0xd];
	[sflag:s29] =	ssyncadd.s32 $0xFFFFE000  }
0x1a6: {  	[spmem:s1] =	stream.indirect.scatter.add.f32 [tilespmem:s10], [sflag:$0x3], $0x40, s8, s3, $0xb8;
	[tilespmem:$0x1FD40] =	vst v63  }
0x1a7: {  	_ =	swait.ge [sflag:s13], $0x2000  }
0x1a8: {  	[sflag:s13] =	ssyncset.done $0x0  }
0x1a9: {  	s9 =	rddreg [dreg:$0xe];
	[sflag:s13] =	ssyncadd.s32 $0xFFFFE000  }
0x1aa: {  	[tilespmem:s10], [sflag:$0x1] =	stream.indirect.gather [hbm4b:s4+s3], $0x40, s9, s3, $0xb8;
	[tilespmem:$0x1FD40] =	vst v63  }
0x1ab: {  	_ =	swait.ge [sflag:s14], $0x2000  }
0x1ac: {  	[sflag:s14] =	ssyncset.done $0x0  }
0x1ad: {  	s8 =	rddreg [dreg:$0xf];
	[sflag:s14] =	ssyncadd.s32 $0xFFFFE000  }
0x1ae: {  	[spmem:s1] =	stream.indirect.scatter.add.f32 [tilespmem:s12], [sflag:$0x4], $0x40, s8, s3, $0xb8;
	[tilespmem:$0x1FD40] =	vst v63  }
0x1af: {  	_ =	swait.ge [sflag:s15], $0x2000  }
0x1b0: {  	[sflag:s15] =	ssyncset.done $0x0  }
0x1b1: {  	s9 =	rddreg [dreg:$0x10];
	[sflag:s15] =	ssyncadd.s32 $0xFFFFE000  }
0x1b2: {  	[tilespmem:s12], [sflag:$0x2] =	stream.indirect.gather [hbm4b:s4+s3], $0x40, s9, s3, $0xb8;
	[tilespmem:$0x1FD40] =	vst v63  }
0x1b3: {  	_ =	swait.ge [sflag:s29], $0x2000  }
0x1b4: {  	[sflag:s29] =	ssyncset.done $0x0  }
0x1b5: {  	[sflag:s29] =	ssyncadd.s32 $0xFFFFE000  }
0x1b6: {  	[spmem:s1] =	stream.indirect.scatter.add.f32 [tilespmem:s10], [sflag:$0x3], $0x40, s28, s3, $0xb8;
	[tilespmem:$0x1FD40] =	vst v63  }
0x1b7: {  	_ =	swait.ge [sflag:s13], $0x2000  }
0x1b8: {  	[sflag:s13] =	ssyncset.done $0x0  }
0x1b9: {  	[sflag:s13] =	ssyncadd.s32 $0xFFFFE000  }
0x1ba: {  	[tilespmem:s10], [sflag:$0x1] =	stream.indirect.gather [hbm4b:s4+s3], $0x40, s16, s3, $0xb8;
	[tilespmem:$0x1FD40] =	vst v63  }
0x1bb: {  	_ =	swait.ge [sflag:s14], $0x2000  }
0x1bc: {  	[sflag:s14] =	ssyncset.done $0x0  }
0x1bd: {  	[sflag:s14] =	ssyncadd.s32 $0xFFFFE000  }
0x1be: {  	[spmem:s1] =	stream.indirect.scatter.add.f32 [tilespmem:s12], [sflag:$0x4], $0x40, s18, s3, $0xb8;
	[tilespmem:$0x1FD40] =	vst v63  }
0x1bf: {  	_ =	swait.ge [sflag:s15], $0x2000  }
0x1c0: {  	[sflag:s15] =	ssyncset.done $0x0  }
0x1c1: {  	[sflag:s15] =	ssyncadd.s32 $0xFFFFE000  }
0x1c2: {  	[tilespmem:s12], [sflag:$0x2] =	stream.indirect.gather [hbm4b:s4+s3], $0x40, s19, s3, $0xb8;
	[tilespmem:$0x1FD40] =	vst v63  }
0x1c3: {  	_ =	swait.ge [sflag:s29], $0x2000  }
0x1c4: {  	[sflag:s29] =	ssyncset.done $0x0  }
0x1c5: {  	[sflag:s29] =	ssyncadd.s32 $0xFFFFE000  }
0x1c6: {  	[spmem:s1] =	stream.indirect.scatter.add.f32 [tilespmem:s10], [sflag:$0x3], $0x40, s20, s3, $0xb8;
	[tilespmem:$0x1FD40] =	vst v63  }
0x1c7: {  	_ =	swait.ge [sflag:s13], $0x2000  }
0x1c8: {  	[sflag:s13] =	ssyncset.done $0x0  }
0x1c9: {  	[sflag:s13] =	ssyncadd.s32 $0xFFFFE000  }
0x1ca: {  	[tilespmem:s10], [sflag:$0x1] =	stream.indirect.gather [hbm4b:s4+s3], $0x40, s21, s3, $0xb8;
	[tilespmem:$0x1FD40] =	vst v63  }
0x1cb: {  	_ =	swait.ge [sflag:s14], $0x2000  }
0x1cc: {  	[sflag:s14] =	ssyncset.done $0x0  }
0x1cd: {  	[sflag:s14] =	ssyncadd.s32 $0xFFFFE000  }
0x1ce: {  	[spmem:s1] =	stream.indirect.scatter.add.f32 [tilespmem:s12], [sflag:$0x4], $0x40, s22, s3, $0xb8;
	[tilespmem:$0x1FD40] =	vst v63  }
0x1cf: {  	_ =	swait.ge [sflag:s15], $0x2000  }
0x1d0: {  	[sflag:s15] =	ssyncset.done $0x0  }
0x1d1: {  	[sflag:s15] =	ssyncadd.s32 $0xFFFFE000  }
0x1d2: {  	[tilespmem:s12], [sflag:$0x2] =	stream.indirect.gather [hbm4b:s4+s3], $0x40, s23, s3, $0xb8;
	[tilespmem:$0x1FD40] =	vst v63  }
0x1d3: {  	_ =	swait.ge [sflag:s29], $0x2000  }
0x1d4: {  	[sflag:s29] =	ssyncset.done $0x0  }
0x1d5: {  	[sflag:s29] =	ssyncadd.s32 $0xFFFFE000  }
0x1d6: {  	[spmem:s1] =	stream.indirect.scatter.add.f32 [tilespmem:s10], [sflag:$0x3], $0x40, s24, s3, $0xb8;
	[tilespmem:$0x1FD40] =	vst v63  }
0x1d7: {  	_ =	swait.ge [sflag:s13], $0x2000  }
0x1d8: {  	[sflag:s13] =	ssyncset.done $0x0  }
0x1d9: {  	[sflag:s13] =	ssyncadd.s32 $0xFFFFE000  }
0x1da: {  	[tilespmem:s10], [sflag:$0x1] =	stream.indirect.gather [hbm4b:s4+s3], $0x40, s25, s3, $0xb8;
	[tilespmem:$0x1FD40] =	vst v63  }
0x1db: {  	_ =	swait.ge [sflag:s14], $0x2000  }
0x1dc: {  	[sflag:s14] =	ssyncset.done $0x0  }
0x1dd: {  	[sflag:s14] =	ssyncadd.s32 $0xFFFFE000  }
0x1de: {  	[spmem:s1] =	stream.indirect.scatter.add.f32 [tilespmem:s12], [sflag:$0x4], $0x40, s26, s3, $0xb8;
	[tilespmem:$0x1FD40] =	vst v63  }
0x1df: {  	_ =	swait.ge [sflag:s15], $0x2000  }
0x1e0: {  	[sflag:s15] =	ssyncset.done $0x0  }
0x1e1: {  	[sflag:s15] =	ssyncadd.s32 $0xFFFFE000  }
0x1e2: {  	[tilespmem:s12], [sflag:$0x2] =	stream.indirect.gather [hbm4b:s4+s3], $0x40, s11, s3, $0xb8;
	[tilespmem:$0x1FD40] =	vst v63  }
0x1e3: {  	_ =	swait.ge [sflag:s29], $0x2000  }
0x1e4: {  	[sflag:s29] =	ssyncset.done $0x0  }
0x1e5: {  	[sflag:s29] =	ssyncadd.s32 $0xFFFFE000  }
0x1e6: {  	[spmem:s1] =	stream.indirect.scatter.add.f32 [tilespmem:s10], [sflag:$0x3], $0x40, s5, s3, $0xb8;
	[tilespmem:$0x1FD40] =	vst v63  }
0x1e7: {  	_ =	swait.ge [sflag:s14], $0x2000  }
0x1e8: {  	[sflag:s14] =	ssyncset.done $0x0  }
0x1e9: {  	[sflag:s14] =	ssyncadd.s32 $0xFFFFE000  }
0x1ea: {  	[spmem:s1] =	stream.indirect.scatter.add.f32 [tilespmem:s12], [sflag:$0x4], $0x40, s6, s3, $0xb8;
	[tilespmem:$0x1FD40] =	vst v63  }
0x1eb: {  	_ =	swait.ge [sflag:s13], $0x2000  }
0x1ec: {  	[sflag:s13] =	ssyncset.done $0x0  }
0x1ed: {  	[sflag:s13] =	ssyncadd.s32 $0xFFFFE000  }
0x1ee: {  	_ =	swait.ge [sflag:s15], $0x2000  }
0x1ef: {  	[sflag:s15] =	ssyncset.done $0x0  }
0x1f0: {  	[sflag:s15] =	ssyncadd.s32 $0xFFFFE000  }
0x1f1: {  	s8 =	simm.s32 $0x0;
	[bflag:$0x0] =	sbarrier.arrive $0xFFFF  }
.LBB2_6:
0x1f2: {  	s7 =	smul.u32 $0x64, s8  }
0x1f3: {  	s9 =	rddreg [dreg:$0x14]  }
0x1f4: {  	s7 =	sadd.s32 s9, s7  }
0x1f5: {  	s9 =	sshll.u32 s7, $0x8  }
0x1f6: {  	s9 =	sshra.s32 s9, $0x2  }
0x1f7: {  	s9 =	sadd.s32 s9, s1  }
0x1f8: {  	[tilespmem:s17], [sflag:$0x5] =	stream.linear.gather [spmem:s9], $0x1900, $0x38;
	[tilespmem:$0x1FD40] =	vst v63  }
0x1f9: {  	_ =	swait.ge [sflag:s31], $0x1900  }
0x1fa: {  	s17 =	rddreg [dreg:$0x11]  }
0x1fb: {  	[sflag:s31] =	ssyncset.done $0x0;
	s9 =	sadd.s32 s17, s7  }
0x1fc: {  	s16 =	rddreg [dreg:$0x12];
	[sflag:s31] =	ssyncadd.s32 $0xFFFFE700;
	s7 =	sshll.u32 s9, $0x1  }
0x1fd: {  	s17 =	simm.s32 $0x0;
	s7 =	sadd.s32 s16, s7;
	s16 =	simm.s32 $0x1F700  }
0x1fe: {  	[tilespmem:s16], [sflag:$0x5] =	stream.linear.gather [hbm4b:s7+s17], $0x640, $0x38;
	[tilespmem:$0x1FD40] =	vst v63  }
0x1ff: {  	_ =	swait.ge [sflag:s31], $0x640  }
0x200: {  	[sflag:s31] =	ssyncset.done $0x0  }
0x201: {  	s28 =	simm.s32 $0x1DE20;
	[sflag:s31] =	ssyncadd.s32 $0xFFFFF9C0  }
0x202: {  	s17 =	simm.s32 $0x0;
	s16 =	simm.s32 $0x40;
	s7 =	simm.s32 $0x1DE20;
	v2 =	vld [tilespmem:s28+$0xFFFFFFF0]  }
.LBB2_7:
0x203: {  	p0 =	sne.s32 s16, $0x18C0;
	v3 =	vld [tilespmem:s17+$0x1F700]  }
0x204: {  	v4 =	vld [tilespmem:s28+$0x10]  }
0x205: {  	v5 =	vld [tilespmem:s28+$0xFFFFFFE0]  }
0x206: {  	v6 =	vld [tilespmem:s28+$0x0];
	_ =	sdelay $0x1  }
0x207: {  	v3 =	vperm.xlane v3, v1;
	_ =	sdelay $0x1  }
0x208: {  	v5 =	vmul.f32 v5, v3;
	v2 =	vmul.f32 v2, v3  }
.Ltmp2:
0x209: {  	v6 =	vmul.f32 v6, v3;
	v3 =	vmul.f32 v4, v3;
	(pc) =	sbr.rel @p0 .LBB2_7-.Ltmp2, $4  }
0x20a: {  	[tilespmem:s28+$0xFFFFFFE0] =	vst v5  }
0x20b: {  	[tilespmem:s28+$0xFFFFFFF0] =	vst v2  }
0x20c: {  	s28 =	sadd.s32 $0x40, s28;
	[tilespmem:s7+$0x0] =	vst v6  }
0x20d: {  	s17 =	sshra.s32 s16, $0x2;
	s16 =	sadd.s32 $0x40, s16;
	v2 =	vld [tilespmem:s28+$0xFFFFFFF0];
	[tilespmem:s7+$0x10] =	vst v3;
	s7 =	smov.u32 s28  }
0x20e: {  	v3 =	vld [tilespmem:s17+$0x1F700];
	_ =	sdelay $0x1  }
0x20f: {  	v4 =	vld [tilespmem:s28+$0xFFFFFFE0];
	_ =	sdelay $0x1  }
0x210: {  	v5 =	vld [tilespmem:s28+$0x0]  }
0x211: {  	v6 =	vld [tilespmem:s28+$0x10];
	v3 =	vperm.xlane v3, v1;
	_ =	sdelay $0x1  }
0x212: {  	v4 =	vmul.f32 v4, v3  }
0x213: {  	v2 =	vmul.f32 v2, v3  }
0x214: {  	v5 =	vmul.f32 v5, v3;
	[tilespmem:s28+$0xFFFFFFE0] =	vst v4  }
0x215: {  	v3 =	vmul.f32 v6, v3;
	[tilespmem:s28+$0xFFFFFFF0] =	vst v2  }
0x216: {  	s9 =	sshll.u32 s9, $0x3;
	s17 =	rddreg [dreg:$0x13];
	[tilespmem:s7+$0x0] =	vst v5  }
0x217: {  	[tilespmem:s7+$0x10] =	vst v3;
	s7 =	sadd.s32 s17, s9;
	s17 =	simm.s32 $0x1DE00  }
0x218: {  	[hbm4b:s7+s2] =	stream.linear.scatter [tilespmem:s17], [sflag:$0x5], $0x1900, $0x38;
	[tilespmem:$0x1FD40] =	vst v63  }
0x219: {  	_ =	swait.ge [sflag:s31], $0x1900  }
0x21a: {  	s8 =	sadd.s32 $0x1, s8;
	s28 =	rddreg [dreg:$0x15]  }
0x21b: {  	p0 =	sne.s32 s8, s28  }
.Ltmp3:
0x21c: {  	_ = 	snop;
	(pc) =	sbr.rel @p0 .LBB2_6-.Ltmp3, $3  }
0x21d: {  	_ =	sdelay $0x1  }
0x21e: {  	[sflag:s31] =	ssyncset.done $0x0  }
0x21f: {  	[sflag:s31] =	ssyncadd.s32 $0xFFFFE700  }
0x220: {  	s8 =	sld [smem:$0x7F6];
	_ =	sdelay $0x2  }
0x221: {  	s7 =	rddreg [dreg:$0x16];
	s8 =	sadd.s32 $0x1, s8  }
0x222: {  	p0 =	sne.s32 s8, s7  }
.Ltmp4:
0x223: {  	_ = 	snop;
	(pc) =	sbr.rel @p0 .LBB2_1-.Ltmp4, $2  }
0x224: {  	_ =	sdelay $0x2  }
0x225: {  	s28 =	simm.s32 $0x19A00;
	s16 =	simm.s32 $0x19400  }
0x226: {  	_ =	sfence.sel $0x180000  }
0x227: {  	[bflag:$0x0] =	sbarrier.arrive $0xFFFF  }
0x228: {  	_ =	strace $0x9000004A  }
0x229: {  	s0 =	stileid.u32;
	[bflag:$0x2] =	sbarrier.arrive $0xFFFF  }
0x22a: {  	p0 =	sne.s32 s0, $0x0;
	s0 =	rddreg [dreg:$0x2]  }
0x22b: {  	s0 =	sadd.s32 @!p0 $0x100000, s0  }
0x22c: {  	[sflag:s0] =	ssyncadd.tile.s32 @!p0 $0x1;
	_ =	shalt  }
.Lfunc_end2:
_tile_overlayer_lowered:
.L_overlay_start_2:
0x22d: {  	(tag) =	ssettag $0x2  }
0x22e: {  	s0 =	rddreg [dreg:$0x0];
	s2 =	stileid.u32  }
0x22f: {  	s1 =	rddreg [dreg:$0x1];
	p0 =	sne.s32 s2, $0x0  }
0x230: {  	s3 =	rddreg [dreg:$0x2];
	[bflag:$0x3] =	sbarrier.arrive $0xFFFF;
	s2 =	simm.s32 @!p0 $0x1C05  }
0x231: {  	[timem:s3], [sflag:s2] =	dma.local @!p0 [hbm:s0], s1  }
0x232: {  	s0 =	simm.s32 @!p0 $0x5  }
0x233: {  	_ =	swait.ge @!p0 [sflag:s0], s1  }
0x234: {  	s1 =	ssub.s32 @!p0 $0x0, s1;
	[sflag:s0] =	ssyncset.done @!p0 $0x0  }
0x235: {  	[sflag:s0] =	ssyncadd.s32 @!p0 s1  }
0x236: {  	[bflag:$0x3] =	sbarrier.arrive $0xFFFF  }
0x237: {  	_ =	shalt  }

// kernel: kernel.16.cloned.1.call-start
scs
__scs_entry_jumppad:
0x0: {  	(pc) =	sbr.rel $0x88, $3  }
0x1: {  	(tag) =	ssettag $0x0;
	lr =	simm.s32 $0x1  }
0x2: {  	[smem:$0x3F98] =	sst lr;
	_ =	strace $0xD0000000  }
0x3: {  	_ = 	snop  }
0x4: {  	_ = 	snop  }
0x5: {  	_ = 	snop  }
0x6: {  	_ = 	snop  }
0x7: {  	_ = 	snop  }
__scs_overlays_trampoline_lowered:
0x8: {  	[smem:$0x3FA7] =	sst s0  }
0x9: {  	[smem:$0x3FA8] =	sst s1  }
0xa: {  	[smem:$0x3FA9] =	sst s2  }
0xb: {  	[smem:$0x3FAA] =	sst s3  }
0xc: {  	[smem:$0x3FAB] =	sst s4  }
0xd: {  	[smem:$0x3FAC] =	sst s5  }
0xe: {  	[smem:$0x3FAD] =	sst s6  }
0xf: {  	[smem:$0x3FAE] =	sst s7  }
0x10: {  	[smem:$0x3FAF] =	sst s8  }
0x11: {  	[smem:$0x3FB0] =	sst s9;
	s0 =	simm.s32 @!p0 $0x0  }
0x12: {  	s1 =	sld [smem:$0x3F96];
	s0 =	simm.s32 @p0 $0x1  }
0x13: {  	[smem:$0x3FB1] =	sst s0;
	s0 =	simm.s32 @!p1 $0x0  }
0x14: {  	s2 =	sld [smem:$0x3F95];
	s0 =	simm.s32 @p1 $0x1  }
0x15: {  	[smem:$0x3FB2] =	sst s0;
	s0 =	simm.s32 @!p2 $0x0  }
0x16: {  	s3 =	sld [smem:$0x3FDB];
	s0 =	simm.s32 @p2 $0x1  }
0x17: {  	s4 =	simm.s32 $0x1BF5;
	[smem:$0x3FB4] =	sst s0  }
0x18: {  	s0 =	sld [smem:$0x3F97];
	_ =	swait.ge [sflag:s4], $0x0  }
0x19: {  	s7 =	sld [smem:$0x3F98]  }
0x1a: {  	s8 =	sadd.s32 $0xFFFFE003, lr  }
0x1b: {  	s9 =	sadd.s32 $0xFFFFFEF7, lr;
	s5 =	simm.s32 $0xFFFFFFFF;
	p2 =	slt.u32 s8, $0xFFFFF086  }
0x1c: {  	p1 =	slt.u32 s9, $0xF7A;
	s5 =	simm.s32 @!p2 $0x0  }
0x1d: {  	s5 =	simm.s32 @p1 $0x1;
	p0 =	seq.s32 s7, s2  }
0x1e: {  	s7 =	smul.u32 @!p0 $0xF7A, s2;
	p2 =	seq.s32 @!p0 s5, $0x0  }
0x1f: {  	s9 =	smul.u32 $0xF7A, s1;
	s8 =	simm.s32 @!p0 $0x1BF5;
	p2 =	por !p2, p0  }
0x20: {  	[sflag:s8] =	ssyncset.s32 @!p0 $0xFFFFF086;
	s6 =	sadd.s32 @!p0 s3, s7;
	s7 =	simm.s32 @!p0 $0x108  }
0x21: {  	s3 =	sadd.s32 s3, s9;
	s6 =	sadd.s32 @!p0 $0x88, s6;
	s7 =	simm.s32 @p2 $0x1082  }
0x22: {  	[simem:s7], [sflag:s8] =	dma.local @!p0 [hbm:s6], $0xF7A  }
0x23: {  	s9 =	sor.u32 $0xD0000000, s2;
	s6 =	simm.s32 $0x108;
	_ =	swait.ge @!p0 [sflag:s8], $0x0  }
0x24: {  	s3 =	sadd.s32 $0x88, s3;
	s6 =	simm.s32 @!p1 $0x1082;
	[sflag:s4] =	ssyncset.s32 $0xFFFFF086  }
0x25: {  	[simem:s6], [sflag:s4] =	dma.local [hbm:s3], $0xF7A  }
0x26: {  	[smem:$0x3F98] =	sst s1;
	(tag) =	ssettag s2;
	_ =	strace s9  }
0x27: {  	s1 =	sld [smem:$0x3FA8]  }
0x28: {  	s2 =	sld [smem:$0x3FA9]  }
0x29: {  	s4 =	sld [smem:$0x3FAB]  }
0x2a: {  	p0 =	seq.s32 s5, $0x0;
	s5 =	sld [smem:$0x3FAC]  }
0x2b: {  	s6 =	sld [smem:$0x3FAD]  }
0x2c: {  	s7 =	sld [smem:$0x3FAE]  }
0x2d: {  	s3 =	simm.s32 $0x108;
	s8 =	sld [smem:$0x3FAF]  }
0x2e: {  	s3 =	simm.s32 @!p0 $0x1082;
	s9 =	sld [smem:$0x3FB0]  }
0x2f: {  	lr =	sadd.s32 s0, s3;
	s0 =	sld [smem:$0x3FA7]  }
0x30: {  	s3 =	sld [smem:$0x3FAA]  }
0x31: {  	[smem:$0x3FB3] =	sst s10  }
0x32: {  	s10 =	sld [smem:$0x3FB1];
	_ =	sdelay $0x3  }
0x33: {  	p0 =	seq.s32 s10, $0x1;
	s10 =	sld [smem:$0x3FB3];
	_ =	sdelay $0x3  }
0x34: {  	[smem:$0x3FB3] =	sst s10  }
0x35: {  	s10 =	sld [smem:$0x3FB2];
	_ =	sdelay $0x3  }
0x36: {  	p1 =	seq.s32 s10, $0x1;
	s10 =	sld [smem:$0x3FB3];
	_ =	sdelay $0x3  }
0x37: {  	[smem:$0x3FB3] =	sst s10  }
0x38: {  	s10 =	sld [smem:$0x3FB4]  }
0x39: {  	_ = 	snop;
	(pc) =	sbr.ind lr, $3  }
0x3a: {  	_ = 	snop  }
0x3b: {  	_ = 	snop  }
0x3c: {  	p2 =	seq.s32 s10, $0x1;
	s10 =	sld [smem:$0x3FB3]  }
0x3d: {  	_ =	shalt  }
0x3e: {  	_ =	shalt  }
0x3f: {  	_ =	shalt  }
0x40: {  	_ =	shalt  }
0x41: {  	_ =	shalt  }
0x42: {  	_ =	shalt  }
0x43: {  	_ =	shalt  }
0x44: {  	_ =	shalt  }
0x45: {  	_ =	shalt  }
0x46: {  	_ =	shalt  }
0x47: {  	_ =	shalt  }
0x48: {  	_ =	shalt  }
0x49: {  	_ =	shalt  }
0x4a: {  	_ =	shalt  }
0x4b: {  	_ =	shalt  }
0x4c: {  	_ =	shalt  }
0x4d: {  	_ =	shalt  }
0x4e: {  	_ =	shalt  }
0x4f: {  	_ =	shalt  }
0x50: {  	_ =	shalt  }
0x51: {  	_ =	shalt  }
0x52: {  	_ =	shalt  }
0x53: {  	_ =	shalt  }
0x54: {  	_ =	shalt  }
0x55: {  	_ =	shalt  }
0x56: {  	_ =	shalt  }
0x57: {  	_ =	shalt  }
0x58: {  	_ =	shalt  }
0x59: {  	_ =	shalt  }
0x5a: {  	_ =	shalt  }
0x5b: {  	_ =	shalt  }
0x5c: {  	_ =	shalt  }
0x5d: {  	_ =	shalt  }
0x5e: {  	_ =	shalt  }
0x5f: {  	_ =	shalt  }
0x60: {  	_ =	shalt  }
0x61: {  	_ =	shalt  }
0x62: {  	_ =	shalt  }
0x63: {  	_ =	shalt  }
0x64: {  	_ =	shalt  }
0x65: {  	_ =	shalt  }
0x66: {  	_ =	shalt  }
0x67: {  	_ =	shalt  }
0x68: {  	_ =	shalt  }
0x69: {  	_ =	shalt  }
0x6a: {  	_ =	shalt  }
0x6b: {  	_ =	shalt  }
0x6c: {  	_ =	shalt  }
0x6d: {  	_ =	shalt  }
0x6e: {  	_ =	shalt  }
0x6f: {  	_ =	shalt  }
0x70: {  	_ =	shalt  }
0x71: {  	_ =	shalt  }
0x72: {  	_ =	shalt  }
0x73: {  	_ =	shalt  }
0x74: {  	_ =	shalt  }
0x75: {  	_ =	shalt  }
0x76: {  	_ =	shalt  }
0x77: {  	_ =	shalt  }
0x78: {  	_ =	shalt  }
0x79: {  	_ =	shalt  }
0x7a: {  	_ =	shalt  }
0x7b: {  	_ =	shalt  }
0x7c: {  	_ =	shalt  }
0x7d: {  	_ =	shalt  }
0x7e: {  	_ =	shalt  }
0x7f: {  	_ =	shalt  }
0x80: {  	_ =	shalt  }
0x81: {  	_ =	shalt  }
0x82: {  	_ =	shalt  }
0x83: {  	_ =	shalt  }
0x84: {  	_ =	shalt  }
0x85: {  	_ =	shalt  }
0x86: {  	_ =	shalt  }
0x87: {  	_ =	shalt  }
.Lfunc_end0:
.L_simem_size_0:
called_computation.2_lowered:
.L_overlay_start_0:
0x88: {  	s2 =	sld [smem:$0x3FD9]  }
0x89: {  	s3 =	sld [smem:$0x3FFE];
	_ =	sdelay $0x1  }
0x8a: {  	s1 =	srdreg.scid  }
0x8b: {  	s0 =	sand.u32 $0x1, s1  }
0x8c: {  	s16 =	sshll.u32 s0, $0xA;
	s2 =	sadd.s32 s3, s2  }
0x8d: {  	s2 =	sadd.s32 s2, s16  }
0x8e: {  	[smem:$0x3FBF] =	sst s2  }
0x8f: {  	_ = 	snop  }
0x90: {  	(tm) =	ssettm $0x1  }
0x91: {  	s17 =	sld [smem:$0x3FFB];
	_ =	sdelay $0x3  }
0x92: {  	_ =	strace s17  }
0x93: {  	s2 =	sld [smem:$0x3FFC];
	_ =	sdelay $0x3  }
0x94: {  	_ =	strace s2  }
0x95: {  	s2 =	sld [smem:$0x3FFD];
	_ =	sdelay $0x3  }
0x96: {  	_ =	strace s2  }
0x97: {  	_ =	strace $0x8FFFFFFF  }
0x98: {  	s18 =	sld [smem:$0x3FDB];
	_ =	sdelay $0x1  }
0x99: {  	s19 =	simm.s32 $_scs_section_size  }
0x9a: {  	s4 =	simm.s32 $_size__tile_overlayer_lowered;
	s5 =	simm.s32 $_tile_overlayer_lowered  }
0x9b: {  	s22 =	simm.s32 $0x1BFF;
	s21 =	sshll.u32 s5, $0x1;
	s2 =	sadd.s32 s19, s18  }
0x9c: {  	s6 =	simm.s32 $0x0;
	s20 =	sshll.u32 s4, $0x1;
	s4 =	sadd.s32 s21, s2  }
0x9d: {  	[timem:s6], [sflag:s22] =	dma.local [hbm:s4], s20  }
0x9e: {  	_ =	swait.ge [sflag:s22], s20  }
0x9f: {  	s3 =	ssub.s32 $0x0, s20;
	[sflag:s22] =	ssyncset.done $0x0  }
0xa0: {  	[sflag:s22] =	ssyncadd.s32 s3;
	_ =	sdelay $0x1  }
0xa1: {  	s23 =	simm.s32 $0x1B8B  }
0xa2: {  	_ =	swait.ge [sflag:s23], $0x1  }
0xa3: {  	[sflag:s23] =	ssyncset.done $0x0  }
0xa4: {  	s25 =	simm.s32 $0x1B8E;
	s24 =	sld [smem:$0x3FFE];
	[sflag:s23] =	ssyncadd.s32 $0xFFFFFFFF  }
0xa5: {  	s26 =	simm.s32 $execute0_lowered;
	[smem:$0x3FD2] =	sst s25  }
0xa6: {  	s4 =	sshll.u32 s26, $0x1;
	_ =	strace $0x8000004C;
	[dreg:$0x1] =	wrdreg $0xFFFFFFFF  }
0xa7: {  	s28 =	simm.s32 $_size_execute0_lowered;
	s2 =	sadd.s32 s2, s4;
	[dreg:$0x0] =	wrdreg $0x0  }
0xa8: {  	s4 =	sshll.u32 s28, $0x1;
	[dreg:$0x2] =	wrdreg s2  }
0xa9: {  	[dreg:$0x3] =	wrdreg s4  }
0xaa: {  	[dreg:$0x4] =	wrdreg $0xC0  }
0xab: {  	_ =	task [dreg:s6], $0x5FFFF  }
0xac: {  	[dreg:$0x1] =	wrdreg $0xFFFFFFFF  }
0xad: {  	[dreg:$0x0] =	wrdreg $0x60  }
0xae: {  	[dreg:$0x2] =	wrdreg s24  }
0xaf: {  	[dreg:$0x3] =	wrdreg $0x0  }
0xb0: {  	[dreg:$0x4] =	wrdreg $0x9  }
0xb1: {  	_ =	task.clear_ibuf [dreg:s6], $0x5FFFF;
	_ =	strace $0x9000004C  }
0xb2: {  	s29 =	simm.s32 $0x9;
	_ =	strace $0x8000004E  }
0xb3: {  	_ =	swait.ge [sflag:s29], $0x1  }
0xb4: {  	[sflag:s29] =	ssyncadd.s32 $0xFFFFFFFF  }
0xb5: {  	_ =	strace $0x9000004E  }
0xb6: {  	_ =	sfence  }
0xb7: {  	s30 =	sld [smem:$0x0];
	_ =	sdelay $0x2  }
0xb8: {  	s31 =	sshll.u32 s1, $0xD;
	s1 =	sshrl.u32 s1, $0x2  }
0xb9: {  	s3 =	sand.u32 $0x4000, s31;
	s1 =	sadd.s32 s1, s30  }
0xba: {  	s0 =	sor.u32 s3, s0;
	s1 =	sshll.u32 s1, $0x11  }
0xbb: {  	s0 =	sor.u32 s1, s0  }
0xbc: {  	s0 =	sadd.s32 $0x8F2B, s0  }
0xbd: {  	[sflag:s0] =	ssyncadd.remote.s32 $0x1  }
0xbe: {  	_ =	sfence.sel $0xFFFF  }
0xbf: {  	[dreg:$0x0] =	wrdreg $0xFFFFFFFF;
	(pc) =	sbr.abs _section_cstart, $3  }
0xc0: {  	[dreg:$0x1] =	wrdreg $0xFFFFFFFF  }
0xc1: {  	_ =	task.clear_ibuf [dreg:s6], $0x2FFFF;
	_ =	strace $0x9FFFFFFF  }
0xc2: {  	(tm) =	ssettm $0x7FFFFFFF  }
0xc3: {  	_ =	shalt  }
tec
execute0_lowered:
.L_overlay_start_1:
0x0: {  	(tag) =	ssettag $0x1  }
0x1: {  	s0 =	rddreg [dreg:$0x0]  }
0x2: {  	s1 =	rddreg [dreg:$0x1];
	s3 =	srdreg.scid  }
0x3: {  	s2 =	simm.s32 $0x0;
	s8 =	stileid.u32;
	s23 =	simm.s32 $0x19080  }
0x4: {  	[smem:$0x7FF] =	sst s2;
	s14 =	sadd.s32 $0x2FA600, s0;
	s7 =	smul.u32 $0x64000, s8  }
0x5: {  	s17 =	smul.u32 $0xC40, s8;
	_ =	strace $0x8000004D;
	[dreg:$0x12] =	wrdreg s14  }
0x6: {  	s25 =	simm.s32 $0x19100;
	s18 =	smul.u32 $0x640, s8;
	[dreg:$0x5] =	wrdreg s23  }
0x7: {  	p0 =	seq.s32 s8, $0xF;
	s8 =	simm.s32 $0x19180;
	[dreg:$0x6] =	wrdreg s25  }
0x8: {  	s10 =	simm.s32 $0x19800;
	s12 =	simm.s32 $0x19200;
	[dreg:$0x8] =	wrdreg s8  }
0x9: {  	s3 =	sand.u32 $0x1, s3;
	s4 =	sadd.s32 $0x1D5400, s0;
	[dreg:$0x9] =	wrdreg s10  }
0xa: {  	s5 =	smul.u32 $0xC400, s3;
	s6 =	sxor.u32 $0x1, s3;
	[dreg:$0xa] =	wrdreg s12  }
0xb: {  	s3 =	ssub.s32 $0x2, s3;
	s14 =	simm.s32 $0x19880;
	[dreg:$0x14] =	wrdreg s18  }
0xc: {  	s6 =	smul.u32 $0x61A8, s6;
	[dreg:$0xb] =	wrdreg s14;
	s18 =	simm.s32 $0x19900  }
0xd: {  	s15 =	sshrl.u32 s3, $0x1;
	s5 =	sadd.s32 s5, s0;
	[dreg:$0xd] =	wrdreg s18  }
0xe: {  	s0 =	sadd.s32 $0x1D400, s0;
	s16 =	ssub.s32 s3, s15;
	[dreg:$0x11] =	wrdreg s6  }
0xf: {  	s19 =	sshrl.u32 s7, $0x2;
	[dreg:$0x13] =	wrdreg s0;
	s0 =	smax.u32 s16, $0x1  }
0x10: {  	s6 =	simm.s32 $0xA;
	s16 =	simm.s32 $0x19280;
	[dreg:$0x16] =	wrdreg s0  }
0x11: {  	s3 =	sadd.s32 s17, s5;
	s5 =	sadd.s32 s19, s1;
	[dreg:$0xc] =	wrdreg s16  }
0x12: {  	s6 =	simm.s32 @!p0 $0x10;
	[dreg:$0x17] =	wrdreg s5  }
0x13: {  	s29 =	simm.s32 $0x1;
	s20 =	sadd.s32 $0x4C00, s3;
	[dreg:$0x15] =	wrdreg s6  }
0x14: {  	s30 =	simm.s32 $0x19000;
	s22 =	sadd.s32 $0x3200, s5;
	[dreg:$0x3] =	wrdreg s20  }
0x15: {  	s31 =	simm.s32 $0x5;
	s21 =	sadd.s32 $0x1BCC00, s3;
	[dreg:$0x19] =	wrdreg s22  }
0x16: {  	s28 =	simm.s32 $0x19A00;
	s24 =	sadd.s32 $0x4B00, s5;
	[dreg:$0x4] =	wrdreg s21  }
0x17: {  	s10 =	simm.s32 $0x19E00;
	s26 =	sadd.s32 $0x6400, s5;
	[dreg:$0x1a] =	wrdreg s24  }
0x18: {  	s12 =	simm.s32 $0x1BE00;
	s7 =	sadd.s32 $0x7D00, s5;
	[dreg:$0x1b] =	wrdreg s26  }
0x19: {  	s8 =	simm.s32 $0x0;
	s9 =	sadd.s32 $0x9600, s5;
	[dreg:$0x1c] =	wrdreg s7  }
0x1a: {  	s14 =	simm.s32 $0x2;
	s11 =	sadd.s32 $0xAF00, s5;
	[dreg:$0x1d] =	wrdreg s9  }
0x1b: {  	s18 =	simm.s32 $0x19A80;
	s13 =	sadd.s32 $0xC800, s5;
	[dreg:$0x1e] =	wrdreg s11  }
0x1c: {  	s15 =	sadd.s32 $0xE100, s5;
	s17 =	sadd.s32 $0xFA00, s5;
	[dreg:$0x1f] =	wrdreg s13  }
0x1d: {  	s19 =	sadd.s32 $0x11300, s5;
	s23 =	sadd.s32 $0x14500, s5;
	[smem:$0x7F7] =	sst s15  }
0x1e: {  	s25 =	sadd.s32 $0x15E00, s5;
	s0 =	simm.s32 $0x19700;
	[smem:$0x7F8] =	sst s17  }
0x1f: {  	s3 =	simm.s32 $0x80;
	s16 =	simm.s32 $0x19400;
	[smem:$0x7F9] =	sst s19  }
0x20: {  	s6 =	sadd.s32 $0x1900, s5;
	s20 =	simm.s32 $0x19300;
	[smem:$0x7FB] =	sst s23  }
0x21: {  	s21 =	sadd.s32 $0x12C00, s5;
	s22 =	simm.s32 $0x19980;
	[smem:$0x7FC] =	sst s25  }
0x22: {  	s24 =	simm.s32 $0x19380;
	s26 =	sadd.s32 $0x17700, s5;
	[dreg:$0x18] =	wrdreg s6  }
0x23: {  	s17 =	simm.s32 $0x1DE00;
	s13 =	simm.s32 $0x3;
	[smem:$0x7FA] =	sst s21  }
0x24: {  	s15 =	simm.s32 $0x4;
	s19 =	simm.s32 $0x19480;
	[dreg:$0xe] =	wrdreg s20  }
0x25: {  	s23 =	simm.s32 $0x19580;
	s25 =	simm.s32 $0x19600;
	[dreg:$0xf] =	wrdreg s22  }
0x26: {  	s11 =	simm.s32 $0x19680;
	s5 =	simm.s32 $0x19D00;
	[dreg:$0x10] =	wrdreg s24  }
0x27: {  	s6 =	simm.s32 $0x19780;
	[smem:$0x7FD] =	sst s26;
	s20 =	simm.s32 $0x19B00  }
0x28: {  	s21 =	simm.s32 $0x19500;
	s22 =	simm.s32 $0x19B80;
	s24 =	simm.s32 $0x19C00  }
0x29: {  	v0 =	vimm.f32 $0.0e+00;
	v1 =	vimm.s32 $0x0;
	s26 =	simm.s32 $0x19C80;
	[dreg:$0x7] =	wrdreg s6;
	s6 =	simm.s32 $0x19D80  }
.LBB2_1:
0x2a: {  	[smem:$0x7F6] =	sst s8;
	s8 =	simm.s32 $0x100;
	s7 =	simm.s32 $0x0  }
.LBB2_2:
0x2b: {  	p0 =	sne.s32 s8, $0x6300;
	[tilespmem:s7+$0x1DE30] =	vst v0;
	s9 =	smov.u32 s8;
	s8 =	sadd.s32 $0x100, s8  }
.Ltmp0:
0x2c: {  	[tilespmem:s7+$0x1DE20] =	vst v0;
	(pc) =	sbr.rel @p0 .LBB2_2-.Ltmp0, $3  }
0x2d: {  	[tilespmem:s7+$0x1DE00] =	vst v0  }
0x2e: {  	[tilespmem:s7+$0x1DE10] =	vst v0;
	_ =	sdelay $0x1  }
0x2f: {  	s7 =	sshra.s32 s9, $0x2  }
0x30: {  	[tilespmem:s7+$0x1DE30] =	vst v0  }
0x31: {  	[tilespmem:s7+$0x1DE20] =	vst v0  }
0x32: {  	[tilespmem:s7+$0x1DE00] =	vst v0;
	s8 =	rddreg [dreg:$0x17]  }
0x33: {  	[tilespmem:s7+$0x1DE10] =	vst v0;
	s9 =	rddreg [dreg:$0x18]  }
0x34: {  	[spmem:s8] =	stream.linear.scatter [tilespmem:s17], [sflag:$0x1], $0x1900, $0x38;
	[tilespmem:$0x1FD40] =	vst v63  }
0x35: {  	s8 =	rddreg [dreg:$0x19]  }
0x36: {  	[spmem:s9] =	stream.linear.scatter [tilespmem:s17], [sflag:$0x1], $0x1900, $0x38;
	[tilespmem:$0x1FD40] =	vst v63  }
0x37: {  	s9 =	rddreg [dreg:$0x1a]  }
0x38: {  	[spmem:s8] =	stream.linear.scatter [tilespmem:s17], [sflag:$0x1], $0x1900, $0x38;
	[tilespmem:$0x1FD40] =	vst v63  }
0x39: {  	s8 =	rddreg [dreg:$0x1b]  }
0x3a: {  	[spmem:s9] =	stream.linear.scatter [tilespmem:s17], [sflag:$0x1], $0x1900, $0x38;
	[tilespmem:$0x1FD40] =	vst v63  }
0x3b: {  	s9 =	rddreg [dreg:$0x1c]  }
0x3c: {  	[spmem:s8] =	stream.linear.scatter [tilespmem:s17], [sflag:$0x1], $0x1900, $0x38;
	[tilespmem:$0x1FD40] =	vst v63  }
0x3d: {  	s8 =	rddreg [dreg:$0x1d]  }
0x3e: {  	[spmem:s9] =	stream.linear.scatter [tilespmem:s17], [sflag:$0x1], $0x1900, $0x38;
	[tilespmem:$0x1FD40] =	vst v63  }
0x3f: {  	s9 =	rddreg [dreg:$0x1e]  }
0x40: {  	[spmem:s8] =	stream.linear.scatter [tilespmem:s17], [sflag:$0x1], $0x1900, $0x38;
	[tilespmem:$0x1FD40] =	vst v63  }
0x41: {  	s8 =	rddreg [dreg:$0x1f]  }
0x42: {  	[spmem:s9] =	stream.linear.scatter [tilespmem:s17], [sflag:$0x1], $0x1900, $0x38;
	[tilespmem:$0x1FD40] =	vst v63  }
0x43: {  	s9 =	sld [smem:$0x7F7]  }
0x44: {  	[spmem:s8] =	stream.linear.scatter [tilespmem:s17], [sflag:$0x1], $0x1900, $0x38;
	[tilespmem:$0x1FD40] =	vst v63  }
0x45: {  	s8 =	sld [smem:$0x7F8]  }
0x46: {  	[spmem:s9] =	stream.linear.scatter [tilespmem:s17], [sflag:$0x1], $0x1900, $0x38;
	[tilespmem:$0x1FD40] =	vst v63  }
0x47: {  	s9 =	sld [smem:$0x7F9]  }
0x48: {  	[spmem:s8] =	stream.linear.scatter [tilespmem:s17], [sflag:$0x1], $0x1900, $0x38;
	[tilespmem:$0x1FD40] =	vst v63  }
0x49: {  	s8 =	sld [smem:$0x7FA]  }
0x4a: {  	[spmem:s9] =	stream.linear.scatter [tilespmem:s17], [sflag:$0x1], $0x1900, $0x38;
	[tilespmem:$0x1FD40] =	vst v63  }
0x4b: {  	s9 =	sld [smem:$0x7FB]  }
0x4c: {  	[spmem:s8] =	stream.linear.scatter [tilespmem:s17], [sflag:$0x1], $0x1900, $0x38;
	[tilespmem:$0x1FD40] =	vst v63  }
0x4d: {  	s8 =	sld [smem:$0x7FC]  }
0x4e: {  	[spmem:s9] =	stream.linear.scatter [tilespmem:s17], [sflag:$0x1], $0x1900, $0x38;
	[tilespmem:$0x1FD40] =	vst v63  }
0x4f: {  	s9 =	sld [smem:$0x7FD]  }
0x50: {  	[spmem:s8] =	stream.linear.scatter [tilespmem:s17], [sflag:$0x1], $0x1900, $0x38;
	[tilespmem:$0x1FD40] =	vst v63  }
0x51: {  	_ = 	snop  }
0x52: {  	[spmem:s9] =	stream.linear.scatter [tilespmem:s17], [sflag:$0x1], $0x1900, $0x38;
	[tilespmem:$0x1FD40] =	vst v63  }
0x53: {  	_ =	swait.ge [sflag:s29], $0x1900  }
0x54: {  	[sflag:s29] =	ssyncset.done $0x0  }
0x55: {  	[sflag:s29] =	ssyncadd.s32 $0xFFFFE700  }
0x56: {  	_ =	swait.ge [sflag:s29], $0x1900  }
0x57: {  	[sflag:s29] =	ssyncset.done $0x0  }
0x58: {  	[sflag:s29] =	ssyncadd.s32 $0xFFFFE700  }
0x59: {  	_ =	swait.ge [sflag:s29], $0x1900  }
0x5a: {  	[sflag:s29] =	ssyncset.done $0x0  }
0x5b: {  	[sflag:s29] =	ssyncadd.s32 $0xFFFFE700  }
0x5c: {  	_ =	swait.ge [sflag:s29], $0x1900  }
0x5d: {  	[sflag:s29] =	ssyncset.done $0x0  }
0x5e: {  	[sflag:s29] =	ssyncadd.s32 $0xFFFFE700  }
0x5f: {  	_ =	swait.ge [sflag:s29], $0x1900  }
0x60: {  	[sflag:s29] =	ssyncset.done $0x0  }
0x61: {  	[sflag:s29] =	ssyncadd.s32 $0xFFFFE700  }
0x62: {  	_ =	swait.ge [sflag:s29], $0x1900  }
0x63: {  	[sflag:s29] =	ssyncset.done $0x0  }
0x64: {  	[sflag:s29] =	ssyncadd.s32 $0xFFFFE700  }
0x65: {  	_ =	swait.ge [sflag:s29], $0x1900  }
0x66: {  	[sflag:s29] =	ssyncset.done $0x0  }
0x67: {  	[sflag:s29] =	ssyncadd.s32 $0xFFFFE700  }
0x68: {  	_ =	swait.ge [sflag:s29], $0x1900  }
0x69: {  	[sflag:s29] =	ssyncset.done $0x0  }
0x6a: {  	[sflag:s29] =	ssyncadd.s32 $0xFFFFE700  }
0x6b: {  	_ =	swait.ge [sflag:s29], $0x1900  }
0x6c: {  	[sflag:s29] =	ssyncset.done $0x0  }
0x6d: {  	[sflag:s29] =	ssyncadd.s32 $0xFFFFE700  }
0x6e: {  	_ =	swait.ge [sflag:s29], $0x1900  }
0x6f: {  	[sflag:s29] =	ssyncset.done $0x0  }
0x70: {  	[sflag:s29] =	ssyncadd.s32 $0xFFFFE700  }
0x71: {  	_ =	swait.ge [sflag:s29], $0x1900  }
0x72: {  	[sflag:s29] =	ssyncset.done $0x0  }
0x73: {  	[sflag:s29] =	ssyncadd.s32 $0xFFFFE700  }
0x74: {  	_ =	swait.ge [sflag:s29], $0x1900  }
0x75: {  	[sflag:s29] =	ssyncset.done $0x0  }
0x76: {  	[sflag:s29] =	ssyncadd.s32 $0xFFFFE700  }
0x77: {  	_ =	swait.ge [sflag:s29], $0x1900  }
0x78: {  	[sflag:s29] =	ssyncset.done $0x0  }
0x79: {  	[sflag:s29] =	ssyncadd.s32 $0xFFFFE700  }
0x7a: {  	_ =	swait.ge [sflag:s29], $0x1900  }
0x7b: {  	[sflag:s29] =	ssyncset.done $0x0  }
0x7c: {  	[sflag:s29] =	ssyncadd.s32 $0xFFFFE700  }
0x7d: {  	_ =	swait.ge [sflag:s29], $0x1900  }
0x7e: {  	[sflag:s29] =	ssyncset.done $0x0  }
0x7f: {  	[sflag:s29] =	ssyncadd.s32 $0xFFFFE700  }
0x80: {  	_ =	swait.ge [sflag:s29], $0x1900  }
0x81: {  	[sflag:s29] =	ssyncset.done $0x0  }
0x82: {  	[sflag:s29] =	ssyncadd.s32 $0xFFFFE700  }
0x83: {  	[bflag:$0x0] =	sbarrier.arrive $0xFFFF  }
0x84: {  	s8 =	rddreg [dreg:$0x4]  }
0x85: {  	s7 =	sadd.s32 $0x0, s8  }
0x86: {  	[tilespmem:s30], [sflag:$0x5] =	stream.linear.gather [hbm4b:s7+s2], $0x700, $0x38;
	[tilespmem:$0x1FD40] =	vst v63  }
0x87: {  	_ =	swait.ge [sflag:s31], $0x700  }
0x88: {  	s9 =	rddreg [dreg:$0x3];
	[sflag:s31] =	ssyncset.done $0x0  }
0x89: {  	[sflag:s31] =	ssyncadd.s32 $0xFFFFF900;
	s7 =	sadd.s32 $0x0, s9  }
0x8a: {  	[tilespmem:s0], [sflag:$0x5] =	stream.linear.gather [hbm4b:s7+s2], $0x700, $0x38;
	[tilespmem:$0x1FD40] =	vst v63  }
0x8b: {  	_ =	swait.ge [sflag:s31], $0x700  }
0x8c: {  	[sflag:s31] =	ssyncset.done $0x0  }
0x8d: {  	[sflag:s31] =	ssyncadd.s32 $0xFFFFF900  }
0x8e: {  	[tilespmem:s10], [sflag:$0x1] =	stream.indirect.gather [hbm4b:s4+s3], $0x40, s30, s3, $0xb8;
	[tilespmem:$0x1FD40] =	vst v63  }
0x8f: {  	s8 =	rddreg [dreg:$0x5]  }
0x90: {  	[tilespmem:s12], [sflag:$0x2] =	stream.indirect.gather [hbm4b:s4+s3], $0x40, s8, s3, $0xb8;
	[tilespmem:$0x1FD40] =	vst v63  }
0x91: {  	_ =	swait.ge [sflag:s29], $0x2000  }
0x92: {  	[sflag:s29] =	ssyncset.done $0x0  }
0x93: {  	[sflag:s29] =	ssyncadd.s32 $0xFFFFE000  }
0x94: {  	[spmem:s1] =	stream.indirect.scatter.add.f32 [tilespmem:s10], [sflag:$0x3], $0x40, s0, s3, $0xb8;
	[tilespmem:$0x1FD40] =	vst v63  }
0x95: {  	_ =	swait.ge [sflag:s13], $0x2000  }
0x96: {  	[sflag:s13] =	ssyncset.done $0x0  }
0x97: {  	s9 =	rddreg [dreg:$0x6];
	[sflag:s13] =	ssyncadd.s32 $0xFFFFE000  }
0x98: {  	[tilespmem:s10], [sflag:$0x1] =	stream.indirect.gather [hbm4b:s4+s3], $0x40, s9, s3, $0xb8;
	[tilespmem:$0x1FD40] =	vst v63  }
0x99: {  	_ =	swait.ge [sflag:s14], $0x2000  }
0x9a: {  	[sflag:s14] =	ssyncset.done $0x0  }
0x9b: {  	s8 =	rddreg [dreg:$0x7];
	[sflag:s14] =	ssyncadd.s32 $0xFFFFE000  }
0x9c: {  	[spmem:s1] =	stream.indirect.scatter.add.f32 [tilespmem:s12], [sflag:$0x4], $0x40, s8, s3, $0xb8;
	[tilespmem:$0x1FD40] =	vst v63  }
0x9d: {  	_ =	swait.ge [sflag:s15], $0x2000  }
0x9e: {  	[sflag:s15] =	ssyncset.done $0x0  }
0x9f: {  	s9 =	rddreg [dreg:$0x8];
	[sflag:s15] =	ssyncadd.s32 $0xFFFFE000  }
0xa0: {  	[tilespmem:s12], [sflag:$0x2] =	stream.indirect.gather [hbm4b:s4+s3], $0x40, s9, s3, $0xb8;
	[tilespmem:$0x1FD40] =	vst v63  }
0xa1: {  	_ =	swait.ge [sflag:s29], $0x2000  }
0xa2: {  	[sflag:s29] =	ssyncset.done $0x0  }
0xa3: {  	s8 =	rddreg [dreg:$0x9];
	[sflag:s29] =	ssyncadd.s32 $0xFFFFE000  }
0xa4: {  	[spmem:s1] =	stream.indirect.scatter.add.f32 [tilespmem:s10], [sflag:$0x3], $0x40, s8, s3, $0xb8;
	[tilespmem:$0x1FD40] =	vst v63  }
0xa5: {  	_ =	swait.ge [sflag:s13], $0x2000  }
0xa6: {  	[sflag:s13] =	ssyncset.done $0x0  }
0xa7: {  	s9 =	rddreg [dreg:$0xa];
	[sflag:s13] =	ssyncadd.s32 $0xFFFFE000  }
0xa8: {  	[tilespmem:s10], [sflag:$0x1] =	stream.indirect.gather [hbm4b:s4+s3], $0x40, s9, s3, $0xb8;
	[tilespmem:$0x1FD40] =	vst v63  }
0xa9: {  	_ =	swait.ge [sflag:s14], $0x2000  }
0xaa: {  	[sflag:s14] =	ssyncset.done $0x0  }
0xab: {  	s8 =	rddreg [dreg:$0xb];
	[sflag:s14] =	ssyncadd.s32 $0xFFFFE000  }
0xac: {  	[spmem:s1] =	stream.indirect.scatter.add.f32 [tilespmem:s12], [sflag:$0x4], $0x40, s8, s3, $0xb8;
	[tilespmem:$0x1FD40] =	vst v63  }
0xad: {  	_ =	swait.ge [sflag:s15], $0x2000  }
0xae: {  	[sflag:s15] =	ssyncset.done $0x0  }
0xaf: {  	s9 =	rddreg [dreg:$0xc];
	[sflag:s15] =	ssyncadd.s32 $0xFFFFE000  }
0xb0: {  	[tilespmem:s12], [sflag:$0x2] =	stream.indirect.gather [hbm4b:s4+s3], $0x40, s9, s3, $0xb8;
	[tilespmem:$0x1FD40] =	vst v63  }
0xb1: {  	_ =	swait.ge [sflag:s29], $0x2000  }
0xb2: {  	[sflag:s29] =	ssyncset.done $0x0  }
0xb3: {  	s8 =	rddreg [dreg:$0xd];
	[sflag:s29] =	ssyncadd.s32 $0xFFFFE000  }
0xb4: {  	[spmem:s1] =	stream.indirect.scatter.add.f32 [tilespmem:s10], [sflag:$0x3], $0x40, s8, s3, $0xb8;
	[tilespmem:$0x1FD40] =	vst v63  }
0xb5: {  	_ =	swait.ge [sflag:s13], $0x2000  }
0xb6: {  	[sflag:s13] =	ssyncset.done $0x0  }
0xb7: {  	s9 =	rddreg [dreg:$0xe];
	[sflag:s13] =	ssyncadd.s32 $0xFFFFE000  }
0xb8: {  	[tilespmem:s10], [sflag:$0x1] =	stream.indirect.gather [hbm4b:s4+s3], $0x40, s9, s3, $0xb8;
	[tilespmem:$0x1FD40] =	vst v63  }
0xb9: {  	_ =	swait.ge [sflag:s14], $0x2000  }
0xba: {  	[sflag:s14] =	ssyncset.done $0x0  }
0xbb: {  	s8 =	rddreg [dreg:$0xf];
	[sflag:s14] =	ssyncadd.s32 $0xFFFFE000  }
0xbc: {  	[spmem:s1] =	stream.indirect.scatter.add.f32 [tilespmem:s12], [sflag:$0x4], $0x40, s8, s3, $0xb8;
	[tilespmem:$0x1FD40] =	vst v63  }
0xbd: {  	_ =	swait.ge [sflag:s15], $0x2000  }
0xbe: {  	[sflag:s15] =	ssyncset.done $0x0  }
0xbf: {  	s9 =	rddreg [dreg:$0x10];
	[sflag:s15] =	ssyncadd.s32 $0xFFFFE000  }
0xc0: {  	[tilespmem:s12], [sflag:$0x2] =	stream.indirect.gather [hbm4b:s4+s3], $0x40, s9, s3, $0xb8;
	[tilespmem:$0x1FD40] =	vst v63  }
0xc1: {  	_ =	swait.ge [sflag:s29], $0x2000  }
0xc2: {  	[sflag:s29] =	ssyncset.done $0x0  }
0xc3: {  	[sflag:s29] =	ssyncadd.s32 $0xFFFFE000  }
0xc4: {  	[spmem:s1] =	stream.indirect.scatter.add.f32 [tilespmem:s10], [sflag:$0x3], $0x40, s28, s3, $0xb8;
	[tilespmem:$0x1FD40] =	vst v63  }
0xc5: {  	_ =	swait.ge [sflag:s13], $0x2000  }
0xc6: {  	[sflag:s13] =	ssyncset.done $0x0  }
0xc7: {  	[sflag:s13] =	ssyncadd.s32 $0xFFFFE000  }
0xc8: {  	[tilespmem:s10], [sflag:$0x1] =	stream.indirect.gather [hbm4b:s4+s3], $0x40, s16, s3, $0xb8;
	[tilespmem:$0x1FD40] =	vst v63  }
0xc9: {  	_ =	swait.ge [sflag:s14], $0x2000  }
0xca: {  	[sflag:s14] =	ssyncset.done $0x0  }
0xcb: {  	[sflag:s14] =	ssyncadd.s32 $0xFFFFE000  }
0xcc: {  	[spmem:s1] =	stream.indirect.scatter.add.f32 [tilespmem:s12], [sflag:$0x4], $0x40, s18, s3, $0xb8;
	[tilespmem:$0x1FD40] =	vst v63  }
0xcd: {  	_ =	swait.ge [sflag:s15], $0x2000  }
0xce: {  	[sflag:s15] =	ssyncset.done $0x0  }
0xcf: {  	[sflag:s15] =	ssyncadd.s32 $0xFFFFE000  }
0xd0: {  	[tilespmem:s12], [sflag:$0x2] =	stream.indirect.gather [hbm4b:s4+s3], $0x40, s19, s3, $0xb8;
	[tilespmem:$0x1FD40] =	vst v63  }
0xd1: {  	_ =	swait.ge [sflag:s29], $0x2000  }
0xd2: {  	[sflag:s29] =	ssyncset.done $0x0  }
0xd3: {  	[sflag:s29] =	ssyncadd.s32 $0xFFFFE000  }
0xd4: {  	[spmem:s1] =	stream.indirect.scatter.add.f32 [tilespmem:s10], [sflag:$0x3], $0x40, s20, s3, $0xb8;
	[tilespmem:$0x1FD40] =	vst v63  }
0xd5: {  	_ =	swait.ge [sflag:s13], $0x2000  }
0xd6: {  	[sflag:s13] =	ssyncset.done $0x0  }
0xd7: {  	[sflag:s13] =	ssyncadd.s32 $0xFFFFE000  }
0xd8: {  	[tilespmem:s10], [sflag:$0x1] =	stream.indirect.gather [hbm4b:s4+s3], $0x40, s21, s3, $0xb8;
	[tilespmem:$0x1FD40] =	vst v63  }
0xd9: {  	_ =	swait.ge [sflag:s14], $0x2000  }
0xda: {  	[sflag:s14] =	ssyncset.done $0x0  }
0xdb: {  	[sflag:s14] =	ssyncadd.s32 $0xFFFFE000  }
0xdc: {  	[spmem:s1] =	stream.indirect.scatter.add.f32 [tilespmem:s12], [sflag:$0x4], $0x40, s22, s3, $0xb8;
	[tilespmem:$0x1FD40] =	vst v63  }
0xdd: {  	_ =	swait.ge [sflag:s15], $0x2000  }
0xde: {  	[sflag:s15] =	ssyncset.done $0x0  }
0xdf: {  	[sflag:s15] =	ssyncadd.s32 $0xFFFFE000  }
0xe0: {  	[tilespmem:s12], [sflag:$0x2] =	stream.indirect.gather [hbm4b:s4+s3], $0x40, s23, s3, $0xb8;
	[tilespmem:$0x1FD40] =	vst v63  }
0xe1: {  	_ =	swait.ge [sflag:s29], $0x2000  }
0xe2: {  	[sflag:s29] =	ssyncset.done $0x0  }
0xe3: {  	[sflag:s29] =	ssyncadd.s32 $0xFFFFE000  }
0xe4: {  	[spmem:s1] =	stream.indirect.scatter.add.f32 [tilespmem:s10], [sflag:$0x3], $0x40, s24, s3, $0xb8;
	[tilespmem:$0x1FD40] =	vst v63  }
0xe5: {  	_ =	swait.ge [sflag:s13], $0x2000  }
0xe6: {  	[sflag:s13] =	ssyncset.done $0x0  }
0xe7: {  	[sflag:s13] =	ssyncadd.s32 $0xFFFFE000  }
0xe8: {  	[tilespmem:s10], [sflag:$0x1] =	stream.indirect.gather [hbm4b:s4+s3], $0x40, s25, s3, $0xb8;
	[tilespmem:$0x1FD40] =	vst v63  }
0xe9: {  	_ =	swait.ge [sflag:s14], $0x2000  }
0xea: {  	[sflag:s14] =	ssyncset.done $0x0  }
0xeb: {  	[sflag:s14] =	ssyncadd.s32 $0xFFFFE000  }
0xec: {  	[spmem:s1] =	stream.indirect.scatter.add.f32 [tilespmem:s12], [sflag:$0x4], $0x40, s26, s3, $0xb8;
	[tilespmem:$0x1FD40] =	vst v63  }
0xed: {  	_ =	swait.ge [sflag:s15], $0x2000  }
0xee: {  	[sflag:s15] =	ssyncset.done $0x0  }
0xef: {  	[sflag:s15] =	ssyncadd.s32 $0xFFFFE000  }
0xf0: {  	[tilespmem:s12], [sflag:$0x2] =	stream.indirect.gather [hbm4b:s4+s3], $0x40, s11, s3, $0xb8;
	[tilespmem:$0x1FD40] =	vst v63  }
0xf1: {  	_ =	swait.ge [sflag:s29], $0x2000  }
0xf2: {  	[sflag:s29] =	ssyncset.done $0x0  }
0xf3: {  	[sflag:s29] =	ssyncadd.s32 $0xFFFFE000  }
0xf4: {  	[spmem:s1] =	stream.indirect.scatter.add.f32 [tilespmem:s10], [sflag:$0x3], $0x40, s5, s3, $0xb8;
	[tilespmem:$0x1FD40] =	vst v63  }
0xf5: {  	_ =	swait.ge [sflag:s14], $0x2000  }
0xf6: {  	[sflag:s14] =	ssyncset.done $0x0  }
0xf7: {  	[sflag:s14] =	ssyncadd.s32 $0xFFFFE000  }
0xf8: {  	[spmem:s1] =	stream.indirect.scatter.add.f32 [tilespmem:s12], [sflag:$0x4], $0x40, s6, s3, $0xb8;
	[tilespmem:$0x1FD40] =	vst v63  }
0xf9: {  	_ =	swait.ge [sflag:s13], $0x2000  }
0xfa: {  	[sflag:s13] =	ssyncset.done $0x0  }
0xfb: {  	[sflag:s13] =	ssyncadd.s32 $0xFFFFE000  }
0xfc: {  	s7 =	simm.s32 $0xE0;
	_ =	swait.ge [sflag:s15], $0x2000  }
0xfd: {  	s8 =	simm.s32 $0x1C0;
	s9 =	rddreg [dreg:$0x4];
	[sflag:s15] =	ssyncset.done $0x0  }
.LBB2_4:
0xfe: {  	[sflag:s15] =	ssyncadd.s32 $0xFFFFE000;
	s9 =	sadd.s32 s7, s9  }
0xff: {  	[tilespmem:s30], [sflag:$0x5] =	stream.linear.gather [hbm4b:s9+s2], $0x700, $0x38;
	[tilespmem:$0x1FD40] =	vst v63  }
0x100: {  	_ =	swait.ge [sflag:s31], $0x700  }
0x101: {  	s9 =	rddreg [dreg:$0x3];
	[sflag:s31] =	ssyncset.done $0x0  }
0x102: {  	[sflag:s31] =	ssyncadd.s32 $0xFFFFF900;
	s9 =	sadd.s32 s7, s9  }
0x103: {  	[tilespmem:s0], [sflag:$0x5] =	stream.linear.gather [hbm4b:s9+s2], $0x700, $0x38;
	[tilespmem:$0x1FD40] =	vst v63  }
0x104: {  	_ =	swait.ge [sflag:s31], $0x700  }
0x105: {  	[sflag:s31] =	ssyncset.done $0x0  }
0x106: {  	[sflag:s31] =	ssyncadd.s32 $0xFFFFF900  }
0x107: {  	[tilespmem:s10], [sflag:$0x1] =	stream.indirect.gather [hbm4b:s4+s3], $0x40, s30, s3, $0xb8;
	[tilespmem:$0x1FD40] =	vst v63  }
0x108: {  	s9 =	rddreg [dreg:$0x5]  }
0x109: {  	[tilespmem:s12], [sflag:$0x2] =	stream.indirect.gather [hbm4b:s4+s3], $0x40, s9, s3, $0xb8;
	[tilespmem:$0x1FD40] =	vst v63  }
0x10a: {  	_ =	swait.ge [sflag:s29], $0x2000  }
0x10b: {  	[sflag:s29] =	ssyncset.done $0x0  }
0x10c: {  	[sflag:s29] =	ssyncadd.s32 $0xFFFFE000  }
0x10d: {  	[spmem:s1] =	stream.indirect.scatter.add.f32 [tilespmem:s10], [sflag:$0x3], $0x40, s0, s3, $0xb8;
	[tilespmem:$0x1FD40] =	vst v63  }
0x10e: {  	_ =	swait.ge [sflag:s13], $0x2000  }
0x10f: {  	[sflag:s13] =	ssyncset.done $0x0  }
0x110: {  	s9 =	rddreg [dreg:$0x6];
	[sflag:s13] =	ssyncadd.s32 $0xFFFFE000  }
0x111: {  	[tilespmem:s10], [sflag:$0x1] =	stream.indirect.gather [hbm4b:s4+s3], $0x40, s9, s3, $0xb8;
	[tilespmem:$0x1FD40] =	vst v63  }
0x112: {  	_ =	swait.ge [sflag:s14], $0x2000  }
0x113: {  	[sflag:s14] =	ssyncset.done $0x0  }
0x114: {  	s9 =	rddreg [dreg:$0x7];
	[sflag:s14] =	ssyncadd.s32 $0xFFFFE000  }
0x115: {  	[spmem:s1] =	stream.indirect.scatter.add.f32 [tilespmem:s12], [sflag:$0x4], $0x40, s9, s3, $0xb8;
	[tilespmem:$0x1FD40] =	vst v63  }
0x116: {  	_ =	swait.ge [sflag:s15], $0x2000  }
0x117: {  	[sflag:s15] =	ssyncset.done $0x0  }
0x118: {  	s9 =	rddreg [dreg:$0x8];
	[sflag:s15] =	ssyncadd.s32 $0xFFFFE000  }
0x119: {  	[tilespmem:s12], [sflag:$0x2] =	stream.indirect.gather [hbm4b:s4+s3], $0x40, s9, s3, $0xb8;
	[tilespmem:$0x1FD40] =	vst v63  }
0x11a: {  	_ =	swait.ge [sflag:s29], $0x2000  }
0x11b: {  	[sflag:s29] =	ssyncset.done $0x0  }
0x11c: {  	s9 =	rddreg [dreg:$0x9];
	[sflag:s29] =	ssyncadd.s32 $0xFFFFE000  }
0x11d: {  	[spmem:s1] =	stream.indirect.scatter.add.f32 [tilespmem:s10], [sflag:$0x3], $0x40, s9, s3, $0xb8;
	[tilespmem:$0x1FD40] =	vst v63  }
0x11e: {  	_ =	swait.ge [sflag:s13], $0x2000  }
0x11f: {  	[sflag:s13] =	ssyncset.done $0x0  }
0x120: {  	s9 =	rddreg [dreg:$0xa];
	[sflag:s13] =	ssyncadd.s32 $0xFFFFE000  }
0x121: {  	[tilespmem:s10], [sflag:$0x1] =	stream.indirect.gather [hbm4b:s4+s3], $0x40, s9, s3, $0xb8;
	[tilespmem:$0x1FD40] =	vst v63  }
0x122: {  	_ =	swait.ge [sflag:s14], $0x2000  }
0x123: {  	[sflag:s14] =	ssyncset.done $0x0  }
0x124: {  	s9 =	rddreg [dreg:$0xb];
	[sflag:s14] =	ssyncadd.s32 $0xFFFFE000  }
0x125: {  	[spmem:s1] =	stream.indirect.scatter.add.f32 [tilespmem:s12], [sflag:$0x4], $0x40, s9, s3, $0xb8;
	[tilespmem:$0x1FD40] =	vst v63  }
0x126: {  	_ =	swait.ge [sflag:s15], $0x2000  }
0x127: {  	[sflag:s15] =	ssyncset.done $0x0  }
0x128: {  	s9 =	rddreg [dreg:$0xc];
	[sflag:s15] =	ssyncadd.s32 $0xFFFFE000  }
0x129: {  	[tilespmem:s12], [sflag:$0x2] =	stream.indirect.gather [hbm4b:s4+s3], $0x40, s9, s3, $0xb8;
	[tilespmem:$0x1FD40] =	vst v63  }
0x12a: {  	_ =	swait.ge [sflag:s29], $0x2000  }
0x12b: {  	[sflag:s29] =	ssyncset.done $0x0  }
0x12c: {  	s9 =	rddreg [dreg:$0xd];
	[sflag:s29] =	ssyncadd.s32 $0xFFFFE000  }
0x12d: {  	[spmem:s1] =	stream.indirect.scatter.add.f32 [tilespmem:s10], [sflag:$0x3], $0x40, s9, s3, $0xb8;
	[tilespmem:$0x1FD40] =	vst v63  }
0x12e: {  	_ =	swait.ge [sflag:s13], $0x2000  }
0x12f: {  	[sflag:s13] =	ssyncset.done $0x0  }
0x130: {  	s9 =	rddreg [dreg:$0xe];
	[sflag:s13] =	ssyncadd.s32 $0xFFFFE000  }
0x131: {  	[tilespmem:s10], [sflag:$0x1] =	stream.indirect.gather [hbm4b:s4+s3], $0x40, s9, s3, $0xb8;
	[tilespmem:$0x1FD40] =	vst v63  }
0x132: {  	_ =	swait.ge [sflag:s14], $0x2000  }
0x133: {  	[sflag:s14] =	ssyncset.done $0x0  }
0x134: {  	s9 =	rddreg [dreg:$0xf];
	[sflag:s14] =	ssyncadd.s32 $0xFFFFE000  }
0x135: {  	[spmem:s1] =	stream.indirect.scatter.add.f32 [tilespmem:s12], [sflag:$0x4], $0x40, s9, s3, $0xb8;
	[tilespmem:$0x1FD40] =	vst v63  }
0x136: {  	_ =	swait.ge [sflag:s15], $0x2000  }
0x137: {  	[sflag:s15] =	ssyncset.done $0x0  }
0x138: {  	s9 =	rddreg [dreg:$0x10];
	[sflag:s15] =	ssyncadd.s32 $0xFFFFE000  }
0x139: {  	[tilespmem:s12], [sflag:$0x2] =	stream.indirect.gather [hbm4b:s4+s3], $0x40, s9, s3, $0xb8;
	[tilespmem:$0x1FD40] =	vst v63  }
0x13a: {  	_ =	swait.ge [sflag:s29], $0x2000  }
0x13b: {  	[sflag:s29] =	ssyncset.done $0x0  }
0x13c: {  	[sflag:s29] =	ssyncadd.s32 $0xFFFFE000  }
0x13d: {  	[spmem:s1] =	stream.indirect.scatter.add.f32 [tilespmem:s10], [sflag:$0x3], $0x40, s28, s3, $0xb8;
	[tilespmem:$0x1FD40] =	vst v63  }
0x13e: {  	_ =	swait.ge [sflag:s13], $0x2000  }
0x13f: {  	s16 =	smov.u32 s8;
	[sflag:s13] =	ssyncset.done $0x0  }
0x140: {  	s7 =	smov.u32 s16;
	s16 =	simm.s32 $0x19400;
	[sflag:s13] =	ssyncadd.s32 $0xFFFFE000  }
0x141: {  	[tilespmem:s10], [sflag:$0x1] =	stream.indirect.gather [hbm4b:s4+s3], $0x40, s16, s3, $0xb8;
	[tilespmem:$0x1FD40] =	vst v63  }
0x142: {  	_ =	swait.ge [sflag:s14], $0x2000  }
0x143: {  	[sflag:s14] =	ssyncset.done $0x0  }
0x144: {  	[sflag:s14] =	ssyncadd.s32 $0xFFFFE000  }
0x145: {  	[spmem:s1] =	stream.indirect.scatter.add.f32 [tilespmem:s12], [sflag:$0x4], $0x40, s18, s3, $0xb8;
	[tilespmem:$0x1FD40] =	vst v63  }
0x146: {  	_ =	swait.ge [sflag:s15], $0x2000  }
0x147: {  	[sflag:s15] =	ssyncset.done $0x0  }
0x148: {  	[sflag:s15] =	ssyncadd.s32 $0xFFFFE000  }
0x149: {  	[tilespmem:s12], [sflag:$0x2] =	stream.indirect.gather [hbm4b:s4+s3], $0x40, s19, s3, $0xb8;
	[tilespmem:$0x1FD40] =	vst v63  }
0x14a: {  	_ =	swait.ge [sflag:s29], $0x2000  }
0x14b: {  	[sflag:s29] =	ssyncset.done $0x0  }
0x14c: {  	[sflag:s29] =	ssyncadd.s32 $0xFFFFE000  }
0x14d: {  	[spmem:s1] =	stream.indirect.scatter.add.f32 [tilespmem:s10], [sflag:$0x3], $0x40, s20, s3, $0xb8;
	[tilespmem:$0x1FD40] =	vst v63  }
0x14e: {  	_ =	swait.ge [sflag:s13], $0x2000  }
0x14f: {  	[sflag:s13] =	ssyncset.done $0x0  }
0x150: {  	[sflag:s13] =	ssyncadd.s32 $0xFFFFE000  }
0x151: {  	[tilespmem:s10], [sflag:$0x1] =	stream.indirect.gather [hbm4b:s4+s3], $0x40, s21, s3, $0xb8;
	[tilespmem:$0x1FD40] =	vst v63  }
0x152: {  	_ =	swait.ge [sflag:s14], $0x2000  }
0x153: {  	[sflag:s14] =	ssyncset.done $0x0  }
0x154: {  	[sflag:s14] =	ssyncadd.s32 $0xFFFFE000  }
0x155: {  	[spmem:s1] =	stream.indirect.scatter.add.f32 [tilespmem:s12], [sflag:$0x4], $0x40, s22, s3, $0xb8;
	[tilespmem:$0x1FD40] =	vst v63  }
0x156: {  	_ =	swait.ge [sflag:s15], $0x2000  }
0x157: {  	[sflag:s15] =	ssyncset.done $0x0  }
0x158: {  	[sflag:s15] =	ssyncadd.s32 $0xFFFFE000  }
0x159: {  	[tilespmem:s12], [sflag:$0x2] =	stream.indirect.gather [hbm4b:s4+s3], $0x40, s23, s3, $0xb8;
	[tilespmem:$0x1FD40] =	vst v63  }
0x15a: {  	_ =	swait.ge [sflag:s29], $0x2000  }
0x15b: {  	[sflag:s29] =	ssyncset.done $0x0  }
0x15c: {  	[sflag:s29] =	ssyncadd.s32 $0xFFFFE000  }
0x15d: {  	[spmem:s1] =	stream.indirect.scatter.add.f32 [tilespmem:s10], [sflag:$0x3], $0x40, s24, s3, $0xb8;
	[tilespmem:$0x1FD40] =	vst v63  }
0x15e: {  	_ =	swait.ge [sflag:s13], $0x2000  }
0x15f: {  	[sflag:s13] =	ssyncset.done $0x0  }
0x160: {  	[sflag:s13] =	ssyncadd.s32 $0xFFFFE000  }
0x161: {  	[tilespmem:s10], [sflag:$0x1] =	stream.indirect.gather [hbm4b:s4+s3], $0x40, s25, s3, $0xb8;
	[tilespmem:$0x1FD40] =	vst v63  }
0x162: {  	_ =	swait.ge [sflag:s14], $0x2000  }
0x163: {  	[sflag:s14] =	ssyncset.done $0x0  }
0x164: {  	[sflag:s14] =	ssyncadd.s32 $0xFFFFE000  }
0x165: {  	[spmem:s1] =	stream.indirect.scatter.add.f32 [tilespmem:s12], [sflag:$0x4], $0x40, s26, s3, $0xb8;
	[tilespmem:$0x1FD40] =	vst v63  }
0x166: {  	_ =	swait.ge [sflag:s15], $0x2000  }
0x167: {  	[sflag:s15] =	ssyncset.done $0x0  }
0x168: {  	[sflag:s15] =	ssyncadd.s32 $0xFFFFE000  }
0x169: {  	[tilespmem:s12], [sflag:$0x2] =	stream.indirect.gather [hbm4b:s4+s3], $0x40, s11, s3, $0xb8;
	[tilespmem:$0x1FD40] =	vst v63  }
0x16a: {  	_ =	swait.ge [sflag:s29], $0x2000  }
0x16b: {  	[sflag:s29] =	ssyncset.done $0x0  }
0x16c: {  	[sflag:s29] =	ssyncadd.s32 $0xFFFFE000  }
0x16d: {  	[spmem:s1] =	stream.indirect.scatter.add.f32 [tilespmem:s10], [sflag:$0x3], $0x40, s5, s3, $0xb8;
	[tilespmem:$0x1FD40] =	vst v63  }
0x16e: {  	_ =	swait.ge [sflag:s14], $0x2000  }
0x16f: {  	[sflag:s14] =	ssyncset.done $0x0  }
0x170: {  	p0 =	sne.s32 s8, $0xB60;
	[sflag:s14] =	ssyncadd.s32 $0xFFFFE000  }
0x171: {  	[spmem:s1] =	stream.indirect.scatter.add.f32 [tilespmem:s12], [sflag:$0x4], $0x40, s6, s3, $0xb8;
	[tilespmem:$0x1FD40] =	vst v63  }
.Ltmp1:
0x172: {  	_ =	swait.ge [sflag:s13], $0x2000;
	(pc) =	sbr.rel @p0 .LBB2_4-.Ltmp1, $4  }
0x173: {  	[sflag:s13] =	ssyncset.done $0x0  }
0x174: {  	[sflag:s13] =	ssyncadd.s32 $0xFFFFE000  }
0x175: {  	_ =	swait.ge [sflag:s15], $0x2000  }
0x176: {  	s8 =	sadd.s32 $0xE0, s8;
	s9 =	rddreg [dreg:$0x4];
	[sflag:s15] =	ssyncset.done $0x0  }
0x177: {  	[sflag:s15] =	ssyncadd.s32 $0xFFFFE000;
	s8 =	sadd.s32 s7, s9  }
0x178: {  	[tilespmem:s30], [sflag:$0x5] =	stream.linear.gather [hbm4b:s8+s2], $0x700, $0x38;
	[tilespmem:$0x1FD40] =	vst v63  }
0x179: {  	_ =	swait.ge [sflag:s31], $0x700  }
0x17a: {  	s9 =	rddreg [dreg:$0x3];
	[sflag:s31] =	ssyncset.done $0x0  }
0x17b: {  	[sflag:s31] =	ssyncadd.s32 $0xFFFFF900;
	s9 =	sadd.s32 s7, s9  }
0x17c: {  	[tilespmem:s0], [sflag:$0x5] =	stream.linear.gather [hbm4b:s9+s2], $0x700, $0x38;
	[tilespmem:$0x1FD40] =	vst v63  }
0x17d: {  	_ =	swait.ge [sflag:s31], $0x700  }
0x17e: {  	[sflag:s31] =	ssyncset.done $0x0  }
0x17f: {  	[sflag:s31] =	ssyncadd.s32 $0xFFFFF900  }
0x180: {  	[tilespmem:s10], [sflag:$0x1] =	stream.indirect.gather [hbm4b:s4+s3], $0x40, s30, s3, $0xb8;
	[tilespmem:$0x1FD40] =	vst v63  }
0x181: {  	s8 =	rddreg [dreg:$0x5]  }
0x182: {  	[tilespmem:s12], [sflag:$0x2] =	stream.indirect.gather [hbm4b:s4+s3], $0x40, s8, s3, $0xb8;
	[tilespmem:$0x1FD40] =	vst v63  }
0x183: {  	_ =	swait.ge [sflag:s29], $0x2000  }
0x184: {  	[sflag:s29] =	ssyncset.done $0x0  }
0x185: {  	[sflag:s29] =	ssyncadd.s32 $0xFFFFE000  }
0x186: {  	[spmem:s1] =	stream.indirect.scatter.add.f32 [tilespmem:s10], [sflag:$0x3], $0x40, s0, s3, $0xb8;
	[tilespmem:$0x1FD40] =	vst v63  }
0x187: {  	_ =	swait.ge [sflag:s13], $0x2000  }
0x188: {  	[sflag:s13] =	ssyncset.done $0x0  }
0x189: {  	s9 =	rddreg [dreg:$0x6];
	[sflag:s13] =	ssyncadd.s32 $0xFFFFE000  }
0x18a: {  	[tilespmem:s10], [sflag:$0x1] =	stream.indirect.gather [hbm4b:s4+s3], $0x40, s9, s3, $0xb8;
	[tilespmem:$0x1FD40] =	vst v63  }
0x18b: {  	_ =	swait.ge [sflag:s14], $0x2000  }
0x18c: {  	[sflag:s14] =	ssyncset.done $0x0  }
0x18d: {  	s8 =	rddreg [dreg:$0x7];
	[sflag:s14] =	ssyncadd.s32 $0xFFFFE000  }
0x18e: {  	[spmem:s1] =	stream.indirect.scatter.add.f32 [tilespmem:s12], [sflag:$0x4], $0x40, s8, s3, $0xb8;
	[tilespmem:$0x1FD40] =	vst v63  }
0x18f: {  	_ =	swait.ge [sflag:s15], $0x2000  }
0x190: {  	[sflag:s15] =	ssyncset.done $0x0  }
0x191: {  	s9 =	rddreg [dreg:$0x8];
	[sflag:s15] =	ssyncadd.s32 $0xFFFFE000  }
0x192: {  	[tilespmem:s12], [sflag:$0x2] =	stream.indirect.gather [hbm4b:s4+s3], $0x40, s9, s3, $0xb8;
	[tilespmem:$0x1FD40] =	vst v63  }
0x193: {  	_ =	swait.ge [sflag:s29], $0x2000  }
0x194: {  	[sflag:s29] =	ssyncset.done $0x0  }
0x195: {  	s8 =	rddreg [dreg:$0x9];
	[sflag:s29] =	ssyncadd.s32 $0xFFFFE000  }
0x196: {  	[spmem:s1] =	stream.indirect.scatter.add.f32 [tilespmem:s10], [sflag:$0x3], $0x40, s8, s3, $0xb8;
	[tilespmem:$0x1FD40] =	vst v63  }
0x197: {  	_ =	swait.ge [sflag:s13], $0x2000  }
0x198: {  	[sflag:s13] =	ssyncset.done $0x0  }
0x199: {  	s9 =	rddreg [dreg:$0xa];
	[sflag:s13] =	ssyncadd.s32 $0xFFFFE000  }
0x19a: {  	[tilespmem:s10], [sflag:$0x1] =	stream.indirect.gather [hbm4b:s4+s3], $0x40, s9, s3, $0xb8;
	[tilespmem:$0x1FD40] =	vst v63  }
0x19b: {  	_ =	swait.ge [sflag:s14], $0x2000  }
0x19c: {  	[sflag:s14] =	ssyncset.done $0x0  }
0x19d: {  	s8 =	rddreg [dreg:$0xb];
	[sflag:s14] =	ssyncadd.s32 $0xFFFFE000  }
0x19e: {  	[spmem:s1] =	stream.indirect.scatter.add.f32 [tilespmem:s12], [sflag:$0x4], $0x40, s8, s3, $0xb8;
	[tilespmem:$0x1FD40] =	vst v63  }
0x19f: {  	_ =	swait.ge [sflag:s15], $0x2000  }
0x1a0: {  	[sflag:s15] =	ssyncset.done $0x0  }
0x1a1: {  	s9 =	rddreg [dreg:$0xc];
	[sflag:s15] =	ssyncadd.s32 $0xFFFFE000  }
0x1a2: {  	[tilespmem:s12], [sflag:$0x2] =	stream.indirect.gather [hbm4b:s4+s3], $0x40, s9, s3, $0xb8;
	[tilespmem:$0x1FD40] =	vst v63  }
0x1a3: {  	_ =	swait.ge [sflag:s29], $0x2000  }
0x1a4: {  	[sflag:s29] =	ssyncset.done $0x0  }
0x1a5: {  	s8 =	rddreg [dreg:$0xd];
	[sflag:s29] =	ssyncadd.s32 $0xFFFFE000  }
0x1a6: {  	[spmem:s1] =	stream.indirect.scatter.add.f32 [tilespmem:s10], [sflag:$0x3], $0x40, s8, s3, $0xb8;
	[tilespmem:$0x1FD40] =	vst v63  }
0x1a7: {  	_ =	swait.ge [sflag:s13], $0x2000  }
0x1a8: {  	[sflag:s13] =	ssyncset.done $0x0  }
0x1a9: {  	s9 =	rddreg [dreg:$0xe];
	[sflag:s13] =	ssyncadd.s32 $0xFFFFE000  }
0x1aa: {  	[tilespmem:s10], [sflag:$0x1] =	stream.indirect.gather [hbm4b:s4+s3], $0x40, s9, s3, $0xb8;
	[tilespmem:$0x1FD40] =	vst v63  }
0x1ab: {  	_ =	swait.ge [sflag:s14], $0x2000  }
0x1ac: {  	[sflag:s14] =	ssyncset.done $0x0  }
0x1ad: {  	s8 =	rddreg [dreg:$0xf];
	[sflag:s14] =	ssyncadd.s32 $0xFFFFE000  }
0x1ae: {  	[spmem:s1] =	stream.indirect.scatter.add.f32 [tilespmem:s12], [sflag:$0x4], $0x40, s8, s3, $0xb8;
	[tilespmem:$0x1FD40] =	vst v63  }
0x1af: {  	_ =	swait.ge [sflag:s15], $0x2000  }
0x1b0: {  	[sflag:s15] =	ssyncset.done $0x0  }
0x1b1: {  	s9 =	rddreg [dreg:$0x10];
	[sflag:s15] =	ssyncadd.s32 $0xFFFFE000  }
0x1b2: {  	[tilespmem:s12], [sflag:$0x2] =	stream.indirect.gather [hbm4b:s4+s3], $0x40, s9, s3, $0xb8;
	[tilespmem:$0x1FD40] =	vst v63  }
0x1b3: {  	_ =	swait.ge [sflag:s29], $0x2000  }
0x1b4: {  	[sflag:s29] =	ssyncset.done $0x0  }
0x1b5: {  	[sflag:s29] =	ssyncadd.s32 $0xFFFFE000  }
0x1b6: {  	[spmem:s1] =	stream.indirect.scatter.add.f32 [tilespmem:s10], [sflag:$0x3], $0x40, s28, s3, $0xb8;
	[tilespmem:$0x1FD40] =	vst v63  }
0x1b7: {  	_ =	swait.ge [sflag:s13], $0x2000  }
0x1b8: {  	[sflag:s13] =	ssyncset.done $0x0  }
0x1b9: {  	[sflag:s13] =	ssyncadd.s32 $0xFFFFE000  }
0x1ba: {  	[tilespmem:s10], [sflag:$0x1] =	stream.indirect.gather [hbm4b:s4+s3], $0x40, s16, s3, $0xb8;
	[tilespmem:$0x1FD40] =	vst v63  }
0x1bb: {  	_ =	swait.ge [sflag:s14], $0x2000  }
0x1bc: {  	[sflag:s14] =	ssyncset.done $0x0  }
0x1bd: {  	[sflag:s14] =	ssyncadd.s32 $0xFFFFE000  }
0x1be: {  	[spmem:s1] =	stream.indirect.scatter.add.f32 [tilespmem:s12], [sflag:$0x4], $0x40, s18, s3, $0xb8;
	[tilespmem:$0x1FD40] =	vst v63  }
0x1bf: {  	_ =	swait.ge [sflag:s15], $0x2000  }
0x1c0: {  	[sflag:s15] =	ssyncset.done $0x0  }
0x1c1: {  	[sflag:s15] =	ssyncadd.s32 $0xFFFFE000  }
0x1c2: {  	[tilespmem:s12], [sflag:$0x2] =	stream.indirect.gather [hbm4b:s4+s3], $0x40, s19, s3, $0xb8;
	[tilespmem:$0x1FD40] =	vst v63  }
0x1c3: {  	_ =	swait.ge [sflag:s29], $0x2000  }
0x1c4: {  	[sflag:s29] =	ssyncset.done $0x0  }
0x1c5: {  	[sflag:s29] =	ssyncadd.s32 $0xFFFFE000  }
0x1c6: {  	[spmem:s1] =	stream.indirect.scatter.add.f32 [tilespmem:s10], [sflag:$0x3], $0x40, s20, s3, $0xb8;
	[tilespmem:$0x1FD40] =	vst v63  }
0x1c7: {  	_ =	swait.ge [sflag:s13], $0x2000  }
0x1c8: {  	[sflag:s13] =	ssyncset.done $0x0  }
0x1c9: {  	[sflag:s13] =	ssyncadd.s32 $0xFFFFE000  }
0x1ca: {  	[tilespmem:s10], [sflag:$0x1] =	stream.indirect.gather [hbm4b:s4+s3], $0x40, s21, s3, $0xb8;
	[tilespmem:$0x1FD40] =	vst v63  }
0x1cb: {  	_ =	swait.ge [sflag:s14], $0x2000  }
0x1cc: {  	[sflag:s14] =	ssyncset.done $0x0  }
0x1cd: {  	[sflag:s14] =	ssyncadd.s32 $0xFFFFE000  }
0x1ce: {  	[spmem:s1] =	stream.indirect.scatter.add.f32 [tilespmem:s12], [sflag:$0x4], $0x40, s22, s3, $0xb8;
	[tilespmem:$0x1FD40] =	vst v63  }
0x1cf: {  	_ =	swait.ge [sflag:s15], $0x2000  }
0x1d0: {  	[sflag:s15] =	ssyncset.done $0x0  }
0x1d1: {  	[sflag:s15] =	ssyncadd.s32 $0xFFFFE000  }
0x1d2: {  	[tilespmem:s12], [sflag:$0x2] =	stream.indirect.gather [hbm4b:s4+s3], $0x40, s23, s3, $0xb8;
	[tilespmem:$0x1FD40] =	vst v63  }
0x1d3: {  	_ =	swait.ge [sflag:s29], $0x2000  }
0x1d4: {  	[sflag:s29] =	ssyncset.done $0x0  }
0x1d5: {  	[sflag:s29] =	ssyncadd.s32 $0xFFFFE000  }
0x1d6: {  	[spmem:s1] =	stream.indirect.scatter.add.f32 [tilespmem:s10], [sflag:$0x3], $0x40, s24, s3, $0xb8;
	[tilespmem:$0x1FD40] =	vst v63  }
0x1d7: {  	_ =	swait.ge [sflag:s13], $0x2000  }
0x1d8: {  	[sflag:s13] =	ssyncset.done $0x0  }
0x1d9: {  	[sflag:s13] =	ssyncadd.s32 $0xFFFFE000  }
0x1da: {  	[tilespmem:s10], [sflag:$0x1] =	stream.indirect.gather [hbm4b:s4+s3], $0x40, s25, s3, $0xb8;
	[tilespmem:$0x1FD40] =	vst v63  }
0x1db: {  	_ =	swait.ge [sflag:s14], $0x2000  }
0x1dc: {  	[sflag:s14] =	ssyncset.done $0x0  }
0x1dd: {  	[sflag:s14] =	ssyncadd.s32 $0xFFFFE000  }
0x1de: {  	[spmem:s1] =	stream.indirect.scatter.add.f32 [tilespmem:s12], [sflag:$0x4], $0x40, s26, s3, $0xb8;
	[tilespmem:$0x1FD40] =	vst v63  }
0x1df: {  	_ =	swait.ge [sflag:s15], $0x2000  }
0x1e0: {  	[sflag:s15] =	ssyncset.done $0x0  }
0x1e1: {  	[sflag:s15] =	ssyncadd.s32 $0xFFFFE000  }
0x1e2: {  	[tilespmem:s12], [sflag:$0x2] =	stream.indirect.gather [hbm4b:s4+s3], $0x40, s11, s3, $0xb8;
	[tilespmem:$0x1FD40] =	vst v63  }
0x1e3: {  	_ =	swait.ge [sflag:s29], $0x2000  }
0x1e4: {  	[sflag:s29] =	ssyncset.done $0x0  }
0x1e5: {  	[sflag:s29] =	ssyncadd.s32 $0xFFFFE000  }
0x1e6: {  	[spmem:s1] =	stream.indirect.scatter.add.f32 [tilespmem:s10], [sflag:$0x3], $0x40, s5, s3, $0xb8;
	[tilespmem:$0x1FD40] =	vst v63  }
0x1e7: {  	_ =	swait.ge [sflag:s14], $0x2000  }
0x1e8: {  	[sflag:s14] =	ssyncset.done $0x0  }
0x1e9: {  	[sflag:s14] =	ssyncadd.s32 $0xFFFFE000  }
0x1ea: {  	[spmem:s1] =	stream.indirect.scatter.add.f32 [tilespmem:s12], [sflag:$0x4], $0x40, s6, s3, $0xb8;
	[tilespmem:$0x1FD40] =	vst v63  }
0x1eb: {  	_ =	swait.ge [sflag:s13], $0x2000  }
0x1ec: {  	[sflag:s13] =	ssyncset.done $0x0  }
0x1ed: {  	[sflag:s13] =	ssyncadd.s32 $0xFFFFE000  }
0x1ee: {  	_ =	swait.ge [sflag:s15], $0x2000  }
0x1ef: {  	[sflag:s15] =	ssyncset.done $0x0  }
0x1f0: {  	[sflag:s15] =	ssyncadd.s32 $0xFFFFE000  }
0x1f1: {  	s8 =	simm.s32 $0x0;
	[bflag:$0x0] =	sbarrier.arrive $0xFFFF  }
.LBB2_6:
0x1f2: {  	s7 =	smul.u32 $0x64, s8  }
0x1f3: {  	s9 =	rddreg [dreg:$0x14]  }
0x1f4: {  	s7 =	sadd.s32 s9, s7  }
0x1f5: {  	s9 =	sshll.u32 s7, $0x8  }
0x1f6: {  	s9 =	sshra.s32 s9, $0x2  }
0x1f7: {  	s9 =	sadd.s32 s9, s1  }
0x1f8: {  	[tilespmem:s17], [sflag:$0x5] =	stream.linear.gather [spmem:s9], $0x1900, $0x38;
	[tilespmem:$0x1FD40] =	vst v63  }
0x1f9: {  	_ =	swait.ge [sflag:s31], $0x1900  }
0x1fa: {  	s17 =	rddreg [dreg:$0x11]  }
0x1fb: {  	[sflag:s31] =	ssyncset.done $0x0;
	s9 =	sadd.s32 s17, s7  }
0x1fc: {  	s16 =	rddreg [dreg:$0x12];
	[sflag:s31] =	ssyncadd.s32 $0xFFFFE700;
	s7 =	sshll.u32 s9, $0x1  }
0x1fd: {  	s17 =	simm.s32 $0x0;
	s7 =	sadd.s32 s16, s7;
	s16 =	simm.s32 $0x1F700  }
0x1fe: {  	[tilespmem:s16], [sflag:$0x5] =	stream.linear.gather [hbm4b:s7+s17], $0x640, $0x38;
	[tilespmem:$0x1FD40] =	vst v63  }
0x1ff: {  	_ =	swait.ge [sflag:s31], $0x640  }
0x200: {  	[sflag:s31] =	ssyncset.done $0x0  }
0x201: {  	s28 =	simm.s32 $0x1DE20;
	[sflag:s31] =	ssyncadd.s32 $0xFFFFF9C0  }
0x202: {  	s17 =	simm.s32 $0x0;
	s16 =	simm.s32 $0x40;
	s7 =	simm.s32 $0x1DE20;
	v2 =	vld [tilespmem:s28+$0xFFFFFFF0]  }
.LBB2_7:
0x203: {  	p0 =	sne.s32 s16, $0x18C0;
	v3 =	vld [tilespmem:s17+$0x1F700]  }
0x204: {  	v4 =	vld [tilespmem:s28+$0x10]  }
0x205: {  	v5 =	vld [tilespmem:s28+$0xFFFFFFE0]  }
0x206: {  	v6 =	vld [tilespmem:s28+$0x0];
	_ =	sdelay $0x1  }
0x207: {  	v3 =	vperm.xlane v3, v1;
	_ =	sdelay $0x1  }
0x208: {  	v5 =	vmul.f32 v5, v3;
	v2 =	vmul.f32 v2, v3  }
.Ltmp2:
0x209: {  	v6 =	vmul.f32 v6, v3;
	v3 =	vmul.f32 v4, v3;
	(pc) =	sbr.rel @p0 .LBB2_7-.Ltmp2, $4  }
0x20a: {  	[tilespmem:s28+$0xFFFFFFE0] =	vst v5  }
0x20b: {  	[tilespmem:s28+$0xFFFFFFF0] =	vst v2  }
0x20c: {  	s28 =	sadd.s32 $0x40, s28;
	[tilespmem:s7+$0x0] =	vst v6  }
0x20d: {  	s17 =	sshra.s32 s16, $0x2;
	s16 =	sadd.s32 $0x40, s16;
	v2 =	vld [tilespmem:s28+$0xFFFFFFF0];
	[tilespmem:s7+$0x10] =	vst v3;
	s7 =	smov.u32 s28  }
0x20e: {  	v3 =	vld [tilespmem:s17+$0x1F700];
	_ =	sdelay $0x1  }
0x20f: {  	v4 =	vld [tilespmem:s28+$0xFFFFFFE0];
	_ =	sdelay $0x1  }
0x210: {  	v5 =	vld [tilespmem:s28+$0x0]  }
0x211: {  	v6 =	vld [tilespmem:s28+$0x10];
	v3 =	vperm.xlane v3, v1;
	_ =	sdelay $0x1  }
0x212: {  	v4 =	vmul.f32 v4, v3  }
0x213: {  	v2 =	vmul.f32 v2, v3  }
0x214: {  	v5 =	vmul.f32 v5, v3;
	[tilespmem:s28+$0xFFFFFFE0] =	vst v4  }
0x215: {  	v3 =	vmul.f32 v6, v3;
	[tilespmem:s28+$0xFFFFFFF0] =	vst v2  }
0x216: {  	s9 =	sshll.u32 s9, $0x3;
	s17 =	rddreg [dreg:$0x13];
	[tilespmem:s7+$0x0] =	vst v5  }
0x217: {  	[tilespmem:s7+$0x10] =	vst v3;
	s7 =	sadd.s32 s17, s9;
	s17 =	simm.s32 $0x1DE00  }
0x218: {  	[hbm4b:s7+s2] =	stream.linear.scatter [tilespmem:s17], [sflag:$0x5], $0x1900, $0x38;
	[tilespmem:$0x1FD40] =	vst v63  }
0x219: {  	_ =	swait.ge [sflag:s31], $0x1900  }
0x21a: {  	s8 =	sadd.s32 $0x1, s8;
	s28 =	rddreg [dreg:$0x15]  }
0x21b: {  	p0 =	sne.s32 s8, s28  }
.Ltmp3:
0x21c: {  	_ = 	snop;
	(pc) =	sbr.rel @p0 .LBB2_6-.Ltmp3, $3  }
0x21d: {  	_ =	sdelay $0x1  }
0x21e: {  	[sflag:s31] =	ssyncset.done $0x0  }
0x21f: {  	[sflag:s31] =	ssyncadd.s32 $0xFFFFE700  }
0x220: {  	s8 =	sld [smem:$0x7F6];
	_ =	sdelay $0x2  }
0x221: {  	s7 =	rddreg [dreg:$0x16];
	s8 =	sadd.s32 $0x1, s8  }
0x222: {  	p0 =	sne.s32 s8, s7  }
.Ltmp4:
0x223: {  	_ = 	snop;
	(pc) =	sbr.rel @p0 .LBB2_1-.Ltmp4, $2  }
0x224: {  	_ =	sdelay $0x2  }
0x225: {  	s28 =	simm.s32 $0x19A00;
	s16 =	simm.s32 $0x19400  }
0x226: {  	_ =	sfence.sel $0x180000  }
0x227: {  	[bflag:$0x0] =	sbarrier.arrive $0xFFFF  }
0x228: {  	_ =	strace $0x9000004D  }
0x229: {  	s0 =	stileid.u32;
	[bflag:$0x2] =	sbarrier.arrive $0xFFFF  }
0x22a: {  	p0 =	sne.s32 s0, $0x0;
	s0 =	rddreg [dreg:$0x2]  }
0x22b: {  	s0 =	sadd.s32 @!p0 $0x100000, s0  }
0x22c: {  	[sflag:s0] =	ssyncadd.tile.s32 @!p0 $0x1;
	_ =	shalt  }
.Lfunc_end2:
_tile_overlayer_lowered:
.L_overlay_start_2:
0x22d: {  	(tag) =	ssettag $0x2  }
0x22e: {  	s0 =	rddreg [dreg:$0x0];
	s2 =	stileid.u32  }
0x22f: {  	s1 =	rddreg [dreg:$0x1];
	p0 =	sne.s32 s2, $0x0  }
0x230: {  	s3 =	rddreg [dreg:$0x2];
	[bflag:$0x3] =	sbarrier.arrive $0xFFFF;
	s2 =	simm.s32 @!p0 $0x1C05  }
0x231: {  	[timem:s3], [sflag:s2] =	dma.local @!p0 [hbm:s0], s1  }
0x232: {  	s0 =	simm.s32 @!p0 $0x5  }
0x233: {  	_ =	swait.ge @!p0 [sflag:s0], s1  }
0x234: {  	s1 =	ssub.s32 @!p0 $0x0, s1;
	[sflag:s0] =	ssyncset.done @!p0 $0x0  }
0x235: {  	[sflag:s0] =	ssyncadd.s32 @!p0 s1  }
0x236: {  	[bflag:$0x3] =	sbarrier.arrive $0xFFFF  }
0x237: {  	_ =	shalt  }

// kernel: kernel.19.cloned.1.call-start
scs
__scs_entry_jumppad:
0x0: {  	(pc) =	sbr.rel $0x88, $3  }
0x1: {  	(tag) =	ssettag $0x0;
	lr =	simm.s32 $0x1  }
0x2: {  	[smem:$0x3F98] =	sst lr;
	_ =	strace $0xD0000000  }
0x3: {  	_ = 	snop  }
0x4: {  	_ = 	snop  }
0x5: {  	_ = 	snop  }
0x6: {  	_ = 	snop  }
0x7: {  	_ = 	snop  }
__scs_overlays_trampoline_lowered:
0x8: {  	[smem:$0x3FA7] =	sst s0  }
0x9: {  	[smem:$0x3FA8] =	sst s1  }
0xa: {  	[smem:$0x3FA9] =	sst s2  }
0xb: {  	[smem:$0x3FAA] =	sst s3  }
0xc: {  	[smem:$0x3FAB] =	sst s4  }
0xd: {  	[smem:$0x3FAC] =	sst s5  }
0xe: {  	[smem:$0x3FAD] =	sst s6  }
0xf: {  	[smem:$0x3FAE] =	sst s7  }
0x10: {  	[smem:$0x3FAF] =	sst s8  }
0x11: {  	[smem:$0x3FB0] =	sst s9;
	s0 =	simm.s32 @!p0 $0x0  }
0x12: {  	s1 =	sld [smem:$0x3F96];
	s0 =	simm.s32 @p0 $0x1  }
0x13: {  	[smem:$0x3FB1] =	sst s0;
	s0 =	simm.s32 @!p1 $0x0  }
0x14: {  	s2 =	sld [smem:$0x3F95];
	s0 =	simm.s32 @p1 $0x1  }
0x15: {  	[smem:$0x3FB2] =	sst s0;
	s0 =	simm.s32 @!p2 $0x0  }
0x16: {  	s3 =	sld [smem:$0x3FDB];
	s0 =	simm.s32 @p2 $0x1  }
0x17: {  	s4 =	simm.s32 $0x1BF5;
	[smem:$0x3FB4] =	sst s0  }
0x18: {  	s0 =	sld [smem:$0x3F97];
	_ =	swait.ge [sflag:s4], $0x0  }
0x19: {  	s7 =	sld [smem:$0x3F98]  }
0x1a: {  	s8 =	sadd.s32 $0xFFFFE003, lr  }
0x1b: {  	s9 =	sadd.s32 $0xFFFFFEF7, lr;
	s5 =	simm.s32 $0xFFFFFFFF;
	p2 =	slt.u32 s8, $0xFFFFF086  }
0x1c: {  	p1 =	slt.u32 s9, $0xF7A;
	s5 =	simm.s32 @!p2 $0x0  }
0x1d: {  	s5 =	simm.s32 @p1 $0x1;
	p0 =	seq.s32 s7, s2  }
0x1e: {  	s7 =	smul.u32 @!p0 $0xF7A, s2;
	p2 =	seq.s32 @!p0 s5, $0x0  }
0x1f: {  	s9 =	smul.u32 $0xF7A, s1;
	s8 =	simm.s32 @!p0 $0x1BF5;
	p2 =	por !p2, p0  }
0x20: {  	[sflag:s8] =	ssyncset.s32 @!p0 $0xFFFFF086;
	s6 =	sadd.s32 @!p0 s3, s7;
	s7 =	simm.s32 @!p0 $0x108  }
0x21: {  	s3 =	sadd.s32 s3, s9;
	s6 =	sadd.s32 @!p0 $0x88, s6;
	s7 =	simm.s32 @p2 $0x1082  }
0x22: {  	[simem:s7], [sflag:s8] =	dma.local @!p0 [hbm:s6], $0xF7A  }
0x23: {  	s9 =	sor.u32 $0xD0000000, s2;
	s6 =	simm.s32 $0x108;
	_ =	swait.ge @!p0 [sflag:s8], $0x0  }
0x24: {  	s3 =	sadd.s32 $0x88, s3;
	s6 =	simm.s32 @!p1 $0x1082;
	[sflag:s4] =	ssyncset.s32 $0xFFFFF086  }
0x25: {  	[simem:s6], [sflag:s4] =	dma.local [hbm:s3], $0xF7A  }
0x26: {  	[smem:$0x3F98] =	sst s1;
	(tag) =	ssettag s2;
	_ =	strace s9  }
0x27: {  	s1 =	sld [smem:$0x3FA8]  }
0x28: {  	s2 =	sld [smem:$0x3FA9]  }
0x29: {  	s4 =	sld [smem:$0x3FAB]  }
0x2a: {  	p0 =	seq.s32 s5, $0x0;
	s5 =	sld [smem:$0x3FAC]  }
0x2b: {  	s6 =	sld [smem:$0x3FAD]  }
0x2c: {  	s7 =	sld [smem:$0x3FAE]  }
0x2d: {  	s3 =	simm.s32 $0x108;
	s8 =	sld [smem:$0x3FAF]  }
0x2e: {  	s3 =	simm.s32 @!p0 $0x1082;
	s9 =	sld [smem:$0x3FB0]  }
0x2f: {  	lr =	sadd.s32 s0, s3;
	s0 =	sld [smem:$0x3FA7]  }
0x30: {  	s3 =	sld [smem:$0x3FAA]  }
0x31: {  	[smem:$0x3FB3] =	sst s10  }
0x32: {  	s10 =	sld [smem:$0x3FB1];
	_ =	sdelay $0x3  }
0x33: {  	p0 =	seq.s32 s10, $0x1;
	s10 =	sld [smem:$0x3FB3];
	_ =	sdelay $0x3  }
0x34: {  	[smem:$0x3FB3] =	sst s10  }
0x35: {  	s10 =	sld [smem:$0x3FB2];
	_ =	sdelay $0x3  }
0x36: {  	p1 =	seq.s32 s10, $0x1;
	s10 =	sld [smem:$0x3FB3];
	_ =	sdelay $0x3  }
0x37: {  	[smem:$0x3FB3] =	sst s10  }
0x38: {  	s10 =	sld [smem:$0x3FB4]  }
0x39: {  	_ = 	snop;
	(pc) =	sbr.ind lr, $3  }
0x3a: {  	_ = 	snop  }
0x3b: {  	_ = 	snop  }
0x3c: {  	p2 =	seq.s32 s10, $0x1;
	s10 =	sld [smem:$0x3FB3]  }
0x3d: {  	_ =	shalt  }
0x3e: {  	_ =	shalt  }
0x3f: {  	_ =	shalt  }
0x40: {  	_ =	shalt  }
0x41: {  	_ =	shalt  }
0x42: {  	_ =	shalt  }
0x43: {  	_ =	shalt  }
0x44: {  	_ =	shalt  }
0x45: {  	_ =	shalt  }
0x46: {  	_ =	shalt  }
0x47: {  	_ =	shalt  }
0x48: {  	_ =	shalt  }
0x49: {  	_ =	shalt  }
0x4a: {  	_ =	shalt  }
0x4b: {  	_ =	shalt  }
0x4c: {  	_ =	shalt  }
0x4d: {  	_ =	shalt  }
0x4e: {  	_ =	shalt  }
0x4f: {  	_ =	shalt  }
0x50: {  	_ =	shalt  }
0x51: {  	_ =	shalt  }
0x52: {  	_ =	shalt  }
0x53: {  	_ =	shalt  }
0x54: {  	_ =	shalt  }
0x55: {  	_ =	shalt  }
0x56: {  	_ =	shalt  }
0x57: {  	_ =	shalt  }
0x58: {  	_ =	shalt  }
0x59: {  	_ =	shalt  }
0x5a: {  	_ =	shalt  }
0x5b: {  	_ =	shalt  }
0x5c: {  	_ =	shalt  }
0x5d: {  	_ =	shalt  }
0x5e: {  	_ =	shalt  }
0x5f: {  	_ =	shalt  }
0x60: {  	_ =	shalt  }
0x61: {  	_ =	shalt  }
0x62: {  	_ =	shalt  }
0x63: {  	_ =	shalt  }
0x64: {  	_ =	shalt  }
0x65: {  	_ =	shalt  }
0x66: {  	_ =	shalt  }
0x67: {  	_ =	shalt  }
0x68: {  	_ =	shalt  }
0x69: {  	_ =	shalt  }
0x6a: {  	_ =	shalt  }
0x6b: {  	_ =	shalt  }
0x6c: {  	_ =	shalt  }
0x6d: {  	_ =	shalt  }
0x6e: {  	_ =	shalt  }
0x6f: {  	_ =	shalt  }
0x70: {  	_ =	shalt  }
0x71: {  	_ =	shalt  }
0x72: {  	_ =	shalt  }
0x73: {  	_ =	shalt  }
0x74: {  	_ =	shalt  }
0x75: {  	_ =	shalt  }
0x76: {  	_ =	shalt  }
0x77: {  	_ =	shalt  }
0x78: {  	_ =	shalt  }
0x79: {  	_ =	shalt  }
0x7a: {  	_ =	shalt  }
0x7b: {  	_ =	shalt  }
0x7c: {  	_ =	shalt  }
0x7d: {  	_ =	shalt  }
0x7e: {  	_ =	shalt  }
0x7f: {  	_ =	shalt  }
0x80: {  	_ =	shalt  }
0x81: {  	_ =	shalt  }
0x82: {  	_ =	shalt  }
0x83: {  	_ =	shalt  }
0x84: {  	_ =	shalt  }
0x85: {  	_ =	shalt  }
0x86: {  	_ =	shalt  }
0x87: {  	_ =	shalt  }
.Lfunc_end0:
.L_simem_size_0:
called_computation.3_lowered:
.L_overlay_start_0:
0x88: {  	s2 =	sld [smem:$0x3FD9]  }
0x89: {  	s3 =	sld [smem:$0x3FFE];
	_ =	sdelay $0x1  }
0x8a: {  	s1 =	srdreg.scid  }
0x8b: {  	s0 =	sand.u32 $0x1, s1  }
0x8c: {  	s16 =	sshll.u32 s0, $0xA;
	s2 =	sadd.s32 s3, s2  }
0x8d: {  	s2 =	sadd.s32 s2, s16  }
0x8e: {  	[smem:$0x3FBF] =	sst s2  }
0x8f: {  	_ = 	snop  }
0x90: {  	(tm) =	ssettm $0x1  }
0x91: {  	s17 =	sld [smem:$0x3FFB];
	_ =	sdelay $0x3  }
0x92: {  	_ =	strace s17  }
0x93: {  	s2 =	sld [smem:$0x3FFC];
	_ =	sdelay $0x3  }
0x94: {  	_ =	strace s2  }
0x95: {  	s2 =	sld [smem:$0x3FFD];
	_ =	sdelay $0x3  }
0x96: {  	_ =	strace s2  }
0x97: {  	_ =	strace $0x8FFFFFFF  }
0x98: {  	s18 =	sld [smem:$0x3FDB];
	_ =	sdelay $0x1  }
0x99: {  	s19 =	simm.s32 $_scs_section_size  }
0x9a: {  	s4 =	simm.s32 $_size__tile_overlayer_lowered;
	s5 =	simm.s32 $_tile_overlayer_lowered  }
0x9b: {  	s22 =	simm.s32 $0x1BFF;
	s21 =	sshll.u32 s5, $0x1;
	s2 =	sadd.s32 s19, s18  }
0x9c: {  	s6 =	simm.s32 $0x0;
	s20 =	sshll.u32 s4, $0x1;
	s4 =	sadd.s32 s21, s2  }
0x9d: {  	[timem:s6], [sflag:s22] =	dma.local [hbm:s4], s20  }
0x9e: {  	_ =	swait.ge [sflag:s22], s20  }
0x9f: {  	s3 =	ssub.s32 $0x0, s20;
	[sflag:s22] =	ssyncset.done $0x0  }
0xa0: {  	[sflag:s22] =	ssyncadd.s32 s3;
	_ =	sdelay $0x1  }
0xa1: {  	s23 =	simm.s32 $0x1B8B  }
0xa2: {  	_ =	swait.ge [sflag:s23], $0x1  }
0xa3: {  	[sflag:s23] =	ssyncset.done $0x0  }
0xa4: {  	s25 =	simm.s32 $0x1B8E;
	s24 =	sld [smem:$0x3FFE];
	[sflag:s23] =	ssyncadd.s32 $0xFFFFFFFF  }
0xa5: {  	s26 =	simm.s32 $execute0_lowered;
	[smem:$0x3FD2] =	sst s25  }
0xa6: {  	s4 =	sshll.u32 s26, $0x1;
	_ =	strace $0x8000004F;
	[dreg:$0x1] =	wrdreg $0xFFFFFFFF  }
0xa7: {  	s28 =	simm.s32 $_size_execute0_lowered;
	s2 =	sadd.s32 s2, s4;
	[dreg:$0x0] =	wrdreg $0x0  }
0xa8: {  	s4 =	sshll.u32 s28, $0x1;
	[dreg:$0x2] =	wrdreg s2  }
0xa9: {  	[dreg:$0x3] =	wrdreg s4  }
0xaa: {  	[dreg:$0x4] =	wrdreg $0xC0  }
0xab: {  	_ =	task [dreg:s6], $0x5FFFF  }
0xac: {  	[dreg:$0x1] =	wrdreg $0xFFFFFFFF  }
0xad: {  	[dreg:$0x0] =	wrdreg $0x60  }
0xae: {  	[dreg:$0x2] =	wrdreg s24  }
0xaf: {  	[dreg:$0x3] =	wrdreg $0x0  }
0xb0: {  	[dreg:$0x4] =	wrdreg $0x9  }
0xb1: {  	_ =	task.clear_ibuf [dreg:s6], $0x5FFFF;
	_ =	strace $0x9000004F  }
0xb2: {  	s29 =	simm.s32 $0x9;
	_ =	strace $0x80000051  }
0xb3: {  	_ =	swait.ge [sflag:s29], $0x1  }
0xb4: {  	[sflag:s29] =	ssyncadd.s32 $0xFFFFFFFF  }
0xb5: {  	_ =	strace $0x90000051  }
0xb6: {  	_ =	sfence  }
0xb7: {  	s30 =	sld [smem:$0x0];
	_ =	sdelay $0x2  }
0xb8: {  	s31 =	sshll.u32 s1, $0xD;
	s1 =	sshrl.u32 s1, $0x2  }
0xb9: {  	s3 =	sand.u32 $0x4000, s31;
	s1 =	sadd.s32 s1, s30  }
0xba: {  	s0 =	sor.u32 s3, s0;
	s1 =	sshll.u32 s1, $0x11  }
0xbb: {  	s0 =	sor.u32 s1, s0  }
0xbc: {  	s0 =	sadd.s32 $0x8F2B, s0  }
0xbd: {  	[sflag:s0] =	ssyncadd.remote.s32 $0x1  }
0xbe: {  	_ =	sfence.sel $0xFFFF  }
0xbf: {  	[dreg:$0x0] =	wrdreg $0xFFFFFFFF;
	(pc) =	sbr.abs _section_cstart, $3  }
0xc0: {  	[dreg:$0x1] =	wrdreg $0xFFFFFFFF  }
0xc1: {  	_ =	task.clear_ibuf [dreg:s6], $0x2FFFF;
	_ =	strace $0x9FFFFFFF  }
0xc2: {  	(tm) =	ssettm $0x7FFFFFFF  }
0xc3: {  	_ =	shalt  }
tec
execute0_lowered:
.L_overlay_start_1:
0x0: {  	(tag) =	ssettag $0x1  }
0x1: {  	s0 =	rddreg [dreg:$0x0]  }
0x2: {  	s1 =	rddreg [dreg:$0x1];
	s3 =	srdreg.scid  }
0x3: {  	s2 =	simm.s32 $0x0;
	s8 =	stileid.u32;
	s23 =	simm.s32 $0x19080  }
0x4: {  	[smem:$0x7FF] =	sst s2;
	s14 =	sadd.s32 $0x2FA600, s0;
	s7 =	smul.u32 $0x64000, s8  }
0x5: {  	s17 =	smul.u32 $0xC40, s8;
	_ =	strace $0x80000050;
	[dreg:$0x12] =	wrdreg s14  }
0x6: {  	s25 =	simm.s32 $0x19100;
	s18 =	smul.u32 $0x640, s8;
	[dreg:$0x5] =	wrdreg s23  }
0x7: {  	p0 =	seq.s32 s8, $0xF;
	s8 =	simm.s32 $0x19180;
	[dreg:$0x6] =	wrdreg s25  }
0x8: {  	s10 =	simm.s32 $0x19800;
	s12 =	simm.s32 $0x19200;
	[dreg:$0x8] =	wrdreg s8  }
0x9: {  	s3 =	sand.u32 $0x1, s3;
	s4 =	sadd.s32 $0x1D400, s0;
	[dreg:$0x9] =	wrdreg s10  }
0xa: {  	s5 =	smul.u32 $0xC400, s3;
	s6 =	sxor.u32 $0x1, s3;
	[dreg:$0xa] =	wrdreg s12  }
0xb: {  	s3 =	ssub.s32 $0x2, s3;
	s14 =	simm.s32 $0x19880;
	[dreg:$0x14] =	wrdreg s18  }
0xc: {  	s6 =	smul.u32 $0x61A8, s6;
	[dreg:$0xb] =	wrdreg s14;
	s18 =	simm.s32 $0x19900  }
0xd: {  	s15 =	sshrl.u32 s3, $0x1;
	s5 =	sadd.s32 s5, s0;
	[dreg:$0xd] =	wrdreg s18  }
0xe: {  	s0 =	sadd.s32 $0x7F000, s0;
	s16 =	ssub.s32 s3, s15;
	[dreg:$0x11] =	wrdreg s6  }
0xf: {  	s19 =	sshrl.u32 s7, $0x2;
	[dreg:$0x13] =	wrdreg s0;
	s0 =	smax.u32 s16, $0x1  }
0x10: {  	s6 =	simm.s32 $0xA;
	s16 =	simm.s32 $0x19280;
	[dreg:$0x16] =	wrdreg s0  }
0x11: {  	s3 =	sadd.s32 s17, s5;
	s5 =	sadd.s32 s19, s1;
	[dreg:$0xc] =	wrdreg s16  }
0x12: {  	s6 =	simm.s32 @!p0 $0x10;
	[dreg:$0x17] =	wrdreg s5  }
0x13: {  	s29 =	simm.s32 $0x1;
	s20 =	sadd.s32 $0x4C00, s3;
	[dreg:$0x15] =	wrdreg s6  }
0x14: {  	s30 =	simm.s32 $0x19000;
	s22 =	sadd.s32 $0x3200, s5;
	[dreg:$0x3] =	wrdreg s20  }
0x15: {  	s31 =	simm.s32 $0x5;
	s21 =	sadd.s32 $0x1BCC00, s3;
	[dreg:$0x19] =	wrdreg s22  }
0x16: {  	s28 =	simm.s32 $0x19A00;
	s24 =	sadd.s32 $0x4B00, s5;
	[dreg:$0x4] =	wrdreg s21  }
0x17: {  	s10 =	simm.s32 $0x19E00;
	s26 =	sadd.s32 $0x6400, s5;
	[dreg:$0x1a] =	wrdreg s24  }
0x18: {  	s12 =	simm.s32 $0x1BE00;
	s7 =	sadd.s32 $0x7D00, s5;
	[dreg:$0x1b] =	wrdreg s26  }
0x19: {  	s8 =	simm.s32 $0x0;
	s9 =	sadd.s32 $0x9600, s5;
	[dreg:$0x1c] =	wrdreg s7  }
0x1a: {  	s14 =	simm.s32 $0x2;
	s11 =	sadd.s32 $0xAF00, s5;
	[dreg:$0x1d] =	wrdreg s9  }
0x1b: {  	s18 =	simm.s32 $0x19A80;
	s13 =	sadd.s32 $0xC800, s5;
	[dreg:$0x1e] =	wrdreg s11  }
0x1c: {  	s15 =	sadd.s32 $0xE100, s5;
	s17 =	sadd.s32 $0xFA00, s5;
	[dreg:$0x1f] =	wrdreg s13  }
0x1d: {  	s19 =	sadd.s32 $0x11300, s5;
	s23 =	sadd.s32 $0x14500, s5;
	[smem:$0x7F7] =	sst s15  }
0x1e: {  	s25 =	sadd.s32 $0x15E00, s5;
	s0 =	simm.s32 $0x19700;
	[smem:$0x7F8] =	sst s17  }
0x1f: {  	s3 =	simm.s32 $0x80;
	s16 =	simm.s32 $0x19400;
	[smem:$0x7F9] =	sst s19  }
0x20: {  	s6 =	sadd.s32 $0x1900, s5;
	s20 =	simm.s32 $0x19300;
	[smem:$0x7FB] =	sst s23  }
0x21: {  	s21 =	sadd.s32 $0x12C00, s5;
	s22 =	simm.s32 $0x19980;
	[smem:$0x7FC] =	sst s25  }
0x22: {  	s24 =	simm.s32 $0x19380;
	s26 =	sadd.s32 $0x17700, s5;
	[dreg:$0x18] =	wrdreg s6  }
0x23: {  	s17 =	simm.s32 $0x1DE00;
	s13 =	simm.s32 $0x3;
	[smem:$0x7FA] =	sst s21  }
0x24: {  	s15 =	simm.s32 $0x4;
	s19 =	simm.s32 $0x19480;
	[dreg:$0xe] =	wrdreg s20  }
0x25: {  	s23 =	simm.s32 $0x19580;
	s25 =	simm.s32 $0x19600;
	[dreg:$0xf] =	wrdreg s22  }
0x26: {  	s11 =	simm.s32 $0x19680;
	s5 =	simm.s32 $0x19D00;
	[dreg:$0x10] =	wrdreg s24  }
0x27: {  	s6 =	simm.s32 $0x19780;
	[smem:$0x7FD] =	sst s26;
	s20 =	simm.s32 $0x19B00  }
0x28: {  	s21 =	simm.s32 $0x19500;
	s22 =	simm.s32 $0x19B80;
	s24 =	simm.s32 $0x19C00  }
0x29: {  	v0 =	vimm.f32 $0.0e+00;
	v1 =	vimm.s32 $0x0;
	s26 =	simm.s32 $0x19C80;
	[dreg:$0x7] =	wrdreg s6;
	s6 =	simm.s32 $0x19D80  }
.LBB2_1:
0x2a: {  	[smem:$0x7F6] =	sst s8;
	s8 =	simm.s32 $0x100;
	s7 =	simm.s32 $0x0  }
.LBB2_2:
0x2b: {  	p0 =	sne.s32 s8, $0x6300;
	[tilespmem:s7+$0x1DE30] =	vst v0;
	s9 =	smov.u32 s8;
	s8 =	sadd.s32 $0x100, s8  }
.Ltmp0:
0x2c: {  	[tilespmem:s7+$0x1DE20] =	vst v0;
	(pc) =	sbr.rel @p0 .LBB2_2-.Ltmp0, $3  }
0x2d: {  	[tilespmem:s7+$0x1DE00] =	vst v0  }
0x2e: {  	[tilespmem:s7+$0x1DE10] =	vst v0;
	_ =	sdelay $0x1  }
0x2f: {  	s7 =	sshra.s32 s9, $0x2  }
0x30: {  	[tilespmem:s7+$0x1DE30] =	vst v0  }
0x31: {  	[tilespmem:s7+$0x1DE20] =	vst v0  }
0x32: {  	[tilespmem:s7+$0x1DE00] =	vst v0;
	s8 =	rddreg [dreg:$0x17]  }
0x33: {  	[tilespmem:s7+$0x1DE10] =	vst v0;
	s9 =	rddreg [dreg:$0x18]  }
0x34: {  	[spmem:s8] =	stream.linear.scatter [tilespmem:s17], [sflag:$0x1], $0x1900, $0x38;
	[tilespmem:$0x1FD40] =	vst v63  }
0x35: {  	s8 =	rddreg [dreg:$0x19]  }
0x36: {  	[spmem:s9] =	stream.linear.scatter [tilespmem:s17], [sflag:$0x1], $0x1900, $0x38;
	[tilespmem:$0x1FD40] =	vst v63  }
0x37: {  	s9 =	rddreg [dreg:$0x1a]  }
0x38: {  	[spmem:s8] =	stream.linear.scatter [tilespmem:s17], [sflag:$0x1], $0x1900, $0x38;
	[tilespmem:$0x1FD40] =	vst v63  }
0x39: {  	s8 =	rddreg [dreg:$0x1b]  }
0x3a: {  	[spmem:s9] =	stream.linear.scatter [tilespmem:s17], [sflag:$0x1], $0x1900, $0x38;
	[tilespmem:$0x1FD40] =	vst v63  }
0x3b: {  	s9 =	rddreg [dreg:$0x1c]  }
0x3c: {  	[spmem:s8] =	stream.linear.scatter [tilespmem:s17], [sflag:$0x1], $0x1900, $0x38;
	[tilespmem:$0x1FD40] =	vst v63  }
0x3d: {  	s8 =	rddreg [dreg:$0x1d]  }
0x3e: {  	[spmem:s9] =	stream.linear.scatter [tilespmem:s17], [sflag:$0x1], $0x1900, $0x38;
	[tilespmem:$0x1FD40] =	vst v63  }
0x3f: {  	s9 =	rddreg [dreg:$0x1e]  }
0x40: {  	[spmem:s8] =	stream.linear.scatter [tilespmem:s17], [sflag:$0x1], $0x1900, $0x38;
	[tilespmem:$0x1FD40] =	vst v63  }
0x41: {  	s8 =	rddreg [dreg:$0x1f]  }
0x42: {  	[spmem:s9] =	stream.linear.scatter [tilespmem:s17], [sflag:$0x1], $0x1900, $0x38;
	[tilespmem:$0x1FD40] =	vst v63  }
0x43: {  	s9 =	sld [smem:$0x7F7]  }
0x44: {  	[spmem:s8] =	stream.linear.scatter [tilespmem:s17], [sflag:$0x1], $0x1900, $0x38;
	[tilespmem:$0x1FD40] =	vst v63  }
0x45: {  	s8 =	sld [smem:$0x7F8]  }
0x46: {  	[spmem:s9] =	stream.linear.scatter [tilespmem:s17], [sflag:$0x1], $0x1900, $0x38;
	[tilespmem:$0x1FD40] =	vst v63  }
0x47: {  	s9 =	sld [smem:$0x7F9]  }
0x48: {  	[spmem:s8] =	stream.linear.scatter [tilespmem:s17], [sflag:$0x1], $0x1900, $0x38;
	[tilespmem:$0x1FD40] =	vst v63  }
0x49: {  	s8 =	sld [smem:$0x7FA]  }
0x4a: {  	[spmem:s9] =	stream.linear.scatter [tilespmem:s17], [sflag:$0x1], $0x1900, $0x38;
	[tilespmem:$0x1FD40] =	vst v63  }
0x4b: {  	s9 =	sld [smem:$0x7FB]  }
0x4c: {  	[spmem:s8] =	stream.linear.scatter [tilespmem:s17], [sflag:$0x1], $0x1900, $0x38;
	[tilespmem:$0x1FD40] =	vst v63  }
0x4d: {  	s8 =	sld [smem:$0x7FC]  }
0x4e: {  	[spmem:s9] =	stream.linear.scatter [tilespmem:s17], [sflag:$0x1], $0x1900, $0x38;
	[tilespmem:$0x1FD40] =	vst v63  }
0x4f: {  	s9 =	sld [smem:$0x7FD]  }
0x50: {  	[spmem:s8] =	stream.linear.scatter [tilespmem:s17], [sflag:$0x1], $0x1900, $0x38;
	[tilespmem:$0x1FD40] =	vst v63  }
0x51: {  	_ = 	snop  }
0x52: {  	[spmem:s9] =	stream.linear.scatter [tilespmem:s17], [sflag:$0x1], $0x1900, $0x38;
	[tilespmem:$0x1FD40] =	vst v63  }
0x53: {  	_ =	swait.ge [sflag:s29], $0x1900  }
0x54: {  	[sflag:s29] =	ssyncset.done $0x0  }
0x55: {  	[sflag:s29] =	ssyncadd.s32 $0xFFFFE700  }
0x56: {  	_ =	swait.ge [sflag:s29], $0x1900  }
0x57: {  	[sflag:s29] =	ssyncset.done $0x0  }
0x58: {  	[sflag:s29] =	ssyncadd.s32 $0xFFFFE700  }
0x59: {  	_ =	swait.ge [sflag:s29], $0x1900  }
0x5a: {  	[sflag:s29] =	ssyncset.done $0x0  }
0x5b: {  	[sflag:s29] =	ssyncadd.s32 $0xFFFFE700  }
0x5c: {  	_ =	swait.ge [sflag:s29], $0x1900  }
0x5d: {  	[sflag:s29] =	ssyncset.done $0x0  }
0x5e: {  	[sflag:s29] =	ssyncadd.s32 $0xFFFFE700  }
0x5f: {  	_ =	swait.ge [sflag:s29], $0x1900  }
0x60: {  	[sflag:s29] =	ssyncset.done $0x0  }
0x61: {  	[sflag:s29] =	ssyncadd.s32 $0xFFFFE700  }
0x62: {  	_ =	swait.ge [sflag:s29], $0x1900  }
0x63: {  	[sflag:s29] =	ssyncset.done $0x0  }
0x64: {  	[sflag:s29] =	ssyncadd.s32 $0xFFFFE700  }
0x65: {  	_ =	swait.ge [sflag:s29], $0x1900  }
0x66: {  	[sflag:s29] =	ssyncset.done $0x0  }
0x67: {  	[sflag:s29] =	ssyncadd.s32 $0xFFFFE700  }
0x68: {  	_ =	swait.ge [sflag:s29], $0x1900  }
0x69: {  	[sflag:s29] =	ssyncset.done $0x0  }
0x6a: {  	[sflag:s29] =	ssyncadd.s32 $0xFFFFE700  }
0x6b: {  	_ =	swait.ge [sflag:s29], $0x1900  }
0x6c: {  	[sflag:s29] =	ssyncset.done $0x0  }
0x6d: {  	[sflag:s29] =	ssyncadd.s32 $0xFFFFE700  }
0x6e: {  	_ =	swait.ge [sflag:s29], $0x1900  }
0x6f: {  	[sflag:s29] =	ssyncset.done $0x0  }
0x70: {  	[sflag:s29] =	ssyncadd.s32 $0xFFFFE700  }
0x71: {  	_ =	swait.ge [sflag:s29], $0x1900  }
0x72: {  	[sflag:s29] =	ssyncset.done $0x0  }
0x73: {  	[sflag:s29] =	ssyncadd.s32 $0xFFFFE700  }
0x74: {  	_ =	swait.ge [sflag:s29], $0x1900  }
0x75: {  	[sflag:s29] =	ssyncset.done $0x0  }
0x76: {  	[sflag:s29] =	ssyncadd.s32 $0xFFFFE700  }
0x77: {  	_ =	swait.ge [sflag:s29], $0x1900  }
0x78: {  	[sflag:s29] =	ssyncset.done $0x0  }
0x79: {  	[sflag:s29] =	ssyncadd.s32 $0xFFFFE700  }
0x7a: {  	_ =	swait.ge [sflag:s29], $0x1900  }
0x7b: {  	[sflag:s29] =	ssyncset.done $0x0  }
0x7c: {  	[sflag:s29] =	ssyncadd.s32 $0xFFFFE700  }
0x7d: {  	_ =	swait.ge [sflag:s29], $0x1900  }
0x7e: {  	[sflag:s29] =	ssyncset.done $0x0  }
0x7f: {  	[sflag:s29] =	ssyncadd.s32 $0xFFFFE700  }
0x80: {  	_ =	swait.ge [sflag:s29], $0x1900  }
0x81: {  	[sflag:s29] =	ssyncset.done $0x0  }
0x82: {  	[sflag:s29] =	ssyncadd.s32 $0xFFFFE700  }
0x83: {  	[bflag:$0x0] =	sbarrier.arrive $0xFFFF  }
0x84: {  	s8 =	rddreg [dreg:$0x4]  }
0x85: {  	s7 =	sadd.s32 $0x0, s8  }
0x86: {  	[tilespmem:s30], [sflag:$0x5] =	stream.linear.gather [hbm4b:s7+s2], $0x700, $0x38;
	[tilespmem:$0x1FD40] =	vst v63  }
0x87: {  	_ =	swait.ge [sflag:s31], $0x700  }
0x88: {  	s9 =	rddreg [dreg:$0x3];
	[sflag:s31] =	ssyncset.done $0x0  }
0x89: {  	[sflag:s31] =	ssyncadd.s32 $0xFFFFF900;
	s7 =	sadd.s32 $0x0, s9  }
0x8a: {  	[tilespmem:s0], [sflag:$0x5] =	stream.linear.gather [hbm4b:s7+s2], $0x700, $0x38;
	[tilespmem:$0x1FD40] =	vst v63  }
0x8b: {  	_ =	swait.ge [sflag:s31], $0x700  }
0x8c: {  	[sflag:s31] =	ssyncset.done $0x0  }
0x8d: {  	[sflag:s31] =	ssyncadd.s32 $0xFFFFF900  }
0x8e: {  	[tilespmem:s10], [sflag:$0x1] =	stream.indirect.gather [hbm4b:s4+s3], $0x40, s30, s3, $0xb8;
	[tilespmem:$0x1FD40] =	vst v63  }
0x8f: {  	s8 =	rddreg [dreg:$0x5]  }
0x90: {  	[tilespmem:s12], [sflag:$0x2] =	stream.indirect.gather [hbm4b:s4+s3], $0x40, s8, s3, $0xb8;
	[tilespmem:$0x1FD40] =	vst v63  }
0x91: {  	_ =	swait.ge [sflag:s29], $0x2000  }
0x92: {  	[sflag:s29] =	ssyncset.done $0x0  }
0x93: {  	[sflag:s29] =	ssyncadd.s32 $0xFFFFE000  }
0x94: {  	[spmem:s1] =	stream.indirect.scatter.add.f32 [tilespmem:s10], [sflag:$0x3], $0x40, s0, s3, $0xb8;
	[tilespmem:$0x1FD40] =	vst v63  }
0x95: {  	_ =	swait.ge [sflag:s13], $0x2000  }
0x96: {  	[sflag:s13] =	ssyncset.done $0x0  }
0x97: {  	s9 =	rddreg [dreg:$0x6];
	[sflag:s13] =	ssyncadd.s32 $0xFFFFE000  }
0x98: {  	[tilespmem:s10], [sflag:$0x1] =	stream.indirect.gather [hbm4b:s4+s3], $0x40, s9, s3, $0xb8;
	[tilespmem:$0x1FD40] =	vst v63  }
0x99: {  	_ =	swait.ge [sflag:s14], $0x2000  }
0x9a: {  	[sflag:s14] =	ssyncset.done $0x0  }
0x9b: {  	s8 =	rddreg [dreg:$0x7];
	[sflag:s14] =	ssyncadd.s32 $0xFFFFE000  }
0x9c: {  	[spmem:s1] =	stream.indirect.scatter.add.f32 [tilespmem:s12], [sflag:$0x4], $0x40, s8, s3, $0xb8;
	[tilespmem:$0x1FD40] =	vst v63  }
0x9d: {  	_ =	swait.ge [sflag:s15], $0x2000  }
0x9e: {  	[sflag:s15] =	ssyncset.done $0x0  }
0x9f: {  	s9 =	rddreg [dreg:$0x8];
	[sflag:s15] =	ssyncadd.s32 $0xFFFFE000  }
0xa0: {  	[tilespmem:s12], [sflag:$0x2] =	stream.indirect.gather [hbm4b:s4+s3], $0x40, s9, s3, $0xb8;
	[tilespmem:$0x1FD40] =	vst v63  }
0xa1: {  	_ =	swait.ge [sflag:s29], $0x2000  }
0xa2: {  	[sflag:s29] =	ssyncset.done $0x0  }
0xa3: {  	s8 =	rddreg [dreg:$0x9];
	[sflag:s29] =	ssyncadd.s32 $0xFFFFE000  }
0xa4: {  	[spmem:s1] =	stream.indirect.scatter.add.f32 [tilespmem:s10], [sflag:$0x3], $0x40, s8, s3, $0xb8;
	[tilespmem:$0x1FD40] =	vst v63  }
0xa5: {  	_ =	swait.ge [sflag:s13], $0x2000  }
0xa6: {  	[sflag:s13] =	ssyncset.done $0x0  }
0xa7: {  	s9 =	rddreg [dreg:$0xa];
	[sflag:s13] =	ssyncadd.s32 $0xFFFFE000  }
0xa8: {  	[tilespmem:s10], [sflag:$0x1] =	stream.indirect.gather [hbm4b:s4+s3], $0x40, s9, s3, $0xb8;
	[tilespmem:$0x1FD40] =	vst v63  }
0xa9: {  	_ =	swait.ge [sflag:s14], $0x2000  }
0xaa: {  	[sflag:s14] =	ssyncset.done $0x0  }
0xab: {  	s8 =	rddreg [dreg:$0xb];
	[sflag:s14] =	ssyncadd.s32 $0xFFFFE000  }
0xac: {  	[spmem:s1] =	stream.indirect.scatter.add.f32 [tilespmem:s12], [sflag:$0x4], $0x40, s8, s3, $0xb8;
	[tilespmem:$0x1FD40] =	vst v63  }
0xad: {  	_ =	swait.ge [sflag:s15], $0x2000  }
0xae: {  	[sflag:s15] =	ssyncset.done $0x0  }
0xaf: {  	s9 =	rddreg [dreg:$0xc];
	[sflag:s15] =	ssyncadd.s32 $0xFFFFE000  }
0xb0: {  	[tilespmem:s12], [sflag:$0x2] =	stream.indirect.gather [hbm4b:s4+s3], $0x40, s9, s3, $0xb8;
	[tilespmem:$0x1FD40] =	vst v63  }
0xb1: {  	_ =	swait.ge [sflag:s29], $0x2000  }
0xb2: {  	[sflag:s29] =	ssyncset.done $0x0  }
0xb3: {  	s8 =	rddreg [dreg:$0xd];
	[sflag:s29] =	ssyncadd.s32 $0xFFFFE000  }
0xb4: {  	[spmem:s1] =	stream.indirect.scatter.add.f32 [tilespmem:s10], [sflag:$0x3], $0x40, s8, s3, $0xb8;
	[tilespmem:$0x1FD40] =	vst v63  }
0xb5: {  	_ =	swait.ge [sflag:s13], $0x2000  }
0xb6: {  	[sflag:s13] =	ssyncset.done $0x0  }
0xb7: {  	s9 =	rddreg [dreg:$0xe];
	[sflag:s13] =	ssyncadd.s32 $0xFFFFE000  }
0xb8: {  	[tilespmem:s10], [sflag:$0x1] =	stream.indirect.gather [hbm4b:s4+s3], $0x40, s9, s3, $0xb8;
	[tilespmem:$0x1FD40] =	vst v63  }
0xb9: {  	_ =	swait.ge [sflag:s14], $0x2000  }
0xba: {  	[sflag:s14] =	ssyncset.done $0x0  }
0xbb: {  	s8 =	rddreg [dreg:$0xf];
	[sflag:s14] =	ssyncadd.s32 $0xFFFFE000  }
0xbc: {  	[spmem:s1] =	stream.indirect.scatter.add.f32 [tilespmem:s12], [sflag:$0x4], $0x40, s8, s3, $0xb8;
	[tilespmem:$0x1FD40] =	vst v63  }
0xbd: {  	_ =	swait.ge [sflag:s15], $0x2000  }
0xbe: {  	[sflag:s15] =	ssyncset.done $0x0  }
0xbf: {  	s9 =	rddreg [dreg:$0x10];
	[sflag:s15] =	ssyncadd.s32 $0xFFFFE000  }
0xc0: {  	[tilespmem:s12], [sflag:$0x2] =	stream.indirect.gather [hbm4b:s4+s3], $0x40, s9, s3, $0xb8;
	[tilespmem:$0x1FD40] =	vst v63  }
0xc1: {  	_ =	swait.ge [sflag:s29], $0x2000  }
0xc2: {  	[sflag:s29] =	ssyncset.done $0x0  }
0xc3: {  	[sflag:s29] =	ssyncadd.s32 $0xFFFFE000  }
0xc4: {  	[spmem:s1] =	stream.indirect.scatter.add.f32 [tilespmem:s10], [sflag:$0x3], $0x40, s28, s3, $0xb8;
	[tilespmem:$0x1FD40] =	vst v63  }
0xc5: {  	_ =	swait.ge [sflag:s13], $0x2000  }
0xc6: {  	[sflag:s13] =	ssyncset.done $0x0  }
0xc7: {  	[sflag:s13] =	ssyncadd.s32 $0xFFFFE000  }
0xc8: {  	[tilespmem:s10], [sflag:$0x1] =	stream.indirect.gather [hbm4b:s4+s3], $0x40, s16, s3, $0xb8;
	[tilespmem:$0x1FD40] =	vst v63  }
0xc9: {  	_ =	swait.ge [sflag:s14], $0x2000  }
0xca: {  	[sflag:s14] =	ssyncset.done $0x0  }
0xcb: {  	[sflag:s14] =	ssyncadd.s32 $0xFFFFE000  }
0xcc: {  	[spmem:s1] =	stream.indirect.scatter.add.f32 [tilespmem:s12], [sflag:$0x4], $0x40, s18, s3, $0xb8;
	[tilespmem:$0x1FD40] =	vst v63  }
0xcd: {  	_ =	swait.ge [sflag:s15], $0x2000  }
0xce: {  	[sflag:s15] =	ssyncset.done $0x0  }
0xcf: {  	[sflag:s15] =	ssyncadd.s32 $0xFFFFE000  }
0xd0: {  	[tilespmem:s12], [sflag:$0x2] =	stream.indirect.gather [hbm4b:s4+s3], $0x40, s19, s3, $0xb8;
	[tilespmem:$0x1FD40] =	vst v63  }
0xd1: {  	_ =	swait.ge [sflag:s29], $0x2000  }
0xd2: {  	[sflag:s29] =	ssyncset.done $0x0  }
0xd3: {  	[sflag:s29] =	ssyncadd.s32 $0xFFFFE000  }
0xd4: {  	[spmem:s1] =	stream.indirect.scatter.add.f32 [tilespmem:s10], [sflag:$0x3], $0x40, s20, s3, $0xb8;
	[tilespmem:$0x1FD40] =	vst v63  }
0xd5: {  	_ =	swait.ge [sflag:s13], $0x2000  }
0xd6: {  	[sflag:s13] =	ssyncset.done $0x0  }
0xd7: {  	[sflag:s13] =	ssyncadd.s32 $0xFFFFE000  }
0xd8: {  	[tilespmem:s10], [sflag:$0x1] =	stream.indirect.gather [hbm4b:s4+s3], $0x40, s21, s3, $0xb8;
	[tilespmem:$0x1FD40] =	vst v63  }
0xd9: {  	_ =	swait.ge [sflag:s14], $0x2000  }
0xda: {  	[sflag:s14] =	ssyncset.done $0x0  }
0xdb: {  	[sflag:s14] =	ssyncadd.s32 $0xFFFFE000  }
0xdc: {  	[spmem:s1] =	stream.indirect.scatter.add.f32 [tilespmem:s12], [sflag:$0x4], $0x40, s22, s3, $0xb8;
	[tilespmem:$0x1FD40] =	vst v63  }
0xdd: {  	_ =	swait.ge [sflag:s15], $0x2000  }
0xde: {  	[sflag:s15] =	ssyncset.done $0x0  }
0xdf: {  	[sflag:s15] =	ssyncadd.s32 $0xFFFFE000  }
0xe0: {  	[tilespmem:s12], [sflag:$0x2] =	stream.indirect.gather [hbm4b:s4+s3], $0x40, s23, s3, $0xb8;
	[tilespmem:$0x1FD40] =	vst v63  }
0xe1: {  	_ =	swait.ge [sflag:s29], $0x2000  }
0xe2: {  	[sflag:s29] =	ssyncset.done $0x0  }
0xe3: {  	[sflag:s29] =	ssyncadd.s32 $0xFFFFE000  }
0xe4: {  	[spmem:s1] =	stream.indirect.scatter.add.f32 [tilespmem:s10], [sflag:$0x3], $0x40, s24, s3, $0xb8;
	[tilespmem:$0x1FD40] =	vst v63  }
0xe5: {  	_ =	swait.ge [sflag:s13], $0x2000  }
0xe6: {  	[sflag:s13] =	ssyncset.done $0x0  }
0xe7: {  	[sflag:s13] =	ssyncadd.s32 $0xFFFFE000  }
0xe8: {  	[tilespmem:s10], [sflag:$0x1] =	stream.indirect.gather [hbm4b:s4+s3], $0x40, s25, s3, $0xb8;
	[tilespmem:$0x1FD40] =	vst v63  }
0xe9: {  	_ =	swait.ge [sflag:s14], $0x2000  }
0xea: {  	[sflag:s14] =	ssyncset.done $0x0  }
0xeb: {  	[sflag:s14] =	ssyncadd.s32 $0xFFFFE000  }
0xec: {  	[spmem:s1] =	stream.indirect.scatter.add.f32 [tilespmem:s12], [sflag:$0x4], $0x40, s26, s3, $0xb8;
	[tilespmem:$0x1FD40] =	vst v63  }
0xed: {  	_ =	swait.ge [sflag:s15], $0x2000  }
0xee: {  	[sflag:s15] =	ssyncset.done $0x0  }
0xef: {  	[sflag:s15] =	ssyncadd.s32 $0xFFFFE000  }
0xf0: {  	[tilespmem:s12], [sflag:$0x2] =	stream.indirect.gather [hbm4b:s4+s3], $0x40, s11, s3, $0xb8;
	[tilespmem:$0x1FD40] =	vst v63  }
0xf1: {  	_ =	swait.ge [sflag:s29], $0x2000  }
0xf2: {  	[sflag:s29] =	ssyncset.done $0x0  }
0xf3: {  	[sflag:s29] =	ssyncadd.s32 $0xFFFFE000  }
0xf4: {  	[spmem:s1] =	stream.indirect.scatter.add.f32 [tilespmem:s10], [sflag:$0x3], $0x40, s5, s3, $0xb8;
	[tilespmem:$0x1FD40] =	vst v63  }
0xf5: {  	_ =	swait.ge [sflag:s14], $0x2000  }
0xf6: {  	[sflag:s14] =	ssyncset.done $0x0  }
0xf7: {  	[sflag:s14] =	ssyncadd.s32 $0xFFFFE000  }
0xf8: {  	[spmem:s1] =	stream.indirect.scatter.add.f32 [tilespmem:s12], [sflag:$0x4], $0x40, s6, s3, $0xb8;
	[tilespmem:$0x1FD40] =	vst v63  }
0xf9: {  	_ =	swait.ge [sflag:s13], $0x2000  }
0xfa: {  	[sflag:s13] =	ssyncset.done $0x0  }
0xfb: {  	[sflag:s13] =	ssyncadd.s32 $0xFFFFE000  }
0xfc: {  	s7 =	simm.s32 $0xE0;
	_ =	swait.ge [sflag:s15], $0x2000  }
0xfd: {  	s8 =	simm.s32 $0x1C0;
	s9 =	rddreg [dreg:$0x4];
	[sflag:s15] =	ssyncset.done $0x0  }
.LBB2_4:
0xfe: {  	[sflag:s15] =	ssyncadd.s32 $0xFFFFE000;
	s9 =	sadd.s32 s7, s9  }
0xff: {  	[tilespmem:s30], [sflag:$0x5] =	stream.linear.gather [hbm4b:s9+s2], $0x700, $0x38;
	[tilespmem:$0x1FD40] =	vst v63  }
0x100: {  	_ =	swait.ge [sflag:s31], $0x700  }
0x101: {  	s9 =	rddreg [dreg:$0x3];
	[sflag:s31] =	ssyncset.done $0x0  }
0x102: {  	[sflag:s31] =	ssyncadd.s32 $0xFFFFF900;
	s9 =	sadd.s32 s7, s9  }
0x103: {  	[tilespmem:s0], [sflag:$0x5] =	stream.linear.gather [hbm4b:s9+s2], $0x700, $0x38;
	[tilespmem:$0x1FD40] =	vst v63  }
0x104: {  	_ =	swait.ge [sflag:s31], $0x700  }
0x105: {  	[sflag:s31] =	ssyncset.done $0x0  }
0x106: {  	[sflag:s31] =	ssyncadd.s32 $0xFFFFF900  }
0x107: {  	[tilespmem:s10], [sflag:$0x1] =	stream.indirect.gather [hbm4b:s4+s3], $0x40, s30, s3, $0xb8;
	[tilespmem:$0x1FD40] =	vst v63  }
0x108: {  	s9 =	rddreg [dreg:$0x5]  }
0x109: {  	[tilespmem:s12], [sflag:$0x2] =	stream.indirect.gather [hbm4b:s4+s3], $0x40, s9, s3, $0xb8;
	[tilespmem:$0x1FD40] =	vst v63  }
0x10a: {  	_ =	swait.ge [sflag:s29], $0x2000  }
0x10b: {  	[sflag:s29] =	ssyncset.done $0x0  }
0x10c: {  	[sflag:s29] =	ssyncadd.s32 $0xFFFFE000  }
0x10d: {  	[spmem:s1] =	stream.indirect.scatter.add.f32 [tilespmem:s10], [sflag:$0x3], $0x40, s0, s3, $0xb8;
	[tilespmem:$0x1FD40] =	vst v63  }
0x10e: {  	_ =	swait.ge [sflag:s13], $0x2000  }
0x10f: {  	[sflag:s13] =	ssyncset.done $0x0  }
0x110: {  	s9 =	rddreg [dreg:$0x6];
	[sflag:s13] =	ssyncadd.s32 $0xFFFFE000  }
0x111: {  	[tilespmem:s10], [sflag:$0x1] =	stream.indirect.gather [hbm4b:s4+s3], $0x40, s9, s3, $0xb8;
	[tilespmem:$0x1FD40] =	vst v63  }
0x112: {  	_ =	swait.ge [sflag:s14], $0x2000  }
0x113: {  	[sflag:s14] =	ssyncset.done $0x0  }
0x114: {  	s9 =	rddreg [dreg:$0x7];
	[sflag:s14] =	ssyncadd.s32 $0xFFFFE000  }
0x115: {  	[spmem:s1] =	stream.indirect.scatter.add.f32 [tilespmem:s12], [sflag:$0x4], $0x40, s9, s3, $0xb8;
	[tilespmem:$0x1FD40] =	vst v63  }
0x116: {  	_ =	swait.ge [sflag:s15], $0x2000  }
0x117: {  	[sflag:s15] =	ssyncset.done $0x0  }
0x118: {  	s9 =	rddreg [dreg:$0x8];
	[sflag:s15] =	ssyncadd.s32 $0xFFFFE000  }
0x119: {  	[tilespmem:s12], [sflag:$0x2] =	stream.indirect.gather [hbm4b:s4+s3], $0x40, s9, s3, $0xb8;
	[tilespmem:$0x1FD40] =	vst v63  }
0x11a: {  	_ =	swait.ge [sflag:s29], $0x2000  }
0x11b: {  	[sflag:s29] =	ssyncset.done $0x0  }
0x11c: {  	s9 =	rddreg [dreg:$0x9];
	[sflag:s29] =	ssyncadd.s32 $0xFFFFE000  }
0x11d: {  	[spmem:s1] =	stream.indirect.scatter.add.f32 [tilespmem:s10], [sflag:$0x3], $0x40, s9, s3, $0xb8;
	[tilespmem:$0x1FD40] =	vst v63  }
0x11e: {  	_ =	swait.ge [sflag:s13], $0x2000  }
0x11f: {  	[sflag:s13] =	ssyncset.done $0x0  }
0x120: {  	s9 =	rddreg [dreg:$0xa];
	[sflag:s13] =	ssyncadd.s32 $0xFFFFE000  }
0x121: {  	[tilespmem:s10], [sflag:$0x1] =	stream.indirect.gather [hbm4b:s4+s3], $0x40, s9, s3, $0xb8;
	[tilespmem:$0x1FD40] =	vst v63  }
0x122: {  	_ =	swait.ge [sflag:s14], $0x2000  }
0x123: {  	[sflag:s14] =	ssyncset.done $0x0  }
0x124: {  	s9 =	rddreg [dreg:$0xb];
	[sflag:s14] =	ssyncadd.s32 $0xFFFFE000  }
0x125: {  	[spmem:s1] =	stream.indirect.scatter.add.f32 [tilespmem:s12], [sflag:$0x4], $0x40, s9, s3, $0xb8;
	[tilespmem:$0x1FD40] =	vst v63  }
0x126: {  	_ =	swait.ge [sflag:s15], $0x2000  }
0x127: {  	[sflag:s15] =	ssyncset.done $0x0  }
0x128: {  	s9 =	rddreg [dreg:$0xc];
	[sflag:s15] =	ssyncadd.s32 $0xFFFFE000  }
0x129: {  	[tilespmem:s12], [sflag:$0x2] =	stream.indirect.gather [hbm4b:s4+s3], $0x40, s9, s3, $0xb8;
	[tilespmem:$0x1FD40] =	vst v63  }
0x12a: {  	_ =	swait.ge [sflag:s29], $0x2000  }
0x12b: {  	[sflag:s29] =	ssyncset.done $0x0  }
0x12c: {  	s9 =	rddreg [dreg:$0xd];
	[sflag:s29] =	ssyncadd.s32 $0xFFFFE000  }
0x12d: {  	[spmem:s1] =	stream.indirect.scatter.add.f32 [tilespmem:s10], [sflag:$0x3], $0x40, s9, s3, $0xb8;
	[tilespmem:$0x1FD40] =	vst v63  }
0x12e: {  	_ =	swait.ge [sflag:s13], $0x2000  }
0x12f: {  	[sflag:s13] =	ssyncset.done $0x0  }
0x130: {  	s9 =	rddreg [dreg:$0xe];
	[sflag:s13] =	ssyncadd.s32 $0xFFFFE000  }
0x131: {  	[tilespmem:s10], [sflag:$0x1] =	stream.indirect.gather [hbm4b:s4+s3], $0x40, s9, s3, $0xb8;
	[tilespmem:$0x1FD40] =	vst v63  }
0x132: {  	_ =	swait.ge [sflag:s14], $0x2000  }
0x133: {  	[sflag:s14] =	ssyncset.done $0x0  }
0x134: {  	s9 =	rddreg [dreg:$0xf];
	[sflag:s14] =	ssyncadd.s32 $0xFFFFE000  }
0x135: {  	[spmem:s1] =	stream.indirect.scatter.add.f32 [tilespmem:s12], [sflag:$0x4], $0x40, s9, s3, $0xb8;
	[tilespmem:$0x1FD40] =	vst v63  }
0x136: {  	_ =	swait.ge [sflag:s15], $0x2000  }
0x137: {  	[sflag:s15] =	ssyncset.done $0x0  }
0x138: {  	s9 =	rddreg [dreg:$0x10];
	[sflag:s15] =	ssyncadd.s32 $0xFFFFE000  }
0x139: {  	[tilespmem:s12], [sflag:$0x2] =	stream.indirect.gather [hbm4b:s4+s3], $0x40, s9, s3, $0xb8;
	[tilespmem:$0x1FD40] =	vst v63  }
0x13a: {  	_ =	swait.ge [sflag:s29], $0x2000  }
0x13b: {  	[sflag:s29] =	ssyncset.done $0x0  }
0x13c: {  	[sflag:s29] =	ssyncadd.s32 $0xFFFFE000  }
0x13d: {  	[spmem:s1] =	stream.indirect.scatter.add.f32 [tilespmem:s10], [sflag:$0x3], $0x40, s28, s3, $0xb8;
	[tilespmem:$0x1FD40] =	vst v63  }
0x13e: {  	_ =	swait.ge [sflag:s13], $0x2000  }
0x13f: {  	s16 =	smov.u32 s8;
	[sflag:s13] =	ssyncset.done $0x0  }
0x140: {  	s7 =	smov.u32 s16;
	s16 =	simm.s32 $0x19400;
	[sflag:s13] =	ssyncadd.s32 $0xFFFFE000  }
0x141: {  	[tilespmem:s10], [sflag:$0x1] =	stream.indirect.gather [hbm4b:s4+s3], $0x40, s16, s3, $0xb8;
	[tilespmem:$0x1FD40] =	vst v63  }
0x142: {  	_ =	swait.ge [sflag:s14], $0x2000  }
0x143: {  	[sflag:s14] =	ssyncset.done $0x0  }
0x144: {  	[sflag:s14] =	ssyncadd.s32 $0xFFFFE000  }
0x145: {  	[spmem:s1] =	stream.indirect.scatter.add.f32 [tilespmem:s12], [sflag:$0x4], $0x40, s18, s3, $0xb8;
	[tilespmem:$0x1FD40] =	vst v63  }
0x146: {  	_ =	swait.ge [sflag:s15], $0x2000  }
0x147: {  	[sflag:s15] =	ssyncset.done $0x0  }
0x148: {  	[sflag:s15] =	ssyncadd.s32 $0xFFFFE000  }
0x149: {  	[tilespmem:s12], [sflag:$0x2] =	stream.indirect.gather [hbm4b:s4+s3], $0x40, s19, s3, $0xb8;
	[tilespmem:$0x1FD40] =	vst v63  }
0x14a: {  	_ =	swait.ge [sflag:s29], $0x2000  }
0x14b: {  	[sflag:s29] =	ssyncset.done $0x0  }
0x14c: {  	[sflag:s29] =	ssyncadd.s32 $0xFFFFE000  }
0x14d: {  	[spmem:s1] =	stream.indirect.scatter.add.f32 [tilespmem:s10], [sflag:$0x3], $0x40, s20, s3, $0xb8;
	[tilespmem:$0x1FD40] =	vst v63  }
0x14e: {  	_ =	swait.ge [sflag:s13], $0x2000  }
0x14f: {  	[sflag:s13] =	ssyncset.done $0x0  }
0x150: {  	[sflag:s13] =	ssyncadd.s32 $0xFFFFE000  }
0x151: {  	[tilespmem:s10], [sflag:$0x1] =	stream.indirect.gather [hbm4b:s4+s3], $0x40, s21, s3, $0xb8;
	[tilespmem:$0x1FD40] =	vst v63  }
0x152: {  	_ =	swait.ge [sflag:s14], $0x2000  }
0x153: {  	[sflag:s14] =	ssyncset.done $0x0  }
0x154: {  	[sflag:s14] =	ssyncadd.s32 $0xFFFFE000  }
0x155: {  	[spmem:s1] =	stream.indirect.scatter.add.f32 [tilespmem:s12], [sflag:$0x4], $0x40, s22, s3, $0xb8;
	[tilespmem:$0x1FD40] =	vst v63  }
0x156: {  	_ =	swait.ge [sflag:s15], $0x2000  }
0x157: {  	[sflag:s15] =	ssyncset.done $0x0  }
0x158: {  	[sflag:s15] =	ssyncadd.s32 $0xFFFFE000  }
0x159: {  	[tilespmem:s12], [sflag:$0x2] =	stream.indirect.gather [hbm4b:s4+s3], $0x40, s23, s3, $0xb8;
	[tilespmem:$0x1FD40] =	vst v63  }
0x15a: {  	_ =	swait.ge [sflag:s29], $0x2000  }
0x15b: {  	[sflag:s29] =	ssyncset.done $0x0  }
0x15c: {  	[sflag:s29] =	ssyncadd.s32 $0xFFFFE000  }
0x15d: {  	[spmem:s1] =	stream.indirect.scatter.add.f32 [tilespmem:s10], [sflag:$0x3], $0x40, s24, s3, $0xb8;
	[tilespmem:$0x1FD40] =	vst v63  }
0x15e: {  	_ =	swait.ge [sflag:s13], $0x2000  }
0x15f: {  	[sflag:s13] =	ssyncset.done $0x0  }
0x160: {  	[sflag:s13] =	ssyncadd.s32 $0xFFFFE000  }
0x161: {  	[tilespmem:s10], [sflag:$0x1] =	stream.indirect.gather [hbm4b:s4+s3], $0x40, s25, s3, $0xb8;
	[tilespmem:$0x1FD40] =	vst v63  }
0x162: {  	_ =	swait.ge [sflag:s14], $0x2000  }
0x163: {  	[sflag:s14] =	ssyncset.done $0x0  }
0x164: {  	[sflag:s14] =	ssyncadd.s32 $0xFFFFE000  }
0x165: {  	[spmem:s1] =	stream.indirect.scatter.add.f32 [tilespmem:s12], [sflag:$0x4], $0x40, s26, s3, $0xb8;
	[tilespmem:$0x1FD40] =	vst v63  }
0x166: {  	_ =	swait.ge [sflag:s15], $0x2000  }
0x167: {  	[sflag:s15] =	ssyncset.done $0x0  }
0x168: {  	[sflag:s15] =	ssyncadd.s32 $0xFFFFE000  }
0x169: {  	[tilespmem:s12], [sflag:$0x2] =	stream.indirect.gather [hbm4b:s4+s3], $0x40, s11, s3, $0xb8;
	[tilespmem:$0x1FD40] =	vst v63  }
0x16a: {  	_ =	swait.ge [sflag:s29], $0x2000  }
0x16b: {  	[sflag:s29] =	ssyncset.done $0x0  }
0x16c: {  	[sflag:s29] =	ssyncadd.s32 $0xFFFFE000  }
0x16d: {  	[spmem:s1] =	stream.indirect.scatter.add.f32 [tilespmem:s10], [sflag:$0x3], $0x40, s5, s3, $0xb8;
	[tilespmem:$0x1FD40] =	vst v63  }
0x16e: {  	_ =	swait.ge [sflag:s14], $0x2000  }
0x16f: {  	[sflag:s14] =	ssyncset.done $0x0  }
0x170: {  	p0 =	sne.s32 s8, $0xB60;
	[sflag:s14] =	ssyncadd.s32 $0xFFFFE000  }
0x171: {  	[spmem:s1] =	stream.indirect.scatter.add.f32 [tilespmem:s12], [sflag:$0x4], $0x40, s6, s3, $0xb8;
	[tilespmem:$0x1FD40] =	vst v63  }
.Ltmp1:
0x172: {  	_ =	swait.ge [sflag:s13], $0x2000;
	(pc) =	sbr.rel @p0 .LBB2_4-.Ltmp1, $4  }
0x173: {  	[sflag:s13] =	ssyncset.done $0x0  }
0x174: {  	[sflag:s13] =	ssyncadd.s32 $0xFFFFE000  }
0x175: {  	_ =	swait.ge [sflag:s15], $0x2000  }
0x176: {  	s8 =	sadd.s32 $0xE0, s8;
	s9 =	rddreg [dreg:$0x4];
	[sflag:s15] =	ssyncset.done $0x0  }
0x177: {  	[sflag:s15] =	ssyncadd.s32 $0xFFFFE000;
	s8 =	sadd.s32 s7, s9  }
0x178: {  	[tilespmem:s30], [sflag:$0x5] =	stream.linear.gather [hbm4b:s8+s2], $0x700, $0x38;
	[tilespmem:$0x1FD40] =	vst v63  }
0x179: {  	_ =	swait.ge [sflag:s31], $0x700  }
0x17a: {  	s9 =	rddreg [dreg:$0x3];
	[sflag:s31] =	ssyncset.done $0x0  }
0x17b: {  	[sflag:s31] =	ssyncadd.s32 $0xFFFFF900;
	s9 =	sadd.s32 s7, s9  }
0x17c: {  	[tilespmem:s0], [sflag:$0x5] =	stream.linear.gather [hbm4b:s9+s2], $0x700, $0x38;
	[tilespmem:$0x1FD40] =	vst v63  }
0x17d: {  	_ =	swait.ge [sflag:s31], $0x700  }
0x17e: {  	[sflag:s31] =	ssyncset.done $0x0  }
0x17f: {  	[sflag:s31] =	ssyncadd.s32 $0xFFFFF900  }
0x180: {  	[tilespmem:s10], [sflag:$0x1] =	stream.indirect.gather [hbm4b:s4+s3], $0x40, s30, s3, $0xb8;
	[tilespmem:$0x1FD40] =	vst v63  }
0x181: {  	s8 =	rddreg [dreg:$0x5]  }
0x182: {  	[tilespmem:s12], [sflag:$0x2] =	stream.indirect.gather [hbm4b:s4+s3], $0x40, s8, s3, $0xb8;
	[tilespmem:$0x1FD40] =	vst v63  }
0x183: {  	_ =	swait.ge [sflag:s29], $0x2000  }
0x184: {  	[sflag:s29] =	ssyncset.done $0x0  }
0x185: {  	[sflag:s29] =	ssyncadd.s32 $0xFFFFE000  }
0x186: {  	[spmem:s1] =	stream.indirect.scatter.add.f32 [tilespmem:s10], [sflag:$0x3], $0x40, s0, s3, $0xb8;
	[tilespmem:$0x1FD40] =	vst v63  }
0x187: {  	_ =	swait.ge [sflag:s13], $0x2000  }
0x188: {  	[sflag:s13] =	ssyncset.done $0x0  }
0x189: {  	s9 =	rddreg [dreg:$0x6];
	[sflag:s13] =	ssyncadd.s32 $0xFFFFE000  }
0x18a: {  	[tilespmem:s10], [sflag:$0x1] =	stream.indirect.gather [hbm4b:s4+s3], $0x40, s9, s3, $0xb8;
	[tilespmem:$0x1FD40] =	vst v63  }
0x18b: {  	_ =	swait.ge [sflag:s14], $0x2000  }
0x18c: {  	[sflag:s14] =	ssyncset.done $0x0  }
0x18d: {  	s8 =	rddreg [dreg:$0x7];
	[sflag:s14] =	ssyncadd.s32 $0xFFFFE000  }
0x18e: {  	[spmem:s1] =	stream.indirect.scatter.add.f32 [tilespmem:s12], [sflag:$0x4], $0x40, s8, s3, $0xb8;
	[tilespmem:$0x1FD40] =	vst v63  }
0x18f: {  	_ =	swait.ge [sflag:s15], $0x2000  }
0x190: {  	[sflag:s15] =	ssyncset.done $0x0  }
0x191: {  	s9 =	rddreg [dreg:$0x8];
	[sflag:s15] =	ssyncadd.s32 $0xFFFFE000  }
0x192: {  	[tilespmem:s12], [sflag:$0x2] =	stream.indirect.gather [hbm4b:s4+s3], $0x40, s9, s3, $0xb8;
	[tilespmem:$0x1FD40] =	vst v63  }
0x193: {  	_ =	swait.ge [sflag:s29], $0x2000  }
0x194: {  	[sflag:s29] =	ssyncset.done $0x0  }
0x195: {  	s8 =	rddreg [dreg:$0x9];
	[sflag:s29] =	ssyncadd.s32 $0xFFFFE000  }
0x196: {  	[spmem:s1] =	stream.indirect.scatter.add.f32 [tilespmem:s10], [sflag:$0x3], $0x40, s8, s3, $0xb8;
	[tilespmem:$0x1FD40] =	vst v63  }
0x197: {  	_ =	swait.ge [sflag:s13], $0x2000  }
0x198: {  	[sflag:s13] =	ssyncset.done $0x0  }
0x199: {  	s9 =	rddreg [dreg:$0xa];
	[sflag:s13] =	ssyncadd.s32 $0xFFFFE000  }
0x19a: {  	[tilespmem:s10], [sflag:$0x1] =	stream.indirect.gather [hbm4b:s4+s3], $0x40, s9, s3, $0xb8;
	[tilespmem:$0x1FD40] =	vst v63  }
0x19b: {  	_ =	swait.ge [sflag:s14], $0x2000  }
0x19c: {  	[sflag:s14] =	ssyncset.done $0x0  }
0x19d: {  	s8 =	rddreg [dreg:$0xb];
	[sflag:s14] =	ssyncadd.s32 $0xFFFFE000  }
0x19e: {  	[spmem:s1] =	stream.indirect.scatter.add.f32 [tilespmem:s12], [sflag:$0x4], $0x40, s8, s3, $0xb8;
	[tilespmem:$0x1FD40] =	vst v63  }
0x19f: {  	_ =	swait.ge [sflag:s15], $0x2000  }
0x1a0: {  	[sflag:s15] =	ssyncset.done $0x0  }
0x1a1: {  	s9 =	rddreg [dreg:$0xc];
	[sflag:s15] =	ssyncadd.s32 $0xFFFFE000  }
0x1a2: {  	[tilespmem:s12], [sflag:$0x2] =	stream.indirect.gather [hbm4b:s4+s3], $0x40, s9, s3, $0xb8;
	[tilespmem:$0x1FD40] =	vst v63  }
0x1a3: {  	_ =	swait.ge [sflag:s29], $0x2000  }
0x1a4: {  	[sflag:s29] =	ssyncset.done $0x0  }
0x1a5: {  	s8 =	rddreg [dreg:$0xd];
	[sflag:s29] =	ssyncadd.s32 $0xFFFFE000  }
0x1a6: {  	[spmem:s1] =	stream.indirect.scatter.add.f32 [tilespmem:s10], [sflag:$0x3], $0x40, s8, s3, $0xb8;
	[tilespmem:$0x1FD40] =	vst v63  }
0x1a7: {  	_ =	swait.ge [sflag:s13], $0x2000  }
0x1a8: {  	[sflag:s13] =	ssyncset.done $0x0  }
0x1a9: {  	s9 =	rddreg [dreg:$0xe];
	[sflag:s13] =	ssyncadd.s32 $0xFFFFE000  }
0x1aa: {  	[tilespmem:s10], [sflag:$0x1] =	stream.indirect.gather [hbm4b:s4+s3], $0x40, s9, s3, $0xb8;
	[tilespmem:$0x1FD40] =	vst v63  }
0x1ab: {  	_ =	swait.ge [sflag:s14], $0x2000  }
0x1ac: {  	[sflag:s14] =	ssyncset.done $0x0  }
0x1ad: {  	s8 =	rddreg [dreg:$0xf];
	[sflag:s14] =	ssyncadd.s32 $0xFFFFE000  }
0x1ae: {  	[spmem:s1] =	stream.indirect.scatter.add.f32 [tilespmem:s12], [sflag:$0x4], $0x40, s8, s3, $0xb8;
	[tilespmem:$0x1FD40] =	vst v63  }
0x1af: {  	_ =	swait.ge [sflag:s15], $0x2000  }
0x1b0: {  	[sflag:s15] =	ssyncset.done $0x0  }
0x1b1: {  	s9 =	rddreg [dreg:$0x10];
	[sflag:s15] =	ssyncadd.s32 $0xFFFFE000  }
0x1b2: {  	[tilespmem:s12], [sflag:$0x2] =	stream.indirect.gather [hbm4b:s4+s3], $0x40, s9, s3, $0xb8;
	[tilespmem:$0x1FD40] =	vst v63  }
0x1b3: {  	_ =	swait.ge [sflag:s29], $0x2000  }
0x1b4: {  	[sflag:s29] =	ssyncset.done $0x0  }
0x1b5: {  	[sflag:s29] =	ssyncadd.s32 $0xFFFFE000  }
0x1b6: {  	[spmem:s1] =	stream.indirect.scatter.add.f32 [tilespmem:s10], [sflag:$0x3], $0x40, s28, s3, $0xb8;
	[tilespmem:$0x1FD40] =	vst v63  }
0x1b7: {  	_ =	swait.ge [sflag:s13], $0x2000  }
0x1b8: {  	[sflag:s13] =	ssyncset.done $0x0  }
0x1b9: {  	[sflag:s13] =	ssyncadd.s32 $0xFFFFE000  }
0x1ba: {  	[tilespmem:s10], [sflag:$0x1] =	stream.indirect.gather [hbm4b:s4+s3], $0x40, s16, s3, $0xb8;
	[tilespmem:$0x1FD40] =	vst v63  }
0x1bb: {  	_ =	swait.ge [sflag:s14], $0x2000  }
0x1bc: {  	[sflag:s14] =	ssyncset.done $0x0  }
0x1bd: {  	[sflag:s14] =	ssyncadd.s32 $0xFFFFE000  }
0x1be: {  	[spmem:s1] =	stream.indirect.scatter.add.f32 [tilespmem:s12], [sflag:$0x4], $0x40, s18, s3, $0xb8;
	[tilespmem:$0x1FD40] =	vst v63  }
0x1bf: {  	_ =	swait.ge [sflag:s15], $0x2000  }
0x1c0: {  	[sflag:s15] =	ssyncset.done $0x0  }
0x1c1: {  	[sflag:s15] =	ssyncadd.s32 $0xFFFFE000  }
0x1c2: {  	[tilespmem:s12], [sflag:$0x2] =	stream.indirect.gather [hbm4b:s4+s3], $0x40, s19, s3, $0xb8;
	[tilespmem:$0x1FD40] =	vst v63  }
0x1c3: {  	_ =	swait.ge [sflag:s29], $0x2000  }
0x1c4: {  	[sflag:s29] =	ssyncset.done $0x0  }
0x1c5: {  	[sflag:s29] =	ssyncadd.s32 $0xFFFFE000  }
0x1c6: {  	[spmem:s1] =	stream.indirect.scatter.add.f32 [tilespmem:s10], [sflag:$0x3], $0x40, s20, s3, $0xb8;
	[tilespmem:$0x1FD40] =	vst v63  }
0x1c7: {  	_ =	swait.ge [sflag:s13], $0x2000  }
0x1c8: {  	[sflag:s13] =	ssyncset.done $0x0  }
0x1c9: {  	[sflag:s13] =	ssyncadd.s32 $0xFFFFE000  }
0x1ca: {  	[tilespmem:s10], [sflag:$0x1] =	stream.indirect.gather [hbm4b:s4+s3], $0x40, s21, s3, $0xb8;
	[tilespmem:$0x1FD40] =	vst v63  }
0x1cb: {  	_ =	swait.ge [sflag:s14], $0x2000  }
0x1cc: {  	[sflag:s14] =	ssyncset.done $0x0  }
0x1cd: {  	[sflag:s14] =	ssyncadd.s32 $0xFFFFE000  }
0x1ce: {  	[spmem:s1] =	stream.indirect.scatter.add.f32 [tilespmem:s12], [sflag:$0x4], $0x40, s22, s3, $0xb8;
	[tilespmem:$0x1FD40] =	vst v63  }
0x1cf: {  	_ =	swait.ge [sflag:s15], $0x2000  }
0x1d0: {  	[sflag:s15] =	ssyncset.done $0x0  }
0x1d1: {  	[sflag:s15] =	ssyncadd.s32 $0xFFFFE000  }
0x1d2: {  	[tilespmem:s12], [sflag:$0x2] =	stream.indirect.gather [hbm4b:s4+s3], $0x40, s23, s3, $0xb8;
	[tilespmem:$0x1FD40] =	vst v63  }
0x1d3: {  	_ =	swait.ge [sflag:s29], $0x2000  }
0x1d4: {  	[sflag:s29] =	ssyncset.done $0x0  }
0x1d5: {  	[sflag:s29] =	ssyncadd.s32 $0xFFFFE000  }
0x1d6: {  	[spmem:s1] =	stream.indirect.scatter.add.f32 [tilespmem:s10], [sflag:$0x3], $0x40, s24, s3, $0xb8;
	[tilespmem:$0x1FD40] =	vst v63  }
0x1d7: {  	_ =	swait.ge [sflag:s13], $0x2000  }
0x1d8: {  	[sflag:s13] =	ssyncset.done $0x0  }
0x1d9: {  	[sflag:s13] =	ssyncadd.s32 $0xFFFFE000  }
0x1da: {  	[tilespmem:s10], [sflag:$0x1] =	stream.indirect.gather [hbm4b:s4+s3], $0x40, s25, s3, $0xb8;
	[tilespmem:$0x1FD40] =	vst v63  }
0x1db: {  	_ =	swait.ge [sflag:s14], $0x2000  }
0x1dc: {  	[sflag:s14] =	ssyncset.done $0x0  }
0x1dd: {  	[sflag:s14] =	ssyncadd.s32 $0xFFFFE000  }
0x1de: {  	[spmem:s1] =	stream.indirect.scatter.add.f32 [tilespmem:s12], [sflag:$0x4], $0x40, s26, s3, $0xb8;
	[tilespmem:$0x1FD40] =	vst v63  }
0x1df: {  	_ =	swait.ge [sflag:s15], $0x2000  }
0x1e0: {  	[sflag:s15] =	ssyncset.done $0x0  }
0x1e1: {  	[sflag:s15] =	ssyncadd.s32 $0xFFFFE000  }
0x1e2: {  	[tilespmem:s12], [sflag:$0x2] =	stream.indirect.gather [hbm4b:s4+s3], $0x40, s11, s3, $0xb8;
	[tilespmem:$0x1FD40] =	vst v63  }
0x1e3: {  	_ =	swait.ge [sflag:s29], $0x2000  }
0x1e4: {  	[sflag:s29] =	ssyncset.done $0x0  }
0x1e5: {  	[sflag:s29] =	ssyncadd.s32 $0xFFFFE000  }
0x1e6: {  	[spmem:s1] =	stream.indirect.scatter.add.f32 [tilespmem:s10], [sflag:$0x3], $0x40, s5, s3, $0xb8;
	[tilespmem:$0x1FD40] =	vst v63  }
0x1e7: {  	_ =	swait.ge [sflag:s14], $0x2000  }
0x1e8: {  	[sflag:s14] =	ssyncset.done $0x0  }
0x1e9: {  	[sflag:s14] =	ssyncadd.s32 $0xFFFFE000  }
0x1ea: {  	[spmem:s1] =	stream.indirect.scatter.add.f32 [tilespmem:s12], [sflag:$0x4], $0x40, s6, s3, $0xb8;
	[tilespmem:$0x1FD40] =	vst v63  }
0x1eb: {  	_ =	swait.ge [sflag:s13], $0x2000  }
0x1ec: {  	[sflag:s13] =	ssyncset.done $0x0  }
0x1ed: {  	[sflag:s13] =	ssyncadd.s32 $0xFFFFE000  }
0x1ee: {  	_ =	swait.ge [sflag:s15], $0x2000  }
0x1ef: {  	[sflag:s15] =	ssyncset.done $0x0  }
0x1f0: {  	[sflag:s15] =	ssyncadd.s32 $0xFFFFE000  }
0x1f1: {  	s8 =	simm.s32 $0x0;
	[bflag:$0x0] =	sbarrier.arrive $0xFFFF  }
.LBB2_6:
0x1f2: {  	s7 =	smul.u32 $0x64, s8  }
0x1f3: {  	s9 =	rddreg [dreg:$0x14]  }
0x1f4: {  	s7 =	sadd.s32 s9, s7  }
0x1f5: {  	s9 =	sshll.u32 s7, $0x8  }
0x1f6: {  	s9 =	sshra.s32 s9, $0x2  }
0x1f7: {  	s9 =	sadd.s32 s9, s1  }
0x1f8: {  	[tilespmem:s17], [sflag:$0x5] =	stream.linear.gather [spmem:s9], $0x1900, $0x38;
	[tilespmem:$0x1FD40] =	vst v63  }
0x1f9: {  	_ =	swait.ge [sflag:s31], $0x1900  }
0x1fa: {  	s17 =	rddreg [dreg:$0x11]  }
0x1fb: {  	[sflag:s31] =	ssyncset.done $0x0;
	s9 =	sadd.s32 s17, s7  }
0x1fc: {  	s16 =	rddreg [dreg:$0x12];
	[sflag:s31] =	ssyncadd.s32 $0xFFFFE700;
	s7 =	sshll.u32 s9, $0x1  }
0x1fd: {  	s17 =	simm.s32 $0x0;
	s7 =	sadd.s32 s16, s7;
	s16 =	simm.s32 $0x1F700  }
0x1fe: {  	[tilespmem:s16], [sflag:$0x5] =	stream.linear.gather [hbm4b:s7+s17], $0x640, $0x38;
	[tilespmem:$0x1FD40] =	vst v63  }
0x1ff: {  	_ =	swait.ge [sflag:s31], $0x640  }
0x200: {  	[sflag:s31] =	ssyncset.done $0x0  }
0x201: {  	s28 =	simm.s32 $0x1DE20;
	[sflag:s31] =	ssyncadd.s32 $0xFFFFF9C0  }
0x202: {  	s17 =	simm.s32 $0x0;
	s16 =	simm.s32 $0x40;
	s7 =	simm.s32 $0x1DE20;
	v2 =	vld [tilespmem:s28+$0xFFFFFFF0]  }
.LBB2_7:
0x203: {  	p0 =	sne.s32 s16, $0x18C0;
	v3 =	vld [tilespmem:s17+$0x1F700]  }
0x204: {  	v4 =	vld [tilespmem:s28+$0x10]  }
0x205: {  	v5 =	vld [tilespmem:s28+$0xFFFFFFE0]  }
0x206: {  	v6 =	vld [tilespmem:s28+$0x0];
	_ =	sdelay $0x1  }
0x207: {  	v3 =	vperm.xlane v3, v1;
	_ =	sdelay $0x1  }
0x208: {  	v5 =	vmul.f32 v5, v3;
	v2 =	vmul.f32 v2, v3  }
.Ltmp2:
0x209: {  	v6 =	vmul.f32 v6, v3;
	v3 =	vmul.f32 v4, v3;
	(pc) =	sbr.rel @p0 .LBB2_7-.Ltmp2, $4  }
0x20a: {  	[tilespmem:s28+$0xFFFFFFE0] =	vst v5  }
0x20b: {  	[tilespmem:s28+$0xFFFFFFF0] =	vst v2  }
0x20c: {  	s28 =	sadd.s32 $0x40, s28;
	[tilespmem:s7+$0x0] =	vst v6  }
0x20d: {  	s17 =	sshra.s32 s16, $0x2;
	s16 =	sadd.s32 $0x40, s16;
	v2 =	vld [tilespmem:s28+$0xFFFFFFF0];
	[tilespmem:s7+$0x10] =	vst v3;
	s7 =	smov.u32 s28  }
0x20e: {  	v3 =	vld [tilespmem:s17+$0x1F700];
	_ =	sdelay $0x1  }
0x20f: {  	v4 =	vld [tilespmem:s28+$0xFFFFFFE0];
	_ =	sdelay $0x1  }
0x210: {  	v5 =	vld [tilespmem:s28+$0x0]  }
0x211: {  	v6 =	vld [tilespmem:s28+$0x10];
	v3 =	vperm.xlane v3, v1;
	_ =	sdelay $0x1  }
0x212: {  	v4 =	vmul.f32 v4, v3  }
0x213: {  	v2 =	vmul.f32 v2, v3  }
0x214: {  	v5 =	vmul.f32 v5, v3;
	[tilespmem:s28+$0xFFFFFFE0] =	vst v4  }
0x215: {  	v3 =	vmul.f32 v6, v3;
	[tilespmem:s28+$0xFFFFFFF0] =	vst v2  }
0x216: {  	s9 =	sshll.u32 s9, $0x3;
	s17 =	rddreg [dreg:$0x13];
	[tilespmem:s7+$0x0] =	vst v5  }
0x217: {  	[tilespmem:s7+$0x10] =	vst v3;
	s7 =	sadd.s32 s17, s9;
	s17 =	simm.s32 $0x1DE00  }
0x218: {  	[hbm4b:s7+s2] =	stream.linear.scatter [tilespmem:s17], [sflag:$0x5], $0x1900, $0x38;
	[tilespmem:$0x1FD40] =	vst v63  }
0x219: {  	_ =	swait.ge [sflag:s31], $0x1900  }
0x21a: {  	s8 =	sadd.s32 $0x1, s8;
	s28 =	rddreg [dreg:$0x15]  }
0x21b: {  	p0 =	sne.s32 s8, s28  }
.Ltmp3:
0x21c: {  	_ = 	snop;
	(pc) =	sbr.rel @p0 .LBB2_6-.Ltmp3, $3  }
0x21d: {  	_ =	sdelay $0x1  }
0x21e: {  	[sflag:s31] =	ssyncset.done $0x0  }
0x21f: {  	[sflag:s31] =	ssyncadd.s32 $0xFFFFE700  }
0x220: {  	s8 =	sld [smem:$0x7F6];
	_ =	sdelay $0x2  }
0x221: {  	s7 =	rddreg [dreg:$0x16];
	s8 =	sadd.s32 $0x1, s8  }
0x222: {  	p0 =	sne.s32 s8, s7  }
.Ltmp4:
0x223: {  	_ = 	snop;
	(pc) =	sbr.rel @p0 .LBB2_1-.Ltmp4, $2  }
0x224: {  	_ =	sdelay $0x2  }
0x225: {  	s28 =	simm.s32 $0x19A00;
	s16 =	simm.s32 $0x19400  }
0x226: {  	_ =	sfence.sel $0x180000  }
0x227: {  	[bflag:$0x0] =	sbarrier.arrive $0xFFFF  }
0x228: {  	_ =	strace $0x90000050  }
0x229: {  	s0 =	stileid.u32;
	[bflag:$0x2] =	sbarrier.arrive $0xFFFF  }
0x22a: {  	p0 =	sne.s32 s0, $0x0;
	s0 =	rddreg [dreg:$0x2]  }
0x22b: {  	s0 =	sadd.s32 @!p0 $0x100000, s0  }
0x22c: {  	[sflag:s0] =	ssyncadd.tile.s32 @!p0 $0x1;
	_ =	shalt  }
.Lfunc_end2:
_tile_overlayer_lowered:
.L_overlay_start_2:
0x22d: {  	(tag) =	ssettag $0x2  }
0x22e: {  	s0 =	rddreg [dreg:$0x0];
	s2 =	stileid.u32  }
0x22f: {  	s1 =	rddreg [dreg:$0x1];
	p0 =	sne.s32 s2, $0x0  }
0x230: {  	s3 =	rddreg [dreg:$0x2];
	[bflag:$0x3] =	sbarrier.arrive $0xFFFF;
	s2 =	simm.s32 @!p0 $0x1C05  }
0x231: {  	[timem:s3], [sflag:s2] =	dma.local @!p0 [hbm:s0], s1  }
0x232: {  	s0 =	simm.s32 @!p0 $0x5  }
0x233: {  	_ =	swait.ge @!p0 [sflag:s0], s1  }
0x234: {  	s1 =	ssub.s32 @!p0 $0x0, s1;
	[sflag:s0] =	ssyncset.done @!p0 $0x0  }
0x235: {  	[sflag:s0] =	ssyncadd.s32 @!p0 s1  }
0x236: {  	[bflag:$0x3] =	sbarrier.arrive $0xFFFF  }
0x237: {  	_ =	shalt  }

// kernel: kernel.22.cloned.1.call-start
scs
__scs_entry_jumppad:
0x0: {  	(pc) =	sbr.rel $0x88, $3  }
0x1: {  	(tag) =	ssettag $0x0;
	lr =	simm.s32 $0x1  }
0x2: {  	[smem:$0x3F98] =	sst lr;
	_ =	strace $0xD0000000  }
0x3: {  	_ = 	snop  }
0x4: {  	_ = 	snop  }
0x5: {  	_ = 	snop  }
0x6: {  	_ = 	snop  }
0x7: {  	_ = 	snop  }
__scs_overlays_trampoline_lowered:
0x8: {  	[smem:$0x3FA7] =	sst s0  }
0x9: {  	[smem:$0x3FA8] =	sst s1  }
0xa: {  	[smem:$0x3FA9] =	sst s2  }
0xb: {  	[smem:$0x3FAA] =	sst s3  }
0xc: {  	[smem:$0x3FAB] =	sst s4  }
0xd: {  	[smem:$0x3FAC] =	sst s5  }
0xe: {  	[smem:$0x3FAD] =	sst s6  }
0xf: {  	[smem:$0x3FAE] =	sst s7  }
0x10: {  	[smem:$0x3FAF] =	sst s8  }
0x11: {  	[smem:$0x3FB0] =	sst s9;
	s0 =	simm.s32 @!p0 $0x0  }
0x12: {  	s1 =	sld [smem:$0x3F96];
	s0 =	simm.s32 @p0 $0x1  }
0x13: {  	[smem:$0x3FB1] =	sst s0;
	s0 =	simm.s32 @!p1 $0x0  }
0x14: {  	s2 =	sld [smem:$0x3F95];
	s0 =	simm.s32 @p1 $0x1  }
0x15: {  	[smem:$0x3FB2] =	sst s0;
	s0 =	simm.s32 @!p2 $0x0  }
0x16: {  	s3 =	sld [smem:$0x3FDB];
	s0 =	simm.s32 @p2 $0x1  }
0x17: {  	s4 =	simm.s32 $0x1BF5;
	[smem:$0x3FB4] =	sst s0  }
0x18: {  	s0 =	sld [smem:$0x3F97];
	_ =	swait.ge [sflag:s4], $0x0  }
0x19: {  	s7 =	sld [smem:$0x3F98]  }
0x1a: {  	s8 =	sadd.s32 $0xFFFFE003, lr  }
0x1b: {  	s9 =	sadd.s32 $0xFFFFFEF7, lr;
	s5 =	simm.s32 $0xFFFFFFFF;
	p2 =	slt.u32 s8, $0xFFFFF086  }
0x1c: {  	p1 =	slt.u32 s9, $0xF7A;
	s5 =	simm.s32 @!p2 $0x0  }
0x1d: {  	s5 =	simm.s32 @p1 $0x1;
	p0 =	seq.s32 s7, s2  }
0x1e: {  	s7 =	smul.u32 @!p0 $0xF7A, s2;
	p2 =	seq.s32 @!p0 s5, $0x0  }
0x1f: {  	s9 =	smul.u32 $0xF7A, s1;
	s8 =	simm.s32 @!p0 $0x1BF5;
	p2 =	por !p2, p0  }
0x20: {  	[sflag:s8] =	ssyncset.s32 @!p0 $0xFFFFF086;
	s6 =	sadd.s32 @!p0 s3, s7;
	s7 =	simm.s32 @!p0 $0x108  }
0x21: {  	s3 =	sadd.s32 s3, s9;
	s6 =	sadd.s32 @!p0 $0x88, s6;
	s7 =	simm.s32 @p2 $0x1082  }
0x22: {  	[simem:s7], [sflag:s8] =	dma.local @!p0 [hbm:s6], $0xF7A  }
0x23: {  	s9 =	sor.u32 $0xD0000000, s2;
	s6 =	simm.s32 $0x108;
	_ =	swait.ge @!p0 [sflag:s8], $0x0  }
0x24: {  	s3 =	sadd.s32 $0x88, s3;
	s6 =	simm.s32 @!p1 $0x1082;
	[sflag:s4] =	ssyncset.s32 $0xFFFFF086  }
0x25: {  	[simem:s6], [sflag:s4] =	dma.local [hbm:s3], $0xF7A  }
0x26: {  	[smem:$0x3F98] =	sst s1;
	(tag) =	ssettag s2;
	_ =	strace s9  }
0x27: {  	s1 =	sld [smem:$0x3FA8]  }
0x28: {  	s2 =	sld [smem:$0x3FA9]  }
0x29: {  	s4 =	sld [smem:$0x3FAB]  }
0x2a: {  	p0 =	seq.s32 s5, $0x0;
	s5 =	sld [smem:$0x3FAC]  }
0x2b: {  	s6 =	sld [smem:$0x3FAD]  }
0x2c: {  	s7 =	sld [smem:$0x3FAE]  }
0x2d: {  	s3 =	simm.s32 $0x108;
	s8 =	sld [smem:$0x3FAF]  }
0x2e: {  	s3 =	simm.s32 @!p0 $0x1082;
	s9 =	sld [smem:$0x3FB0]  }
0x2f: {  	lr =	sadd.s32 s0, s3;
	s0 =	sld [smem:$0x3FA7]  }
0x30: {  	s3 =	sld [smem:$0x3FAA]  }
0x31: {  	[smem:$0x3FB3] =	sst s10  }
0x32: {  	s10 =	sld [smem:$0x3FB1];
	_ =	sdelay $0x3  }
0x33: {  	p0 =	seq.s32 s10, $0x1;
	s10 =	sld [smem:$0x3FB3];
	_ =	sdelay $0x3  }
0x34: {  	[smem:$0x3FB3] =	sst s10  }
0x35: {  	s10 =	sld [smem:$0x3FB2];
	_ =	sdelay $0x3  }
0x36: {  	p1 =	seq.s32 s10, $0x1;
	s10 =	sld [smem:$0x3FB3];
	_ =	sdelay $0x3  }
0x37: {  	[smem:$0x3FB3] =	sst s10  }
0x38: {  	s10 =	sld [smem:$0x3FB4]  }
0x39: {  	_ = 	snop;
	(pc) =	sbr.ind lr, $3  }
0x3a: {  	_ = 	snop  }
0x3b: {  	_ = 	snop  }
0x3c: {  	p2 =	seq.s32 s10, $0x1;
	s10 =	sld [smem:$0x3FB3]  }
0x3d: {  	_ =	shalt  }
0x3e: {  	_ =	shalt  }
0x3f: {  	_ =	shalt  }
0x40: {  	_ =	shalt  }
0x41: {  	_ =	shalt  }
0x42: {  	_ =	shalt  }
0x43: {  	_ =	shalt  }
0x44: {  	_ =	shalt  }
0x45: {  	_ =	shalt  }
0x46: {  	_ =	shalt  }
0x47: {  	_ =	shalt  }
0x48: {  	_ =	shalt  }
0x49: {  	_ =	shalt  }
0x4a: {  	_ =	shalt  }
0x4b: {  	_ =	shalt  }
0x4c: {  	_ =	shalt  }
0x4d: {  	_ =	shalt  }
0x4e: {  	_ =	shalt  }
0x4f: {  	_ =	shalt  }
0x50: {  	_ =	shalt  }
0x51: {  	_ =	shalt  }
0x52: {  	_ =	shalt  }
0x53: {  	_ =	shalt  }
0x54: {  	_ =	shalt  }
0x55: {  	_ =	shalt  }
0x56: {  	_ =	shalt  }
0x57: {  	_ =	shalt  }
0x58: {  	_ =	shalt  }
0x59: {  	_ =	shalt  }
0x5a: {  	_ =	shalt  }
0x5b: {  	_ =	shalt  }
0x5c: {  	_ =	shalt  }
0x5d: {  	_ =	shalt  }
0x5e: {  	_ =	shalt  }
0x5f: {  	_ =	shalt  }
0x60: {  	_ =	shalt  }
0x61: {  	_ =	shalt  }
0x62: {  	_ =	shalt  }
0x63: {  	_ =	shalt  }
0x64: {  	_ =	shalt  }
0x65: {  	_ =	shalt  }
0x66: {  	_ =	shalt  }
0x67: {  	_ =	shalt  }
0x68: {  	_ =	shalt  }
0x69: {  	_ =	shalt  }
0x6a: {  	_ =	shalt  }
0x6b: {  	_ =	shalt  }
0x6c: {  	_ =	shalt  }
0x6d: {  	_ =	shalt  }
0x6e: {  	_ =	shalt  }
0x6f: {  	_ =	shalt  }
0x70: {  	_ =	shalt  }
0x71: {  	_ =	shalt  }
0x72: {  	_ =	shalt  }
0x73: {  	_ =	shalt  }
0x74: {  	_ =	shalt  }
0x75: {  	_ =	shalt  }
0x76: {  	_ =	shalt  }
0x77: {  	_ =	shalt  }
0x78: {  	_ =	shalt  }
0x79: {  	_ =	shalt  }
0x7a: {  	_ =	shalt  }
0x7b: {  	_ =	shalt  }
0x7c: {  	_ =	shalt  }
0x7d: {  	_ =	shalt  }
0x7e: {  	_ =	shalt  }
0x7f: {  	_ =	shalt  }
0x80: {  	_ =	shalt  }
0x81: {  	_ =	shalt  }
0x82: {  	_ =	shalt  }
0x83: {  	_ =	shalt  }
0x84: {  	_ =	shalt  }
0x85: {  	_ =	shalt  }
0x86: {  	_ =	shalt  }
0x87: {  	_ =	shalt  }
.Lfunc_end0:
.L_simem_size_0:
called_computation.4_lowered:
.L_overlay_start_0:
0x88: {  	s2 =	sld [smem:$0x3FD9]  }
0x89: {  	s3 =	sld [smem:$0x3FFE];
	_ =	sdelay $0x1  }
0x8a: {  	s1 =	srdreg.scid  }
0x8b: {  	s0 =	sand.u32 $0x1, s1  }
0x8c: {  	s14 =	sshll.u32 s0, $0xA;
	s2 =	sadd.s32 s3, s2  }
0x8d: {  	s2 =	sadd.s32 s2, s14  }
0x8e: {  	[smem:$0x3FBF] =	sst s2  }
0x8f: {  	_ = 	snop  }
0x90: {  	s2 =	sld [smem:$0x3FD0]  }
0x91: {  	s15 =	sld [smem:$0x3FC3]  }
0x92: {  	s4 =	sld [smem:$0x3FC2]  }
0x93: {  	s6 =	simm.s32 $0xA;
	s7 =	simm.s32 $0x10;
	s5 =	sld [smem:$0x3FC1]  }
0x94: {  	[smem:s7], [sflag:s6] =	dma.local [hbm:s2], $0x1  }
0x95: {  	_ =	swait.eq [sflag:s6], $0x1  }
0x96: {  	s16 =	sld [smem:$0x13];
	[sflag:s6] =	ssyncset.done $0x0  }
0x97: {  	s17 =	sld [smem:$0x14];
	[sflag:s6] =	ssyncadd.s32 $0xFFFFFFFF  }
0x98: {  	s18 =	sld [smem:$0x15];
	(tm) =	ssettm $0x1  }
0x99: {  	s8 =	sld [smem:$0x3FFB];
	_ =	sdelay $0x3  }
0x9a: {  	_ =	strace s8  }
0x9b: {  	s8 =	sld [smem:$0x3FFC];
	_ =	sdelay $0x3  }
0x9c: {  	_ =	strace s8  }
0x9d: {  	s8 =	sld [smem:$0x3FFD];
	_ =	sdelay $0x3  }
0x9e: {  	_ =	strace s8  }
0x9f: {  	_ =	strace $0x8FFFFFFF  }
0xa0: {  	s19 =	sld [smem:$0x3FDB];
	_ =	sdelay $0x1  }
0xa1: {  	s9 =	simm.s32 $_scs_section_size  }
0xa2: {  	s10 =	simm.s32 $_size__tile_overlayer_lowered;
	s11 =	simm.s32 $_tile_overlayer_lowered  }
0xa3: {  	s22 =	simm.s32 $0x1BFF;
	s21 =	sshll.u32 s11, $0x1;
	s8 =	sadd.s32 s9, s19  }
0xa4: {  	s12 =	simm.s32 $0x0;
	s20 =	sshll.u32 s10, $0x1;
	s10 =	sadd.s32 s21, s8  }
0xa5: {  	[timem:s12], [sflag:s22] =	dma.local [hbm:s10], s20  }
0xa6: {  	_ =	swait.ge [sflag:s22], s20  }
0xa7: {  	s9 =	ssub.s32 $0x0, s20;
	[sflag:s22] =	ssyncset.done $0x0  }
0xa8: {  	[sflag:s22] =	ssyncadd.s32 s9;
	_ =	sdelay $0x1  }
0xa9: {  	s23 =	simm.s32 $0x1B8B  }
0xaa: {  	_ =	swait.ge [sflag:s23], $0x1  }
0xab: {  	[sflag:s23] =	ssyncset.done $0x0  }
0xac: {  	s25 =	simm.s32 $0x1B8E;
	s24 =	sld [smem:$0x3FFE];
	[sflag:s23] =	ssyncadd.s32 $0xFFFFFFFF  }
0xad: {  	s26 =	simm.s32 $execute0_lowered;
	[smem:$0x3FD2] =	sst s25  }
0xae: {  	s10 =	sshll.u32 s26, $0x1;
	_ =	strace $0x80000052;
	[dreg:$0x1] =	wrdreg $0xFFFFFFFF  }
0xaf: {  	s28 =	simm.s32 $_size_execute0_lowered;
	s8 =	sadd.s32 s8, s10;
	[dreg:$0x0] =	wrdreg $0x0  }
0xb0: {  	s10 =	sshll.u32 s28, $0x1;
	[dreg:$0x2] =	wrdreg s8  }
0xb1: {  	[dreg:$0x3] =	wrdreg s10  }
0xb2: {  	[dreg:$0x4] =	wrdreg $0xC0  }
0xb3: {  	_ =	task [dreg:s12], $0x5FFFF  }
0xb4: {  	[dreg:$0x1] =	wrdreg $0xFFFFFFFF  }
0xb5: {  	[dreg:$0x0] =	wrdreg $0x60  }
0xb6: {  	[dreg:$0x2] =	wrdreg s24  }
0xb7: {  	[dreg:$0x3] =	wrdreg s15  }
0xb8: {  	[dreg:$0x4] =	wrdreg s4  }
0xb9: {  	[dreg:$0x5] =	wrdreg s5  }
0xba: {  	[dreg:$0x6] =	wrdreg s18  }
0xbb: {  	[dreg:$0x7] =	wrdreg s17  }
0xbc: {  	[dreg:$0x8] =	wrdreg s16  }
0xbd: {  	[dreg:$0x9] =	wrdreg $0x9  }
0xbe: {  	_ =	task.clear_ibuf [dreg:s12], $0xAFFFF;
	_ =	strace $0x90000052  }
0xbf: {  	s29 =	simm.s32 $0x9;
	_ =	strace $0x80000054  }
0xc0: {  	_ =	swait.ge [sflag:s29], $0x1  }
0xc1: {  	[sflag:s29] =	ssyncadd.s32 $0xFFFFFFFF  }
0xc2: {  	_ =	strace $0x90000054  }
0xc3: {  	_ =	sfence  }
0xc4: {  	s30 =	sld [smem:$0x0];
	_ =	sdelay $0x2  }
0xc5: {  	s31 =	sshll.u32 s1, $0xD;
	s1 =	sshrl.u32 s1, $0x2  }
0xc6: {  	s3 =	sand.u32 $0x4000, s31;
	s1 =	sadd.s32 s1, s30  }
0xc7: {  	s0 =	sor.u32 s3, s0;
	s1 =	sshll.u32 s1, $0x11  }
0xc8: {  	s0 =	sor.u32 s1, s0  }
0xc9: {  	s0 =	sadd.s32 $0x8F2B, s0  }
0xca: {  	[sflag:s0] =	ssyncadd.remote.s32 $0x1  }
0xcb: {  	_ =	sfence.sel $0xFFFF  }
0xcc: {  	[dreg:$0x0] =	wrdreg $0xFFFFFFFF;
	(pc) =	sbr.abs _section_cstart, $3  }
0xcd: {  	[dreg:$0x1] =	wrdreg $0xFFFFFFFF  }
0xce: {  	_ =	task.clear_ibuf [dreg:s12], $0x2FFFF;
	_ =	strace $0x9FFFFFFF  }
0xcf: {  	(tm) =	ssettm $0x7FFFFFFF  }
tec
execute0_lowered:
.L_overlay_start_1:
0x0: {  	(tag) =	ssettag $0x1  }
0x1: {  	s8 =	rddreg [dreg:$0x0]  }
0x2: {  	s9 =	rddreg [dreg:$0x1]  }
0x3: {  	s11 =	rddreg [dreg:$0x2]  }
0x4: {  	s14 =	rddreg [dreg:$0x3]  }
0x5: {  	s10 =	rddreg [dreg:$0x4]  }
0x6: {  	s13 =	rddreg [dreg:$0x5]  }
0x7: {  	s16 =	rddreg [dreg:$0x6]  }
0x8: {  	s0 =	rddreg [dreg:$0x7];
	s1 =	simm.s32 $0x0  }
0x9: {  	s4 =	srdreg.scid;
	s2 =	stileid.u32;
	s20 =	simm.s32 $0x1  }
0xa: {  	s21 =	simm.s32 $0x2080;
	s22 =	simm.s32 $0x4080;
	s23 =	simm.s32 $0x6080  }
0xb: {  	s24 =	simm.s32 $0x0;
	[smem:$0x7FF] =	sst s1;
	s3 =	sadd.s32 $0x298A00, s8  }
0xc: {  	s12 =	sand.u32 $0x1, s4;
	s4 =	sadd.s32 $0x1D5400, s8;
	s7 =	sshll.u32 s2, $0x8  }
0xd: {  	s5 =	sadd.s32 $0x1D400, s8;
	s6 =	sadd.s32 $0x7F000, s8;
	s15 =	sshll.u32 s12, $0x7  }
0xe: {  	_ =	strace $0x80000053;
	s12 =	ssub.s32 $0x2, s12;
	s15 =	sor.u32 s15, s7  }
0xf: {  	s7 =	sadd.s32 $0x2FA600, s8;
	s31 =	sshrl.u32 s12, $0x1;
	s17 =	sshll.u32 s15, $0x3  }
0x10: {  	s15 =	sshrl.u32 s15, $0x3;
	s19 =	ssub.s32 s12, s31;
	s18 =	sadd.s32 s17, s8  }
0x11: {  	s8 =	sadd.s32 s9, s15;
	s10 =	sadd.s32 s10, s17;
	s11 =	sadd.s32 s11, s15  }
0x12: {  	s13 =	sadd.s32 s13, s17;
	s14 =	sadd.s32 s14, s15;
	s16 =	sadd.s32 s16, s17  }
0x13: {  	s17 =	smax.u32 s19, $0x1;
	s19 =	simm.s32 $0x80;
	s9 =	sadd.s32 $0x4C00, s18  }
0x14: {  	v0 =	vimm.s32 $0x8;
	s12 =	sadd.s32 $0xCC00, s18;
	s15 =	sadd.s32 $0x14C00, s18;
	s18 =	simm.s32 $0x2  }
.LBB2_1:
0x15: {  	[tilespmem:s1], [sflag:$0x2] =	stream.linear.gather [hbm4b:s8+s1], $0x80, $0x38;
	[tilespmem:$0x8880] =	vst v63  }
0x16: {  	_ =	swait.ge [sflag:s18], $0x80  }
0x17: {  	[sflag:s18] =	ssyncset.done $0x0  }
0x18: {  	[sflag:s18] =	ssyncadd.s32 $0xFFFFFF80  }
0x19: {  	[tilespmem:s19], [sflag:$0x1] =	stream.indirect.gather [hbm4b:s3+s19], $0x40, s1, s19, $0xb8;
	[tilespmem:$0x8880] =	vst v63  }
0x1a: {  	_ =	swait.ge [sflag:s20], $0x2000  }
0x1b: {  	[sflag:s20] =	ssyncset.done $0x0  }
0x1c: {  	[sflag:s20] =	ssyncadd.s32 $0xFFFFE000  }
0x1d: {  	[tilespmem:s21], [sflag:$0x1] =	stream.indirect.gather [hbm4b:s4+s19], $0x40, s1, s19, $0xb8;
	[tilespmem:$0x8880] =	vst v63  }
0x1e: {  	_ =	swait.ge [sflag:s20], $0x2000  }
0x1f: {  	[sflag:s20] =	ssyncset.done $0x0  }
0x20: {  	[sflag:s20] =	ssyncadd.s32 $0xFFFFE000  }
0x21: {  	[tilespmem:s22], [sflag:$0x1] =	stream.indirect.gather [hbm4b:s5+s19], $0x40, s1, s19, $0xb8;
	[tilespmem:$0x8880] =	vst v63  }
0x22: {  	_ =	swait.ge [sflag:s20], $0x2000  }
0x23: {  	[sflag:s20] =	ssyncset.done $0x0  }
0x24: {  	[sflag:s20] =	ssyncadd.s32 $0xFFFFE000  }
0x25: {  	[tilespmem:s23], [sflag:$0x1] =	stream.indirect.gather [hbm4b:s6+s19], $0x40, s1, s19, $0xb8;
	[tilespmem:$0x8880] =	vst v63  }
0x26: {  	_ =	swait.ge [sflag:s20], $0x2000  }
0x27: {  	[sflag:s20] =	ssyncset.done $0x0  }
0x28: {  	s26 =	simm.s32 $0x8080;
	[sflag:s20] =	ssyncadd.s32 $0xFFFFE000  }
0x29: {  	[tilespmem:s26], [sflag:$0x1] =	stream.indirect.gather [hbm4b:s7+s19], $0x10, s1, s19, $0xb8;
	[tilespmem:$0x8880] =	vst v63  }
0x2a: {  	_ =	swait.ge [sflag:s20], $0x800  }
0x2b: {  	[sflag:s20] =	ssyncset.done $0x0  }
0x2c: {  	s25 =	simm.s32 $0x0;
	[sflag:s20] =	ssyncadd.s32 $0xFFFFF800  }
0x2d: {  	v8 =	vld [tilespmem:s25+$0x4090]  }
0x2e: {  	v3 =	vld [tilespmem:s25+$0x6090]  }
0x2f: {  	v2 =	vld [tilespmem:s25+$0x60B0]  }
0x30: {  	v1 =	vld [tilespmem:s25+$0x4080]  }
0x31: {  	v10 =	vld [tilespmem:s25+$0x40B0]  }
0x32: {  	v6 =	vld [tilespmem:s25+$0x90]  }
0x33: {  	v5 =	vld [tilespmem:s25+$0xB0]  }
0x34: {  	v9 =	vld [tilespmem:s25+$0x20B0]  }
0x35: {  	v7 =	vld [tilespmem:s25+$0xA0]  }
0x36: {  	v4 =	vld [tilespmem:s25+$0x80]  }
0x37: {  	v13 =	vld [tilespmem:s25+$0x2090]  }
0x38: {  	v11 =	vld [tilespmem:s25+$0x2080]  }
0x39: {  	v14 =	vld [tilespmem:s26+$0x0]  }
0x3a: {  	v12 =	vld [tilespmem:s25+$0x20A0];
	v15 =	vadd.f32 v9, v5  }
0x3b: {  	v9 =	vld [tilespmem:s25+$0x6080]  }
0x3c: {  	s29 =	simm.s32 $0x100;
	v13 =	vadd.f32 v13, v6;
	v15 =	vadd.f32 v10, v15;
	v10 =	vld [tilespmem:s25+$0x40A0]  }
.LBB2_2:
0x3d: {  	s28 =	smov.u32 s29  }
0x3e: {  	s30 =	sshra.s32 s29, $0x2;
	v16 =	vld [tilespmem:s25+$0x60A0];
	s26 =	sadd.s32 $0x10, s26;
	s28 =	sadd.s32 $0x100, s29  }
0x3f: {  	p0 =	sne.s32 s29, $0x7F00;
	v11 =	vadd.f32 v11, v4;
	v14 =	vperm.xlane v14, v0;
	v17 =	vld [tilespmem:s30+$0x4090]  }
0x40: {  	v15 =	vadd.f32 v2, v15;
	v12 =	vadd.f32 v12, v7;
	v18 =	vld [tilespmem:s30+$0x6090]  }
0x41: {  	v8 =	vadd.f32 v8, v13;
	v19 =	vmul.f32 $2.500000000e-01, v14;
	v6 =	vmul.f32 v6, v14;
	v2 =	vld [tilespmem:s30+$0x60B0]  }
0x42: {  	v11 =	vadd.f32 v1, v11;
	v5 =	vmul.f32 v5, v14;
	v10 =	vadd.f32 v10, v12;
	v1 =	vld [tilespmem:s30+$0x4080]  }
0x43: {  	v20 =	vadd.f32 v3, v8;
	v7 =	vmul.f32 v7, v14;
	v12 =	vmul.f32 v15, v19;
	v13 =	vld [tilespmem:s30+$0x40B0];
	[tilespmem:s25+$0x90] =	vst v6  }
0x44: {  	v4 =	vmul.f32 v4, v14;
	v9 =	vadd.f32 v9, v11;
	v10 =	vadd.f32 v16, v10;
	v6 =	vld [tilespmem:s30+$0x90];
	[tilespmem:s25+$0xB0] =	vst v5  }
0x45: {  	v11 =	vmul.f32 v20, v19;
	v8 =	vmov v17;
	v5 =	vld [tilespmem:s30+$0xB0];
	[tilespmem:s25+$0x20B0] =	vst v12;
	v3 =	vmov v18  }
0x46: {  	v9 =	vmul.f32 v9, v19;
	v10 =	vmul.f32 v10, v19;
	v12 =	vld [tilespmem:s30+$0x20B0];
	[tilespmem:s25+$0xA0] =	vst v7  }
0x47: {  	v7 =	vld [tilespmem:s30+$0xA0];
	[tilespmem:s25+$0x80] =	vst v4  }
0x48: {  	v4 =	vld [tilespmem:s30+$0x80];
	[tilespmem:s25+$0x2090] =	vst v11  }
0x49: {  	v16 =	vld [tilespmem:s30+$0x2090];
	[tilespmem:s25+$0x2080] =	vst v9  }
.Ltmp0:
0x4a: {  	v11 =	vld [tilespmem:s30+$0x2080];
	[tilespmem:s25+$0x20A0] =	vst v10;
	s25 =	smov.u32 s30;
	(pc) =	sbr.rel @p0 .LBB2_2-.Ltmp0, $4  }
0x4b: {  	v14 =	vld [tilespmem:s26+$0x0];
	v10 =	vadd.f32 v12, v5  }
0x4c: {  	v12 =	vld [tilespmem:s25+$0x20A0]  }
0x4d: {  	v9 =	vld [tilespmem:s25+$0x6080];
	v15 =	vadd.f32 v13, v10  }
0x4e: {  	s29 =	smov.u32 s28;
	v13 =	vadd.f32 v16, v6;
	v10 =	vld [tilespmem:s25+$0x40A0]  }
0x4f: {  	_ = 	snop  }
0x50: {  	v14 =	vperm.xlane v14, v0  }
0x51: {  	v11 =	vadd.f32 v11, v4  }
0x52: {  	v16 =	vld [tilespmem:s25+$0x60A0];
	v2 =	vadd.f32 v2, v15;
	v8 =	vadd.f32 v8, v13;
	v6 =	vmul.f32 v6, v14  }
0x53: {  	v12 =	vadd.f32 v12, v7;
	v15 =	vmul.f32 $2.500000000e-01, v14;
	v5 =	vmul.f32 v5, v14  }
0x54: {  	v1 =	vadd.f32 v1, v11;
	v7 =	vmul.f32 v7, v14;
	[tilespmem:s25+$0x90] =	vst v6  }
0x55: {  	v3 =	vadd.f32 v3, v8;
	v2 =	vmul.f32 v2, v15;
	v6 =	vadd.f32 v10, v12;
	[tilespmem:s25+$0xB0] =	vst v5  }
0x56: {  	v4 =	vmul.f32 v4, v14;
	v1 =	vadd.f32 v9, v1;
	[tilespmem:s25+$0xA0] =	vst v7  }
0x57: {  	v3 =	vmul.f32 v3, v15;
	[tilespmem:s25+$0x20B0] =	vst v2;
	v2 =	vadd.f32 v16, v6  }
0x58: {  	[tilespmem:s25+$0x80] =	vst v4;
	v1 =	vmul.f32 v1, v15  }
0x59: {  	[tilespmem:s25+$0x2090] =	vst v3;
	v2 =	vmul.f32 v2, v15  }
0x5a: {  	[tilespmem:s25+$0x2080] =	vst v1  }
0x5b: {  	s31 =	simm.s32 $0x0;
	[tilespmem:s25+$0x20A0] =	vst v2  }
0x5c: {  	[hbm4b:s9+s31] =	stream.linear.scatter [tilespmem:s19], [sflag:$0x2], $0x2000, $0x38;
	[tilespmem:$0x8880] =	vst v63  }
0x5d: {  	_ =	swait.ge [sflag:s18], $0x2000  }
0x5e: {  	[sflag:s18] =	ssyncset.done $0x0  }
0x5f: {  	[sflag:s18] =	ssyncadd.s32 $0xFFFFE000  }
0x60: {  	[hbm4b:s10+s31] =	stream.linear.scatter [tilespmem:s21], [sflag:$0x2], $0x2000, $0x38;
	[tilespmem:$0x8880] =	vst v63  }
0x61: {  	_ =	swait.ge [sflag:s18], $0x2000  }
0x62: {  	[sflag:s18] =	ssyncset.done $0x0  }
0x63: {  	[sflag:s18] =	ssyncadd.s32 $0xFFFFE000  }
0x64: {  	[tilespmem:s31], [sflag:$0x2] =	stream.linear.gather [hbm4b:s11+s31], $0x80, $0x38;
	[tilespmem:$0x8880] =	vst v63  }
0x65: {  	_ =	swait.ge [sflag:s18], $0x80  }
0x66: {  	[sflag:s18] =	ssyncset.done $0x0  }
0x67: {  	[sflag:s18] =	ssyncadd.s32 $0xFFFFFF80  }
0x68: {  	v1 =	vld [tilespmem:$0x0]  }
0x69: {  	v2 =	vld [tilespmem:$0x10]  }
0x6a: {  	v3 =	vld [tilespmem:$0x20]  }
0x6b: {  	v4 =	vld [tilespmem:$0x30]  }
0x6c: {  	v5 =	vld [tilespmem:$0x40]  }
0x6d: {  	v6 =	vld [tilespmem:$0x50];
	v1 =	vadd.s32 $0x61A8, v1  }
0x6e: {  	[tilespmem:$0x0] =	vst v1;
	v1 =	vadd.s32 $0x61A8, v2;
	v2 =	vld [tilespmem:$0x60]  }
0x6f: {  	[tilespmem:$0x10] =	vst v1;
	v1 =	vadd.s32 $0x61A8, v3;
	v3 =	vld [tilespmem:$0x70]  }
0x70: {  	[tilespmem:$0x20] =	vst v1;
	v1 =	vadd.s32 $0x61A8, v4  }
0x71: {  	[tilespmem:$0x30] =	vst v1;
	v1 =	vadd.s32 $0x61A8, v5  }
0x72: {  	[tilespmem:$0x40] =	vst v1;
	v1 =	vadd.s32 $0x61A8, v6  }
0x73: {  	[tilespmem:$0x50] =	vst v1;
	v1 =	vadd.s32 $0x61A8, v2  }
0x74: {  	[tilespmem:$0x60] =	vst v1;
	v1 =	vadd.s32 $0x61A8, v3  }
0x75: {  	[tilespmem:$0x70] =	vst v1  }
0x76: {  	[tilespmem:s19], [sflag:$0x1] =	stream.indirect.gather [hbm4b:s3+s19], $0x40, s31, s19, $0xb8;
	[tilespmem:$0x8880] =	vst v63  }
0x77: {  	_ =	swait.ge [sflag:s20], $0x2000  }
0x78: {  	[sflag:s20] =	ssyncset.done $0x0  }
0x79: {  	[sflag:s20] =	ssyncadd.s32 $0xFFFFE000  }
0x7a: {  	[tilespmem:s21], [sflag:$0x1] =	stream.indirect.gather [hbm4b:s4+s19], $0x40, s31, s19, $0xb8;
	[tilespmem:$0x8880] =	vst v63  }
0x7b: {  	_ =	swait.ge [sflag:s20], $0x2000  }
0x7c: {  	[sflag:s20] =	ssyncset.done $0x0  }
0x7d: {  	[sflag:s20] =	ssyncadd.s32 $0xFFFFE000  }
0x7e: {  	[tilespmem:s22], [sflag:$0x1] =	stream.indirect.gather [hbm4b:s5+s19], $0x40, s31, s19, $0xb8;
	[tilespmem:$0x8880] =	vst v63  }
0x7f: {  	_ =	swait.ge [sflag:s20], $0x2000  }
0x80: {  	[sflag:s20] =	ssyncset.done $0x0  }
0x81: {  	[sflag:s20] =	ssyncadd.s32 $0xFFFFE000  }
0x82: {  	[tilespmem:s23], [sflag:$0x1] =	stream.indirect.gather [hbm4b:s6+s19], $0x40, s31, s19, $0xb8;
	[tilespmem:$0x8880] =	vst v63  }
0x83: {  	_ =	swait.ge [sflag:s20], $0x2000  }
0x84: {  	[sflag:s20] =	ssyncset.done $0x0  }
0x85: {  	s26 =	simm.s32 $0x8080;
	[sflag:s20] =	ssyncadd.s32 $0xFFFFE000  }
0x86: {  	[tilespmem:s26], [sflag:$0x1] =	stream.indirect.gather [hbm4b:s7+s19], $0x10, s31, s19, $0xb8;
	[tilespmem:$0x8880] =	vst v63  }
0x87: {  	_ =	swait.ge [sflag:s20], $0x800  }
0x88: {  	[sflag:s20] =	ssyncset.done $0x0  }
0x89: {  	s25 =	simm.s32 $0x0;
	[sflag:s20] =	ssyncadd.s32 $0xFFFFF800  }
0x8a: {  	v8 =	vld [tilespmem:s25+$0x4090]  }
0x8b: {  	v3 =	vld [tilespmem:s25+$0x6090]  }
0x8c: {  	v2 =	vld [tilespmem:s25+$0x60B0]  }
0x8d: {  	v1 =	vld [tilespmem:s25+$0x4080]  }
0x8e: {  	v10 =	vld [tilespmem:s25+$0x40B0]  }
0x8f: {  	v6 =	vld [tilespmem:s25+$0x90]  }
0x90: {  	v5 =	vld [tilespmem:s25+$0xB0]  }
0x91: {  	v9 =	vld [tilespmem:s25+$0x20B0]  }
0x92: {  	v7 =	vld [tilespmem:s25+$0xA0]  }
0x93: {  	v4 =	vld [tilespmem:s25+$0x80]  }
0x94: {  	v13 =	vld [tilespmem:s25+$0x2090]  }
0x95: {  	v11 =	vld [tilespmem:s25+$0x2080]  }
0x96: {  	v14 =	vld [tilespmem:s26+$0x0]  }
0x97: {  	v12 =	vld [tilespmem:s25+$0x20A0];
	v15 =	vadd.f32 v9, v5  }
0x98: {  	v9 =	vld [tilespmem:s25+$0x6080]  }
0x99: {  	s29 =	simm.s32 $0x100;
	v13 =	vadd.f32 v13, v6;
	v15 =	vadd.f32 v10, v15;
	v10 =	vld [tilespmem:s25+$0x40A0]  }
.LBB2_4:
0x9a: {  	s28 =	smov.u32 s29  }
0x9b: {  	s30 =	sshra.s32 s29, $0x2;
	v16 =	vld [tilespmem:s25+$0x60A0];
	s26 =	sadd.s32 $0x10, s26;
	s28 =	sadd.s32 $0x100, s29  }
0x9c: {  	p0 =	sne.s32 s29, $0x7F00;
	v11 =	vadd.f32 v11, v4;
	v14 =	vperm.xlane v14, v0;
	v17 =	vld [tilespmem:s30+$0x4090]  }
0x9d: {  	v15 =	vadd.f32 v2, v15;
	v12 =	vadd.f32 v12, v7;
	v18 =	vld [tilespmem:s30+$0x6090]  }
0x9e: {  	v8 =	vadd.f32 v8, v13;
	v19 =	vmul.f32 $2.500000000e-01, v14;
	v6 =	vmul.f32 v6, v14;
	v2 =	vld [tilespmem:s30+$0x60B0]  }
0x9f: {  	v11 =	vadd.f32 v1, v11;
	v5 =	vmul.f32 v5, v14;
	v10 =	vadd.f32 v10, v12;
	v1 =	vld [tilespmem:s30+$0x4080]  }
0xa0: {  	v20 =	vadd.f32 v3, v8;
	v7 =	vmul.f32 v7, v14;
	v12 =	vmul.f32 v15, v19;
	v13 =	vld [tilespmem:s30+$0x40B0];
	[tilespmem:s25+$0x90] =	vst v6  }
0xa1: {  	v4 =	vmul.f32 v4, v14;
	v9 =	vadd.f32 v9, v11;
	v10 =	vadd.f32 v16, v10;
	v6 =	vld [tilespmem:s30+$0x90];
	[tilespmem:s25+$0xB0] =	vst v5  }
0xa2: {  	v11 =	vmul.f32 v20, v19;
	v8 =	vmov v17;
	v5 =	vld [tilespmem:s30+$0xB0];
	[tilespmem:s25+$0x20B0] =	vst v12;
	v3 =	vmov v18  }
0xa3: {  	v9 =	vmul.f32 v9, v19;
	v10 =	vmul.f32 v10, v19;
	v12 =	vld [tilespmem:s30+$0x20B0];
	[tilespmem:s25+$0xA0] =	vst v7  }
0xa4: {  	v7 =	vld [tilespmem:s30+$0xA0];
	[tilespmem:s25+$0x80] =	vst v4  }
0xa5: {  	v4 =	vld [tilespmem:s30+$0x80];
	[tilespmem:s25+$0x2090] =	vst v11  }
0xa6: {  	v16 =	vld [tilespmem:s30+$0x2090];
	[tilespmem:s25+$0x2080] =	vst v9  }
.Ltmp1:
0xa7: {  	v11 =	vld [tilespmem:s30+$0x2080];
	[tilespmem:s25+$0x20A0] =	vst v10;
	s25 =	smov.u32 s30;
	(pc) =	sbr.rel @p0 .LBB2_4-.Ltmp1, $4  }
0xa8: {  	v14 =	vld [tilespmem:s26+$0x0];
	v10 =	vadd.f32 v12, v5  }
0xa9: {  	v12 =	vld [tilespmem:s25+$0x20A0]  }
0xaa: {  	v9 =	vld [tilespmem:s25+$0x6080];
	v15 =	vadd.f32 v13, v10  }
0xab: {  	s29 =	smov.u32 s28;
	v13 =	vadd.f32 v16, v6;
	v10 =	vld [tilespmem:s25+$0x40A0]  }
0xac: {  	_ = 	snop  }
0xad: {  	v14 =	vperm.xlane v14, v0  }
0xae: {  	v11 =	vadd.f32 v11, v4  }
0xaf: {  	v16 =	vld [tilespmem:s25+$0x60A0];
	v2 =	vadd.f32 v2, v15;
	v8 =	vadd.f32 v8, v13;
	v6 =	vmul.f32 v6, v14  }
0xb0: {  	v12 =	vadd.f32 v12, v7;
	v15 =	vmul.f32 $2.500000000e-01, v14;
	v5 =	vmul.f32 v5, v14  }
0xb1: {  	v1 =	vadd.f32 v1, v11;
	v7 =	vmul.f32 v7, v14;
	[tilespmem:s25+$0x90] =	vst v6  }
0xb2: {  	v3 =	vadd.f32 v3, v8;
	v2 =	vmul.f32 v2, v15;
	v6 =	vadd.f32 v10, v12;
	[tilespmem:s25+$0xB0] =	vst v5  }
0xb3: {  	v4 =	vmul.f32 v4, v14;
	v1 =	vadd.f32 v9, v1;
	[tilespmem:s25+$0xA0] =	vst v7  }
0xb4: {  	v3 =	vmul.f32 v3, v15;
	[tilespmem:s25+$0x20B0] =	vst v2;
	v2 =	vadd.f32 v16, v6  }
0xb5: {  	[tilespmem:s25+$0x80] =	vst v4;
	v1 =	vmul.f32 v1, v15  }
0xb6: {  	[tilespmem:s25+$0x2090] =	vst v3;
	v2 =	vmul.f32 v2, v15  }
0xb7: {  	[tilespmem:s25+$0x2080] =	vst v1  }
0xb8: {  	s31 =	simm.s32 $0x0;
	[tilespmem:s25+$0x20A0] =	vst v2  }
0xb9: {  	[hbm4b:s12+s31] =	stream.linear.scatter [tilespmem:s19], [sflag:$0x2], $0x2000, $0x38;
	[tilespmem:$0x8880] =	vst v63  }
0xba: {  	_ =	swait.ge [sflag:s18], $0x2000  }
0xbb: {  	[sflag:s18] =	ssyncset.done $0x0  }
0xbc: {  	[sflag:s18] =	ssyncadd.s32 $0xFFFFE000  }
0xbd: {  	[hbm4b:s13+s31] =	stream.linear.scatter [tilespmem:s21], [sflag:$0x2], $0x2000, $0x38;
	[tilespmem:$0x8880] =	vst v63  }
0xbe: {  	_ =	swait.ge [sflag:s18], $0x2000  }
0xbf: {  	[sflag:s18] =	ssyncset.done $0x0  }
0xc0: {  	[sflag:s18] =	ssyncadd.s32 $0xFFFFE000  }
0xc1: {  	[tilespmem:s31], [sflag:$0x2] =	stream.linear.gather [hbm4b:s14+s31], $0x80, $0x38;
	[tilespmem:$0x8880] =	vst v63  }
0xc2: {  	_ =	swait.ge [sflag:s18], $0x80  }
0xc3: {  	[sflag:s18] =	ssyncset.done $0x0  }
0xc4: {  	[sflag:s18] =	ssyncadd.s32 $0xFFFFFF80  }
0xc5: {  	v1 =	vld [tilespmem:$0x0]  }
0xc6: {  	v2 =	vld [tilespmem:$0x10]  }
0xc7: {  	v3 =	vld [tilespmem:$0x20]  }
0xc8: {  	v4 =	vld [tilespmem:$0x30]  }
0xc9: {  	v5 =	vld [tilespmem:$0x40]  }
0xca: {  	v6 =	vld [tilespmem:$0x50];
	v1 =	vadd.s32 $0x61A8, v1  }
0xcb: {  	[tilespmem:$0x0] =	vst v1;
	v1 =	vadd.s32 $0x61A8, v2;
	v2 =	vld [tilespmem:$0x60]  }
0xcc: {  	[tilespmem:$0x10] =	vst v1;
	v1 =	vadd.s32 $0x61A8, v3;
	v3 =	vld [tilespmem:$0x70]  }
0xcd: {  	[tilespmem:$0x20] =	vst v1;
	v1 =	vadd.s32 $0x61A8, v4  }
0xce: {  	[tilespmem:$0x30] =	vst v1;
	v1 =	vadd.s32 $0x61A8, v5  }
0xcf: {  	[tilespmem:$0x40] =	vst v1;
	v1 =	vadd.s32 $0x61A8, v6  }
0xd0: {  	[tilespmem:$0x50] =	vst v1;
	v1 =	vadd.s32 $0x61A8, v2  }
0xd1: {  	[tilespmem:$0x60] =	vst v1;
	v1 =	vadd.s32 $0x61A8, v3  }
0xd2: {  	[tilespmem:$0x70] =	vst v1  }
0xd3: {  	[tilespmem:s19], [sflag:$0x1] =	stream.indirect.gather [hbm4b:s3+s19], $0x40, s31, s19, $0xb8;
	[tilespmem:$0x8880] =	vst v63  }
0xd4: {  	_ =	swait.ge [sflag:s20], $0x2000  }
0xd5: {  	[sflag:s20] =	ssyncset.done $0x0  }
0xd6: {  	[sflag:s20] =	ssyncadd.s32 $0xFFFFE000  }
0xd7: {  	[tilespmem:s21], [sflag:$0x1] =	stream.indirect.gather [hbm4b:s4+s19], $0x40, s31, s19, $0xb8;
	[tilespmem:$0x8880] =	vst v63  }
0xd8: {  	_ =	swait.ge [sflag:s20], $0x2000  }
0xd9: {  	[sflag:s20] =	ssyncset.done $0x0  }
0xda: {  	[sflag:s20] =	ssyncadd.s32 $0xFFFFE000  }
0xdb: {  	[tilespmem:s22], [sflag:$0x1] =	stream.indirect.gather [hbm4b:s5+s19], $0x40, s31, s19, $0xb8;
	[tilespmem:$0x8880] =	vst v63  }
0xdc: {  	_ =	swait.ge [sflag:s20], $0x2000  }
0xdd: {  	[sflag:s20] =	ssyncset.done $0x0  }
0xde: {  	[sflag:s20] =	ssyncadd.s32 $0xFFFFE000  }
0xdf: {  	[tilespmem:s23], [sflag:$0x1] =	stream.indirect.gather [hbm4b:s6+s19], $0x40, s31, s19, $0xb8;
	[tilespmem:$0x8880] =	vst v63  }
0xe0: {  	_ =	swait.ge [sflag:s20], $0x2000  }
0xe1: {  	[sflag:s20] =	ssyncset.done $0x0  }
0xe2: {  	s26 =	simm.s32 $0x8080;
	[sflag:s20] =	ssyncadd.s32 $0xFFFFE000  }
0xe3: {  	[tilespmem:s26], [sflag:$0x1] =	stream.indirect.gather [hbm4b:s7+s19], $0x10, s31, s19, $0xb8;
	[tilespmem:$0x8880] =	vst v63  }
0xe4: {  	_ =	swait.ge [sflag:s20], $0x800  }
0xe5: {  	[sflag:s20] =	ssyncset.done $0x0  }
0xe6: {  	s25 =	simm.s32 $0x0;
	[sflag:s20] =	ssyncadd.s32 $0xFFFFF800  }
0xe7: {  	v8 =	vld [tilespmem:s25+$0x4090]  }
0xe8: {  	v3 =	vld [tilespmem:s25+$0x6090]  }
0xe9: {  	v2 =	vld [tilespmem:s25+$0x60B0]  }
0xea: {  	v1 =	vld [tilespmem:s25+$0x4080]  }
0xeb: {  	v10 =	vld [tilespmem:s25+$0x40B0]  }
0xec: {  	v6 =	vld [tilespmem:s25+$0x90]  }
0xed: {  	v5 =	vld [tilespmem:s25+$0xB0]  }
0xee: {  	v9 =	vld [tilespmem:s25+$0x20B0]  }
0xef: {  	v7 =	vld [tilespmem:s25+$0xA0]  }
0xf0: {  	v4 =	vld [tilespmem:s25+$0x80]  }
0xf1: {  	v13 =	vld [tilespmem:s25+$0x2090]  }
0xf2: {  	v11 =	vld [tilespmem:s25+$0x2080]  }
0xf3: {  	v14 =	vld [tilespmem:s26+$0x0]  }
0xf4: {  	v12 =	vld [tilespmem:s25+$0x20A0];
	v15 =	vadd.f32 v9, v5  }
0xf5: {  	v9 =	vld [tilespmem:s25+$0x6080]  }
0xf6: {  	s29 =	simm.s32 $0x100;
	v13 =	vadd.f32 v13, v6;
	v15 =	vadd.f32 v10, v15;
	v10 =	vld [tilespmem:s25+$0x40A0]  }
.LBB2_6:
0xf7: {  	s28 =	smov.u32 s29  }
0xf8: {  	s30 =	sshra.s32 s29, $0x2;
	v16 =	vld [tilespmem:s25+$0x60A0];
	s26 =	sadd.s32 $0x10, s26;
	s28 =	sadd.s32 $0x100, s29  }
0xf9: {  	p0 =	sne.s32 s29, $0x7F00;
	v11 =	vadd.f32 v11, v4;
	v14 =	vperm.xlane v14, v0;
	v17 =	vld [tilespmem:s30+$0x4090]  }
0xfa: {  	v15 =	vadd.f32 v2, v15;
	v12 =	vadd.f32 v12, v7;
	v18 =	vld [tilespmem:s30+$0x6090]  }
0xfb: {  	v8 =	vadd.f32 v8, v13;
	v19 =	vmul.f32 $2.500000000e-01, v14;
	v6 =	vmul.f32 v6, v14;
	v2 =	vld [tilespmem:s30+$0x60B0]  }
0xfc: {  	v11 =	vadd.f32 v1, v11;
	v5 =	vmul.f32 v5, v14;
	v10 =	vadd.f32 v10, v12;
	v1 =	vld [tilespmem:s30+$0x4080]  }
0xfd: {  	v20 =	vadd.f32 v3, v8;
	v7 =	vmul.f32 v7, v14;
	v12 =	vmul.f32 v15, v19;
	v13 =	vld [tilespmem:s30+$0x40B0];
	[tilespmem:s25+$0x90] =	vst v6  }
0xfe: {  	v4 =	vmul.f32 v4, v14;
	v9 =	vadd.f32 v9, v11;
	v10 =	vadd.f32 v16, v10;
	v6 =	vld [tilespmem:s30+$0x90];
	[tilespmem:s25+$0xB0] =	vst v5  }
0xff: {  	v11 =	vmul.f32 v20, v19;
	v8 =	vmov v17;
	v5 =	vld [tilespmem:s30+$0xB0];
	[tilespmem:s25+$0x20B0] =	vst v12;
	v3 =	vmov v18  }
0x100: {  	v9 =	vmul.f32 v9, v19;
	v10 =	vmul.f32 v10, v19;
	v12 =	vld [tilespmem:s30+$0x20B0];
	[tilespmem:s25+$0xA0] =	vst v7  }
0x101: {  	v7 =	vld [tilespmem:s30+$0xA0];
	[tilespmem:s25+$0x80] =	vst v4  }
0x102: {  	v4 =	vld [tilespmem:s30+$0x80];
	[tilespmem:s25+$0x2090] =	vst v11  }
0x103: {  	v16 =	vld [tilespmem:s30+$0x2090];
	[tilespmem:s25+$0x2080] =	vst v9  }
.Ltmp2:
0x104: {  	v11 =	vld [tilespmem:s30+$0x2080];
	[tilespmem:s25+$0x20A0] =	vst v10;
	s25 =	smov.u32 s30;
	(pc) =	sbr.rel @p0 .LBB2_6-.Ltmp2, $4  }
0x105: {  	v14 =	vld [tilespmem:s26+$0x0];
	v10 =	vadd.f32 v12, v5  }
0x106: {  	v12 =	vld [tilespmem:s25+$0x20A0]  }
0x107: {  	v9 =	vld [tilespmem:s25+$0x6080];
	v15 =	vadd.f32 v13, v10  }
0x108: {  	s29 =	smov.u32 s28;
	v13 =	vadd.f32 v16, v6;
	v10 =	vld [tilespmem:s25+$0x40A0]  }
0x109: {  	_ = 	snop  }
0x10a: {  	v14 =	vperm.xlane v14, v0  }
0x10b: {  	v11 =	vadd.f32 v11, v4  }
0x10c: {  	v16 =	vld [tilespmem:s25+$0x60A0];
	v2 =	vadd.f32 v2, v15;
	v8 =	vadd.f32 v8, v13;
	v6 =	vmul.f32 v6, v14  }
0x10d: {  	v12 =	vadd.f32 v12, v7;
	v60 =	vmul.f32 $2.500000000e-01, v14;
	v5 =	vmul.f32 v5, v14  }
0x10e: {  	v1 =	vadd.f32 v1, v11;
	v62 =	vmul.f32 v7, v14;
	[tilespmem:s25+$0x90] =	vst v6  }
0x10f: {  	v3 =	vadd.f32 v3, v8;
	v61 =	vadd.f32 v10, v12;
	v2 =	vmul.f32 v2, v60;
	[tilespmem:s25+$0xB0] =	vst v5  }
0x110: {  	v63 =	vmul.f32 v4, v14;
	v1 =	vadd.f32 v9, v1;
	[tilespmem:s25+$0xA0] =	vst v62  }
0x111: {  	v3 =	vmul.f32 v3, v60;
	[tilespmem:s25+$0x20B0] =	vst v2;
	v2 =	vadd.f32 v16, v61  }
0x112: {  	[tilespmem:s25+$0x80] =	vst v63;
	v1 =	vmul.f32 v1, v60  }
0x113: {  	[tilespmem:s25+$0x2090] =	vst v3;
	v2 =	vmul.f32 v2, v60  }
0x114: {  	[tilespmem:s25+$0x2080] =	vst v1  }
0x115: {  	[tilespmem:s25+$0x20A0] =	vst v2  }
0x116: {  	[hbm4b:s15+s1] =	stream.linear.scatter [tilespmem:s19], [sflag:$0x2], $0x2000, $0x38;
	[tilespmem:$0x8880] =	vst v63  }
0x117: {  	s24 =	sadd.s32 $0x1, s24;
	_ =	swait.ge [sflag:s18], $0x2000  }
0x118: {  	p0 =	sne.s32 s24, s17;
	[sflag:s18] =	ssyncset.done $0x0  }
.Ltmp3:
0x119: {  	[sflag:s18] =	ssyncadd.s32 $0xFFFFE000;
	(pc) =	sbr.rel @p0 .LBB2_1-.Ltmp3, $4  }
0x11a: {  	[hbm4b:s16+s1] =	stream.linear.scatter [tilespmem:s21], [sflag:$0x2], $0x2000, $0x38;
	[tilespmem:$0x8880] =	vst v63  }
0x11b: {  	_ =	swait.ge [sflag:s18], $0x2000  }
0x11c: {  	[sflag:s18] =	ssyncset.done $0x0  }
0x11d: {  	[sflag:s18] =	ssyncadd.s32 $0xFFFFE000  }
0x11e: {  	_ =	sfence.sel $0x180000  }
0x11f: {  	[bflag:$0x0] =	sbarrier.arrive $0xFFFF  }
0x120: {  	p0 =	sne.s32 s2, $0x0;
	_ =	strace $0x90000053  }
0x121: {  	s0 =	sadd.s32 @!p0 $0x100000, s0;
	[bflag:$0x2] =	sbarrier.arrive $0xFFFF  }
0x122: {  	[sflag:s0] =	ssyncadd.tile.s32 @!p0 $0x1;
	_ =	shalt  }
.Lfunc_end2:
_tile_overlayer_lowered:
.L_overlay_start_2:
0x123: {  	(tag) =	ssettag $0x2  }
0x124: {  	s0 =	rddreg [dreg:$0x0];
	s2 =	stileid.u32  }
0x125: {  	s1 =	rddreg [dreg:$0x1];
	p0 =	sne.s32 s2, $0x0  }
0x126: {  	s3 =	rddreg [dreg:$0x2];
	[bflag:$0x3] =	sbarrier.arrive $0xFFFF;
	s2 =	simm.s32 @!p0 $0x1C02  }
0x127: {  	[timem:s3], [sflag:s2] =	dma.local @!p0 [hbm:s0], s1  }
0x128: {  	s0 =	simm.s32 @!p0 $0x2  }
0x129: {  	_ =	swait.ge @!p0 [sflag:s0], s1  }
0x12a: {  	s1 =	ssub.s32 @!p0 $0x0, s1;
	[sflag:s0] =	ssyncset.done @!p0 $0x0  }
0x12b: {  	[sflag:s0] =	ssyncadd.s32 @!p0 s1  }
0x12c: {  	[bflag:$0x3] =	sbarrier.arrive $0xFFFF  }
0x12d: {  	_ =	shalt  }

</sc_bundles>
